<compile_context>
chip_gen: v7x
topology: tpu7x:2x2x1
jax: 0.10.2.dev20260603
libtpu: 0.0.44.dev20260713+nightly
codegen_flags: <defaults>
</compile_context>

<pallas_src>
import functools

import jax
import jax.numpy as jnp
from jax import lax
from jax.experimental import pallas as pl
from jax.experimental.pallas import tpu as pltpu
from jax.experimental.pallas import tpu_sc as plsc

N = 10000
NP = 10240
IN = 128
H = 8
D = 64
HD = 512
E = 320000
HID = 128

NT = 16
NC = 2
TILE_E = E // NT
C = 80
NCH = TILE_E // C
RPT = NP // NT


def _dense_body(h_ref, w_ref, o_ref):
    o_ref[0] = jnp.dot(h_ref[...], w_ref[...], preferred_element_type=jnp.float32)


def _dense(hp, wext):
    nslice = wext.shape[1] // 128
    return pl.pallas_call(
        _dense_body,
        grid=(NP // 256, nslice),
        in_specs=[
            pl.BlockSpec((256, IN), lambda i, j: (i, 0)),
            pl.BlockSpec((IN, 128), lambda i, j: (0, j)),
        ],
        out_specs=pl.BlockSpec((1, 256, 128), lambda i, j: (j, i, 0)),
        out_shape=jax.ShapeDtypeStruct((nslice, NP, 128), jnp.float32),
    )(hp, wext)


def _dyng(v, idx):
    dnums = lax.GatherDimensionNumbers(
        offset_dims=(), collapsed_slice_dims=(0,), start_index_map=(0,))
    return lax.gather(v, idx[:, None], dnums, (1,),
                      mode=lax.GatherScatterMode.PROMISE_IN_BOUNDS)


def _gat_edges_sc(src, dst, elr, ftab):
    mesh = plsc.VectorSubcoreMesh(core_axis_name="c", subcore_axis_name="s")

    @functools.partial(
        pl.kernel,
        out_type=jax.ShapeDtypeStruct((4, N, 128), jnp.float32),
        mesh=mesh,
        compiler_params=pltpu.CompilerParams(use_tc_tiling_on_sc=False),
        scratch_types=[
            [pltpu.VMEM((C,), jnp.int32) for _ in range(2)],
            [pltpu.VMEM((C,), jnp.int32) for _ in range(2)],
            [pltpu.VMEM((C,), jnp.int32) for _ in range(2)],
            [pltpu.VMEM((C, 16), jnp.float32) for _ in range(2)],
            [pltpu.VMEM((C, 16), jnp.float32) for _ in range(2)],
            [pltpu.VMEM((C, 16), jnp.float32) for _ in range(2)],
            pltpu.VMEM((C, 16), jnp.float32),
            [pltpu.VMEM((C, 128), jnp.float32) for _ in range(2)],
            [pltpu.SemaphoreType.DMA for _ in range(2)],
            [pltpu.SemaphoreType.DMA for _ in range(2)],
            pltpu.VMEM_SHARED((N, 16), jnp.float32),
            pltpu.VMEM_SHARED((N, 16), jnp.float32),
            pltpu.VMEM_SHARED((N, 128), jnp.float32),
        ],
    )
    def k(src_h, dst_h, elr_h, ftab_h, z_h,
          sidx, didx, fidx, es, ed, sb, wb, fb, fsem, asem,
          s_acc, elr_s, o_acc):
        core = lax.axis_index("c")
        t = lax.axis_index("s")
        base = t * TILE_E
        iota16 = lax.iota(jnp.int32, 16)

        zero16 = jnp.zeros((16,), jnp.float32)

        srpt = N // NT
        pltpu.sync_copy(elr_h.at[pl.ds(t * srpt, srpt)],
                        elr_s.at[pl.ds(t * srpt, srpt)])

        def zwb(i, _):
            wb[i] = zero16
            return 0
        lax.fori_loop(0, C, zwb, 0)

        def zs(j, _):
            pltpu.sync_copy(wb.at[pl.ds(0, 25)],
                            s_acc.at[pl.ds(t * srpt + j * 25, 25)])
            return 0
        lax.fori_loop(0, srpt // 25, zs, 0)
        plsc.subcore_barrier()

        col8 = jnp.bitwise_and(iota16 + 8, 15)

        def mk_edge_stats(b):
            def edge_stats(i, _):
                va = es[b][i]
                vb = _dyng(ed[b][i], col8)
                e = va + vb
                w = jnp.exp(jnp.maximum(e, 0.2 * e))
                wb[i] = w
                return 0
            return edge_stats

        def a_prefetch(kk, b):
            off = base + kk * C
            pltpu.sync_copy(src_h.at[pl.ds(off, C)], sidx[b])
            pltpu.sync_copy(dst_h.at[pl.ds(off, C)], didx[b])
            pltpu.async_copy(elr_s.at[sidx[b]], es[b], asem[b])
            pltpu.async_copy(elr_s.at[didx[b]], ed[b], asem[b])

        def a_finish(b):
            pltpu.make_async_copy(elr_s.at[sidx[b]], es[b], asem[b]).wait()
            pltpu.make_async_copy(elr_s.at[didx[b]], ed[b], asem[b]).wait()
            lax.fori_loop(0, C, mk_edge_stats(b), 0)
            pltpu.sync_copy(wb, s_acc.at[didx[b]], add=True)

        a_prefetch(0, 0)

        def a_pair(q, _):
            a_prefetch(2 * q + 1, 1)
            a_finish(0)

            @pl.when(2 * q + 2 < NCH)
            def _():
                a_prefetch(2 * q + 2, 0)
            a_finish(1)
            return 0
        lax.fori_loop(0, NCH // 2, a_pair, 0)
        plsc.subcore_barrier()

        for rr in range(2):
            r = 2 * core + rr
            def zfb(i, _):
                for j in range(8):
                    fb[0][i, pl.ds(j * 16, 16)] = zero16
                return 0
            lax.fori_loop(0, C, zfb, 0)

            def zo(j, _):
                pltpu.sync_copy(fb[0].at[pl.ds(0, 25)],
                                o_acc.at[pl.ds(t * srpt + j * 25, 25)])
                return 0
            lax.fori_loop(0, srpt // 25, zo, 0)
            plsc.subcore_barrier()

            def mk_edge_apply(b):
                def edge_apply(i, _):
                    va = es[b][i]
                    vb = _dyng(ed[b][i], col8)
                    e = va + vb
                    w = jnp.exp(jnp.maximum(e, 0.2 * e))
                    sv = sb[b][i]
                    alpha = w / (sv + 1e-9)
                    a0 = _dyng(alpha, jnp.full((16,), 2 * r, jnp.int32))
                    a1 = _dyng(alpha, jnp.full((16,), 2 * r + 1, jnp.int32))
                    for j in range(8):
                        a = a0 if j < 4 else a1
                        fb[b][i, pl.ds(j * 16, 16)] = fb[b][i, pl.ds(j * 16, 16)] * a
                    return 0
                return edge_apply

            def b_prefetch(kk, b):
                off = base + kk * C
                pltpu.sync_copy(src_h.at[pl.ds(off, C)], sidx[b])
                pltpu.sync_copy(dst_h.at[pl.ds(off, C)], didx[b])
                def fidx_set(j, _):
                    fidx[b][pl.ds(j * 16, 16)] = sidx[b][pl.ds(j * 16, 16)] + r * NP
                    return 0
                lax.fori_loop(0, C // 16, fidx_set, 0)
                pltpu.async_copy(ftab_h.at[fidx[b]], fb[b], fsem[b])
                pltpu.async_copy(elr_s.at[sidx[b]], es[b], asem[b])
                pltpu.async_copy(elr_s.at[didx[b]], ed[b], asem[b])
                pltpu.async_copy(s_acc.at[didx[b]], sb[b], asem[b])

            def b_finish(b):
                pltpu.make_async_copy(elr_s.at[sidx[b]], es[b], asem[b]).wait()
                pltpu.make_async_copy(elr_s.at[didx[b]], ed[b], asem[b]).wait()
                pltpu.make_async_copy(s_acc.at[didx[b]], sb[b], asem[b]).wait()
                pltpu.make_async_copy(ftab_h.at[fidx[b]], fb[b], fsem[b]).wait()
                lax.fori_loop(0, C, mk_edge_apply(b), 0)
                pltpu.sync_copy(fb[b], o_acc.at[didx[b]], add=True)

            b_prefetch(0, 0)

            def b_pair(q, _):
                b_prefetch(2 * q + 1, 1)
                b_finish(0)

                @pl.when(2 * q + 2 < NCH)
                def _():
                    b_prefetch(2 * q + 2, 0)
                b_finish(1)
                return 0
            lax.fori_loop(0, NCH // 2, b_pair, 0)
            plsc.subcore_barrier()

            pltpu.sync_copy(o_acc.at[pl.ds(t * srpt, srpt)],
                            z_h.at[r, pl.ds(t * srpt, srpt)])
            plsc.subcore_barrier()

    return k(src, dst, elr, ftab)


def _elu(x):
    return jnp.where(x > 0, x, jnp.exp(jnp.minimum(x, 0.0)) - 1.0)


def _k3a_body(z0_ref, z1_ref, b0_ref, b1_ref, ws1_ref, bs1_ref, ws2_ref, o_ref):
    i = pl.program_id(0)
    acc0 = jnp.zeros((256, HID), jnp.float32)
    acc1 = jnp.zeros((256, HID), jnp.float32)
    for r in range(4):
        zb0 = _elu(z0_ref[r] + b0_ref[r][None, :])
        zb1 = _elu(z1_ref[r] + b1_ref[r][None, :])
        acc0 += jnp.dot(zb0, ws1_ref[r], preferred_element_type=jnp.float32)
        acc1 += jnp.dot(zb1, ws1_ref[r], preferred_element_type=jnp.float32)
    t0 = jnp.tanh(acc0 + bs1_ref[0][None, :])
    t1 = jnp.tanh(acc1 + bs1_ref[0][None, :])
    q0 = jnp.sum(t0 * ws2_ref[0][None, :], axis=1)
    q1 = jnp.sum(t1 * ws2_ref[0][None, :], axis=1)
    rowid = i * 256 + lax.iota(jnp.int32, 256)
    valid = (rowid < N).astype(jnp.float32)
    s0 = jnp.sum(q0 * valid)
    s1 = jnp.sum(q1 * valid)
    col = lax.broadcasted_iota(jnp.int32, (1, 1, 128), 2)
    o_ref[...] = jnp.where(col == 0, s0, jnp.where(col == 1, s1, 0.0))


def _k3b_body(z0_ref, z1_ref, b0_ref, b1_ref, beta_ref, o_ref):
    be0 = beta_ref[0, 0]
    be1 = beta_ref[1, 0]
    for r in range(4):
        zb0 = _elu(z0_ref[r] + b0_ref[r][None, :])
        zb1 = _elu(z1_ref[r] + b1_ref[r][None, :])
        o_ref[:, pl.ds(r * 128, 128)] = be0 * zb0 + be1 * zb1


def kernel(h, edge_index0, edge_index1, W0, al0, ar0, b0, W1, al1, ar1, b1, Ws1, bs1, Ws2):
    h = h.astype(jnp.float32)
    hp = jnp.pad(h, ((0, NP - N), (0, 0)))
    wcat = jnp.concatenate([W0, W1], axis=1)
    eye = jnp.eye(H, dtype=jnp.float32)
    def blk(a):
        return (a[:, None, :] * eye[:, :, None]).transpose(1, 2, 0).reshape(HD, H)
    z96 = jnp.zeros((HD, 128 - 4 * H), jnp.float32)
    zH2 = jnp.zeros((HD, 2 * H), jnp.float32)
    B0 = jnp.concatenate([blk(al0), blk(ar0), zH2, z96], axis=1)
    B1 = jnp.concatenate([zH2, blk(al1), blk(ar1), z96], axis=1)
    Bm = jnp.concatenate([B0, B1], axis=0)
    WB = wcat @ Bm
    wext = jnp.concatenate([wcat, WB], axis=1)

    fout = _dense(hp, wext)
    EL = fout[8]
    elr0 = EL[:, 0:16]
    elr1 = EL[:, 16:32]
    ftab0 = fout[0:4].reshape(4 * NP, 128)
    ftab1 = fout[4:8].reshape(4 * NP, 128)

    src0 = edge_index0[0].astype(jnp.int32)
    dst0 = edge_index0[1].astype(jnp.int32)
    src1 = edge_index1[0].astype(jnp.int32)
    dst1 = edge_index1[1].astype(jnp.int32)

    z0 = _gat_edges_sc(src0, dst0, elr0, ftab0)
    z1 = _gat_edges_sc(src1, dst1, elr1, ftab1)
    z0 = jnp.pad(z0, ((0, 0), (0, NP - N), (0, 0)))
    z1 = jnp.pad(z1, ((0, 0), (0, NP - N), (0, 0)))

    b0m = b0.reshape(4, 128)
    b1m = b1.reshape(4, 128)
    ws1m = Ws1.reshape(4, 128, HID)
    bs1m = bs1.reshape(1, HID)
    ws2m = Ws2.reshape(1, HID)

    qs = pl.pallas_call(
        _k3a_body,
        grid=(NP // 256,),
        in_specs=[
            pl.BlockSpec((4, 256, 128), lambda i: (0, i, 0)),
            pl.BlockSpec((4, 256, 128), lambda i: (0, i, 0)),
            pl.BlockSpec((4, 128), lambda i: (0, 0)),
            pl.BlockSpec((4, 128), lambda i: (0, 0)),
            pl.BlockSpec((4, 128, HID), lambda i: (0, 0, 0)),
            pl.BlockSpec((1, HID), lambda i: (0, 0)),
            pl.BlockSpec((1, HID), lambda i: (0, 0)),
        ],
        out_specs=pl.BlockSpec((1, 1, 128), lambda i: (i, 0, 0)),
        out_shape=jax.ShapeDtypeStruct((NP // 256, 1, 128), jnp.float32),
    )(z0, z1, b0m, b1m, ws1m, bs1m, ws2m)

    w2 = jnp.sum(qs[:, 0, 0:2], axis=0) / N
    beta = jax.nn.softmax(w2).reshape(2, 1)

    outp = pl.pallas_call(
        _k3b_body,
        grid=(NP // 256,),
        in_specs=[
            pl.BlockSpec((4, 256, 128), lambda i: (0, i, 0)),
            pl.BlockSpec((4, 256, 128), lambda i: (0, i, 0)),
            pl.BlockSpec((4, 128), lambda i: (0, 0)),
            pl.BlockSpec((4, 128), lambda i: (0, 0)),
            pl.BlockSpec((2, 1), lambda i: (0, 0), memory_space=pltpu.SMEM),
        ],
        out_specs=pl.BlockSpec((256, HD), lambda i: (i, 0)),
        out_shape=jax.ShapeDtypeStruct((NP, HD), jnp.float32),
    )(z0, z1, b0m, b1m, beta)

    return outp[:N]

# --- scband reference (transcript-rebuilt; emitter-appended) ---
"""Pipeline reference for scband-hanlayer-14491219656747 (READ-ONLY COPY).

The authoritative reference and input builder live on the scoring server;
editing this copy changes nothing except your own understanding.
"""

import jax, jax.numpy as jnp
import numpy as np

N = 10000
IN = 128
H = 8
D = 64
E = 320000
HID = 128


def _gat(h, src, dst, W, al, ar, b):
    n = h.shape[0]
    f = (h @ W).reshape(n, H, D)
    el = (f * al[None, :, :]).sum(-1)  # [N, H]
    er = (f * ar[None, :, :]).sum(-1)  # [N, H]
    e = jax.nn.leaky_relu(el[src] + er[dst], negative_slope=0.2)  # [E, H]
    m = jax.ops.segment_max(e, dst, num_segments=n)
    m = jnp.where(jnp.isfinite(m), m, 0.0)
    a = jnp.exp(e - m[dst])
    s = jax.ops.segment_sum(a, dst, num_segments=n)
    alpha = a / (s[dst] + 1e-9)  # edge softmax over dst
    out = jax.ops.segment_sum(f[src] * alpha[:, :, None], dst, num_segments=n)
    out = out + b.reshape(1, H, D)
    return jax.nn.elu(out)  # [N, H, D]


def _semantic(z, Ws1, bs1, Ws2):
    # z: [N, M, H*D]
    w = (jnp.tanh(z @ Ws1 + bs1) @ Ws2).mean(0)  # [M, 1]
    beta = jax.nn.softmax(w, axis=0)  # [M, 1]
    beta = jnp.broadcast_to(beta[None, :, :], z.shape[:2] + (1,))
    return (beta * z).sum(1)  # [N, H*D]


def setup_inputs(seed: int = 0) -> dict:
    key = jax.random.key(seed)
    ks = jax.random.split(key, 16)
    h = jax.random.normal(ks[0], (N, IN), dtype=jnp.float32)
    edge_index0 = jax.random.randint(ks[1], (2, E), 0, N, dtype=jnp.int64)
    edge_index1 = jax.random.randint(ks[2], (2, E), 0, N, dtype=jnp.int64)
    W0 = jax.random.normal(ks[3], (IN, H * D), dtype=jnp.float32) * 0.05
    al0 = jax.random.normal(ks[4], (H, D), dtype=jnp.float32) * 0.05
    ar0 = jax.random.normal(ks[5], (H, D), dtype=jnp.float32) * 0.05
    b0 = jnp.zeros((H * D,), dtype=jnp.float32)
    W1 = jax.random.normal(ks[6], (IN, H * D), dtype=jnp.float32) * 0.05
    al1 = jax.random.normal(ks[7], (H, D), dtype=jnp.float32) * 0.05
    ar1 = jax.random.normal(ks[8], (H, D), dtype=jnp.float32) * 0.05
    b1 = jnp.zeros((H * D,), dtype=jnp.float32)
    Ws1 = jax.random.normal(ks[9], (H * D, HID), dtype=jnp.float32) * 0.05
    bs1 = jnp.zeros((HID,), dtype=jnp.float32)
    Ws2 = jax.random.normal(ks[10], (HID, 1), dtype=jnp.float32) * 0.05
    return {
        "h": h,
        "edge_index0": edge_index0,
        "edge_index1": edge_index1,
        "W0": W0, "al0": al0, "ar0": ar0, "b0": b0,
        "W1": W1, "al1": al1, "ar1": ar1, "b1": b1,
        "Ws1": Ws1, "bs1": bs1, "Ws2": Ws2,
    }


def reference(h, edge_index0, edge_index1, W0, al0, ar0, b0, W1, al1, ar1, b1, Ws1, bs1, Ws2):
    z0 = _gat(h, edge_index0[0], edge_index0[1], W0, al0, ar0, b0).reshape(N, H * D)
    z1 = _gat(h, edge_index1[0], edge_index1[1], W1, al1, ar1, b1).reshape(N, H * D)
    z = jnp.stack([z0, z1], axis=1)  # [N, 2, H*D]
    return _semantic(z, Ws1, bs1, Ws2)  # [N, H*D]

if __name__ == "__main__":
    import jax
    _d = setup_inputs()
    print(jax.jit(kernel)(*tuple(_d.values())))

</pallas_src>

<mosaic_0001>
#map = affine_map<(d0, d1) -> (0)>
#map1 = affine_map<(d0, d1) -> (0, 0)>
#map2 = affine_map<(d0, d1) -> (0, 0, 0)>
module attributes {stable_mosaic.version = 14 : i64} {
  func.func @k(%arg0: i32, %arg1: i32, %arg2: memref<320000xi32, #tpu.memory_space<hbm>>, %arg3: memref<320000xi32, #tpu.memory_space<hbm>>, %arg4: memref<10240x16xf32, #tpu.memory_space<hbm>>, %arg5: memref<40960x128xf32, #tpu.memory_space<hbm>>, %arg6: memref<4x10000x128xf32, #tpu.memory_space<hbm>>, %arg7: memref<80xi32, #tpu.memory_space<vmem>>, %arg8: memref<80xi32, #tpu.memory_space<vmem>>, %arg9: memref<80xi32, #tpu.memory_space<vmem>>, %arg10: memref<80xi32, #tpu.memory_space<vmem>>, %arg11: memref<80xi32, #tpu.memory_space<vmem>>, %arg12: memref<80xi32, #tpu.memory_space<vmem>>, %arg13: memref<80x16xf32, #tpu.memory_space<vmem>>, %arg14: memref<80x16xf32, #tpu.memory_space<vmem>>, %arg15: memref<80x16xf32, #tpu.memory_space<vmem>>, %arg16: memref<80x16xf32, #tpu.memory_space<vmem>>, %arg17: memref<80x16xf32, #tpu.memory_space<vmem>>, %arg18: memref<80x16xf32, #tpu.memory_space<vmem>>, %arg19: memref<80x16xf32, #tpu.memory_space<vmem>>, %arg20: memref<80x128xf32, #tpu.memory_space<vmem>>, %arg21: memref<80x128xf32, #tpu.memory_space<vmem>>, %arg22: memref<!tpu.dma_semaphore, #tpu.memory_space<semaphore_mem>>, %arg23: memref<!tpu.dma_semaphore, #tpu.memory_space<semaphore_mem>>, %arg24: memref<!tpu.dma_semaphore, #tpu.memory_space<semaphore_mem>>, %arg25: memref<!tpu.dma_semaphore, #tpu.memory_space<semaphore_mem>>, %arg26: memref<10000x16xf32, #tpu.memory_space<vmem_shared>>, %arg27: memref<10000x16xf32, #tpu.memory_space<vmem_shared>>, %arg28: memref<10000x128xf32, #tpu.memory_space<vmem_shared>>) attributes {dimension_semantics = [#tpu.dimension_semantics<core_parallel>, #tpu.dimension_semantics<subcore_parallel>], iteration_bounds = array<i64: 2, 16>, scalar_prefetch = 0 : i64, scratch_operands = 22 : i64, tpu.core_type = #tpu.core_type<sc_vector_subcore>, window_params = [{transform_indices = #map}, {transform_indices = #map}, {transform_indices = #map1}, {transform_indices = #map1}, {transform_indices = #map2}]} {
    %mul3A = arith.constant 20000 : i32
    %mul3A_0 = arith.muli %arg1, %mul3A : i32
    %iota3A = tpu.iota {dimensions = array<i32: 0>} : vector<16xi32>
    %broadcast_in_dim3A = arith.constant 0.000000e+00 : f32
    %broadcast_in_dim3A_1 = vector.broadcast %broadcast_in_dim3A : f32 to vector<16xf32>
    %mul3A_2 = arith.constant 625 : i32
    %mul3A_3 = arith.muli %arg1, %mul3A_2 : i32
    %mul3A_4 = arith.constant 625 : i32
    %mul3A_5 = arith.muli %arg1, %mul3A_4 : i32
    "tpu.region"() ({
      %run_scoped3A = tpu.sem_alloc : memref<!tpu.dma_semaphore, #tpu.memory_space<semaphore_mem>>
      %dma_start3A_144 = arith.constant 0 : i32
      %dma_start3A_145 = tpu.memref_slice %arg27[%mul3A_5, %dma_start3A_144] : memref<10000x16xf32, #tpu.memory_space<vmem_shared>> -> memref<625x16xf32, #tpu.memory_space<vmem_shared>>
      %dma_start3A_146 = arith.constant 0 : i32
      %dma_start3A_147 = tpu.memref_slice %arg4[%mul3A_3, %dma_start3A_146] : memref<10240x16xf32, #tpu.memory_space<hbm>> -> memref<625x16xf32, #tpu.memory_space<hbm>>
      tpu.enqueue_dma source(%dma_start3A_147 : memref<625x16xf32, #tpu.memory_space<hbm>>) target(%dma_start3A_145 : memref<625x16xf32, #tpu.memory_space<vmem_shared>>) target_semaphore(%run_scoped3A : memref<!tpu.dma_semaphore, #tpu.memory_space<semaphore_mem>>)
      %dma_wait3A = arith.constant 0 : i32
      %dma_wait3A_148 = tpu.memref_slice %arg27[%mul3A_5, %dma_wait3A] : memref<10000x16xf32, #tpu.memory_space<vmem_shared>> -> memref<625x16xf32, #tpu.memory_space<vmem_shared>>
      %dma_wait3A_149 = arith.constant 0 : i32
      %dma_wait3A_150 = tpu.memref_slice %arg4[%mul3A_3, %dma_wait3A_149] : memref<10240x16xf32, #tpu.memory_space<hbm>> -> memref<625x16xf32, #tpu.memory_space<hbm>>
      tpu.wait_dma2 semaphore(%run_scoped3A : memref<!tpu.dma_semaphore, #tpu.memory_space<semaphore_mem>>) src(%dma_wait3A_150 : memref<625x16xf32, #tpu.memory_space<hbm>>) dst(%dma_wait3A_148 : memref<625x16xf32, #tpu.memory_space<vmem_shared>>)
      tpu.yield
    }) : () -> ()
    %scan3A = arith.constant 0 : i32
    %scan3A_6 = arith.constant 0 : i32
    %scan3A_7 = arith.constant 80 : i32
    %scan3A_8 = arith.addi %scan3A_6, %scan3A_7 : i32
    %scan3A_9 = arith.constant 1 : i32
    %scan3A_10 = scf.for %scan3A_144 = %scan3A_6 to %scan3A_8 step %scan3A_9 iter_args(%scan3A_145 = %scan3A) -> (i32)  : i32 {
      %swap3A = arith.index_cast %scan3A_144 : i32 to index
      %swap3A_146 = arith.constant 0 : index
      %swap3A_147 = tpu.vector_load %arg19[%swap3A, %swap3A_146] {strides = array<i32>} : memref<80x16xf32, #tpu.memory_space<vmem>>, vector<1x16xf32>,
      %swap3A_148 = vector.shape_cast %swap3A_147 : vector<1x16xf32> to vector<16xf32>
      %swap3A_149 = vector.shape_cast %broadcast_in_dim3A_1 : vector<16xf32> to vector<1x16xf32>
      tpu.vector_store %arg19[%swap3A, %swap3A_146], %swap3A_149 {strides = array<i32>} : memref<80x16xf32, #tpu.memory_space<vmem>>, vector<1x16xf32>,
      %scan3A_150 = arith.constant 0 : i32
      scf.yield %scan3A_150 : i32
    }
    %scan3A_11 = arith.constant 80 : i32
    %scan3A_12 = arith.constant 0 : i32
    %scan3A_13 = arith.constant 0 : i32
    %scan3A_14 = arith.constant 25 : i32
    %scan3A_15 = arith.addi %scan3A_13, %scan3A_14 : i32
    %scan3A_16 = arith.constant 1 : i32
    %scan3A_17 = scf.for %scan3A_144 = %scan3A_13 to %scan3A_15 step %scan3A_16 iter_args(%scan3A_145 = %scan3A_12) -> (i32)  : i32 {
      %mul3A_146 = arith.constant 625 : i32
      %mul3A_147 = arith.muli %arg1, %mul3A_146 : i32
      %mul3A_148 = arith.constant 25 : i32
      %mul3A_149 = arith.muli %scan3A_144, %mul3A_148 : i32
      %add3A_150 = arith.addi %mul3A_147, %mul3A_149 : i32
      "tpu.region"() ({
        %run_scoped3A = tpu.sem_alloc : memref<!tpu.dma_semaphore, #tpu.memory_space<semaphore_mem>>
        %dma_start3A_152 = arith.constant 0 : i32
        %dma_start3A_153 = arith.constant 0 : i32
        %dma_start3A_154 = tpu.memref_slice %arg19[%dma_start3A_152, %dma_start3A_153] : memref<80x16xf32, #tpu.memory_space<vmem>> -> memref<25x16xf32, #tpu.memory_space<vmem>>
        %dma_start3A_155 = arith.constant 0 : i32
        %dma_start3A_156 = tpu.memref_slice %arg26[%add3A_150, %dma_start3A_155] : memref<10000x16xf32, #tpu.memory_space<vmem_shared>> -> memref<25x16xf32, #tpu.memory_space<vmem_shared>>
        %dma_start3A_157 = arith.constant 0 : i32
        %dma_start3A_158 = tpu.memref_slice %arg26[%add3A_150, %dma_start3A_157] : memref<10000x16xf32, #tpu.memory_space<vmem_shared>> -> memref<25x16xf32, #tpu.memory_space<vmem_shared>>
        %dma_start3A_159 = arith.constant 0 : i32
        %dma_start3A_160 = arith.constant 0 : i32
        %dma_start3A_161 = tpu.memref_slice %arg19[%dma_start3A_159, %dma_start3A_160] : memref<80x16xf32, #tpu.memory_space<vmem>> -> memref<25x16xf32, #tpu.memory_space<vmem>>
        tpu.enqueue_dma source(%dma_start3A_161 : memref<25x16xf32, #tpu.memory_space<vmem>>) target(%dma_start3A_158 : memref<25x16xf32, #tpu.memory_space<vmem_shared>>) target_semaphore(%run_scoped3A : memref<!tpu.dma_semaphore, #tpu.memory_space<semaphore_mem>>)
        %dma_wait3A = arith.constant 0 : i32
        %dma_wait3A_162 = arith.constant 0 : i32
        %dma_wait3A_163 = tpu.memref_slice %arg19[%dma_wait3A, %dma_wait3A_162] : memref<80x16xf32, #tpu.memory_space<vmem>> -> memref<25x16xf32, #tpu.memory_space<vmem>>
        %dma_wait3A_164 = arith.constant 0 : i32
        %dma_wait3A_165 = tpu.memref_slice %arg26[%add3A_150, %dma_wait3A_164] : memref<10000x16xf32, #tpu.memory_space<vmem_shared>> -> memref<25x16xf32, #tpu.memory_space<vmem_shared>>
        %dma_wait3A_166 = arith.constant 0 : i32
        %dma_wait3A_167 = tpu.memref_slice %arg26[%add3A_150, %dma_wait3A_166] : memref<10000x16xf32, #tpu.memory_space<vmem_shared>> -> memref<25x16xf32, #tpu.memory_space<vmem_shared>>
        %dma_wait3A_168 = arith.constant 0 : i32
        %dma_wait3A_169 = arith.constant 0 : i32
        %dma_wait3A_170 = tpu.memref_slice %arg19[%dma_wait3A_168, %dma_wait3A_169] : memref<80x16xf32, #tpu.memory_space<vmem>> -> memref<25x16xf32, #tpu.memory_space<vmem>>
        tpu.wait_dma2 semaphore(%run_scoped3A : memref<!tpu.dma_semaphore, #tpu.memory_space<semaphore_mem>>) src(%dma_wait3A_170 : memref<25x16xf32, #tpu.memory_space<vmem>>) dst(%dma_wait3A_167 : memref<25x16xf32, #tpu.memory_space<vmem_shared>>)
        tpu.yield
      }) : () -> ()
      %scan3A_151 = arith.constant 0 : i32
      scf.yield %scan3A_151 : i32
    }
    %scan3A_18 = arith.constant 25 : i32
    %barrier3A = arith.constant 0 : index
    tpu.barrier barrier_id(%barrier3A)
    %add3A = arith.constant 8 : i32
    %add3A_19 = vector.broadcast %add3A : i32 to vector<16xi32>
    %add3A_20 = arith.addi %iota3A, %add3A_19 : vector<16xi32>
    %and3A = arith.constant 15 : i32
    %and3A_21 = vector.broadcast %and3A : i32 to vector<16xi32>
    %and3A_22 = arith.andi %add3A_20, %and3A_21 : vector<16xi32>
    %add3A_23 = arith.constant 0 : i32
    %add3A_24 = arith.addi %mul3A_0, %add3A_23 : i32
    "tpu.region"() ({
      %run_scoped3A = tpu.sem_alloc : memref<!tpu.dma_semaphore, #tpu.memory_space<semaphore_mem>>
      %dma_start3A_144 = tpu.memref_slice %arg2[%add3A_24] : memref<320000xi32, #tpu.memory_space<hbm>> -> memref<80xi32, #tpu.memory_space<hbm>>
      %dma_start3A_145 = tpu.memref_slice %arg2[%add3A_24] : memref<320000xi32, #tpu.memory_space<hbm>> -> memref<80xi32, #tpu.memory_space<hbm>>
      tpu.enqueue_dma source(%dma_start3A_145 : memref<80xi32, #tpu.memory_space<hbm>>) target(%arg7 : memref<80xi32, #tpu.memory_space<vmem>>) target_semaphore(%run_scoped3A : memref<!tpu.dma_semaphore, #tpu.memory_space<semaphore_mem>>)
      %dma_wait3A = tpu.memref_slice %arg2[%add3A_24] : memref<320000xi32, #tpu.memory_space<hbm>> -> memref<80xi32, #tpu.memory_space<hbm>>
      %dma_wait3A_146 = tpu.memref_slice %arg2[%add3A_24] : memref<320000xi32, #tpu.memory_space<hbm>> -> memref<80xi32, #tpu.memory_space<hbm>>
      tpu.wait_dma2 semaphore(%run_scoped3A : memref<!tpu.dma_semaphore, #tpu.memory_space<semaphore_mem>>) src(%dma_wait3A_146 : memref<80xi32, #tpu.memory_space<hbm>>) dst(%arg7 : memref<80xi32, #tpu.memory_space<vmem>>)
      tpu.yield
    }) : () -> ()
    "tpu.region"() ({
      %run_scoped3A = tpu.sem_alloc : memref<!tpu.dma_semaphore, #tpu.memory_space<semaphore_mem>>
      %dma_start3A_144 = tpu.memref_slice %arg3[%add3A_24] : memref<320000xi32, #tpu.memory_space<hbm>> -> memref<80xi32, #tpu.memory_space<hbm>>
      %dma_start3A_145 = tpu.memref_slice %arg3[%add3A_24] : memref<320000xi32, #tpu.memory_space<hbm>> -> memref<80xi32, #tpu.memory_space<hbm>>
      tpu.enqueue_dma source(%dma_start3A_145 : memref<80xi32, #tpu.memory_space<hbm>>) target(%arg9 : memref<80xi32, #tpu.memory_space<vmem>>) target_semaphore(%run_scoped3A : memref<!tpu.dma_semaphore, #tpu.memory_space<semaphore_mem>>)
      %dma_wait3A = tpu.memref_slice %arg3[%add3A_24] : memref<320000xi32, #tpu.memory_space<hbm>> -> memref<80xi32, #tpu.memory_space<hbm>>
      %dma_wait3A_146 = tpu.memref_slice %arg3[%add3A_24] : memref<320000xi32, #tpu.memory_space<hbm>> -> memref<80xi32, #tpu.memory_space<hbm>>
      tpu.wait_dma2 semaphore(%run_scoped3A : memref<!tpu.dma_semaphore, #tpu.memory_space<semaphore_mem>>) src(%dma_wait3A_146 : memref<80xi32, #tpu.memory_space<hbm>>) dst(%arg9 : memref<80xi32, #tpu.memory_space<vmem>>)
      tpu.yield
    }) : () -> ()
    %dma_start3A = arith.constant 0 : i32
    %dma_start3A_25 = arith.constant 0 : i32
    %dma_start3A_26 = tpu.memref_slice %arg27[%dma_start3A, %dma_start3A_25] : memref<10000x16xf32, #tpu.memory_space<vmem_shared>> -> memref<10000x16xf32, #tpu.memory_space<vmem_shared>>
    tpu.enqueue_indirect_dma source(%dma_start3A_26 : memref<10000x16xf32, #tpu.memory_space<vmem_shared>>) target(%arg13 : memref<80x16xf32, #tpu.memory_space<vmem>>) offsets(%arg7 : memref<80xi32, #tpu.memory_space<vmem>>) semaphore(%arg24 : memref<!tpu.dma_semaphore, #tpu.memory_space<semaphore_mem>>)
    %dma_start3A_27 = arith.constant 0 : i32
    %dma_start3A_28 = arith.constant 0 : i32
    %dma_start3A_29 = tpu.memref_slice %arg27[%dma_start3A_27, %dma_start3A_28] : memref<10000x16xf32, #tpu.memory_space<vmem_shared>> -> memref<10000x16xf32, #tpu.memory_space<vmem_shared>>
    tpu.enqueue_indirect_dma source(%dma_start3A_29 : memref<10000x16xf32, #tpu.memory_space<vmem_shared>>) target(%arg15 : memref<80x16xf32, #tpu.memory_space<vmem>>) offsets(%arg9 : memref<80xi32, #tpu.memory_space<vmem>>) semaphore(%arg24 : memref<!tpu.dma_semaphore, #tpu.memory_space<semaphore_mem>>)
    %scan3A_30 = arith.constant 0 : i32
    %scan3A_31 = arith.constant 0 : i32
    %scan3A_32 = arith.constant 125 : i32
    %scan3A_33 = arith.addi %scan3A_31, %scan3A_32 : i32
    %scan3A_34 = arith.constant 1 : i32
    %scan3A_35 = scf.for %scan3A_144 = %scan3A_31 to %scan3A_33 step %scan3A_34 iter_args(%scan3A_145 = %scan3A_30) -> (i32)  : i32 {
      %mul3A_146 = arith.constant 2 : i32
      %mul3A_147 = arith.muli %mul3A_146, %scan3A_144 : i32
      %add3A_148 = arith.constant 1 : i32
      %add3A_149 = arith.addi %mul3A_147, %add3A_148 : i32
      %mul3A_150 = arith.constant 80 : i32
      %mul3A_151 = arith.muli %add3A_149, %mul3A_150 : i32
      %add3A_152 = arith.addi %mul3A_0, %mul3A_151 : i32
      "tpu.region"() ({
        %run_scoped3A = tpu.sem_alloc : memref<!tpu.dma_semaphore, #tpu.memory_space<semaphore_mem>>
        %dma_start3A_191 = tpu.memref_slice %arg2[%add3A_152] : memref<320000xi32, #tpu.memory_space<hbm>> -> memref<80xi32, #tpu.memory_space<hbm>>
        %dma_start3A_192 = tpu.memref_slice %arg2[%add3A_152] : memref<320000xi32, #tpu.memory_space<hbm>> -> memref<80xi32, #tpu.memory_space<hbm>>
        tpu.enqueue_dma source(%dma_start3A_192 : memref<80xi32, #tpu.memory_space<hbm>>) target(%arg8 : memref<80xi32, #tpu.memory_space<vmem>>) target_semaphore(%run_scoped3A : memref<!tpu.dma_semaphore, #tpu.memory_space<semaphore_mem>>)
        %dma_wait3A_193 = tpu.memref_slice %arg2[%add3A_152] : memref<320000xi32, #tpu.memory_space<hbm>> -> memref<80xi32, #tpu.memory_space<hbm>>
        %dma_wait3A_194 = tpu.memref_slice %arg2[%add3A_152] : memref<320000xi32, #tpu.memory_space<hbm>> -> memref<80xi32, #tpu.memory_space<hbm>>
        tpu.wait_dma2 semaphore(%run_scoped3A : memref<!tpu.dma_semaphore, #tpu.memory_space<semaphore_mem>>) src(%dma_wait3A_194 : memref<80xi32, #tpu.memory_space<hbm>>) dst(%arg8 : memref<80xi32, #tpu.memory_space<vmem>>)
        tpu.yield
      }) : () -> ()
      "tpu.region"() ({
        %run_scoped3A = tpu.sem_alloc : memref<!tpu.dma_semaphore, #tpu.memory_space<semaphore_mem>>
        %dma_start3A_191 = tpu.memref_slice %arg3[%add3A_152] : memref<320000xi32, #tpu.memory_space<hbm>> -> memref<80xi32, #tpu.memory_space<hbm>>
        %dma_start3A_192 = tpu.memref_slice %arg3[%add3A_152] : memref<320000xi32, #tpu.memory_space<hbm>> -> memref<80xi32, #tpu.memory_space<hbm>>
        tpu.enqueue_dma source(%dma_start3A_192 : memref<80xi32, #tpu.memory_space<hbm>>) target(%arg10 : memref<80xi32, #tpu.memory_space<vmem>>) target_semaphore(%run_scoped3A : memref<!tpu.dma_semaphore, #tpu.memory_space<semaphore_mem>>)
        %dma_wait3A_193 = tpu.memref_slice %arg3[%add3A_152] : memref<320000xi32, #tpu.memory_space<hbm>> -> memref<80xi32, #tpu.memory_space<hbm>>
        %dma_wait3A_194 = tpu.memref_slice %arg3[%add3A_152] : memref<320000xi32, #tpu.memory_space<hbm>> -> memref<80xi32, #tpu.memory_space<hbm>>
        tpu.wait_dma2 semaphore(%run_scoped3A : memref<!tpu.dma_semaphore, #tpu.memory_space<semaphore_mem>>) src(%dma_wait3A_194 : memref<80xi32, #tpu.memory_space<hbm>>) dst(%arg10 : memref<80xi32, #tpu.memory_space<vmem>>)
        tpu.yield
      }) : () -> ()
      %dma_start3A_153 = arith.constant 0 : i32
      %dma_start3A_154 = arith.constant 0 : i32
      %dma_start3A_155 = tpu.memref_slice %arg27[%dma_start3A_153, %dma_start3A_154] : memref<10000x16xf32, #tpu.memory_space<vmem_shared>> -> memref<10000x16xf32, #tpu.memory_space<vmem_shared>>
      tpu.enqueue_indirect_dma source(%dma_start3A_155 : memref<10000x16xf32, #tpu.memory_space<vmem_shared>>) target(%arg14 : memref<80x16xf32, #tpu.memory_space<vmem>>) offsets(%arg8 : memref<80xi32, #tpu.memory_space<vmem>>) semaphore(%arg25 : memref<!tpu.dma_semaphore, #tpu.memory_space<semaphore_mem>>)
      %dma_start3A_156 = arith.constant 0 : i32
      %dma_start3A_157 = arith.constant 0 : i32
      %dma_start3A_158 = tpu.memref_slice %arg27[%dma_start3A_156, %dma_start3A_157] : memref<10000x16xf32, #tpu.memory_space<vmem_shared>> -> memref<10000x16xf32, #tpu.memory_space<vmem_shared>>
      tpu.enqueue_indirect_dma source(%dma_start3A_158 : memref<10000x16xf32, #tpu.memory_space<vmem_shared>>) target(%arg16 : memref<80x16xf32, #tpu.memory_space<vmem>>) offsets(%arg10 : memref<80xi32, #tpu.memory_space<vmem>>) semaphore(%arg25 : memref<!tpu.dma_semaphore, #tpu.memory_space<semaphore_mem>>)
      %dma_wait3A = arith.constant 0 : i32
      %dma_wait3A_159 = arith.constant 0 : i32
      %dma_wait3A_160 = tpu.memref_slice %arg27[%dma_wait3A, %dma_wait3A_159] : memref<10000x16xf32, #tpu.memory_space<vmem_shared>> -> memref<10000x16xf32, #tpu.memory_space<vmem_shared>>
      tpu.wait_indirect_dma semaphore(%arg24 : memref<!tpu.dma_semaphore, #tpu.memory_space<semaphore_mem>>) src(%dma_wait3A_160 : memref<10000x16xf32, #tpu.memory_space<vmem_shared>>) dst(%arg13 : memref<80x16xf32, #tpu.memory_space<vmem>>)
      %dma_wait3A_161 = arith.constant 0 : i32
      %dma_wait3A_162 = arith.constant 0 : i32
      %dma_wait3A_163 = tpu.memref_slice %arg27[%dma_wait3A_161, %dma_wait3A_162] : memref<10000x16xf32, #tpu.memory_space<vmem_shared>> -> memref<10000x16xf32, #tpu.memory_space<vmem_shared>>
      tpu.wait_indirect_dma semaphore(%arg24 : memref<!tpu.dma_semaphore, #tpu.memory_space<semaphore_mem>>) src(%dma_wait3A_163 : memref<10000x16xf32, #tpu.memory_space<vmem_shared>>) dst(%arg15 : memref<80x16xf32, #tpu.memory_space<vmem>>)
      %scan3A_164 = arith.constant 0 : i32
      %scan3A_165 = arith.constant 0 : i32
      %scan3A_166 = arith.constant 80 : i32
      %scan3A_167 = arith.addi %scan3A_165, %scan3A_166 : i32
      %scan3A_168 = arith.constant 1 : i32
      %scan3A_169 = scf.for %scan3A_191 = %scan3A_165 to %scan3A_167 step %scan3A_168 iter_args(%scan3A_192 = %scan3A_164) -> (i32)  : i32 {
        %get3A = arith.index_cast %scan3A_191 : i32 to index
        %get3A_193 = arith.constant 0 : index
        %get3A_194 = tpu.vector_load %arg13[%get3A, %get3A_193] {strides = array<i32>} : memref<80x16xf32, #tpu.memory_space<vmem>>, vector<1x16xf32>,
        %get3A_195 = vector.shape_cast %get3A_194 : vector<1x16xf32> to vector<16xf32>
        %get3A_196 = arith.index_cast %scan3A_191 : i32 to index
        %get3A_197 = arith.constant 0 : index
        %get3A_198 = tpu.vector_load %arg15[%get3A_196, %get3A_197] {strides = array<i32>} : memref<80x16xf32, #tpu.memory_space<vmem>>, vector<1x16xf32>,
        %get3A_199 = vector.shape_cast %get3A_198 : vector<1x16xf32> to vector<16xf32>
        %broadcast_in_dim3A_200 = vector.shape_cast %and3A_22 : vector<16xi32> to vector<16x1xi32>
        %gather3A = vector.shape_cast %broadcast_in_dim3A_200 : vector<16x1xi32> to vector<16xi32>
        %gather3A_201 = tpu.dynamic_gather %get3A_199[%gather3A] in [0] : vector<16xf32>, vector<16xi32> -> vector<16xf32>
        %add3A_202 = arith.addf %get3A_195, %gather3A_201 : vector<16xf32>
        %mul3A_203 = arith.constant 2.000000e-01 : f32
        %mul3A_204 = vector.broadcast %mul3A_203 : f32 to vector<16xf32>
        %mul3A_205 = arith.mulf %mul3A_204, %add3A_202 : vector<16xf32>
        %max3A = arith.maximumf %add3A_202, %mul3A_205 : vector<16xf32>
        %exp3A = math.exp %max3A : vector<16xf32>
        %swap3A = arith.index_cast %scan3A_191 : i32 to index
        %swap3A_206 = arith.constant 0 : index
        %swap3A_207 = tpu.vector_load %arg19[%swap3A, %swap3A_206] {strides = array<i32>} : memref<80x16xf32, #tpu.memory_space<vmem>>, vector<1x16xf32>,
        %swap3A_208 = vector.shape_cast %swap3A_207 : vector<1x16xf32> to vector<16xf32>
        %swap3A_209 = vector.shape_cast %exp3A : vector<16xf32> to vector<1x16xf32>
        tpu.vector_store %arg19[%swap3A, %swap3A_206], %swap3A_209 {strides = array<i32>} : memref<80x16xf32, #tpu.memory_space<vmem>>, vector<1x16xf32>,
        %scan3A_210 = arith.constant 0 : i32
        scf.yield %scan3A_210 : i32
      }
      %scan3A_170 = arith.constant 80 : i32
      "tpu.region"() ({
        %run_scoped3A = tpu.sem_alloc : memref<!tpu.dma_semaphore, #tpu.memory_space<semaphore_mem>>
        %dma_start3A_191 = arith.constant 0 : i32
        %dma_start3A_192 = arith.constant 0 : i32
        %dma_start3A_193 = tpu.memref_slice %arg26[%dma_start3A_191, %dma_start3A_192] : memref<10000x16xf32, #tpu.memory_space<vmem_shared>> -> memref<10000x16xf32, #tpu.memory_space<vmem_shared>>
        tpu.enqueue_indirect_dma source(%arg19 : memref<80x16xf32, #tpu.memory_space<vmem>>) target(%dma_start3A_193 : memref<10000x16xf32, #tpu.memory_space<vmem_shared>>) offsets(%arg9 : memref<80xi32, #tpu.memory_space<vmem>>) semaphore(%run_scoped3A : memref<!tpu.dma_semaphore, #tpu.memory_space<semaphore_mem>>) {add = true}
        %dma_wait3A_194 = arith.constant 0 : i32
        %dma_wait3A_195 = arith.constant 0 : i32
        %dma_wait3A_196 = tpu.memref_slice %arg26[%dma_wait3A_194, %dma_wait3A_195] : memref<10000x16xf32, #tpu.memory_space<vmem_shared>> -> memref<10000x16xf32, #tpu.memory_space<vmem_shared>>
        tpu.wait_indirect_dma semaphore(%run_scoped3A : memref<!tpu.dma_semaphore, #tpu.memory_space<semaphore_mem>>) src(%arg19 : memref<80x16xf32, #tpu.memory_space<vmem>>) dst(%dma_wait3A_196 : memref<10000x16xf32, #tpu.memory_space<vmem_shared>>)
        tpu.yield
      }) : () -> ()
      %mul3A_171 = arith.constant 2 : i32
      %mul3A_172 = arith.muli %mul3A_171, %scan3A_144 : i32
      %add3A_173 = arith.constant 2 : i32
      %add3A_174 = arith.addi %mul3A_172, %add3A_173 : i32
      %lt3A = arith.constant 250 : i32
      %lt3A_175 = arith.cmpi slt, %add3A_174, %lt3A : i32
      %convert_element_type3A = arith.extui %lt3A_175 : i1 to i32
      %cond3A = arith.constant 0 : i32
      %cond3A_176 = arith.cmpi ne, %convert_element_type3A, %cond3A : i32
      scf.if %cond3A_176 {
        %mul3A_191 = arith.constant 2 : i32
        %mul3A_192 = arith.muli %mul3A_191, %scan3A_144 : i32
        %add3A_193 = arith.constant 2 : i32
        %add3A_194 = arith.addi %mul3A_192, %add3A_193 : i32
        %mul3A_195 = arith.constant 80 : i32
        %mul3A_196 = arith.muli %add3A_194, %mul3A_195 : i32
        %add3A_197 = arith.addi %mul3A_0, %mul3A_196 : i32
        "tpu.region"() ({
          %run_scoped3A = tpu.sem_alloc : memref<!tpu.dma_semaphore, #tpu.memory_space<semaphore_mem>>
          %dma_start3A_204 = tpu.memref_slice %arg2[%add3A_197] : memref<320000xi32, #tpu.memory_space<hbm>> -> memref<80xi32, #tpu.memory_space<hbm>>
          %dma_start3A_205 = tpu.memref_slice %arg2[%add3A_197] : memref<320000xi32, #tpu.memory_space<hbm>> -> memref<80xi32, #tpu.memory_space<hbm>>
          tpu.enqueue_dma source(%dma_start3A_205 : memref<80xi32, #tpu.memory_space<hbm>>) target(%arg7 : memref<80xi32, #tpu.memory_space<vmem>>) target_semaphore(%run_scoped3A : memref<!tpu.dma_semaphore, #tpu.memory_space<semaphore_mem>>)
          %dma_wait3A_206 = tpu.memref_slice %arg2[%add3A_197] : memref<320000xi32, #tpu.memory_space<hbm>> -> memref<80xi32, #tpu.memory_space<hbm>>
          %dma_wait3A_207 = tpu.memref_slice %arg2[%add3A_197] : memref<320000xi32, #tpu.memory_space<hbm>> -> memref<80xi32, #tpu.memory_space<hbm>>
          tpu.wait_dma2 semaphore(%run_scoped3A : memref<!tpu.dma_semaphore, #tpu.memory_space<semaphore_mem>>) src(%dma_wait3A_207 : memref<80xi32, #tpu.memory_space<hbm>>) dst(%arg7 : memref<80xi32, #tpu.memory_space<vmem>>)
          tpu.yield
        }) : () -> ()
        "tpu.region"() ({
          %run_scoped3A = tpu.sem_alloc : memref<!tpu.dma_semaphore, #tpu.memory_space<semaphore_mem>>
          %dma_start3A_204 = tpu.memref_slice %arg3[%add3A_197] : memref<320000xi32, #tpu.memory_space<hbm>> -> memref<80xi32, #tpu.memory_space<hbm>>
          %dma_start3A_205 = tpu.memref_slice %arg3[%add3A_197] : memref<320000xi32, #tpu.memory_space<hbm>> -> memref<80xi32, #tpu.memory_space<hbm>>
          tpu.enqueue_dma source(%dma_start3A_205 : memref<80xi32, #tpu.memory_space<hbm>>) target(%arg9 : memref<80xi32, #tpu.memory_space<vmem>>) target_semaphore(%run_scoped3A : memref<!tpu.dma_semaphore, #tpu.memory_space<semaphore_mem>>)
          %dma_wait3A_206 = tpu.memref_slice %arg3[%add3A_197] : memref<320000xi32, #tpu.memory_space<hbm>> -> memref<80xi32, #tpu.memory_space<hbm>>
          %dma_wait3A_207 = tpu.memref_slice %arg3[%add3A_197] : memref<320000xi32, #tpu.memory_space<hbm>> -> memref<80xi32, #tpu.memory_space<hbm>>
          tpu.wait_dma2 semaphore(%run_scoped3A : memref<!tpu.dma_semaphore, #tpu.memory_space<semaphore_mem>>) src(%dma_wait3A_207 : memref<80xi32, #tpu.memory_space<hbm>>) dst(%arg9 : memref<80xi32, #tpu.memory_space<vmem>>)
          tpu.yield
        }) : () -> ()
        %dma_start3A_198 = arith.constant 0 : i32
        %dma_start3A_199 = arith.constant 0 : i32
        %dma_start3A_200 = tpu.memref_slice %arg27[%dma_start3A_198, %dma_start3A_199] : memref<10000x16xf32, #tpu.memory_space<vmem_shared>> -> memref<10000x16xf32, #tpu.memory_space<vmem_shared>>
        tpu.enqueue_indirect_dma source(%dma_start3A_200 : memref<10000x16xf32, #tpu.memory_space<vmem_shared>>) target(%arg13 : memref<80x16xf32, #tpu.memory_space<vmem>>) offsets(%arg7 : memref<80xi32, #tpu.memory_space<vmem>>) semaphore(%arg24 : memref<!tpu.dma_semaphore, #tpu.memory_space<semaphore_mem>>)
        %dma_start3A_201 = arith.constant 0 : i32
        %dma_start3A_202 = arith.constant 0 : i32
        %dma_start3A_203 = tpu.memref_slice %arg27[%dma_start3A_201, %dma_start3A_202] : memref<10000x16xf32, #tpu.memory_space<vmem_shared>> -> memref<10000x16xf32, #tpu.memory_space<vmem_shared>>
        tpu.enqueue_indirect_dma source(%dma_start3A_203 : memref<10000x16xf32, #tpu.memory_space<vmem_shared>>) target(%arg15 : memref<80x16xf32, #tpu.memory_space<vmem>>) offsets(%arg9 : memref<80xi32, #tpu.memory_space<vmem>>) semaphore(%arg24 : memref<!tpu.dma_semaphore, #tpu.memory_space<semaphore_mem>>)
      } else {
      }
      %dma_wait3A_177 = arith.constant 0 : i32
      %dma_wait3A_178 = arith.constant 0 : i32
      %dma_wait3A_179 = tpu.memref_slice %arg27[%dma_wait3A_177, %dma_wait3A_178] : memref<10000x16xf32, #tpu.memory_space<vmem_shared>> -> memref<10000x16xf32, #tpu.memory_space<vmem_shared>>
      tpu.wait_indirect_dma semaphore(%arg25 : memref<!tpu.dma_semaphore, #tpu.memory_space<semaphore_mem>>) src(%dma_wait3A_179 : memref<10000x16xf32, #tpu.memory_space<vmem_shared>>) dst(%arg14 : memref<80x16xf32, #tpu.memory_space<vmem>>)
      %dma_wait3A_180 = arith.constant 0 : i32
      %dma_wait3A_181 = arith.constant 0 : i32
      %dma_wait3A_182 = tpu.memref_slice %arg27[%dma_wait3A_180, %dma_wait3A_181] : memref<10000x16xf32, #tpu.memory_space<vmem_shared>> -> memref<10000x16xf32, #tpu.memory_space<vmem_shared>>
      tpu.wait_indirect_dma semaphore(%arg25 : memref<!tpu.dma_semaphore, #tpu.memory_space<semaphore_mem>>) src(%dma_wait3A_182 : memref<10000x16xf32, #tpu.memory_space<vmem_shared>>) dst(%arg16 : memref<80x16xf32, #tpu.memory_space<vmem>>)
      %scan3A_183 = arith.constant 0 : i32
      %scan3A_184 = arith.constant 0 : i32
      %scan3A_185 = arith.constant 80 : i32
      %scan3A_186 = arith.addi %scan3A_184, %scan3A_185 : i32
      %scan3A_187 = arith.constant 1 : i32
      %scan3A_188 = scf.for %scan3A_191 = %scan3A_184 to %scan3A_186 step %scan3A_187 iter_args(%scan3A_192 = %scan3A_183) -> (i32)  : i32 {
        %get3A = arith.index_cast %scan3A_191 : i32 to index
        %get3A_193 = arith.constant 0 : index
        %get3A_194 = tpu.vector_load %arg14[%get3A, %get3A_193] {strides = array<i32>} : memref<80x16xf32, #tpu.memory_space<vmem>>, vector<1x16xf32>,
        %get3A_195 = vector.shape_cast %get3A_194 : vector<1x16xf32> to vector<16xf32>
        %get3A_196 = arith.index_cast %scan3A_191 : i32 to index
        %get3A_197 = arith.constant 0 : index
        %get3A_198 = tpu.vector_load %arg16[%get3A_196, %get3A_197] {strides = array<i32>} : memref<80x16xf32, #tpu.memory_space<vmem>>, vector<1x16xf32>,
        %get3A_199 = vector.shape_cast %get3A_198 : vector<1x16xf32> to vector<16xf32>
        %broadcast_in_dim3A_200 = vector.shape_cast %and3A_22 : vector<16xi32> to vector<16x1xi32>
        %gather3A = vector.shape_cast %broadcast_in_dim3A_200 : vector<16x1xi32> to vector<16xi32>
        %gather3A_201 = tpu.dynamic_gather %get3A_199[%gather3A] in [0] : vector<16xf32>, vector<16xi32> -> vector<16xf32>
        %add3A_202 = arith.addf %get3A_195, %gather3A_201 : vector<16xf32>
        %mul3A_203 = arith.constant 2.000000e-01 : f32
        %mul3A_204 = vector.broadcast %mul3A_203 : f32 to vector<16xf32>
        %mul3A_205 = arith.mulf %mul3A_204, %add3A_202 : vector<16xf32>
        %max3A = arith.maximumf %add3A_202, %mul3A_205 : vector<16xf32>
        %exp3A = math.exp %max3A : vector<16xf32>
        %swap3A = arith.index_cast %scan3A_191 : i32 to index
        %swap3A_206 = arith.constant 0 : index
        %swap3A_207 = tpu.vector_load %arg19[%swap3A, %swap3A_206] {strides = array<i32>} : memref<80x16xf32, #tpu.memory_space<vmem>>, vector<1x16xf32>,
        %swap3A_208 = vector.shape_cast %swap3A_207 : vector<1x16xf32> to vector<16xf32>
        %swap3A_209 = vector.shape_cast %exp3A : vector<16xf32> to vector<1x16xf32>
        tpu.vector_store %arg19[%swap3A, %swap3A_206], %swap3A_209 {strides = array<i32>} : memref<80x16xf32, #tpu.memory_space<vmem>>, vector<1x16xf32>,
        %scan3A_210 = arith.constant 0 : i32
        scf.yield %scan3A_210 : i32
      }
      %scan3A_189 = arith.constant 80 : i32
      "tpu.region"() ({
        %run_scoped3A = tpu.sem_alloc : memref<!tpu.dma_semaphore, #tpu.memory_space<semaphore_mem>>
        %dma_start3A_191 = arith.constant 0 : i32
        %dma_start3A_192 = arith.constant 0 : i32
        %dma_start3A_193 = tpu.memref_slice %arg26[%dma_start3A_191, %dma_start3A_192] : memref<10000x16xf32, #tpu.memory_space<vmem_shared>> -> memref<10000x16xf32, #tpu.memory_space<vmem_shared>>
        tpu.enqueue_indirect_dma source(%arg19 : memref<80x16xf32, #tpu.memory_space<vmem>>) target(%dma_start3A_193 : memref<10000x16xf32, #tpu.memory_space<vmem_shared>>) offsets(%arg10 : memref<80xi32, #tpu.memory_space<vmem>>) semaphore(%run_scoped3A : memref<!tpu.dma_semaphore, #tpu.memory_space<semaphore_mem>>) {add = true}
        %dma_wait3A_194 = arith.constant 0 : i32
        %dma_wait3A_195 = arith.constant 0 : i32
        %dma_wait3A_196 = tpu.memref_slice %arg26[%dma_wait3A_194, %dma_wait3A_195] : memref<10000x16xf32, #tpu.memory_space<vmem_shared>> -> memref<10000x16xf32, #tpu.memory_space<vmem_shared>>
        tpu.wait_indirect_dma semaphore(%run_scoped3A : memref<!tpu.dma_semaphore, #tpu.memory_space<semaphore_mem>>) src(%arg19 : memref<80x16xf32, #tpu.memory_space<vmem>>) dst(%dma_wait3A_196 : memref<10000x16xf32, #tpu.memory_space<vmem_shared>>)
        tpu.yield
      }) : () -> ()
      %scan3A_190 = arith.constant 0 : i32
      scf.yield %scan3A_190 : i32
    }
    %scan3A_36 = arith.constant 125 : i32
    %barrier3A_37 = arith.constant 0 : index
    tpu.barrier barrier_id(%barrier3A_37)
    %mul3A_38 = arith.constant 2 : i32
    %mul3A_39 = arith.muli %mul3A_38, %arg0 : i32
    %add3A_40 = arith.constant 0 : i32
    %add3A_41 = arith.addi %mul3A_39, %add3A_40 : i32
    %scan3A_42 = arith.constant 0 : i32
    %scan3A_43 = arith.constant 0 : i32
    %scan3A_44 = arith.constant 80 : i32
    %scan3A_45 = arith.addi %scan3A_43, %scan3A_44 : i32
    %scan3A_46 = arith.constant 1 : i32
    %scan3A_47 = scf.for %scan3A_144 = %scan3A_43 to %scan3A_45 step %scan3A_46 iter_args(%scan3A_145 = %scan3A_42) -> (i32)  : i32 {
      %swap3A = arith.index_cast %scan3A_144 : i32 to index
      %swap3A_146 = arith.constant 0 : index
      %swap3A_147 = tpu.vector_load %arg20[%swap3A, %swap3A_146] {strides = array<i32>} : memref<80x128xf32, #tpu.memory_space<vmem>>, vector<1x16xf32>,
      %swap3A_148 = vector.shape_cast %swap3A_147 : vector<1x16xf32> to vector<16xf32>
      %swap3A_149 = vector.shape_cast %broadcast_in_dim3A_1 : vector<16xf32> to vector<1x16xf32>
      tpu.vector_store %arg20[%swap3A, %swap3A_146], %swap3A_149 {strides = array<i32>} : memref<80x128xf32, #tpu.memory_space<vmem>>, vector<1x16xf32>,
      %swap3A_150 = arith.index_cast %scan3A_144 : i32 to index
      %swap3A_151 = arith.constant 16 : index
      %swap3A_152 = tpu.vector_load %arg20[%swap3A_150, %swap3A_151] {strides = array<i32>} : memref<80x128xf32, #tpu.memory_space<vmem>>, vector<1x16xf32>,
      %swap3A_153 = vector.shape_cast %swap3A_152 : vector<1x16xf32> to vector<16xf32>
      %swap3A_154 = vector.shape_cast %broadcast_in_dim3A_1 : vector<16xf32> to vector<1x16xf32>
      tpu.vector_store %arg20[%swap3A_150, %swap3A_151], %swap3A_154 {strides = array<i32>} : memref<80x128xf32, #tpu.memory_space<vmem>>, vector<1x16xf32>,
      %swap3A_155 = arith.index_cast %scan3A_144 : i32 to index
      %swap3A_156 = arith.constant 32 : index
      %swap3A_157 = tpu.vector_load %arg20[%swap3A_155, %swap3A_156] {strides = array<i32>} : memref<80x128xf32, #tpu.memory_space<vmem>>, vector<1x16xf32>,
      %swap3A_158 = vector.shape_cast %swap3A_157 : vector<1x16xf32> to vector<16xf32>
      %swap3A_159 = vector.shape_cast %broadcast_in_dim3A_1 : vector<16xf32> to vector<1x16xf32>
      tpu.vector_store %arg20[%swap3A_155, %swap3A_156], %swap3A_159 {strides = array<i32>} : memref<80x128xf32, #tpu.memory_space<vmem>>, vector<1x16xf32>,
      %swap3A_160 = arith.index_cast %scan3A_144 : i32 to index
      %swap3A_161 = arith.constant 48 : index
      %swap3A_162 = tpu.vector_load %arg20[%swap3A_160, %swap3A_161] {strides = array<i32>} : memref<80x128xf32, #tpu.memory_space<vmem>>, vector<1x16xf32>,
      %swap3A_163 = vector.shape_cast %swap3A_162 : vector<1x16xf32> to vector<16xf32>
      %swap3A_164 = vector.shape_cast %broadcast_in_dim3A_1 : vector<16xf32> to vector<1x16xf32>
      tpu.vector_store %arg20[%swap3A_160, %swap3A_161], %swap3A_164 {strides = array<i32>} : memref<80x128xf32, #tpu.memory_space<vmem>>, vector<1x16xf32>,
      %swap3A_165 = arith.index_cast %scan3A_144 : i32 to index
      %swap3A_166 = arith.constant 64 : index
      %swap3A_167 = tpu.vector_load %arg20[%swap3A_165, %swap3A_166] {strides = array<i32>} : memref<80x128xf32, #tpu.memory_space<vmem>>, vector<1x16xf32>,
      %swap3A_168 = vector.shape_cast %swap3A_167 : vector<1x16xf32> to vector<16xf32>
      %swap3A_169 = vector.shape_cast %broadcast_in_dim3A_1 : vector<16xf32> to vector<1x16xf32>
      tpu.vector_store %arg20[%swap3A_165, %swap3A_166], %swap3A_169 {strides = array<i32>} : memref<80x128xf32, #tpu.memory_space<vmem>>, vector<1x16xf32>,
      %swap3A_170 = arith.index_cast %scan3A_144 : i32 to index
      %swap3A_171 = arith.constant 80 : index
      %swap3A_172 = tpu.vector_load %arg20[%swap3A_170, %swap3A_171] {strides = array<i32>} : memref<80x128xf32, #tpu.memory_space<vmem>>, vector<1x16xf32>,
      %swap3A_173 = vector.shape_cast %swap3A_172 : vector<1x16xf32> to vector<16xf32>
      %swap3A_174 = vector.shape_cast %broadcast_in_dim3A_1 : vector<16xf32> to vector<1x16xf32>
      tpu.vector_store %arg20[%swap3A_170, %swap3A_171], %swap3A_174 {strides = array<i32>} : memref<80x128xf32, #tpu.memory_space<vmem>>, vector<1x16xf32>,
      %swap3A_175 = arith.index_cast %scan3A_144 : i32 to index
      %swap3A_176 = arith.constant 96 : index
      %swap3A_177 = tpu.vector_load %arg20[%swap3A_175, %swap3A_176] {strides = array<i32>} : memref<80x128xf32, #tpu.memory_space<vmem>>, vector<1x16xf32>,
      %swap3A_178 = vector.shape_cast %swap3A_177 : vector<1x16xf32> to vector<16xf32>
      %swap3A_179 = vector.shape_cast %broadcast_in_dim3A_1 : vector<16xf32> to vector<1x16xf32>
      tpu.vector_store %arg20[%swap3A_175, %swap3A_176], %swap3A_179 {strides = array<i32>} : memref<80x128xf32, #tpu.memory_space<vmem>>, vector<1x16xf32>,
      %swap3A_180 = arith.index_cast %scan3A_144 : i32 to index
      %swap3A_181 = arith.constant 112 : index
      %swap3A_182 = tpu.vector_load %arg20[%swap3A_180, %swap3A_181] {strides = array<i32>} : memref<80x128xf32, #tpu.memory_space<vmem>>, vector<1x16xf32>,
      %swap3A_183 = vector.shape_cast %swap3A_182 : vector<1x16xf32> to vector<16xf32>
      %swap3A_184 = vector.shape_cast %broadcast_in_dim3A_1 : vector<16xf32> to vector<1x16xf32>
      tpu.vector_store %arg20[%swap3A_180, %swap3A_181], %swap3A_184 {strides = array<i32>} : memref<80x128xf32, #tpu.memory_space<vmem>>, vector<1x16xf32>,
      %scan3A_185 = arith.constant 0 : i32
      scf.yield %scan3A_185 : i32
    }
    %scan3A_48 = arith.constant 80 : i32
    %scan3A_49 = arith.constant 0 : i32
    %scan3A_50 = arith.constant 0 : i32
    %scan3A_51 = arith.constant 25 : i32
    %scan3A_52 = arith.addi %scan3A_50, %scan3A_51 : i32
    %scan3A_53 = arith.constant 1 : i32
    %scan3A_54 = scf.for %scan3A_144 = %scan3A_50 to %scan3A_52 step %scan3A_53 iter_args(%scan3A_145 = %scan3A_49) -> (i32)  : i32 {
      %mul3A_146 = arith.constant 625 : i32
      %mul3A_147 = arith.muli %arg1, %mul3A_146 : i32
      %mul3A_148 = arith.constant 25 : i32
      %mul3A_149 = arith.muli %scan3A_144, %mul3A_148 : i32
      %add3A_150 = arith.addi %mul3A_147, %mul3A_149 : i32
      "tpu.region"() ({
        %run_scoped3A = tpu.sem_alloc : memref<!tpu.dma_semaphore, #tpu.memory_space<semaphore_mem>>
        %dma_start3A_152 = arith.constant 0 : i32
        %dma_start3A_153 = arith.constant 0 : i32
        %dma_start3A_154 = tpu.memref_slice %arg20[%dma_start3A_152, %dma_start3A_153] : memref<80x128xf32, #tpu.memory_space<vmem>> -> memref<25x128xf32, #tpu.memory_space<vmem>>
        %dma_start3A_155 = arith.constant 0 : i32
        %dma_start3A_156 = tpu.memref_slice %arg28[%add3A_150, %dma_start3A_155] : memref<10000x128xf32, #tpu.memory_space<vmem_shared>> -> memref<25x128xf32, #tpu.memory_space<vmem_shared>>
        %dma_start3A_157 = arith.constant 0 : i32
        %dma_start3A_158 = tpu.memref_slice %arg28[%add3A_150, %dma_start3A_157] : memref<10000x128xf32, #tpu.memory_space<vmem_shared>> -> memref<25x128xf32, #tpu.memory_space<vmem_shared>>
        %dma_start3A_159 = arith.constant 0 : i32
        %dma_start3A_160 = arith.constant 0 : i32
        %dma_start3A_161 = tpu.memref_slice %arg20[%dma_start3A_159, %dma_start3A_160] : memref<80x128xf32, #tpu.memory_space<vmem>> -> memref<25x128xf32, #tpu.memory_space<vmem>>
        tpu.enqueue_dma source(%dma_start3A_161 : memref<25x128xf32, #tpu.memory_space<vmem>>) target(%dma_start3A_158 : memref<25x128xf32, #tpu.memory_space<vmem_shared>>) target_semaphore(%run_scoped3A : memref<!tpu.dma_semaphore, #tpu.memory_space<semaphore_mem>>)
        %dma_wait3A = arith.constant 0 : i32
        %dma_wait3A_162 = arith.constant 0 : i32
        %dma_wait3A_163 = tpu.memref_slice %arg20[%dma_wait3A, %dma_wait3A_162] : memref<80x128xf32, #tpu.memory_space<vmem>> -> memref<25x128xf32, #tpu.memory_space<vmem>>
        %dma_wait3A_164 = arith.constant 0 : i32
        %dma_wait3A_165 = tpu.memref_slice %arg28[%add3A_150, %dma_wait3A_164] : memref<10000x128xf32, #tpu.memory_space<vmem_shared>> -> memref<25x128xf32, #tpu.memory_space<vmem_shared>>
        %dma_wait3A_166 = arith.constant 0 : i32
        %dma_wait3A_167 = tpu.memref_slice %arg28[%add3A_150, %dma_wait3A_166] : memref<10000x128xf32, #tpu.memory_space<vmem_shared>> -> memref<25x128xf32, #tpu.memory_space<vmem_shared>>
        %dma_wait3A_168 = arith.constant 0 : i32
        %dma_wait3A_169 = arith.constant 0 : i32
        %dma_wait3A_170 = tpu.memref_slice %arg20[%dma_wait3A_168, %dma_wait3A_169] : memref<80x128xf32, #tpu.memory_space<vmem>> -> memref<25x128xf32, #tpu.memory_space<vmem>>
        tpu.wait_dma2 semaphore(%run_scoped3A : memref<!tpu.dma_semaphore, #tpu.memory_space<semaphore_mem>>) src(%dma_wait3A_170 : memref<25x128xf32, #tpu.memory_space<vmem>>) dst(%dma_wait3A_167 : memref<25x128xf32, #tpu.memory_space<vmem_shared>>)
        tpu.yield
      }) : () -> ()
      %scan3A_151 = arith.constant 0 : i32
      scf.yield %scan3A_151 : i32
    }
    %scan3A_55 = arith.constant 25 : i32
    %barrier3A_56 = arith.constant 0 : index
    tpu.barrier barrier_id(%barrier3A_56)
    %add3A_57 = arith.constant 0 : i32
    %add3A_58 = arith.addi %mul3A_0, %add3A_57 : i32
    "tpu.region"() ({
      %run_scoped3A = tpu.sem_alloc : memref<!tpu.dma_semaphore, #tpu.memory_space<semaphore_mem>>
      %dma_start3A_144 = tpu.memref_slice %arg2[%add3A_58] : memref<320000xi32, #tpu.memory_space<hbm>> -> memref<80xi32, #tpu.memory_space<hbm>>
      %dma_start3A_145 = tpu.memref_slice %arg2[%add3A_58] : memref<320000xi32, #tpu.memory_space<hbm>> -> memref<80xi32, #tpu.memory_space<hbm>>
      tpu.enqueue_dma source(%dma_start3A_145 : memref<80xi32, #tpu.memory_space<hbm>>) target(%arg7 : memref<80xi32, #tpu.memory_space<vmem>>) target_semaphore(%run_scoped3A : memref<!tpu.dma_semaphore, #tpu.memory_space<semaphore_mem>>)
      %dma_wait3A = tpu.memref_slice %arg2[%add3A_58] : memref<320000xi32, #tpu.memory_space<hbm>> -> memref<80xi32, #tpu.memory_space<hbm>>
      %dma_wait3A_146 = tpu.memref_slice %arg2[%add3A_58] : memref<320000xi32, #tpu.memory_space<hbm>> -> memref<80xi32, #tpu.memory_space<hbm>>
      tpu.wait_dma2 semaphore(%run_scoped3A : memref<!tpu.dma_semaphore, #tpu.memory_space<semaphore_mem>>) src(%dma_wait3A_146 : memref<80xi32, #tpu.memory_space<hbm>>) dst(%arg7 : memref<80xi32, #tpu.memory_space<vmem>>)
      tpu.yield
    }) : () -> ()
    "tpu.region"() ({
      %run_scoped3A = tpu.sem_alloc : memref<!tpu.dma_semaphore, #tpu.memory_space<semaphore_mem>>
      %dma_start3A_144 = tpu.memref_slice %arg3[%add3A_58] : memref<320000xi32, #tpu.memory_space<hbm>> -> memref<80xi32, #tpu.memory_space<hbm>>
      %dma_start3A_145 = tpu.memref_slice %arg3[%add3A_58] : memref<320000xi32, #tpu.memory_space<hbm>> -> memref<80xi32, #tpu.memory_space<hbm>>
      tpu.enqueue_dma source(%dma_start3A_145 : memref<80xi32, #tpu.memory_space<hbm>>) target(%arg9 : memref<80xi32, #tpu.memory_space<vmem>>) target_semaphore(%run_scoped3A : memref<!tpu.dma_semaphore, #tpu.memory_space<semaphore_mem>>)
      %dma_wait3A = tpu.memref_slice %arg3[%add3A_58] : memref<320000xi32, #tpu.memory_space<hbm>> -> memref<80xi32, #tpu.memory_space<hbm>>
      %dma_wait3A_146 = tpu.memref_slice %arg3[%add3A_58] : memref<320000xi32, #tpu.memory_space<hbm>> -> memref<80xi32, #tpu.memory_space<hbm>>
      tpu.wait_dma2 semaphore(%run_scoped3A : memref<!tpu.dma_semaphore, #tpu.memory_space<semaphore_mem>>) src(%dma_wait3A_146 : memref<80xi32, #tpu.memory_space<hbm>>) dst(%arg9 : memref<80xi32, #tpu.memory_space<vmem>>)
      tpu.yield
    }) : () -> ()
    %scan3A_59 = arith.constant 0 : i32
    %scan3A_60 = arith.constant 0 : i32
    %scan3A_61 = arith.constant 5 : i32
    %scan3A_62 = arith.addi %scan3A_60, %scan3A_61 : i32
    %scan3A_63 = arith.constant 1 : i32
    %scan3A_64 = scf.for %scan3A_144 = %scan3A_60 to %scan3A_62 step %scan3A_63 iter_args(%scan3A_145 = %scan3A_59) -> (i32)  : i32 {
      %mul3A_146 = arith.constant 16 : i32
      %mul3A_147 = arith.muli %scan3A_144, %mul3A_146 : i32
      %get3A = arith.index_cast %mul3A_147 : i32 to index
      %get3A_148 = tpu.vector_load %arg7[%get3A] {strides = array<i32>} : memref<80xi32, #tpu.memory_space<vmem>>, vector<16xi32>,
      %get3A_149 = vector.shape_cast %get3A_148 : vector<16xi32> to vector<16xi32>
      %mul3A_150 = arith.constant 10240 : i32
      %mul3A_151 = arith.muli %add3A_41, %mul3A_150 : i32
      %add3A_152 = vector.broadcast %mul3A_151 : i32 to vector<16xi32>
      %add3A_153 = arith.addi %get3A_149, %add3A_152 : vector<16xi32>
      %mul3A_154 = arith.constant 16 : i32
      %mul3A_155 = arith.muli %scan3A_144, %mul3A_154 : i32
      %swap3A = arith.index_cast %mul3A_155 : i32 to index
      %swap3A_156 = tpu.vector_load %arg11[%swap3A] {strides = array<i32>} : memref<80xi32, #tpu.memory_space<vmem>>, vector<16xi32>,
      %swap3A_157 = vector.shape_cast %swap3A_156 : vector<16xi32> to vector<16xi32>
      %swap3A_158 = vector.shape_cast %add3A_153 : vector<16xi32> to vector<16xi32>
      tpu.vector_store %arg11[%swap3A], %swap3A_158 {strides = array<i32>} : memref<80xi32, #tpu.memory_space<vmem>>, vector<16xi32>,
      %scan3A_159 = arith.constant 0 : i32
      scf.yield %scan3A_159 : i32
    }
    %scan3A_65 = arith.constant 5 : i32
    %dma_start3A_66 = arith.constant 0 : i32
    %dma_start3A_67 = arith.constant 0 : i32
    %dma_start3A_68 = tpu.memref_slice %arg5[%dma_start3A_66, %dma_start3A_67] : memref<40960x128xf32, #tpu.memory_space<hbm>> -> memref<40960x128xf32, #tpu.memory_space<hbm>>
    tpu.enqueue_indirect_dma source(%dma_start3A_68 : memref<40960x128xf32, #tpu.memory_space<hbm>>) target(%arg20 : memref<80x128xf32, #tpu.memory_space<vmem>>) offsets(%arg11 : memref<80xi32, #tpu.memory_space<vmem>>) semaphore(%arg22 : memref<!tpu.dma_semaphore, #tpu.memory_space<semaphore_mem>>)
    %dma_start3A_69 = arith.constant 0 : i32
    %dma_start3A_70 = arith.constant 0 : i32
    %dma_start3A_71 = tpu.memref_slice %arg27[%dma_start3A_69, %dma_start3A_70] : memref<10000x16xf32, #tpu.memory_space<vmem_shared>> -> memref<10000x16xf32, #tpu.memory_space<vmem_shared>>
    tpu.enqueue_indirect_dma source(%dma_start3A_71 : memref<10000x16xf32, #tpu.memory_space<vmem_shared>>) target(%arg13 : memref<80x16xf32, #tpu.memory_space<vmem>>) offsets(%arg7 : memref<80xi32, #tpu.memory_space<vmem>>) semaphore(%arg24 : memref<!tpu.dma_semaphore, #tpu.memory_space<semaphore_mem>>)
    %dma_start3A_72 = arith.constant 0 : i32
    %dma_start3A_73 = arith.constant 0 : i32
    %dma_start3A_74 = tpu.memref_slice %arg27[%dma_start3A_72, %dma_start3A_73] : memref<10000x16xf32, #tpu.memory_space<vmem_shared>> -> memref<10000x16xf32, #tpu.memory_space<vmem_shared>>
    tpu.enqueue_indirect_dma source(%dma_start3A_74 : memref<10000x16xf32, #tpu.memory_space<vmem_shared>>) target(%arg15 : memref<80x16xf32, #tpu.memory_space<vmem>>) offsets(%arg9 : memref<80xi32, #tpu.memory_space<vmem>>) semaphore(%arg24 : memref<!tpu.dma_semaphore, #tpu.memory_space<semaphore_mem>>)
    %dma_start3A_75 = arith.constant 0 : i32
    %dma_start3A_76 = arith.constant 0 : i32
    %dma_start3A_77 = tpu.memref_slice %arg26[%dma_start3A_75, %dma_start3A_76] : memref<10000x16xf32, #tpu.memory_space<vmem_shared>> -> memref<10000x16xf32, #tpu.memory_space<vmem_shared>>
    tpu.enqueue_indirect_dma source(%dma_start3A_77 : memref<10000x16xf32, #tpu.memory_space<vmem_shared>>) target(%arg17 : memref<80x16xf32, #tpu.memory_space<vmem>>) offsets(%arg9 : memref<80xi32, #tpu.memory_space<vmem>>) semaphore(%arg24 : memref<!tpu.dma_semaphore, #tpu.memory_space<semaphore_mem>>)
    %scan3A_78 = arith.constant 0 : i32
    %scan3A_79 = arith.constant 0 : i32
    %scan3A_80 = arith.constant 125 : i32
    %scan3A_81 = arith.addi %scan3A_79, %scan3A_80 : i32
    %scan3A_82 = arith.constant 1 : i32
    %scan3A_83 = scf.for %scan3A_144 = %scan3A_79 to %scan3A_81 step %scan3A_82 iter_args(%scan3A_145 = %scan3A_78) -> (i32)  : i32 {
      %mul3A_146 = arith.constant 2 : i32
      %mul3A_147 = arith.muli %mul3A_146, %scan3A_144 : i32
      %add3A_148 = arith.constant 1 : i32
      %add3A_149 = arith.addi %mul3A_147, %add3A_148 : i32
      %mul3A_150 = arith.constant 80 : i32
      %mul3A_151 = arith.muli %add3A_149, %mul3A_150 : i32
      %add3A_152 = arith.addi %mul3A_0, %mul3A_151 : i32
      "tpu.region"() ({
        %run_scoped3A = tpu.sem_alloc : memref<!tpu.dma_semaphore, #tpu.memory_space<semaphore_mem>>
        %dma_start3A_216 = tpu.memref_slice %arg2[%add3A_152] : memref<320000xi32, #tpu.memory_space<hbm>> -> memref<80xi32, #tpu.memory_space<hbm>>
        %dma_start3A_217 = tpu.memref_slice %arg2[%add3A_152] : memref<320000xi32, #tpu.memory_space<hbm>> -> memref<80xi32, #tpu.memory_space<hbm>>
        tpu.enqueue_dma source(%dma_start3A_217 : memref<80xi32, #tpu.memory_space<hbm>>) target(%arg8 : memref<80xi32, #tpu.memory_space<vmem>>) target_semaphore(%run_scoped3A : memref<!tpu.dma_semaphore, #tpu.memory_space<semaphore_mem>>)
        %dma_wait3A_218 = tpu.memref_slice %arg2[%add3A_152] : memref<320000xi32, #tpu.memory_space<hbm>> -> memref<80xi32, #tpu.memory_space<hbm>>
        %dma_wait3A_219 = tpu.memref_slice %arg2[%add3A_152] : memref<320000xi32, #tpu.memory_space<hbm>> -> memref<80xi32, #tpu.memory_space<hbm>>
        tpu.wait_dma2 semaphore(%run_scoped3A : memref<!tpu.dma_semaphore, #tpu.memory_space<semaphore_mem>>) src(%dma_wait3A_219 : memref<80xi32, #tpu.memory_space<hbm>>) dst(%arg8 : memref<80xi32, #tpu.memory_space<vmem>>)
        tpu.yield
      }) : () -> ()
      "tpu.region"() ({
        %run_scoped3A = tpu.sem_alloc : memref<!tpu.dma_semaphore, #tpu.memory_space<semaphore_mem>>
        %dma_start3A_216 = tpu.memref_slice %arg3[%add3A_152] : memref<320000xi32, #tpu.memory_space<hbm>> -> memref<80xi32, #tpu.memory_space<hbm>>
        %dma_start3A_217 = tpu.memref_slice %arg3[%add3A_152] : memref<320000xi32, #tpu.memory_space<hbm>> -> memref<80xi32, #tpu.memory_space<hbm>>
        tpu.enqueue_dma source(%dma_start3A_217 : memref<80xi32, #tpu.memory_space<hbm>>) target(%arg10 : memref<80xi32, #tpu.memory_space<vmem>>) target_semaphore(%run_scoped3A : memref<!tpu.dma_semaphore, #tpu.memory_space<semaphore_mem>>)
        %dma_wait3A_218 = tpu.memref_slice %arg3[%add3A_152] : memref<320000xi32, #tpu.memory_space<hbm>> -> memref<80xi32, #tpu.memory_space<hbm>>
        %dma_wait3A_219 = tpu.memref_slice %arg3[%add3A_152] : memref<320000xi32, #tpu.memory_space<hbm>> -> memref<80xi32, #tpu.memory_space<hbm>>
        tpu.wait_dma2 semaphore(%run_scoped3A : memref<!tpu.dma_semaphore, #tpu.memory_space<semaphore_mem>>) src(%dma_wait3A_219 : memref<80xi32, #tpu.memory_space<hbm>>) dst(%arg10 : memref<80xi32, #tpu.memory_space<vmem>>)
        tpu.yield
      }) : () -> ()
      %scan3A_153 = arith.constant 0 : i32
      %scan3A_154 = arith.constant 0 : i32
      %scan3A_155 = arith.constant 5 : i32
      %scan3A_156 = arith.addi %scan3A_154, %scan3A_155 : i32
      %scan3A_157 = arith.constant 1 : i32
      %scan3A_158 = scf.for %scan3A_216 = %scan3A_154 to %scan3A_156 step %scan3A_157 iter_args(%scan3A_217 = %scan3A_153) -> (i32)  : i32 {
        %mul3A_218 = arith.constant 16 : i32
        %mul3A_219 = arith.muli %scan3A_216, %mul3A_218 : i32
        %get3A = arith.index_cast %mul3A_219 : i32 to index
        %get3A_220 = tpu.vector_load %arg8[%get3A] {strides = array<i32>} : memref<80xi32, #tpu.memory_space<vmem>>, vector<16xi32>,
        %get3A_221 = vector.shape_cast %get3A_220 : vector<16xi32> to vector<16xi32>
        %mul3A_222 = arith.constant 10240 : i32
        %mul3A_223 = arith.muli %add3A_41, %mul3A_222 : i32
        %add3A_224 = vector.broadcast %mul3A_223 : i32 to vector<16xi32>
        %add3A_225 = arith.addi %get3A_221, %add3A_224 : vector<16xi32>
        %mul3A_226 = arith.constant 16 : i32
        %mul3A_227 = arith.muli %scan3A_216, %mul3A_226 : i32
        %swap3A = arith.index_cast %mul3A_227 : i32 to index
        %swap3A_228 = tpu.vector_load %arg12[%swap3A] {strides = array<i32>} : memref<80xi32, #tpu.memory_space<vmem>>, vector<16xi32>,
        %swap3A_229 = vector.shape_cast %swap3A_228 : vector<16xi32> to vector<16xi32>
        %swap3A_230 = vector.shape_cast %add3A_225 : vector<16xi32> to vector<16xi32>
        tpu.vector_store %arg12[%swap3A], %swap3A_230 {strides = array<i32>} : memref<80xi32, #tpu.memory_space<vmem>>, vector<16xi32>,
        %scan3A_231 = arith.constant 0 : i32
        scf.yield %scan3A_231 : i32
      }
      %scan3A_159 = arith.constant 5 : i32
      %dma_start3A_160 = arith.constant 0 : i32
      %dma_start3A_161 = arith.constant 0 : i32
      %dma_start3A_162 = tpu.memref_slice %arg5[%dma_start3A_160, %dma_start3A_161] : memref<40960x128xf32, #tpu.memory_space<hbm>> -> memref<40960x128xf32, #tpu.memory_space<hbm>>
      tpu.enqueue_indirect_dma source(%dma_start3A_162 : memref<40960x128xf32, #tpu.memory_space<hbm>>) target(%arg21 : memref<80x128xf32, #tpu.memory_space<vmem>>) offsets(%arg12 : memref<80xi32, #tpu.memory_space<vmem>>) semaphore(%arg23 : memref<!tpu.dma_semaphore, #tpu.memory_space<semaphore_mem>>)
      %dma_start3A_163 = arith.constant 0 : i32
      %dma_start3A_164 = arith.constant 0 : i32
      %dma_start3A_165 = tpu.memref_slice %arg27[%dma_start3A_163, %dma_start3A_164] : memref<10000x16xf32, #tpu.memory_space<vmem_shared>> -> memref<10000x16xf32, #tpu.memory_space<vmem_shared>>
      tpu.enqueue_indirect_dma source(%dma_start3A_165 : memref<10000x16xf32, #tpu.memory_space<vmem_shared>>) target(%arg14 : memref<80x16xf32, #tpu.memory_space<vmem>>) offsets(%arg8 : memref<80xi32, #tpu.memory_space<vmem>>) semaphore(%arg25 : memref<!tpu.dma_semaphore, #tpu.memory_space<semaphore_mem>>)
      %dma_start3A_166 = arith.constant 0 : i32
      %dma_start3A_167 = arith.constant 0 : i32
      %dma_start3A_168 = tpu.memref_slice %arg27[%dma_start3A_166, %dma_start3A_167] : memref<10000x16xf32, #tpu.memory_space<vmem_shared>> -> memref<10000x16xf32, #tpu.memory_space<vmem_shared>>
      tpu.enqueue_indirect_dma source(%dma_start3A_168 : memref<10000x16xf32, #tpu.memory_space<vmem_shared>>) target(%arg16 : memref<80x16xf32, #tpu.memory_space<vmem>>) offsets(%arg10 : memref<80xi32, #tpu.memory_space<vmem>>) semaphore(%arg25 : memref<!tpu.dma_semaphore, #tpu.memory_space<semaphore_mem>>)
      %dma_start3A_169 = arith.constant 0 : i32
      %dma_start3A_170 = arith.constant 0 : i32
      %dma_start3A_171 = tpu.memref_slice %arg26[%dma_start3A_169, %dma_start3A_170] : memref<10000x16xf32, #tpu.memory_space<vmem_shared>> -> memref<10000x16xf32, #tpu.memory_space<vmem_shared>>
      tpu.enqueue_indirect_dma source(%dma_start3A_171 : memref<10000x16xf32, #tpu.memory_space<vmem_shared>>) target(%arg18 : memref<80x16xf32, #tpu.memory_space<vmem>>) offsets(%arg10 : memref<80xi32, #tpu.memory_space<vmem>>) semaphore(%arg25 : memref<!tpu.dma_semaphore, #tpu.memory_space<semaphore_mem>>)
      %dma_wait3A = arith.constant 0 : i32
      %dma_wait3A_172 = arith.constant 0 : i32
      %dma_wait3A_173 = tpu.memref_slice %arg27[%dma_wait3A, %dma_wait3A_172] : memref<10000x16xf32, #tpu.memory_space<vmem_shared>> -> memref<10000x16xf32, #tpu.memory_space<vmem_shared>>
      tpu.wait_indirect_dma semaphore(%arg24 : memref<!tpu.dma_semaphore, #tpu.memory_space<semaphore_mem>>) src(%dma_wait3A_173 : memref<10000x16xf32, #tpu.memory_space<vmem_shared>>) dst(%arg13 : memref<80x16xf32, #tpu.memory_space<vmem>>)
      %dma_wait3A_174 = arith.constant 0 : i32
      %dma_wait3A_175 = arith.constant 0 : i32
      %dma_wait3A_176 = tpu.memref_slice %arg27[%dma_wait3A_174, %dma_wait3A_175] : memref<10000x16xf32, #tpu.memory_space<vmem_shared>> -> memref<10000x16xf32, #tpu.memory_space<vmem_shared>>
      tpu.wait_indirect_dma semaphore(%arg24 : memref<!tpu.dma_semaphore, #tpu.memory_space<semaphore_mem>>) src(%dma_wait3A_176 : memref<10000x16xf32, #tpu.memory_space<vmem_shared>>) dst(%arg15 : memref<80x16xf32, #tpu.memory_space<vmem>>)
      %dma_wait3A_177 = arith.constant 0 : i32
      %dma_wait3A_178 = arith.constant 0 : i32
      %dma_wait3A_179 = tpu.memref_slice %arg26[%dma_wait3A_177, %dma_wait3A_178] : memref<10000x16xf32, #tpu.memory_space<vmem_shared>> -> memref<10000x16xf32, #tpu.memory_space<vmem_shared>>
      tpu.wait_indirect_dma semaphore(%arg24 : memref<!tpu.dma_semaphore, #tpu.memory_space<semaphore_mem>>) src(%dma_wait3A_179 : memref<10000x16xf32, #tpu.memory_space<vmem_shared>>) dst(%arg17 : memref<80x16xf32, #tpu.memory_space<vmem>>)
      %dma_wait3A_180 = arith.constant 0 : i32
      %dma_wait3A_181 = arith.constant 0 : i32
      %dma_wait3A_182 = tpu.memref_slice %arg5[%dma_wait3A_180, %dma_wait3A_181] : memref<40960x128xf32, #tpu.memory_space<hbm>> -> memref<40960x128xf32, #tpu.memory_space<hbm>>
      tpu.wait_indirect_dma semaphore(%arg22 : memref<!tpu.dma_semaphore, #tpu.memory_space<semaphore_mem>>) src(%dma_wait3A_182 : memref<40960x128xf32, #tpu.memory_space<hbm>>) dst(%arg20 : memref<80x128xf32, #tpu.memory_space<vmem>>)
      %scan3A_183 = arith.constant 0 : i32
      %scan3A_184 = arith.constant 0 : i32
      %scan3A_185 = arith.constant 80 : i32
      %scan3A_186 = arith.addi %scan3A_184, %scan3A_185 : i32
      %scan3A_187 = arith.constant 1 : i32
      %scan3A_188 = scf.for %scan3A_216 = %scan3A_184 to %scan3A_186 step %scan3A_187 iter_args(%scan3A_217 = %scan3A_183) -> (i32)  : i32 {
        %get3A = arith.index_cast %scan3A_216 : i32 to index
        %get3A_218 = arith.constant 0 : index
        %get3A_219 = tpu.vector_load %arg13[%get3A, %get3A_218] {strides = array<i32>} : memref<80x16xf32, #tpu.memory_space<vmem>>, vector<1x16xf32>,
        %get3A_220 = vector.shape_cast %get3A_219 : vector<1x16xf32> to vector<16xf32>
        %get3A_221 = arith.index_cast %scan3A_216 : i32 to index
        %get3A_222 = arith.constant 0 : index
        %get3A_223 = tpu.vector_load %arg15[%get3A_221, %get3A_222] {strides = array<i32>} : memref<80x16xf32, #tpu.memory_space<vmem>>, vector<1x16xf32>,
        %get3A_224 = vector.shape_cast %get3A_223 : vector<1x16xf32> to vector<16xf32>
        %broadcast_in_dim3A_225 = vector.shape_cast %and3A_22 : vector<16xi32> to vector<16x1xi32>
        %gather3A = vector.shape_cast %broadcast_in_dim3A_225 : vector<16x1xi32> to vector<16xi32>
        %gather3A_226 = tpu.dynamic_gather %get3A_224[%gather3A] in [0] : vector<16xf32>, vector<16xi32> -> vector<16xf32>
        %add3A_227 = arith.addf %get3A_220, %gather3A_226 : vector<16xf32>
        %mul3A_228 = arith.constant 2.000000e-01 : f32
        %mul3A_229 = vector.broadcast %mul3A_228 : f32 to vector<16xf32>
        %mul3A_230 = arith.mulf %mul3A_229, %add3A_227 : vector<16xf32>
        %max3A = arith.maximumf %add3A_227, %mul3A_230 : vector<16xf32>
        %exp3A = math.exp %max3A : vector<16xf32>
        %get3A_231 = arith.index_cast %scan3A_216 : i32 to index
        %get3A_232 = arith.constant 0 : index
        %get3A_233 = tpu.vector_load %arg17[%get3A_231, %get3A_232] {strides = array<i32>} : memref<80x16xf32, #tpu.memory_space<vmem>>, vector<1x16xf32>,
        %get3A_234 = vector.shape_cast %get3A_233 : vector<1x16xf32> to vector<16xf32>
        %add3A_235 = arith.constant 9.99999971E-10 : f32
        %add3A_236 = vector.broadcast %add3A_235 : f32 to vector<16xf32>
        %add3A_237 = arith.addf %get3A_234, %add3A_236 : vector<16xf32>
        %div3A = arith.divf %exp3A, %add3A_237 : vector<16xf32>
        %mul3A_238 = arith.constant 2 : i32
        %mul3A_239 = arith.muli %mul3A_238, %add3A_41 : i32
        %broadcast_in_dim3A_240 = vector.broadcast %mul3A_239 : i32 to vector<16xi32>
        %broadcast_in_dim3A_241 = vector.shape_cast %broadcast_in_dim3A_240 : vector<16xi32> to vector<16x1xi32>
        %gather3A_242 = vector.shape_cast %broadcast_in_dim3A_241 : vector<16x1xi32> to vector<16xi32>
        %gather3A_243 = tpu.dynamic_gather %div3A[%gather3A_242] in [0] : vector<16xf32>, vector<16xi32> -> vector<16xf32>
        %mul3A_244 = arith.constant 2 : i32
        %mul3A_245 = arith.muli %mul3A_244, %add3A_41 : i32
        %add3A_246 = arith.constant 1 : i32
        %add3A_247 = arith.addi %mul3A_245, %add3A_246 : i32
        %broadcast_in_dim3A_248 = vector.broadcast %add3A_247 : i32 to vector<16xi32>
        %broadcast_in_dim3A_249 = vector.shape_cast %broadcast_in_dim3A_248 : vector<16xi32> to vector<16x1xi32>
        %gather3A_250 = vector.shape_cast %broadcast_in_dim3A_249 : vector<16x1xi32> to vector<16xi32>
        %gather3A_251 = tpu.dynamic_gather %div3A[%gather3A_250] in [0] : vector<16xf32>, vector<16xi32> -> vector<16xf32>
        %get3A_252 = arith.index_cast %scan3A_216 : i32 to index
        %get3A_253 = arith.constant 0 : index
        %get3A_254 = tpu.vector_load %arg20[%get3A_252, %get3A_253] {strides = array<i32>} : memref<80x128xf32, #tpu.memory_space<vmem>>, vector<1x16xf32>,
        %get3A_255 = vector.shape_cast %get3A_254 : vector<1x16xf32> to vector<16xf32>
        %mul3A_256 = arith.mulf %get3A_255, %gather3A_243 : vector<16xf32>
        %swap3A = arith.index_cast %scan3A_216 : i32 to index
        %swap3A_257 = arith.constant 0 : index
        %swap3A_258 = tpu.vector_load %arg20[%swap3A, %swap3A_257] {strides = array<i32>} : memref<80x128xf32, #tpu.memory_space<vmem>>, vector<1x16xf32>,
        %swap3A_259 = vector.shape_cast %swap3A_258 : vector<1x16xf32> to vector<16xf32>
        %swap3A_260 = vector.shape_cast %mul3A_256 : vector<16xf32> to vector<1x16xf32>
        tpu.vector_store %arg20[%swap3A, %swap3A_257], %swap3A_260 {strides = array<i32>} : memref<80x128xf32, #tpu.memory_space<vmem>>, vector<1x16xf32>,
        %get3A_261 = arith.index_cast %scan3A_216 : i32 to index
        %get3A_262 = arith.constant 16 : index
        %get3A_263 = tpu.vector_load %arg20[%get3A_261, %get3A_262] {strides = array<i32>} : memref<80x128xf32, #tpu.memory_space<vmem>>, vector<1x16xf32>,
        %get3A_264 = vector.shape_cast %get3A_263 : vector<1x16xf32> to vector<16xf32>
        %mul3A_265 = arith.mulf %get3A_264, %gather3A_243 : vector<16xf32>
        %swap3A_266 = arith.index_cast %scan3A_216 : i32 to index
        %swap3A_267 = arith.constant 16 : index
        %swap3A_268 = tpu.vector_load %arg20[%swap3A_266, %swap3A_267] {strides = array<i32>} : memref<80x128xf32, #tpu.memory_space<vmem>>, vector<1x16xf32>,
        %swap3A_269 = vector.shape_cast %swap3A_268 : vector<1x16xf32> to vector<16xf32>
        %swap3A_270 = vector.shape_cast %mul3A_265 : vector<16xf32> to vector<1x16xf32>
        tpu.vector_store %arg20[%swap3A_266, %swap3A_267], %swap3A_270 {strides = array<i32>} : memref<80x128xf32, #tpu.memory_space<vmem>>, vector<1x16xf32>,
        %get3A_271 = arith.index_cast %scan3A_216 : i32 to index
        %get3A_272 = arith.constant 32 : index
        %get3A_273 = tpu.vector_load %arg20[%get3A_271, %get3A_272] {strides = array<i32>} : memref<80x128xf32, #tpu.memory_space<vmem>>, vector<1x16xf32>,
        %get3A_274 = vector.shape_cast %get3A_273 : vector<1x16xf32> to vector<16xf32>
        %mul3A_275 = arith.mulf %get3A_274, %gather3A_243 : vector<16xf32>
        %swap3A_276 = arith.index_cast %scan3A_216 : i32 to index
        %swap3A_277 = arith.constant 32 : index
        %swap3A_278 = tpu.vector_load %arg20[%swap3A_276, %swap3A_277] {strides = array<i32>} : memref<80x128xf32, #tpu.memory_space<vmem>>, vector<1x16xf32>,
        %swap3A_279 = vector.shape_cast %swap3A_278 : vector<1x16xf32> to vector<16xf32>
        %swap3A_280 = vector.shape_cast %mul3A_275 : vector<16xf32> to vector<1x16xf32>
        tpu.vector_store %arg20[%swap3A_276, %swap3A_277], %swap3A_280 {strides = array<i32>} : memref<80x128xf32, #tpu.memory_space<vmem>>, vector<1x16xf32>,
        %get3A_281 = arith.index_cast %scan3A_216 : i32 to index
        %get3A_282 = arith.constant 48 : index
        %get3A_283 = tpu.vector_load %arg20[%get3A_281, %get3A_282] {strides = array<i32>} : memref<80x128xf32, #tpu.memory_space<vmem>>, vector<1x16xf32>,
        %get3A_284 = vector.shape_cast %get3A_283 : vector<1x16xf32> to vector<16xf32>
        %mul3A_285 = arith.mulf %get3A_284, %gather3A_243 : vector<16xf32>
        %swap3A_286 = arith.index_cast %scan3A_216 : i32 to index
        %swap3A_287 = arith.constant 48 : index
        %swap3A_288 = tpu.vector_load %arg20[%swap3A_286, %swap3A_287] {strides = array<i32>} : memref<80x128xf32, #tpu.memory_space<vmem>>, vector<1x16xf32>,
        %swap3A_289 = vector.shape_cast %swap3A_288 : vector<1x16xf32> to vector<16xf32>
        %swap3A_290 = vector.shape_cast %mul3A_285 : vector<16xf32> to vector<1x16xf32>
        tpu.vector_store %arg20[%swap3A_286, %swap3A_287], %swap3A_290 {strides = array<i32>} : memref<80x128xf32, #tpu.memory_space<vmem>>, vector<1x16xf32>,
        %get3A_291 = arith.index_cast %scan3A_216 : i32 to index
        %get3A_292 = arith.constant 64 : index
        %get3A_293 = tpu.vector_load %arg20[%get3A_291, %get3A_292] {strides = array<i32>} : memref<80x128xf32, #tpu.memory_space<vmem>>, vector<1x16xf32>,
        %get3A_294 = vector.shape_cast %get3A_293 : vector<1x16xf32> to vector<16xf32>
        %mul3A_295 = arith.mulf %get3A_294, %gather3A_251 : vector<16xf32>
        %swap3A_296 = arith.index_cast %scan3A_216 : i32 to index
        %swap3A_297 = arith.constant 64 : index
        %swap3A_298 = tpu.vector_load %arg20[%swap3A_296, %swap3A_297] {strides = array<i32>} : memref<80x128xf32, #tpu.memory_space<vmem>>, vector<1x16xf32>,
        %swap3A_299 = vector.shape_cast %swap3A_298 : vector<1x16xf32> to vector<16xf32>
        %swap3A_300 = vector.shape_cast %mul3A_295 : vector<16xf32> to vector<1x16xf32>
        tpu.vector_store %arg20[%swap3A_296, %swap3A_297], %swap3A_300 {strides = array<i32>} : memref<80x128xf32, #tpu.memory_space<vmem>>, vector<1x16xf32>,
        %get3A_301 = arith.index_cast %scan3A_216 : i32 to index
        %get3A_302 = arith.constant 80 : index
        %get3A_303 = tpu.vector_load %arg20[%get3A_301, %get3A_302] {strides = array<i32>} : memref<80x128xf32, #tpu.memory_space<vmem>>, vector<1x16xf32>,
        %get3A_304 = vector.shape_cast %get3A_303 : vector<1x16xf32> to vector<16xf32>
        %mul3A_305 = arith.mulf %get3A_304, %gather3A_251 : vector<16xf32>
        %swap3A_306 = arith.index_cast %scan3A_216 : i32 to index
        %swap3A_307 = arith.constant 80 : index
        %swap3A_308 = tpu.vector_load %arg20[%swap3A_306, %swap3A_307] {strides = array<i32>} : memref<80x128xf32, #tpu.memory_space<vmem>>, vector<1x16xf32>,
        %swap3A_309 = vector.shape_cast %swap3A_308 : vector<1x16xf32> to vector<16xf32>
        %swap3A_310 = vector.shape_cast %mul3A_305 : vector<16xf32> to vector<1x16xf32>
        tpu.vector_store %arg20[%swap3A_306, %swap3A_307], %swap3A_310 {strides = array<i32>} : memref<80x128xf32, #tpu.memory_space<vmem>>, vector<1x16xf32>,
        %get3A_311 = arith.index_cast %scan3A_216 : i32 to index
        %get3A_312 = arith.constant 96 : index
        %get3A_313 = tpu.vector_load %arg20[%get3A_311, %get3A_312] {strides = array<i32>} : memref<80x128xf32, #tpu.memory_space<vmem>>, vector<1x16xf32>,
        %get3A_314 = vector.shape_cast %get3A_313 : vector<1x16xf32> to vector<16xf32>
        %mul3A_315 = arith.mulf %get3A_314, %gather3A_251 : vector<16xf32>
        %swap3A_316 = arith.index_cast %scan3A_216 : i32 to index
        %swap3A_317 = arith.constant 96 : index
        %swap3A_318 = tpu.vector_load %arg20[%swap3A_316, %swap3A_317] {strides = array<i32>} : memref<80x128xf32, #tpu.memory_space<vmem>>, vector<1x16xf32>,
        %swap3A_319 = vector.shape_cast %swap3A_318 : vector<1x16xf32> to vector<16xf32>
        %swap3A_320 = vector.shape_cast %mul3A_315 : vector<16xf32> to vector<1x16xf32>
        tpu.vector_store %arg20[%swap3A_316, %swap3A_317], %swap3A_320 {strides = array<i32>} : memref<80x128xf32, #tpu.memory_space<vmem>>, vector<1x16xf32>,
        %get3A_321 = arith.index_cast %scan3A_216 : i32 to index
        %get3A_322 = arith.constant 112 : index
        %get3A_323 = tpu.vector_load %arg20[%get3A_321, %get3A_322] {strides = array<i32>} : memref<80x128xf32, #tpu.memory_space<vmem>>, vector<1x16xf32>,
        %get3A_324 = vector.shape_cast %get3A_323 : vector<1x16xf32> to vector<16xf32>
        %mul3A_325 = arith.mulf %get3A_324, %gather3A_251 : vector<16xf32>
        %swap3A_326 = arith.index_cast %scan3A_216 : i32 to index
        %swap3A_327 = arith.constant 112 : index
        %swap3A_328 = tpu.vector_load %arg20[%swap3A_326, %swap3A_327] {strides = array<i32>} : memref<80x128xf32, #tpu.memory_space<vmem>>, vector<1x16xf32>,
        %swap3A_329 = vector.shape_cast %swap3A_328 : vector<1x16xf32> to vector<16xf32>
        %swap3A_330 = vector.shape_cast %mul3A_325 : vector<16xf32> to vector<1x16xf32>
        tpu.vector_store %arg20[%swap3A_326, %swap3A_327], %swap3A_330 {strides = array<i32>} : memref<80x128xf32, #tpu.memory_space<vmem>>, vector<1x16xf32>,
        %scan3A_331 = arith.constant 0 : i32
        scf.yield %scan3A_331 : i32
      }
      %scan3A_189 = arith.constant 80 : i32
      "tpu.region"() ({
        %run_scoped3A = tpu.sem_alloc : memref<!tpu.dma_semaphore, #tpu.memory_space<semaphore_mem>>
        %dma_start3A_216 = arith.constant 0 : i32
        %dma_start3A_217 = arith.constant 0 : i32
        %dma_start3A_218 = tpu.memref_slice %arg28[%dma_start3A_216, %dma_start3A_217] : memref<10000x128xf32, #tpu.memory_space<vmem_shared>> -> memref<10000x128xf32, #tpu.memory_space<vmem_shared>>
        tpu.enqueue_indirect_dma source(%arg20 : memref<80x128xf32, #tpu.memory_space<vmem>>) target(%dma_start3A_218 : memref<10000x128xf32, #tpu.memory_space<vmem_shared>>) offsets(%arg9 : memref<80xi32, #tpu.memory_space<vmem>>) semaphore(%run_scoped3A : memref<!tpu.dma_semaphore, #tpu.memory_space<semaphore_mem>>) {add = true}
        %dma_wait3A_219 = arith.constant 0 : i32
        %dma_wait3A_220 = arith.constant 0 : i32
        %dma_wait3A_221 = tpu.memref_slice %arg28[%dma_wait3A_219, %dma_wait3A_220] : memref<10000x128xf32, #tpu.memory_space<vmem_shared>> -> memref<10000x128xf32, #tpu.memory_space<vmem_shared>>
        tpu.wait_indirect_dma semaphore(%run_scoped3A : memref<!tpu.dma_semaphore, #tpu.memory_space<semaphore_mem>>) src(%arg20 : memref<80x128xf32, #tpu.memory_space<vmem>>) dst(%dma_wait3A_221 : memref<10000x128xf32, #tpu.memory_space<vmem_shared>>)
        tpu.yield
      }) : () -> ()
      %mul3A_190 = arith.constant 2 : i32
      %mul3A_191 = arith.muli %mul3A_190, %scan3A_144 : i32
      %add3A_192 = arith.constant 2 : i32
      %add3A_193 = arith.addi %mul3A_191, %add3A_192 : i32
      %lt3A = arith.constant 250 : i32
      %lt3A_194 = arith.cmpi slt, %add3A_193, %lt3A : i32
      %convert_element_type3A = arith.extui %lt3A_194 : i1 to i32
      %cond3A = arith.constant 0 : i32
      %cond3A_195 = arith.cmpi ne, %convert_element_type3A, %cond3A : i32
      scf.if %cond3A_195 {
        %mul3A_216 = arith.constant 2 : i32
        %mul3A_217 = arith.muli %mul3A_216, %scan3A_144 : i32
        %add3A_218 = arith.constant 2 : i32
        %add3A_219 = arith.addi %mul3A_217, %add3A_218 : i32
        %mul3A_220 = arith.constant 80 : i32
        %mul3A_221 = arith.muli %add3A_219, %mul3A_220 : i32
        %add3A_222 = arith.addi %mul3A_0, %mul3A_221 : i32
        "tpu.region"() ({
          %run_scoped3A = tpu.sem_alloc : memref<!tpu.dma_semaphore, #tpu.memory_space<semaphore_mem>>
          %dma_start3A_242 = tpu.memref_slice %arg2[%add3A_222] : memref<320000xi32, #tpu.memory_space<hbm>> -> memref<80xi32, #tpu.memory_space<hbm>>
          %dma_start3A_243 = tpu.memref_slice %arg2[%add3A_222] : memref<320000xi32, #tpu.memory_space<hbm>> -> memref<80xi32, #tpu.memory_space<hbm>>
          tpu.enqueue_dma source(%dma_start3A_243 : memref<80xi32, #tpu.memory_space<hbm>>) target(%arg7 : memref<80xi32, #tpu.memory_space<vmem>>) target_semaphore(%run_scoped3A : memref<!tpu.dma_semaphore, #tpu.memory_space<semaphore_mem>>)
          %dma_wait3A_244 = tpu.memref_slice %arg2[%add3A_222] : memref<320000xi32, #tpu.memory_space<hbm>> -> memref<80xi32, #tpu.memory_space<hbm>>
          %dma_wait3A_245 = tpu.memref_slice %arg2[%add3A_222] : memref<320000xi32, #tpu.memory_space<hbm>> -> memref<80xi32, #tpu.memory_space<hbm>>
          tpu.wait_dma2 semaphore(%run_scoped3A : memref<!tpu.dma_semaphore, #tpu.memory_space<semaphore_mem>>) src(%dma_wait3A_245 : memref<80xi32, #tpu.memory_space<hbm>>) dst(%arg7 : memref<80xi32, #tpu.memory_space<vmem>>)
          tpu.yield
        }) : () -> ()
        "tpu.region"() ({
          %run_scoped3A = tpu.sem_alloc : memref<!tpu.dma_semaphore, #tpu.memory_space<semaphore_mem>>
          %dma_start3A_242 = tpu.memref_slice %arg3[%add3A_222] : memref<320000xi32, #tpu.memory_space<hbm>> -> memref<80xi32, #tpu.memory_space<hbm>>
          %dma_start3A_243 = tpu.memref_slice %arg3[%add3A_222] : memref<320000xi32, #tpu.memory_space<hbm>> -> memref<80xi32, #tpu.memory_space<hbm>>
          tpu.enqueue_dma source(%dma_start3A_243 : memref<80xi32, #tpu.memory_space<hbm>>) target(%arg9 : memref<80xi32, #tpu.memory_space<vmem>>) target_semaphore(%run_scoped3A : memref<!tpu.dma_semaphore, #tpu.memory_space<semaphore_mem>>)
          %dma_wait3A_244 = tpu.memref_slice %arg3[%add3A_222] : memref<320000xi32, #tpu.memory_space<hbm>> -> memref<80xi32, #tpu.memory_space<hbm>>
          %dma_wait3A_245 = tpu.memref_slice %arg3[%add3A_222] : memref<320000xi32, #tpu.memory_space<hbm>> -> memref<80xi32, #tpu.memory_space<hbm>>
          tpu.wait_dma2 semaphore(%run_scoped3A : memref<!tpu.dma_semaphore, #tpu.memory_space<semaphore_mem>>) src(%dma_wait3A_245 : memref<80xi32, #tpu.memory_space<hbm>>) dst(%arg9 : memref<80xi32, #tpu.memory_space<vmem>>)
          tpu.yield
        }) : () -> ()
        %scan3A_223 = arith.constant 0 : i32
        %scan3A_224 = arith.constant 0 : i32
        %scan3A_225 = arith.constant 5 : i32
        %scan3A_226 = arith.addi %scan3A_224, %scan3A_225 : i32
        %scan3A_227 = arith.constant 1 : i32
        %scan3A_228 = scf.for %scan3A_242 = %scan3A_224 to %scan3A_226 step %scan3A_227 iter_args(%scan3A_243 = %scan3A_223) -> (i32)  : i32 {
          %mul3A_244 = arith.constant 16 : i32
          %mul3A_245 = arith.muli %scan3A_242, %mul3A_244 : i32
          %get3A = arith.index_cast %mul3A_245 : i32 to index
          %get3A_246 = tpu.vector_load %arg7[%get3A] {strides = array<i32>} : memref<80xi32, #tpu.memory_space<vmem>>, vector<16xi32>,
          %get3A_247 = vector.shape_cast %get3A_246 : vector<16xi32> to vector<16xi32>
          %mul3A_248 = arith.constant 10240 : i32
          %mul3A_249 = arith.muli %add3A_41, %mul3A_248 : i32
          %add3A_250 = vector.broadcast %mul3A_249 : i32 to vector<16xi32>
          %add3A_251 = arith.addi %get3A_247, %add3A_250 : vector<16xi32>
          %mul3A_252 = arith.constant 16 : i32
          %mul3A_253 = arith.muli %scan3A_242, %mul3A_252 : i32
          %swap3A = arith.index_cast %mul3A_253 : i32 to index
          %swap3A_254 = tpu.vector_load %arg11[%swap3A] {strides = array<i32>} : memref<80xi32, #tpu.memory_space<vmem>>, vector<16xi32>,
          %swap3A_255 = vector.shape_cast %swap3A_254 : vector<16xi32> to vector<16xi32>
          %swap3A_256 = vector.shape_cast %add3A_251 : vector<16xi32> to vector<16xi32>
          tpu.vector_store %arg11[%swap3A], %swap3A_256 {strides = array<i32>} : memref<80xi32, #tpu.memory_space<vmem>>, vector<16xi32>,
          %scan3A_257 = arith.constant 0 : i32
          scf.yield %scan3A_257 : i32
        }
        %scan3A_229 = arith.constant 5 : i32
        %dma_start3A_230 = arith.constant 0 : i32
        %dma_start3A_231 = arith.constant 0 : i32
        %dma_start3A_232 = tpu.memref_slice %arg5[%dma_start3A_230, %dma_start3A_231] : memref<40960x128xf32, #tpu.memory_space<hbm>> -> memref<40960x128xf32, #tpu.memory_space<hbm>>
        tpu.enqueue_indirect_dma source(%dma_start3A_232 : memref<40960x128xf32, #tpu.memory_space<hbm>>) target(%arg20 : memref<80x128xf32, #tpu.memory_space<vmem>>) offsets(%arg11 : memref<80xi32, #tpu.memory_space<vmem>>) semaphore(%arg22 : memref<!tpu.dma_semaphore, #tpu.memory_space<semaphore_mem>>)
        %dma_start3A_233 = arith.constant 0 : i32
        %dma_start3A_234 = arith.constant 0 : i32
        %dma_start3A_235 = tpu.memref_slice %arg27[%dma_start3A_233, %dma_start3A_234] : memref<10000x16xf32, #tpu.memory_space<vmem_shared>> -> memref<10000x16xf32, #tpu.memory_space<vmem_shared>>
        tpu.enqueue_indirect_dma source(%dma_start3A_235 : memref<10000x16xf32, #tpu.memory_space<vmem_shared>>) target(%arg13 : memref<80x16xf32, #tpu.memory_space<vmem>>) offsets(%arg7 : memref<80xi32, #tpu.memory_space<vmem>>) semaphore(%arg24 : memref<!tpu.dma_semaphore, #tpu.memory_space<semaphore_mem>>)
        %dma_start3A_236 = arith.constant 0 : i32
        %dma_start3A_237 = arith.constant 0 : i32
        %dma_start3A_238 = tpu.memref_slice %arg27[%dma_start3A_236, %dma_start3A_237] : memref<10000x16xf32, #tpu.memory_space<vmem_shared>> -> memref<10000x16xf32, #tpu.memory_space<vmem_shared>>
        tpu.enqueue_indirect_dma source(%dma_start3A_238 : memref<10000x16xf32, #tpu.memory_space<vmem_shared>>) target(%arg15 : memref<80x16xf32, #tpu.memory_space<vmem>>) offsets(%arg9 : memref<80xi32, #tpu.memory_space<vmem>>) semaphore(%arg24 : memref<!tpu.dma_semaphore, #tpu.memory_space<semaphore_mem>>)
        %dma_start3A_239 = arith.constant 0 : i32
        %dma_start3A_240 = arith.constant 0 : i32
        %dma_start3A_241 = tpu.memref_slice %arg26[%dma_start3A_239, %dma_start3A_240] : memref<10000x16xf32, #tpu.memory_space<vmem_shared>> -> memref<10000x16xf32, #tpu.memory_space<vmem_shared>>
        tpu.enqueue_indirect_dma source(%dma_start3A_241 : memref<10000x16xf32, #tpu.memory_space<vmem_shared>>) target(%arg17 : memref<80x16xf32, #tpu.memory_space<vmem>>) offsets(%arg9 : memref<80xi32, #tpu.memory_space<vmem>>) semaphore(%arg24 : memref<!tpu.dma_semaphore, #tpu.memory_space<semaphore_mem>>)
      } else {
      }
      %dma_wait3A_196 = arith.constant 0 : i32
      %dma_wait3A_197 = arith.constant 0 : i32
      %dma_wait3A_198 = tpu.memref_slice %arg27[%dma_wait3A_196, %dma_wait3A_197] : memref<10000x16xf32, #tpu.memory_space<vmem_shared>> -> memref<10000x16xf32, #tpu.memory_space<vmem_shared>>
      tpu.wait_indirect_dma semaphore(%arg25 : memref<!tpu.dma_semaphore, #tpu.memory_space<semaphore_mem>>) src(%dma_wait3A_198 : memref<10000x16xf32, #tpu.memory_space<vmem_shared>>) dst(%arg14 : memref<80x16xf32, #tpu.memory_space<vmem>>)
      %dma_wait3A_199 = arith.constant 0 : i32
      %dma_wait3A_200 = arith.constant 0 : i32
      %dma_wait3A_201 = tpu.memref_slice %arg27[%dma_wait3A_199, %dma_wait3A_200] : memref<10000x16xf32, #tpu.memory_space<vmem_shared>> -> memref<10000x16xf32, #tpu.memory_space<vmem_shared>>
      tpu.wait_indirect_dma semaphore(%arg25 : memref<!tpu.dma_semaphore, #tpu.memory_space<semaphore_mem>>) src(%dma_wait3A_201 : memref<10000x16xf32, #tpu.memory_space<vmem_shared>>) dst(%arg16 : memref<80x16xf32, #tpu.memory_space<vmem>>)
      %dma_wait3A_202 = arith.constant 0 : i32
      %dma_wait3A_203 = arith.constant 0 : i32
      %dma_wait3A_204 = tpu.memref_slice %arg26[%dma_wait3A_202, %dma_wait3A_203] : memref<10000x16xf32, #tpu.memory_space<vmem_shared>> -> memref<10000x16xf32, #tpu.memory_space<vmem_shared>>
      tpu.wait_indirect_dma semaphore(%arg25 : memref<!tpu.dma_semaphore, #tpu.memory_space<semaphore_mem>>) src(%dma_wait3A_204 : memref<10000x16xf32, #tpu.memory_space<vmem_shared>>) dst(%arg18 : memref<80x16xf32, #tpu.memory_space<vmem>>)
      %dma_wait3A_205 = arith.constant 0 : i32
      %dma_wait3A_206 = arith.constant 0 : i32
      %dma_wait3A_207 = tpu.memref_slice %arg5[%dma_wait3A_205, %dma_wait3A_206] : memref<40960x128xf32, #tpu.memory_space<hbm>> -> memref<40960x128xf32, #tpu.memory_space<hbm>>
      tpu.wait_indirect_dma semaphore(%arg23 : memref<!tpu.dma_semaphore, #tpu.memory_space<semaphore_mem>>) src(%dma_wait3A_207 : memref<40960x128xf32, #tpu.memory_space<hbm>>) dst(%arg21 : memref<80x128xf32, #tpu.memory_space<vmem>>)
      %scan3A_208 = arith.constant 0 : i32
      %scan3A_209 = arith.constant 0 : i32
      %scan3A_210 = arith.constant 80 : i32
      %scan3A_211 = arith.addi %scan3A_209, %scan3A_210 : i32
      %scan3A_212 = arith.constant 1 : i32
      %scan3A_213 = scf.for %scan3A_216 = %scan3A_209 to %scan3A_211 step %scan3A_212 iter_args(%scan3A_217 = %scan3A_208) -> (i32)  : i32 {
        %get3A = arith.index_cast %scan3A_216 : i32 to index
        %get3A_218 = arith.constant 0 : index
        %get3A_219 = tpu.vector_load %arg14[%get3A, %get3A_218] {strides = array<i32>} : memref<80x16xf32, #tpu.memory_space<vmem>>, vector<1x16xf32>,
        %get3A_220 = vector.shape_cast %get3A_219 : vector<1x16xf32> to vector<16xf32>
        %get3A_221 = arith.index_cast %scan3A_216 : i32 to index
        %get3A_222 = arith.constant 0 : index
        %get3A_223 = tpu.vector_load %arg16[%get3A_221, %get3A_222] {strides = array<i32>} : memref<80x16xf32, #tpu.memory_space<vmem>>, vector<1x16xf32>,
        %get3A_224 = vector.shape_cast %get3A_223 : vector<1x16xf32> to vector<16xf32>
        %broadcast_in_dim3A_225 = vector.shape_cast %and3A_22 : vector<16xi32> to vector<16x1xi32>
        %gather3A = vector.shape_cast %broadcast_in_dim3A_225 : vector<16x1xi32> to vector<16xi32>
        %gather3A_226 = tpu.dynamic_gather %get3A_224[%gather3A] in [0] : vector<16xf32>, vector<16xi32> -> vector<16xf32>
        %add3A_227 = arith.addf %get3A_220, %gather3A_226 : vector<16xf32>
        %mul3A_228 = arith.constant 2.000000e-01 : f32
        %mul3A_229 = vector.broadcast %mul3A_228 : f32 to vector<16xf32>
        %mul3A_230 = arith.mulf %mul3A_229, %add3A_227 : vector<16xf32>
        %max3A = arith.maximumf %add3A_227, %mul3A_230 : vector<16xf32>
        %exp3A = math.exp %max3A : vector<16xf32>
        %get3A_231 = arith.index_cast %scan3A_216 : i32 to index
        %get3A_232 = arith.constant 0 : index
        %get3A_233 = tpu.vector_load %arg18[%get3A_231, %get3A_232] {strides = array<i32>} : memref<80x16xf32, #tpu.memory_space<vmem>>, vector<1x16xf32>,
        %get3A_234 = vector.shape_cast %get3A_233 : vector<1x16xf32> to vector<16xf32>
        %add3A_235 = arith.constant 9.99999971E-10 : f32
        %add3A_236 = vector.broadcast %add3A_235 : f32 to vector<16xf32>
        %add3A_237 = arith.addf %get3A_234, %add3A_236 : vector<16xf32>
        %div3A = arith.divf %exp3A, %add3A_237 : vector<16xf32>
        %mul3A_238 = arith.constant 2 : i32
        %mul3A_239 = arith.muli %mul3A_238, %add3A_41 : i32
        %broadcast_in_dim3A_240 = vector.broadcast %mul3A_239 : i32 to vector<16xi32>
        %broadcast_in_dim3A_241 = vector.shape_cast %broadcast_in_dim3A_240 : vector<16xi32> to vector<16x1xi32>
        %gather3A_242 = vector.shape_cast %broadcast_in_dim3A_241 : vector<16x1xi32> to vector<16xi32>
        %gather3A_243 = tpu.dynamic_gather %div3A[%gather3A_242] in [0] : vector<16xf32>, vector<16xi32> -> vector<16xf32>
        %mul3A_244 = arith.constant 2 : i32
        %mul3A_245 = arith.muli %mul3A_244, %add3A_41 : i32
        %add3A_246 = arith.constant 1 : i32
        %add3A_247 = arith.addi %mul3A_245, %add3A_246 : i32
        %broadcast_in_dim3A_248 = vector.broadcast %add3A_247 : i32 to vector<16xi32>
        %broadcast_in_dim3A_249 = vector.shape_cast %broadcast_in_dim3A_248 : vector<16xi32> to vector<16x1xi32>
        %gather3A_250 = vector.shape_cast %broadcast_in_dim3A_249 : vector<16x1xi32> to vector<16xi32>
        %gather3A_251 = tpu.dynamic_gather %div3A[%gather3A_250] in [0] : vector<16xf32>, vector<16xi32> -> vector<16xf32>
        %get3A_252 = arith.index_cast %scan3A_216 : i32 to index
        %get3A_253 = arith.constant 0 : index
        %get3A_254 = tpu.vector_load %arg21[%get3A_252, %get3A_253] {strides = array<i32>} : memref<80x128xf32, #tpu.memory_space<vmem>>, vector<1x16xf32>,
        %get3A_255 = vector.shape_cast %get3A_254 : vector<1x16xf32> to vector<16xf32>
        %mul3A_256 = arith.mulf %get3A_255, %gather3A_243 : vector<16xf32>
        %swap3A = arith.index_cast %scan3A_216 : i32 to index
        %swap3A_257 = arith.constant 0 : index
        %swap3A_258 = tpu.vector_load %arg21[%swap3A, %swap3A_257] {strides = array<i32>} : memref<80x128xf32, #tpu.memory_space<vmem>>, vector<1x16xf32>,
        %swap3A_259 = vector.shape_cast %swap3A_258 : vector<1x16xf32> to vector<16xf32>
        %swap3A_260 = vector.shape_cast %mul3A_256 : vector<16xf32> to vector<1x16xf32>
        tpu.vector_store %arg21[%swap3A, %swap3A_257], %swap3A_260 {strides = array<i32>} : memref<80x128xf32, #tpu.memory_space<vmem>>, vector<1x16xf32>,
        %get3A_261 = arith.index_cast %scan3A_216 : i32 to index
        %get3A_262 = arith.constant 16 : index
        %get3A_263 = tpu.vector_load %arg21[%get3A_261, %get3A_262] {strides = array<i32>} : memref<80x128xf32, #tpu.memory_space<vmem>>, vector<1x16xf32>,
        %get3A_264 = vector.shape_cast %get3A_263 : vector<1x16xf32> to vector<16xf32>
        %mul3A_265 = arith.mulf %get3A_264, %gather3A_243 : vector<16xf32>
        %swap3A_266 = arith.index_cast %scan3A_216 : i32 to index
        %swap3A_267 = arith.constant 16 : index
        %swap3A_268 = tpu.vector_load %arg21[%swap3A_266, %swap3A_267] {strides = array<i32>} : memref<80x128xf32, #tpu.memory_space<vmem>>, vector<1x16xf32>,
        %swap3A_269 = vector.shape_cast %swap3A_268 : vector<1x16xf32> to vector<16xf32>
        %swap3A_270 = vector.shape_cast %mul3A_265 : vector<16xf32> to vector<1x16xf32>
        tpu.vector_store %arg21[%swap3A_266, %swap3A_267], %swap3A_270 {strides = array<i32>} : memref<80x128xf32, #tpu.memory_space<vmem>>, vector<1x16xf32>,
        %get3A_271 = arith.index_cast %scan3A_216 : i32 to index
        %get3A_272 = arith.constant 32 : index
        %get3A_273 = tpu.vector_load %arg21[%get3A_271, %get3A_272] {strides = array<i32>} : memref<80x128xf32, #tpu.memory_space<vmem>>, vector<1x16xf32>,
        %get3A_274 = vector.shape_cast %get3A_273 : vector<1x16xf32> to vector<16xf32>
        %mul3A_275 = arith.mulf %get3A_274, %gather3A_243 : vector<16xf32>
        %swap3A_276 = arith.index_cast %scan3A_216 : i32 to index
        %swap3A_277 = arith.constant 32 : index
        %swap3A_278 = tpu.vector_load %arg21[%swap3A_276, %swap3A_277] {strides = array<i32>} : memref<80x128xf32, #tpu.memory_space<vmem>>, vector<1x16xf32>,
        %swap3A_279 = vector.shape_cast %swap3A_278 : vector<1x16xf32> to vector<16xf32>
        %swap3A_280 = vector.shape_cast %mul3A_275 : vector<16xf32> to vector<1x16xf32>
        tpu.vector_store %arg21[%swap3A_276, %swap3A_277], %swap3A_280 {strides = array<i32>} : memref<80x128xf32, #tpu.memory_space<vmem>>, vector<1x16xf32>,
        %get3A_281 = arith.index_cast %scan3A_216 : i32 to index
        %get3A_282 = arith.constant 48 : index
        %get3A_283 = tpu.vector_load %arg21[%get3A_281, %get3A_282] {strides = array<i32>} : memref<80x128xf32, #tpu.memory_space<vmem>>, vector<1x16xf32>,
        %get3A_284 = vector.shape_cast %get3A_283 : vector<1x16xf32> to vector<16xf32>
        %mul3A_285 = arith.mulf %get3A_284, %gather3A_243 : vector<16xf32>
        %swap3A_286 = arith.index_cast %scan3A_216 : i32 to index
        %swap3A_287 = arith.constant 48 : index
        %swap3A_288 = tpu.vector_load %arg21[%swap3A_286, %swap3A_287] {strides = array<i32>} : memref<80x128xf32, #tpu.memory_space<vmem>>, vector<1x16xf32>,
        %swap3A_289 = vector.shape_cast %swap3A_288 : vector<1x16xf32> to vector<16xf32>
        %swap3A_290 = vector.shape_cast %mul3A_285 : vector<16xf32> to vector<1x16xf32>
        tpu.vector_store %arg21[%swap3A_286, %swap3A_287], %swap3A_290 {strides = array<i32>} : memref<80x128xf32, #tpu.memory_space<vmem>>, vector<1x16xf32>,
        %get3A_291 = arith.index_cast %scan3A_216 : i32 to index
        %get3A_292 = arith.constant 64 : index
        %get3A_293 = tpu.vector_load %arg21[%get3A_291, %get3A_292] {strides = array<i32>} : memref<80x128xf32, #tpu.memory_space<vmem>>, vector<1x16xf32>,
        %get3A_294 = vector.shape_cast %get3A_293 : vector<1x16xf32> to vector<16xf32>
        %mul3A_295 = arith.mulf %get3A_294, %gather3A_251 : vector<16xf32>
        %swap3A_296 = arith.index_cast %scan3A_216 : i32 to index
        %swap3A_297 = arith.constant 64 : index
        %swap3A_298 = tpu.vector_load %arg21[%swap3A_296, %swap3A_297] {strides = array<i32>} : memref<80x128xf32, #tpu.memory_space<vmem>>, vector<1x16xf32>,
        %swap3A_299 = vector.shape_cast %swap3A_298 : vector<1x16xf32> to vector<16xf32>
        %swap3A_300 = vector.shape_cast %mul3A_295 : vector<16xf32> to vector<1x16xf32>
        tpu.vector_store %arg21[%swap3A_296, %swap3A_297], %swap3A_300 {strides = array<i32>} : memref<80x128xf32, #tpu.memory_space<vmem>>, vector<1x16xf32>,
        %get3A_301 = arith.index_cast %scan3A_216 : i32 to index
        %get3A_302 = arith.constant 80 : index
        %get3A_303 = tpu.vector_load %arg21[%get3A_301, %get3A_302] {strides = array<i32>} : memref<80x128xf32, #tpu.memory_space<vmem>>, vector<1x16xf32>,
        %get3A_304 = vector.shape_cast %get3A_303 : vector<1x16xf32> to vector<16xf32>
        %mul3A_305 = arith.mulf %get3A_304, %gather3A_251 : vector<16xf32>
        %swap3A_306 = arith.index_cast %scan3A_216 : i32 to index
        %swap3A_307 = arith.constant 80 : index
        %swap3A_308 = tpu.vector_load %arg21[%swap3A_306, %swap3A_307] {strides = array<i32>} : memref<80x128xf32, #tpu.memory_space<vmem>>, vector<1x16xf32>,
        %swap3A_309 = vector.shape_cast %swap3A_308 : vector<1x16xf32> to vector<16xf32>
        %swap3A_310 = vector.shape_cast %mul3A_305 : vector<16xf32> to vector<1x16xf32>
        tpu.vector_store %arg21[%swap3A_306, %swap3A_307], %swap3A_310 {strides = array<i32>} : memref<80x128xf32, #tpu.memory_space<vmem>>, vector<1x16xf32>,
        %get3A_311 = arith.index_cast %scan3A_216 : i32 to index
        %get3A_312 = arith.constant 96 : index
        %get3A_313 = tpu.vector_load %arg21[%get3A_311, %get3A_312] {strides = array<i32>} : memref<80x128xf32, #tpu.memory_space<vmem>>, vector<1x16xf32>,
        %get3A_314 = vector.shape_cast %get3A_313 : vector<1x16xf32> to vector<16xf32>
        %mul3A_315 = arith.mulf %get3A_314, %gather3A_251 : vector<16xf32>
        %swap3A_316 = arith.index_cast %scan3A_216 : i32 to index
        %swap3A_317 = arith.constant 96 : index
        %swap3A_318 = tpu.vector_load %arg21[%swap3A_316, %swap3A_317] {strides = array<i32>} : memref<80x128xf32, #tpu.memory_space<vmem>>, vector<1x16xf32>,
        %swap3A_319 = vector.shape_cast %swap3A_318 : vector<1x16xf32> to vector<16xf32>
        %swap3A_320 = vector.shape_cast %mul3A_315 : vector<16xf32> to vector<1x16xf32>
        tpu.vector_store %arg21[%swap3A_316, %swap3A_317], %swap3A_320 {strides = array<i32>} : memref<80x128xf32, #tpu.memory_space<vmem>>, vector<1x16xf32>,
        %get3A_321 = arith.index_cast %scan3A_216 : i32 to index
        %get3A_322 = arith.constant 112 : index
        %get3A_323 = tpu.vector_load %arg21[%get3A_321, %get3A_322] {strides = array<i32>} : memref<80x128xf32, #tpu.memory_space<vmem>>, vector<1x16xf32>,
        %get3A_324 = vector.shape_cast %get3A_323 : vector<1x16xf32> to vector<16xf32>
        %mul3A_325 = arith.mulf %get3A_324, %gather3A_251 : vector<16xf32>
        %swap3A_326 = arith.index_cast %scan3A_216 : i32 to index
        %swap3A_327 = arith.constant 112 : index
        %swap3A_328 = tpu.vector_load %arg21[%swap3A_326, %swap3A_327] {strides = array<i32>} : memref<80x128xf32, #tpu.memory_space<vmem>>, vector<1x16xf32>,
        %swap3A_329 = vector.shape_cast %swap3A_328 : vector<1x16xf32> to vector<16xf32>
        %swap3A_330 = vector.shape_cast %mul3A_325 : vector<16xf32> to vector<1x16xf32>
        tpu.vector_store %arg21[%swap3A_326, %swap3A_327], %swap3A_330 {strides = array<i32>} : memref<80x128xf32, #tpu.memory_space<vmem>>, vector<1x16xf32>,
        %scan3A_331 = arith.constant 0 : i32
        scf.yield %scan3A_331 : i32
      }
      %scan3A_214 = arith.constant 80 : i32
      "tpu.region"() ({
        %run_scoped3A = tpu.sem_alloc : memref<!tpu.dma_semaphore, #tpu.memory_space<semaphore_mem>>
        %dma_start3A_216 = arith.constant 0 : i32
        %dma_start3A_217 = arith.constant 0 : i32
        %dma_start3A_218 = tpu.memref_slice %arg28[%dma_start3A_216, %dma_start3A_217] : memref<10000x128xf32, #tpu.memory_space<vmem_shared>> -> memref<10000x128xf32, #tpu.memory_space<vmem_shared>>
        tpu.enqueue_indirect_dma source(%arg21 : memref<80x128xf32, #tpu.memory_space<vmem>>) target(%dma_start3A_218 : memref<10000x128xf32, #tpu.memory_space<vmem_shared>>) offsets(%arg10 : memref<80xi32, #tpu.memory_space<vmem>>) semaphore(%run_scoped3A : memref<!tpu.dma_semaphore, #tpu.memory_space<semaphore_mem>>) {add = true}
        %dma_wait3A_219 = arith.constant 0 : i32
        %dma_wait3A_220 = arith.constant 0 : i32
        %dma_wait3A_221 = tpu.memref_slice %arg28[%dma_wait3A_219, %dma_wait3A_220] : memref<10000x128xf32, #tpu.memory_space<vmem_shared>> -> memref<10000x128xf32, #tpu.memory_space<vmem_shared>>
        tpu.wait_indirect_dma semaphore(%run_scoped3A : memref<!tpu.dma_semaphore, #tpu.memory_space<semaphore_mem>>) src(%arg21 : memref<80x128xf32, #tpu.memory_space<vmem>>) dst(%dma_wait3A_221 : memref<10000x128xf32, #tpu.memory_space<vmem_shared>>)
        tpu.yield
      }) : () -> ()
      %scan3A_215 = arith.constant 0 : i32
      scf.yield %scan3A_215 : i32
    }
    %scan3A_84 = arith.constant 125 : i32
    %barrier3A_85 = arith.constant 0 : index
    tpu.barrier barrier_id(%barrier3A_85)
    %mul3A_86 = arith.constant 625 : i32
    %mul3A_87 = arith.muli %arg1, %mul3A_86 : i32
    %mul3A_88 = arith.constant 625 : i32
    %mul3A_89 = arith.muli %arg1, %mul3A_88 : i32
    "tpu.region"() ({
      %run_scoped3A = tpu.sem_alloc : memref<!tpu.dma_semaphore, #tpu.memory_space<semaphore_mem>>
      %dma_start3A_144 = arith.constant 0 : i32
      %dma_start3A_145 = tpu.memref_slice %arg6[%add3A_41, %mul3A_89, %dma_start3A_144] : memref<4x10000x128xf32, #tpu.memory_space<hbm>> -> memref<1x625x128xf32, #tpu.memory_space<hbm>>
      %dma_start3A_146 = tpu.memref_squeeze %dma_start3A_145 : memref<1x625x128xf32, #tpu.memory_space<hbm>> -> memref<625x128xf32, #tpu.memory_space<hbm>>
      %dma_start3A_147 = arith.constant 0 : i32
      %dma_start3A_148 = tpu.memref_slice %arg28[%mul3A_87, %dma_start3A_147] : memref<10000x128xf32, #tpu.memory_space<vmem_shared>> -> memref<625x128xf32, #tpu.memory_space<vmem_shared>>
      tpu.enqueue_dma source(%dma_start3A_148 : memref<625x128xf32, #tpu.memory_space<vmem_shared>>) target(%dma_start3A_146 : memref<625x128xf32, #tpu.memory_space<hbm>>) target_semaphore(%run_scoped3A : memref<!tpu.dma_semaphore, #tpu.memory_space<semaphore_mem>>)
      %dma_wait3A = arith.constant 0 : i32
      %dma_wait3A_149 = tpu.memref_slice %arg6[%add3A_41, %mul3A_89, %dma_wait3A] : memref<4x10000x128xf32, #tpu.memory_space<hbm>> -> memref<1x625x128xf32, #tpu.memory_space<hbm>>
      %dma_wait3A_150 = tpu.memref_squeeze %dma_wait3A_149 : memref<1x625x128xf32, #tpu.memory_space<hbm>> -> memref<625x128xf32, #tpu.memory_space<hbm>>
      %dma_wait3A_151 = arith.constant 0 : i32
      %dma_wait3A_152 = tpu.memref_slice %arg28[%mul3A_87, %dma_wait3A_151] : memref<10000x128xf32, #tpu.memory_space<vmem_shared>> -> memref<625x128xf32, #tpu.memory_space<vmem_shared>>
      tpu.wait_dma2 semaphore(%run_scoped3A : memref<!tpu.dma_semaphore, #tpu.memory_space<semaphore_mem>>) src(%dma_wait3A_152 : memref<625x128xf32, #tpu.memory_space<vmem_shared>>) dst(%dma_wait3A_150 : memref<625x128xf32, #tpu.memory_space<hbm>>)
      tpu.yield
    }) : () -> ()
    %barrier3A_90 = arith.constant 0 : index
    tpu.barrier barrier_id(%barrier3A_90)
    %mul3A_91 = arith.constant 2 : i32
    %mul3A_92 = arith.muli %mul3A_91, %arg0 : i32
    %add3A_93 = arith.constant 1 : i32
    %add3A_94 = arith.addi %mul3A_92, %add3A_93 : i32
    %scan3A_95 = arith.constant 0 : i32
    %scan3A_96 = arith.constant 0 : i32
    %scan3A_97 = arith.constant 80 : i32
    %scan3A_98 = arith.addi %scan3A_96, %scan3A_97 : i32
    %scan3A_99 = arith.constant 1 : i32
    %scan3A_100 = scf.for %scan3A_144 = %scan3A_96 to %scan3A_98 step %scan3A_99 iter_args(%scan3A_145 = %scan3A_95) -> (i32)  : i32 {
      %swap3A = arith.index_cast %scan3A_144 : i32 to index
      %swap3A_146 = arith.constant 0 : index
      %swap3A_147 = tpu.vector_load %arg20[%swap3A, %swap3A_146] {strides = array<i32>} : memref<80x128xf32, #tpu.memory_space<vmem>>, vector<1x16xf32>,
      %swap3A_148 = vector.shape_cast %swap3A_147 : vector<1x16xf32> to vector<16xf32>
      %swap3A_149 = vector.shape_cast %broadcast_in_dim3A_1 : vector<16xf32> to vector<1x16xf32>
      tpu.vector_store %arg20[%swap3A, %swap3A_146], %swap3A_149 {strides = array<i32>} : memref<80x128xf32, #tpu.memory_space<vmem>>, vector<1x16xf32>,
      %swap3A_150 = arith.index_cast %scan3A_144 : i32 to index
      %swap3A_151 = arith.constant 16 : index
      %swap3A_152 = tpu.vector_load %arg20[%swap3A_150, %swap3A_151] {strides = array<i32>} : memref<80x128xf32, #tpu.memory_space<vmem>>, vector<1x16xf32>,
      %swap3A_153 = vector.shape_cast %swap3A_152 : vector<1x16xf32> to vector<16xf32>
      %swap3A_154 = vector.shape_cast %broadcast_in_dim3A_1 : vector<16xf32> to vector<1x16xf32>
      tpu.vector_store %arg20[%swap3A_150, %swap3A_151], %swap3A_154 {strides = array<i32>} : memref<80x128xf32, #tpu.memory_space<vmem>>, vector<1x16xf32>,
      %swap3A_155 = arith.index_cast %scan3A_144 : i32 to index
      %swap3A_156 = arith.constant 32 : index
      %swap3A_157 = tpu.vector_load %arg20[%swap3A_155, %swap3A_156] {strides = array<i32>} : memref<80x128xf32, #tpu.memory_space<vmem>>, vector<1x16xf32>,
      %swap3A_158 = vector.shape_cast %swap3A_157 : vector<1x16xf32> to vector<16xf32>
      %swap3A_159 = vector.shape_cast %broadcast_in_dim3A_1 : vector<16xf32> to vector<1x16xf32>
      tpu.vector_store %arg20[%swap3A_155, %swap3A_156], %swap3A_159 {strides = array<i32>} : memref<80x128xf32, #tpu.memory_space<vmem>>, vector<1x16xf32>,
      %swap3A_160 = arith.index_cast %scan3A_144 : i32 to index
      %swap3A_161 = arith.constant 48 : index
      %swap3A_162 = tpu.vector_load %arg20[%swap3A_160, %swap3A_161] {strides = array<i32>} : memref<80x128xf32, #tpu.memory_space<vmem>>, vector<1x16xf32>,
      %swap3A_163 = vector.shape_cast %swap3A_162 : vector<1x16xf32> to vector<16xf32>
      %swap3A_164 = vector.shape_cast %broadcast_in_dim3A_1 : vector<16xf32> to vector<1x16xf32>
      tpu.vector_store %arg20[%swap3A_160, %swap3A_161], %swap3A_164 {strides = array<i32>} : memref<80x128xf32, #tpu.memory_space<vmem>>, vector<1x16xf32>,
      %swap3A_165 = arith.index_cast %scan3A_144 : i32 to index
      %swap3A_166 = arith.constant 64 : index
      %swap3A_167 = tpu.vector_load %arg20[%swap3A_165, %swap3A_166] {strides = array<i32>} : memref<80x128xf32, #tpu.memory_space<vmem>>, vector<1x16xf32>,
      %swap3A_168 = vector.shape_cast %swap3A_167 : vector<1x16xf32> to vector<16xf32>
      %swap3A_169 = vector.shape_cast %broadcast_in_dim3A_1 : vector<16xf32> to vector<1x16xf32>
      tpu.vector_store %arg20[%swap3A_165, %swap3A_166], %swap3A_169 {strides = array<i32>} : memref<80x128xf32, #tpu.memory_space<vmem>>, vector<1x16xf32>,
      %swap3A_170 = arith.index_cast %scan3A_144 : i32 to index
      %swap3A_171 = arith.constant 80 : index
      %swap3A_172 = tpu.vector_load %arg20[%swap3A_170, %swap3A_171] {strides = array<i32>} : memref<80x128xf32, #tpu.memory_space<vmem>>, vector<1x16xf32>,
      %swap3A_173 = vector.shape_cast %swap3A_172 : vector<1x16xf32> to vector<16xf32>
      %swap3A_174 = vector.shape_cast %broadcast_in_dim3A_1 : vector<16xf32> to vector<1x16xf32>
      tpu.vector_store %arg20[%swap3A_170, %swap3A_171], %swap3A_174 {strides = array<i32>} : memref<80x128xf32, #tpu.memory_space<vmem>>, vector<1x16xf32>,
      %swap3A_175 = arith.index_cast %scan3A_144 : i32 to index
      %swap3A_176 = arith.constant 96 : index
      %swap3A_177 = tpu.vector_load %arg20[%swap3A_175, %swap3A_176] {strides = array<i32>} : memref<80x128xf32, #tpu.memory_space<vmem>>, vector<1x16xf32>,
      %swap3A_178 = vector.shape_cast %swap3A_177 : vector<1x16xf32> to vector<16xf32>
      %swap3A_179 = vector.shape_cast %broadcast_in_dim3A_1 : vector<16xf32> to vector<1x16xf32>
      tpu.vector_store %arg20[%swap3A_175, %swap3A_176], %swap3A_179 {strides = array<i32>} : memref<80x128xf32, #tpu.memory_space<vmem>>, vector<1x16xf32>,
      %swap3A_180 = arith.index_cast %scan3A_144 : i32 to index
      %swap3A_181 = arith.constant 112 : index
      %swap3A_182 = tpu.vector_load %arg20[%swap3A_180, %swap3A_181] {strides = array<i32>} : memref<80x128xf32, #tpu.memory_space<vmem>>, vector<1x16xf32>,
      %swap3A_183 = vector.shape_cast %swap3A_182 : vector<1x16xf32> to vector<16xf32>
      %swap3A_184 = vector.shape_cast %broadcast_in_dim3A_1 : vector<16xf32> to vector<1x16xf32>
      tpu.vector_store %arg20[%swap3A_180, %swap3A_181], %swap3A_184 {strides = array<i32>} : memref<80x128xf32, #tpu.memory_space<vmem>>, vector<1x16xf32>,
      %scan3A_185 = arith.constant 0 : i32
      scf.yield %scan3A_185 : i32
    }
    %scan3A_101 = arith.constant 80 : i32
    %scan3A_102 = arith.constant 0 : i32
    %scan3A_103 = arith.constant 0 : i32
    %scan3A_104 = arith.constant 25 : i32
    %scan3A_105 = arith.addi %scan3A_103, %scan3A_104 : i32
    %scan3A_106 = arith.constant 1 : i32
    %scan3A_107 = scf.for %scan3A_144 = %scan3A_103 to %scan3A_105 step %scan3A_106 iter_args(%scan3A_145 = %scan3A_102) -> (i32)  : i32 {
      %mul3A_146 = arith.constant 625 : i32
      %mul3A_147 = arith.muli %arg1, %mul3A_146 : i32
      %mul3A_148 = arith.constant 25 : i32
      %mul3A_149 = arith.muli %scan3A_144, %mul3A_148 : i32
      %add3A_150 = arith.addi %mul3A_147, %mul3A_149 : i32
      "tpu.region"() ({
        %run_scoped3A = tpu.sem_alloc : memref<!tpu.dma_semaphore, #tpu.memory_space<semaphore_mem>>
        %dma_start3A_152 = arith.constant 0 : i32
        %dma_start3A_153 = arith.constant 0 : i32
        %dma_start3A_154 = tpu.memref_slice %arg20[%dma_start3A_152, %dma_start3A_153] : memref<80x128xf32, #tpu.memory_space<vmem>> -> memref<25x128xf32, #tpu.memory_space<vmem>>
        %dma_start3A_155 = arith.constant 0 : i32
        %dma_start3A_156 = tpu.memref_slice %arg28[%add3A_150, %dma_start3A_155] : memref<10000x128xf32, #tpu.memory_space<vmem_shared>> -> memref<25x128xf32, #tpu.memory_space<vmem_shared>>
        %dma_start3A_157 = arith.constant 0 : i32
        %dma_start3A_158 = tpu.memref_slice %arg28[%add3A_150, %dma_start3A_157] : memref<10000x128xf32, #tpu.memory_space<vmem_shared>> -> memref<25x128xf32, #tpu.memory_space<vmem_shared>>
        %dma_start3A_159 = arith.constant 0 : i32
        %dma_start3A_160 = arith.constant 0 : i32
        %dma_start3A_161 = tpu.memref_slice %arg20[%dma_start3A_159, %dma_start3A_160] : memref<80x128xf32, #tpu.memory_space<vmem>> -> memref<25x128xf32, #tpu.memory_space<vmem>>
        tpu.enqueue_dma source(%dma_start3A_161 : memref<25x128xf32, #tpu.memory_space<vmem>>) target(%dma_start3A_158 : memref<25x128xf32, #tpu.memory_space<vmem_shared>>) target_semaphore(%run_scoped3A : memref<!tpu.dma_semaphore, #tpu.memory_space<semaphore_mem>>)
        %dma_wait3A = arith.constant 0 : i32
        %dma_wait3A_162 = arith.constant 0 : i32
        %dma_wait3A_163 = tpu.memref_slice %arg20[%dma_wait3A, %dma_wait3A_162] : memref<80x128xf32, #tpu.memory_space<vmem>> -> memref<25x128xf32, #tpu.memory_space<vmem>>
        %dma_wait3A_164 = arith.constant 0 : i32
        %dma_wait3A_165 = tpu.memref_slice %arg28[%add3A_150, %dma_wait3A_164] : memref<10000x128xf32, #tpu.memory_space<vmem_shared>> -> memref<25x128xf32, #tpu.memory_space<vmem_shared>>
        %dma_wait3A_166 = arith.constant 0 : i32
        %dma_wait3A_167 = tpu.memref_slice %arg28[%add3A_150, %dma_wait3A_166] : memref<10000x128xf32, #tpu.memory_space<vmem_shared>> -> memref<25x128xf32, #tpu.memory_space<vmem_shared>>
        %dma_wait3A_168 = arith.constant 0 : i32
        %dma_wait3A_169 = arith.constant 0 : i32
        %dma_wait3A_170 = tpu.memref_slice %arg20[%dma_wait3A_168, %dma_wait3A_169] : memref<80x128xf32, #tpu.memory_space<vmem>> -> memref<25x128xf32, #tpu.memory_space<vmem>>
        tpu.wait_dma2 semaphore(%run_scoped3A : memref<!tpu.dma_semaphore, #tpu.memory_space<semaphore_mem>>) src(%dma_wait3A_170 : memref<25x128xf32, #tpu.memory_space<vmem>>) dst(%dma_wait3A_167 : memref<25x128xf32, #tpu.memory_space<vmem_shared>>)
        tpu.yield
      }) : () -> ()
      %scan3A_151 = arith.constant 0 : i32
      scf.yield %scan3A_151 : i32
    }
    %scan3A_108 = arith.constant 25 : i32
    %barrier3A_109 = arith.constant 0 : index
    tpu.barrier barrier_id(%barrier3A_109)
    %add3A_110 = arith.constant 0 : i32
    %add3A_111 = arith.addi %mul3A_0, %add3A_110 : i32
    "tpu.region"() ({
      %run_scoped3A = tpu.sem_alloc : memref<!tpu.dma_semaphore, #tpu.memory_space<semaphore_mem>>
      %dma_start3A_144 = tpu.memref_slice %arg2[%add3A_111] : memref<320000xi32, #tpu.memory_space<hbm>> -> memref<80xi32, #tpu.memory_space<hbm>>
      %dma_start3A_145 = tpu.memref_slice %arg2[%add3A_111] : memref<320000xi32, #tpu.memory_space<hbm>> -> memref<80xi32, #tpu.memory_space<hbm>>
      tpu.enqueue_dma source(%dma_start3A_145 : memref<80xi32, #tpu.memory_space<hbm>>) target(%arg7 : memref<80xi32, #tpu.memory_space<vmem>>) target_semaphore(%run_scoped3A : memref<!tpu.dma_semaphore, #tpu.memory_space<semaphore_mem>>)
      %dma_wait3A = tpu.memref_slice %arg2[%add3A_111] : memref<320000xi32, #tpu.memory_space<hbm>> -> memref<80xi32, #tpu.memory_space<hbm>>
      %dma_wait3A_146 = tpu.memref_slice %arg2[%add3A_111] : memref<320000xi32, #tpu.memory_space<hbm>> -> memref<80xi32, #tpu.memory_space<hbm>>
      tpu.wait_dma2 semaphore(%run_scoped3A : memref<!tpu.dma_semaphore, #tpu.memory_space<semaphore_mem>>) src(%dma_wait3A_146 : memref<80xi32, #tpu.memory_space<hbm>>) dst(%arg7 : memref<80xi32, #tpu.memory_space<vmem>>)
      tpu.yield
    }) : () -> ()
    "tpu.region"() ({
      %run_scoped3A = tpu.sem_alloc : memref<!tpu.dma_semaphore, #tpu.memory_space<semaphore_mem>>
      %dma_start3A_144 = tpu.memref_slice %arg3[%add3A_111] : memref<320000xi32, #tpu.memory_space<hbm>> -> memref<80xi32, #tpu.memory_space<hbm>>
      %dma_start3A_145 = tpu.memref_slice %arg3[%add3A_111] : memref<320000xi32, #tpu.memory_space<hbm>> -> memref<80xi32, #tpu.memory_space<hbm>>
      tpu.enqueue_dma source(%dma_start3A_145 : memref<80xi32, #tpu.memory_space<hbm>>) target(%arg9 : memref<80xi32, #tpu.memory_space<vmem>>) target_semaphore(%run_scoped3A : memref<!tpu.dma_semaphore, #tpu.memory_space<semaphore_mem>>)
      %dma_wait3A = tpu.memref_slice %arg3[%add3A_111] : memref<320000xi32, #tpu.memory_space<hbm>> -> memref<80xi32, #tpu.memory_space<hbm>>
      %dma_wait3A_146 = tpu.memref_slice %arg3[%add3A_111] : memref<320000xi32, #tpu.memory_space<hbm>> -> memref<80xi32, #tpu.memory_space<hbm>>
      tpu.wait_dma2 semaphore(%run_scoped3A : memref<!tpu.dma_semaphore, #tpu.memory_space<semaphore_mem>>) src(%dma_wait3A_146 : memref<80xi32, #tpu.memory_space<hbm>>) dst(%arg9 : memref<80xi32, #tpu.memory_space<vmem>>)
      tpu.yield
    }) : () -> ()
    %scan3A_112 = arith.constant 0 : i32
    %scan3A_113 = arith.constant 0 : i32
    %scan3A_114 = arith.constant 5 : i32
    %scan3A_115 = arith.addi %scan3A_113, %scan3A_114 : i32
    %scan3A_116 = arith.constant 1 : i32
    %scan3A_117 = scf.for %scan3A_144 = %scan3A_113 to %scan3A_115 step %scan3A_116 iter_args(%scan3A_145 = %scan3A_112) -> (i32)  : i32 {
      %mul3A_146 = arith.constant 16 : i32
      %mul3A_147 = arith.muli %scan3A_144, %mul3A_146 : i32
      %get3A = arith.index_cast %mul3A_147 : i32 to index
      %get3A_148 = tpu.vector_load %arg7[%get3A] {strides = array<i32>} : memref<80xi32, #tpu.memory_space<vmem>>, vector<16xi32>,
      %get3A_149 = vector.shape_cast %get3A_148 : vector<16xi32> to vector<16xi32>
      %mul3A_150 = arith.constant 10240 : i32
      %mul3A_151 = arith.muli %add3A_94, %mul3A_150 : i32
      %add3A_152 = vector.broadcast %mul3A_151 : i32 to vector<16xi32>
      %add3A_153 = arith.addi %get3A_149, %add3A_152 : vector<16xi32>
      %mul3A_154 = arith.constant 16 : i32
      %mul3A_155 = arith.muli %scan3A_144, %mul3A_154 : i32
      %swap3A = arith.index_cast %mul3A_155 : i32 to index
      %swap3A_156 = tpu.vector_load %arg11[%swap3A] {strides = array<i32>} : memref<80xi32, #tpu.memory_space<vmem>>, vector<16xi32>,
      %swap3A_157 = vector.shape_cast %swap3A_156 : vector<16xi32> to vector<16xi32>
      %swap3A_158 = vector.shape_cast %add3A_153 : vector<16xi32> to vector<16xi32>
      tpu.vector_store %arg11[%swap3A], %swap3A_158 {strides = array<i32>} : memref<80xi32, #tpu.memory_space<vmem>>, vector<16xi32>,
      %scan3A_159 = arith.constant 0 : i32
      scf.yield %scan3A_159 : i32
    }
    %scan3A_118 = arith.constant 5 : i32
    %dma_start3A_119 = arith.constant 0 : i32
    %dma_start3A_120 = arith.constant 0 : i32
    %dma_start3A_121 = tpu.memref_slice %arg5[%dma_start3A_119, %dma_start3A_120] : memref<40960x128xf32, #tpu.memory_space<hbm>> -> memref<40960x128xf32, #tpu.memory_space<hbm>>
    tpu.enqueue_indirect_dma source(%dma_start3A_121 : memref<40960x128xf32, #tpu.memory_space<hbm>>) target(%arg20 : memref<80x128xf32, #tpu.memory_space<vmem>>) offsets(%arg11 : memref<80xi32, #tpu.memory_space<vmem>>) semaphore(%arg22 : memref<!tpu.dma_semaphore, #tpu.memory_space<semaphore_mem>>)
    %dma_start3A_122 = arith.constant 0 : i32
    %dma_start3A_123 = arith.constant 0 : i32
    %dma_start3A_124 = tpu.memref_slice %arg27[%dma_start3A_122, %dma_start3A_123] : memref<10000x16xf32, #tpu.memory_space<vmem_shared>> -> memref<10000x16xf32, #tpu.memory_space<vmem_shared>>
    tpu.enqueue_indirect_dma source(%dma_start3A_124 : memref<10000x16xf32, #tpu.memory_space<vmem_shared>>) target(%arg13 : memref<80x16xf32, #tpu.memory_space<vmem>>) offsets(%arg7 : memref<80xi32, #tpu.memory_space<vmem>>) semaphore(%arg24 : memref<!tpu.dma_semaphore, #tpu.memory_space<semaphore_mem>>)
    %dma_start3A_125 = arith.constant 0 : i32
    %dma_start3A_126 = arith.constant 0 : i32
    %dma_start3A_127 = tpu.memref_slice %arg27[%dma_start3A_125, %dma_start3A_126] : memref<10000x16xf32, #tpu.memory_space<vmem_shared>> -> memref<10000x16xf32, #tpu.memory_space<vmem_shared>>
    tpu.enqueue_indirect_dma source(%dma_start3A_127 : memref<10000x16xf32, #tpu.memory_space<vmem_shared>>) target(%arg15 : memref<80x16xf32, #tpu.memory_space<vmem>>) offsets(%arg9 : memref<80xi32, #tpu.memory_space<vmem>>) semaphore(%arg24 : memref<!tpu.dma_semaphore, #tpu.memory_space<semaphore_mem>>)
    %dma_start3A_128 = arith.constant 0 : i32
    %dma_start3A_129 = arith.constant 0 : i32
    %dma_start3A_130 = tpu.memref_slice %arg26[%dma_start3A_128, %dma_start3A_129] : memref<10000x16xf32, #tpu.memory_space<vmem_shared>> -> memref<10000x16xf32, #tpu.memory_space<vmem_shared>>
    tpu.enqueue_indirect_dma source(%dma_start3A_130 : memref<10000x16xf32, #tpu.memory_space<vmem_shared>>) target(%arg17 : memref<80x16xf32, #tpu.memory_space<vmem>>) offsets(%arg9 : memref<80xi32, #tpu.memory_space<vmem>>) semaphore(%arg24 : memref<!tpu.dma_semaphore, #tpu.memory_space<semaphore_mem>>)
    %scan3A_131 = arith.constant 0 : i32
    %scan3A_132 = arith.constant 0 : i32
    %scan3A_133 = arith.constant 125 : i32
    %scan3A_134 = arith.addi %scan3A_132, %scan3A_133 : i32
    %scan3A_135 = arith.constant 1 : i32
    %scan3A_136 = scf.for %scan3A_144 = %scan3A_132 to %scan3A_134 step %scan3A_135 iter_args(%scan3A_145 = %scan3A_131) -> (i32)  : i32 {
      %mul3A_146 = arith.constant 2 : i32
      %mul3A_147 = arith.muli %mul3A_146, %scan3A_144 : i32
      %add3A_148 = arith.constant 1 : i32
      %add3A_149 = arith.addi %mul3A_147, %add3A_148 : i32
      %mul3A_150 = arith.constant 80 : i32
      %mul3A_151 = arith.muli %add3A_149, %mul3A_150 : i32
      %add3A_152 = arith.addi %mul3A_0, %mul3A_151 : i32
      "tpu.region"() ({
        %run_scoped3A = tpu.sem_alloc : memref<!tpu.dma_semaphore, #tpu.memory_space<semaphore_mem>>
        %dma_start3A_216 = tpu.memref_slice %arg2[%add3A_152] : memref<320000xi32, #tpu.memory_space<hbm>> -> memref<80xi32, #tpu.memory_space<hbm>>
        %dma_start3A_217 = tpu.memref_slice %arg2[%add3A_152] : memref<320000xi32, #tpu.memory_space<hbm>> -> memref<80xi32, #tpu.memory_space<hbm>>
        tpu.enqueue_dma source(%dma_start3A_217 : memref<80xi32, #tpu.memory_space<hbm>>) target(%arg8 : memref<80xi32, #tpu.memory_space<vmem>>) target_semaphore(%run_scoped3A : memref<!tpu.dma_semaphore, #tpu.memory_space<semaphore_mem>>)
        %dma_wait3A_218 = tpu.memref_slice %arg2[%add3A_152] : memref<320000xi32, #tpu.memory_space<hbm>> -> memref<80xi32, #tpu.memory_space<hbm>>
        %dma_wait3A_219 = tpu.memref_slice %arg2[%add3A_152] : memref<320000xi32, #tpu.memory_space<hbm>> -> memref<80xi32, #tpu.memory_space<hbm>>
        tpu.wait_dma2 semaphore(%run_scoped3A : memref<!tpu.dma_semaphore, #tpu.memory_space<semaphore_mem>>) src(%dma_wait3A_219 : memref<80xi32, #tpu.memory_space<hbm>>) dst(%arg8 : memref<80xi32, #tpu.memory_space<vmem>>)
        tpu.yield
      }) : () -> ()
      "tpu.region"() ({
        %run_scoped3A = tpu.sem_alloc : memref<!tpu.dma_semaphore, #tpu.memory_space<semaphore_mem>>
        %dma_start3A_216 = tpu.memref_slice %arg3[%add3A_152] : memref<320000xi32, #tpu.memory_space<hbm>> -> memref<80xi32, #tpu.memory_space<hbm>>
        %dma_start3A_217 = tpu.memref_slice %arg3[%add3A_152] : memref<320000xi32, #tpu.memory_space<hbm>> -> memref<80xi32, #tpu.memory_space<hbm>>
        tpu.enqueue_dma source(%dma_start3A_217 : memref<80xi32, #tpu.memory_space<hbm>>) target(%arg10 : memref<80xi32, #tpu.memory_space<vmem>>) target_semaphore(%run_scoped3A : memref<!tpu.dma_semaphore, #tpu.memory_space<semaphore_mem>>)
        %dma_wait3A_218 = tpu.memref_slice %arg3[%add3A_152] : memref<320000xi32, #tpu.memory_space<hbm>> -> memref<80xi32, #tpu.memory_space<hbm>>
        %dma_wait3A_219 = tpu.memref_slice %arg3[%add3A_152] : memref<320000xi32, #tpu.memory_space<hbm>> -> memref<80xi32, #tpu.memory_space<hbm>>
        tpu.wait_dma2 semaphore(%run_scoped3A : memref<!tpu.dma_semaphore, #tpu.memory_space<semaphore_mem>>) src(%dma_wait3A_219 : memref<80xi32, #tpu.memory_space<hbm>>) dst(%arg10 : memref<80xi32, #tpu.memory_space<vmem>>)
        tpu.yield
      }) : () -> ()
      %scan3A_153 = arith.constant 0 : i32
      %scan3A_154 = arith.constant 0 : i32
      %scan3A_155 = arith.constant 5 : i32
      %scan3A_156 = arith.addi %scan3A_154, %scan3A_155 : i32
      %scan3A_157 = arith.constant 1 : i32
      %scan3A_158 = scf.for %scan3A_216 = %scan3A_154 to %scan3A_156 step %scan3A_157 iter_args(%scan3A_217 = %scan3A_153) -> (i32)  : i32 {
        %mul3A_218 = arith.constant 16 : i32
        %mul3A_219 = arith.muli %scan3A_216, %mul3A_218 : i32
        %get3A = arith.index_cast %mul3A_219 : i32 to index
        %get3A_220 = tpu.vector_load %arg8[%get3A] {strides = array<i32>} : memref<80xi32, #tpu.memory_space<vmem>>, vector<16xi32>,
        %get3A_221 = vector.shape_cast %get3A_220 : vector<16xi32> to vector<16xi32>
        %mul3A_222 = arith.constant 10240 : i32
        %mul3A_223 = arith.muli %add3A_94, %mul3A_222 : i32
        %add3A_224 = vector.broadcast %mul3A_223 : i32 to vector<16xi32>
        %add3A_225 = arith.addi %get3A_221, %add3A_224 : vector<16xi32>
        %mul3A_226 = arith.constant 16 : i32
        %mul3A_227 = arith.muli %scan3A_216, %mul3A_226 : i32
        %swap3A = arith.index_cast %mul3A_227 : i32 to index
        %swap3A_228 = tpu.vector_load %arg12[%swap3A] {strides = array<i32>} : memref<80xi32, #tpu.memory_space<vmem>>, vector<16xi32>,
        %swap3A_229 = vector.shape_cast %swap3A_228 : vector<16xi32> to vector<16xi32>
        %swap3A_230 = vector.shape_cast %add3A_225 : vector<16xi32> to vector<16xi32>
        tpu.vector_store %arg12[%swap3A], %swap3A_230 {strides = array<i32>} : memref<80xi32, #tpu.memory_space<vmem>>, vector<16xi32>,
        %scan3A_231 = arith.constant 0 : i32
        scf.yield %scan3A_231 : i32
      }
      %scan3A_159 = arith.constant 5 : i32
      %dma_start3A_160 = arith.constant 0 : i32
      %dma_start3A_161 = arith.constant 0 : i32
      %dma_start3A_162 = tpu.memref_slice %arg5[%dma_start3A_160, %dma_start3A_161] : memref<40960x128xf32, #tpu.memory_space<hbm>> -> memref<40960x128xf32, #tpu.memory_space<hbm>>
      tpu.enqueue_indirect_dma source(%dma_start3A_162 : memref<40960x128xf32, #tpu.memory_space<hbm>>) target(%arg21 : memref<80x128xf32, #tpu.memory_space<vmem>>) offsets(%arg12 : memref<80xi32, #tpu.memory_space<vmem>>) semaphore(%arg23 : memref<!tpu.dma_semaphore, #tpu.memory_space<semaphore_mem>>)
      %dma_start3A_163 = arith.constant 0 : i32
      %dma_start3A_164 = arith.constant 0 : i32
      %dma_start3A_165 = tpu.memref_slice %arg27[%dma_start3A_163, %dma_start3A_164] : memref<10000x16xf32, #tpu.memory_space<vmem_shared>> -> memref<10000x16xf32, #tpu.memory_space<vmem_shared>>
      tpu.enqueue_indirect_dma source(%dma_start3A_165 : memref<10000x16xf32, #tpu.memory_space<vmem_shared>>) target(%arg14 : memref<80x16xf32, #tpu.memory_space<vmem>>) offsets(%arg8 : memref<80xi32, #tpu.memory_space<vmem>>) semaphore(%arg25 : memref<!tpu.dma_semaphore, #tpu.memory_space<semaphore_mem>>)
      %dma_start3A_166 = arith.constant 0 : i32
      %dma_start3A_167 = arith.constant 0 : i32
      %dma_start3A_168 = tpu.memref_slice %arg27[%dma_start3A_166, %dma_start3A_167] : memref<10000x16xf32, #tpu.memory_space<vmem_shared>> -> memref<10000x16xf32, #tpu.memory_space<vmem_shared>>
      tpu.enqueue_indirect_dma source(%dma_start3A_168 : memref<10000x16xf32, #tpu.memory_space<vmem_shared>>) target(%arg16 : memref<80x16xf32, #tpu.memory_space<vmem>>) offsets(%arg10 : memref<80xi32, #tpu.memory_space<vmem>>) semaphore(%arg25 : memref<!tpu.dma_semaphore, #tpu.memory_space<semaphore_mem>>)
      %dma_start3A_169 = arith.constant 0 : i32
      %dma_start3A_170 = arith.constant 0 : i32
      %dma_start3A_171 = tpu.memref_slice %arg26[%dma_start3A_169, %dma_start3A_170] : memref<10000x16xf32, #tpu.memory_space<vmem_shared>> -> memref<10000x16xf32, #tpu.memory_space<vmem_shared>>
      tpu.enqueue_indirect_dma source(%dma_start3A_171 : memref<10000x16xf32, #tpu.memory_space<vmem_shared>>) target(%arg18 : memref<80x16xf32, #tpu.memory_space<vmem>>) offsets(%arg10 : memref<80xi32, #tpu.memory_space<vmem>>) semaphore(%arg25 : memref<!tpu.dma_semaphore, #tpu.memory_space<semaphore_mem>>)
      %dma_wait3A = arith.constant 0 : i32
      %dma_wait3A_172 = arith.constant 0 : i32
      %dma_wait3A_173 = tpu.memref_slice %arg27[%dma_wait3A, %dma_wait3A_172] : memref<10000x16xf32, #tpu.memory_space<vmem_shared>> -> memref<10000x16xf32, #tpu.memory_space<vmem_shared>>
      tpu.wait_indirect_dma semaphore(%arg24 : memref<!tpu.dma_semaphore, #tpu.memory_space<semaphore_mem>>) src(%dma_wait3A_173 : memref<10000x16xf32, #tpu.memory_space<vmem_shared>>) dst(%arg13 : memref<80x16xf32, #tpu.memory_space<vmem>>)
      %dma_wait3A_174 = arith.constant 0 : i32
      %dma_wait3A_175 = arith.constant 0 : i32
      %dma_wait3A_176 = tpu.memref_slice %arg27[%dma_wait3A_174, %dma_wait3A_175] : memref<10000x16xf32, #tpu.memory_space<vmem_shared>> -> memref<10000x16xf32, #tpu.memory_space<vmem_shared>>
      tpu.wait_indirect_dma semaphore(%arg24 : memref<!tpu.dma_semaphore, #tpu.memory_space<semaphore_mem>>) src(%dma_wait3A_176 : memref<10000x16xf32, #tpu.memory_space<vmem_shared>>) dst(%arg15 : memref<80x16xf32, #tpu.memory_space<vmem>>)
      %dma_wait3A_177 = arith.constant 0 : i32
      %dma_wait3A_178 = arith.constant 0 : i32
      %dma_wait3A_179 = tpu.memref_slice %arg26[%dma_wait3A_177, %dma_wait3A_178] : memref<10000x16xf32, #tpu.memory_space<vmem_shared>> -> memref<10000x16xf32, #tpu.memory_space<vmem_shared>>
      tpu.wait_indirect_dma semaphore(%arg24 : memref<!tpu.dma_semaphore, #tpu.memory_space<semaphore_mem>>) src(%dma_wait3A_179 : memref<10000x16xf32, #tpu.memory_space<vmem_shared>>) dst(%arg17 : memref<80x16xf32, #tpu.memory_space<vmem>>)
      %dma_wait3A_180 = arith.constant 0 : i32
      %dma_wait3A_181 = arith.constant 0 : i32
      %dma_wait3A_182 = tpu.memref_slice %arg5[%dma_wait3A_180, %dma_wait3A_181] : memref<40960x128xf32, #tpu.memory_space<hbm>> -> memref<40960x128xf32, #tpu.memory_space<hbm>>
      tpu.wait_indirect_dma semaphore(%arg22 : memref<!tpu.dma_semaphore, #tpu.memory_space<semaphore_mem>>) src(%dma_wait3A_182 : memref<40960x128xf32, #tpu.memory_space<hbm>>) dst(%arg20 : memref<80x128xf32, #tpu.memory_space<vmem>>)
      %scan3A_183 = arith.constant 0 : i32
      %scan3A_184 = arith.constant 0 : i32
      %scan3A_185 = arith.constant 80 : i32
      %scan3A_186 = arith.addi %scan3A_184, %scan3A_185 : i32
      %scan3A_187 = arith.constant 1 : i32
      %scan3A_188 = scf.for %scan3A_216 = %scan3A_184 to %scan3A_186 step %scan3A_187 iter_args(%scan3A_217 = %scan3A_183) -> (i32)  : i32 {
        %get3A = arith.index_cast %scan3A_216 : i32 to index
        %get3A_218 = arith.constant 0 : index
        %get3A_219 = tpu.vector_load %arg13[%get3A, %get3A_218] {strides = array<i32>} : memref<80x16xf32, #tpu.memory_space<vmem>>, vector<1x16xf32>,
        %get3A_220 = vector.shape_cast %get3A_219 : vector<1x16xf32> to vector<16xf32>
        %get3A_221 = arith.index_cast %scan3A_216 : i32 to index
        %get3A_222 = arith.constant 0 : index
        %get3A_223 = tpu.vector_load %arg15[%get3A_221, %get3A_222] {strides = array<i32>} : memref<80x16xf32, #tpu.memory_space<vmem>>, vector<1x16xf32>,
        %get3A_224 = vector.shape_cast %get3A_223 : vector<1x16xf32> to vector<16xf32>
        %broadcast_in_dim3A_225 = vector.shape_cast %and3A_22 : vector<16xi32> to vector<16x1xi32>
        %gather3A = vector.shape_cast %broadcast_in_dim3A_225 : vector<16x1xi32> to vector<16xi32>
        %gather3A_226 = tpu.dynamic_gather %get3A_224[%gather3A] in [0] : vector<16xf32>, vector<16xi32> -> vector<16xf32>
        %add3A_227 = arith.addf %get3A_220, %gather3A_226 : vector<16xf32>
        %mul3A_228 = arith.constant 2.000000e-01 : f32
        %mul3A_229 = vector.broadcast %mul3A_228 : f32 to vector<16xf32>
        %mul3A_230 = arith.mulf %mul3A_229, %add3A_227 : vector<16xf32>
        %max3A = arith.maximumf %add3A_227, %mul3A_230 : vector<16xf32>
        %exp3A = math.exp %max3A : vector<16xf32>
        %get3A_231 = arith.index_cast %scan3A_216 : i32 to index
        %get3A_232 = arith.constant 0 : index
        %get3A_233 = tpu.vector_load %arg17[%get3A_231, %get3A_232] {strides = array<i32>} : memref<80x16xf32, #tpu.memory_space<vmem>>, vector<1x16xf32>,
        %get3A_234 = vector.shape_cast %get3A_233 : vector<1x16xf32> to vector<16xf32>
        %add3A_235 = arith.constant 9.99999971E-10 : f32
        %add3A_236 = vector.broadcast %add3A_235 : f32 to vector<16xf32>
        %add3A_237 = arith.addf %get3A_234, %add3A_236 : vector<16xf32>
        %div3A = arith.divf %exp3A, %add3A_237 : vector<16xf32>
        %mul3A_238 = arith.constant 2 : i32
        %mul3A_239 = arith.muli %mul3A_238, %add3A_94 : i32
        %broadcast_in_dim3A_240 = vector.broadcast %mul3A_239 : i32 to vector<16xi32>
        %broadcast_in_dim3A_241 = vector.shape_cast %broadcast_in_dim3A_240 : vector<16xi32> to vector<16x1xi32>
        %gather3A_242 = vector.shape_cast %broadcast_in_dim3A_241 : vector<16x1xi32> to vector<16xi32>
        %gather3A_243 = tpu.dynamic_gather %div3A[%gather3A_242] in [0] : vector<16xf32>, vector<16xi32> -> vector<16xf32>
        %mul3A_244 = arith.constant 2 : i32
        %mul3A_245 = arith.muli %mul3A_244, %add3A_94 : i32
        %add3A_246 = arith.constant 1 : i32
        %add3A_247 = arith.addi %mul3A_245, %add3A_246 : i32
        %broadcast_in_dim3A_248 = vector.broadcast %add3A_247 : i32 to vector<16xi32>
        %broadcast_in_dim3A_249 = vector.shape_cast %broadcast_in_dim3A_248 : vector<16xi32> to vector<16x1xi32>
        %gather3A_250 = vector.shape_cast %broadcast_in_dim3A_249 : vector<16x1xi32> to vector<16xi32>
        %gather3A_251 = tpu.dynamic_gather %div3A[%gather3A_250] in [0] : vector<16xf32>, vector<16xi32> -> vector<16xf32>
        %get3A_252 = arith.index_cast %scan3A_216 : i32 to index
        %get3A_253 = arith.constant 0 : index
        %get3A_254 = tpu.vector_load %arg20[%get3A_252, %get3A_253] {strides = array<i32>} : memref<80x128xf32, #tpu.memory_space<vmem>>, vector<1x16xf32>,
        %get3A_255 = vector.shape_cast %get3A_254 : vector<1x16xf32> to vector<16xf32>
        %mul3A_256 = arith.mulf %get3A_255, %gather3A_243 : vector<16xf32>
        %swap3A = arith.index_cast %scan3A_216 : i32 to index
        %swap3A_257 = arith.constant 0 : index
        %swap3A_258 = tpu.vector_load %arg20[%swap3A, %swap3A_257] {strides = array<i32>} : memref<80x128xf32, #tpu.memory_space<vmem>>, vector<1x16xf32>,
        %swap3A_259 = vector.shape_cast %swap3A_258 : vector<1x16xf32> to vector<16xf32>
        %swap3A_260 = vector.shape_cast %mul3A_256 : vector<16xf32> to vector<1x16xf32>
        tpu.vector_store %arg20[%swap3A, %swap3A_257], %swap3A_260 {strides = array<i32>} : memref<80x128xf32, #tpu.memory_space<vmem>>, vector<1x16xf32>,
        %get3A_261 = arith.index_cast %scan3A_216 : i32 to index
        %get3A_262 = arith.constant 16 : index
        %get3A_263 = tpu.vector_load %arg20[%get3A_261, %get3A_262] {strides = array<i32>} : memref<80x128xf32, #tpu.memory_space<vmem>>, vector<1x16xf32>,
        %get3A_264 = vector.shape_cast %get3A_263 : vector<1x16xf32> to vector<16xf32>
        %mul3A_265 = arith.mulf %get3A_264, %gather3A_243 : vector<16xf32>
        %swap3A_266 = arith.index_cast %scan3A_216 : i32 to index
        %swap3A_267 = arith.constant 16 : index
        %swap3A_268 = tpu.vector_load %arg20[%swap3A_266, %swap3A_267] {strides = array<i32>} : memref<80x128xf32, #tpu.memory_space<vmem>>, vector<1x16xf32>,
        %swap3A_269 = vector.shape_cast %swap3A_268 : vector<1x16xf32> to vector<16xf32>
        %swap3A_270 = vector.shape_cast %mul3A_265 : vector<16xf32> to vector<1x16xf32>
        tpu.vector_store %arg20[%swap3A_266, %swap3A_267], %swap3A_270 {strides = array<i32>} : memref<80x128xf32, #tpu.memory_space<vmem>>, vector<1x16xf32>,
        %get3A_271 = arith.index_cast %scan3A_216 : i32 to index
        %get3A_272 = arith.constant 32 : index
        %get3A_273 = tpu.vector_load %arg20[%get3A_271, %get3A_272] {strides = array<i32>} : memref<80x128xf32, #tpu.memory_space<vmem>>, vector<1x16xf32>,
        %get3A_274 = vector.shape_cast %get3A_273 : vector<1x16xf32> to vector<16xf32>
        %mul3A_275 = arith.mulf %get3A_274, %gather3A_243 : vector<16xf32>
        %swap3A_276 = arith.index_cast %scan3A_216 : i32 to index
        %swap3A_277 = arith.constant 32 : index
        %swap3A_278 = tpu.vector_load %arg20[%swap3A_276, %swap3A_277] {strides = array<i32>} : memref<80x128xf32, #tpu.memory_space<vmem>>, vector<1x16xf32>,
        %swap3A_279 = vector.shape_cast %swap3A_278 : vector<1x16xf32> to vector<16xf32>
        %swap3A_280 = vector.shape_cast %mul3A_275 : vector<16xf32> to vector<1x16xf32>
        tpu.vector_store %arg20[%swap3A_276, %swap3A_277], %swap3A_280 {strides = array<i32>} : memref<80x128xf32, #tpu.memory_space<vmem>>, vector<1x16xf32>,
        %get3A_281 = arith.index_cast %scan3A_216 : i32 to index
        %get3A_282 = arith.constant 48 : index
        %get3A_283 = tpu.vector_load %arg20[%get3A_281, %get3A_282] {strides = array<i32>} : memref<80x128xf32, #tpu.memory_space<vmem>>, vector<1x16xf32>,
        %get3A_284 = vector.shape_cast %get3A_283 : vector<1x16xf32> to vector<16xf32>
        %mul3A_285 = arith.mulf %get3A_284, %gather3A_243 : vector<16xf32>
        %swap3A_286 = arith.index_cast %scan3A_216 : i32 to index
        %swap3A_287 = arith.constant 48 : index
        %swap3A_288 = tpu.vector_load %arg20[%swap3A_286, %swap3A_287] {strides = array<i32>} : memref<80x128xf32, #tpu.memory_space<vmem>>, vector<1x16xf32>,
        %swap3A_289 = vector.shape_cast %swap3A_288 : vector<1x16xf32> to vector<16xf32>
        %swap3A_290 = vector.shape_cast %mul3A_285 : vector<16xf32> to vector<1x16xf32>
        tpu.vector_store %arg20[%swap3A_286, %swap3A_287], %swap3A_290 {strides = array<i32>} : memref<80x128xf32, #tpu.memory_space<vmem>>, vector<1x16xf32>,
        %get3A_291 = arith.index_cast %scan3A_216 : i32 to index
        %get3A_292 = arith.constant 64 : index
        %get3A_293 = tpu.vector_load %arg20[%get3A_291, %get3A_292] {strides = array<i32>} : memref<80x128xf32, #tpu.memory_space<vmem>>, vector<1x16xf32>,
        %get3A_294 = vector.shape_cast %get3A_293 : vector<1x16xf32> to vector<16xf32>
        %mul3A_295 = arith.mulf %get3A_294, %gather3A_251 : vector<16xf32>
        %swap3A_296 = arith.index_cast %scan3A_216 : i32 to index
        %swap3A_297 = arith.constant 64 : index
        %swap3A_298 = tpu.vector_load %arg20[%swap3A_296, %swap3A_297] {strides = array<i32>} : memref<80x128xf32, #tpu.memory_space<vmem>>, vector<1x16xf32>,
        %swap3A_299 = vector.shape_cast %swap3A_298 : vector<1x16xf32> to vector<16xf32>
        %swap3A_300 = vector.shape_cast %mul3A_295 : vector<16xf32> to vector<1x16xf32>
        tpu.vector_store %arg20[%swap3A_296, %swap3A_297], %swap3A_300 {strides = array<i32>} : memref<80x128xf32, #tpu.memory_space<vmem>>, vector<1x16xf32>,
        %get3A_301 = arith.index_cast %scan3A_216 : i32 to index
        %get3A_302 = arith.constant 80 : index
        %get3A_303 = tpu.vector_load %arg20[%get3A_301, %get3A_302] {strides = array<i32>} : memref<80x128xf32, #tpu.memory_space<vmem>>, vector<1x16xf32>,
        %get3A_304 = vector.shape_cast %get3A_303 : vector<1x16xf32> to vector<16xf32>
        %mul3A_305 = arith.mulf %get3A_304, %gather3A_251 : vector<16xf32>
        %swap3A_306 = arith.index_cast %scan3A_216 : i32 to index
        %swap3A_307 = arith.constant 80 : index
        %swap3A_308 = tpu.vector_load %arg20[%swap3A_306, %swap3A_307] {strides = array<i32>} : memref<80x128xf32, #tpu.memory_space<vmem>>, vector<1x16xf32>,
        %swap3A_309 = vector.shape_cast %swap3A_308 : vector<1x16xf32> to vector<16xf32>
        %swap3A_310 = vector.shape_cast %mul3A_305 : vector<16xf32> to vector<1x16xf32>
        tpu.vector_store %arg20[%swap3A_306, %swap3A_307], %swap3A_310 {strides = array<i32>} : memref<80x128xf32, #tpu.memory_space<vmem>>, vector<1x16xf32>,
        %get3A_311 = arith.index_cast %scan3A_216 : i32 to index
        %get3A_312 = arith.constant 96 : index
        %get3A_313 = tpu.vector_load %arg20[%get3A_311, %get3A_312] {strides = array<i32>} : memref<80x128xf32, #tpu.memory_space<vmem>>, vector<1x16xf32>,
        %get3A_314 = vector.shape_cast %get3A_313 : vector<1x16xf32> to vector<16xf32>
        %mul3A_315 = arith.mulf %get3A_314, %gather3A_251 : vector<16xf32>
        %swap3A_316 = arith.index_cast %scan3A_216 : i32 to index
        %swap3A_317 = arith.constant 96 : index
        %swap3A_318 = tpu.vector_load %arg20[%swap3A_316, %swap3A_317] {strides = array<i32>} : memref<80x128xf32, #tpu.memory_space<vmem>>, vector<1x16xf32>,
        %swap3A_319 = vector.shape_cast %swap3A_318 : vector<1x16xf32> to vector<16xf32>
        %swap3A_320 = vector.shape_cast %mul3A_315 : vector<16xf32> to vector<1x16xf32>
        tpu.vector_store %arg20[%swap3A_316, %swap3A_317], %swap3A_320 {strides = array<i32>} : memref<80x128xf32, #tpu.memory_space<vmem>>, vector<1x16xf32>,
        %get3A_321 = arith.index_cast %scan3A_216 : i32 to index
        %get3A_322 = arith.constant 112 : index
        %get3A_323 = tpu.vector_load %arg20[%get3A_321, %get3A_322] {strides = array<i32>} : memref<80x128xf32, #tpu.memory_space<vmem>>, vector<1x16xf32>,
        %get3A_324 = vector.shape_cast %get3A_323 : vector<1x16xf32> to vector<16xf32>
        %mul3A_325 = arith.mulf %get3A_324, %gather3A_251 : vector<16xf32>
        %swap3A_326 = arith.index_cast %scan3A_216 : i32 to index
        %swap3A_327 = arith.constant 112 : index
        %swap3A_328 = tpu.vector_load %arg20[%swap3A_326, %swap3A_327] {strides = array<i32>} : memref<80x128xf32, #tpu.memory_space<vmem>>, vector<1x16xf32>,
        %swap3A_329 = vector.shape_cast %swap3A_328 : vector<1x16xf32> to vector<16xf32>
        %swap3A_330 = vector.shape_cast %mul3A_325 : vector<16xf32> to vector<1x16xf32>
        tpu.vector_store %arg20[%swap3A_326, %swap3A_327], %swap3A_330 {strides = array<i32>} : memref<80x128xf32, #tpu.memory_space<vmem>>, vector<1x16xf32>,
        %scan3A_331 = arith.constant 0 : i32
        scf.yield %scan3A_331 : i32
      }
      %scan3A_189 = arith.constant 80 : i32
      "tpu.region"() ({
        %run_scoped3A = tpu.sem_alloc : memref<!tpu.dma_semaphore, #tpu.memory_space<semaphore_mem>>
        %dma_start3A_216 = arith.constant 0 : i32
        %dma_start3A_217 = arith.constant 0 : i32
        %dma_start3A_218 = tpu.memref_slice %arg28[%dma_start3A_216, %dma_start3A_217] : memref<10000x128xf32, #tpu.memory_space<vmem_shared>> -> memref<10000x128xf32, #tpu.memory_space<vmem_shared>>
        tpu.enqueue_indirect_dma source(%arg20 : memref<80x128xf32, #tpu.memory_space<vmem>>) target(%dma_start3A_218 : memref<10000x128xf32, #tpu.memory_space<vmem_shared>>) offsets(%arg9 : memref<80xi32, #tpu.memory_space<vmem>>) semaphore(%run_scoped3A : memref<!tpu.dma_semaphore, #tpu.memory_space<semaphore_mem>>) {add = true}
        %dma_wait3A_219 = arith.constant 0 : i32
        %dma_wait3A_220 = arith.constant 0 : i32
        %dma_wait3A_221 = tpu.memref_slice %arg28[%dma_wait3A_219, %dma_wait3A_220] : memref<10000x128xf32, #tpu.memory_space<vmem_shared>> -> memref<10000x128xf32, #tpu.memory_space<vmem_shared>>
        tpu.wait_indirect_dma semaphore(%run_scoped3A : memref<!tpu.dma_semaphore, #tpu.memory_space<semaphore_mem>>) src(%arg20 : memref<80x128xf32, #tpu.memory_space<vmem>>) dst(%dma_wait3A_221 : memref<10000x128xf32, #tpu.memory_space<vmem_shared>>)
        tpu.yield
      }) : () -> ()
      %mul3A_190 = arith.constant 2 : i32
      %mul3A_191 = arith.muli %mul3A_190, %scan3A_144 : i32
      %add3A_192 = arith.constant 2 : i32
      %add3A_193 = arith.addi %mul3A_191, %add3A_192 : i32
      %lt3A = arith.constant 250 : i32
      %lt3A_194 = arith.cmpi slt, %add3A_193, %lt3A : i32
      %convert_element_type3A = arith.extui %lt3A_194 : i1 to i32
      %cond3A = arith.constant 0 : i32
      %cond3A_195 = arith.cmpi ne, %convert_element_type3A, %cond3A : i32
      scf.if %cond3A_195 {
        %mul3A_216 = arith.constant 2 : i32
        %mul3A_217 = arith.muli %mul3A_216, %scan3A_144 : i32
        %add3A_218 = arith.constant 2 : i32
        %add3A_219 = arith.addi %mul3A_217, %add3A_218 : i32
        %mul3A_220 = arith.constant 80 : i32
        %mul3A_221 = arith.muli %add3A_219, %mul3A_220 : i32
        %add3A_222 = arith.addi %mul3A_0, %mul3A_221 : i32
        "tpu.region"() ({
          %run_scoped3A = tpu.sem_alloc : memref<!tpu.dma_semaphore, #tpu.memory_space<semaphore_mem>>
          %dma_start3A_242 = tpu.memref_slice %arg2[%add3A_222] : memref<320000xi32, #tpu.memory_space<hbm>> -> memref<80xi32, #tpu.memory_space<hbm>>
          %dma_start3A_243 = tpu.memref_slice %arg2[%add3A_222] : memref<320000xi32, #tpu.memory_space<hbm>> -> memref<80xi32, #tpu.memory_space<hbm>>
          tpu.enqueue_dma source(%dma_start3A_243 : memref<80xi32, #tpu.memory_space<hbm>>) target(%arg7 : memref<80xi32, #tpu.memory_space<vmem>>) target_semaphore(%run_scoped3A : memref<!tpu.dma_semaphore, #tpu.memory_space<semaphore_mem>>)
          %dma_wait3A_244 = tpu.memref_slice %arg2[%add3A_222] : memref<320000xi32, #tpu.memory_space<hbm>> -> memref<80xi32, #tpu.memory_space<hbm>>
          %dma_wait3A_245 = tpu.memref_slice %arg2[%add3A_222] : memref<320000xi32, #tpu.memory_space<hbm>> -> memref<80xi32, #tpu.memory_space<hbm>>
          tpu.wait_dma2 semaphore(%run_scoped3A : memref<!tpu.dma_semaphore, #tpu.memory_space<semaphore_mem>>) src(%dma_wait3A_245 : memref<80xi32, #tpu.memory_space<hbm>>) dst(%arg7 : memref<80xi32, #tpu.memory_space<vmem>>)
          tpu.yield
        }) : () -> ()
        "tpu.region"() ({
          %run_scoped3A = tpu.sem_alloc : memref<!tpu.dma_semaphore, #tpu.memory_space<semaphore_mem>>
          %dma_start3A_242 = tpu.memref_slice %arg3[%add3A_222] : memref<320000xi32, #tpu.memory_space<hbm>> -> memref<80xi32, #tpu.memory_space<hbm>>
          %dma_start3A_243 = tpu.memref_slice %arg3[%add3A_222] : memref<320000xi32, #tpu.memory_space<hbm>> -> memref<80xi32, #tpu.memory_space<hbm>>
          tpu.enqueue_dma source(%dma_start3A_243 : memref<80xi32, #tpu.memory_space<hbm>>) target(%arg9 : memref<80xi32, #tpu.memory_space<vmem>>) target_semaphore(%run_scoped3A : memref<!tpu.dma_semaphore, #tpu.memory_space<semaphore_mem>>)
          %dma_wait3A_244 = tpu.memref_slice %arg3[%add3A_222] : memref<320000xi32, #tpu.memory_space<hbm>> -> memref<80xi32, #tpu.memory_space<hbm>>
          %dma_wait3A_245 = tpu.memref_slice %arg3[%add3A_222] : memref<320000xi32, #tpu.memory_space<hbm>> -> memref<80xi32, #tpu.memory_space<hbm>>
          tpu.wait_dma2 semaphore(%run_scoped3A : memref<!tpu.dma_semaphore, #tpu.memory_space<semaphore_mem>>) src(%dma_wait3A_245 : memref<80xi32, #tpu.memory_space<hbm>>) dst(%arg9 : memref<80xi32, #tpu.memory_space<vmem>>)
          tpu.yield
        }) : () -> ()
        %scan3A_223 = arith.constant 0 : i32
        %scan3A_224 = arith.constant 0 : i32
        %scan3A_225 = arith.constant 5 : i32
        %scan3A_226 = arith.addi %scan3A_224, %scan3A_225 : i32
        %scan3A_227 = arith.constant 1 : i32
        %scan3A_228 = scf.for %scan3A_242 = %scan3A_224 to %scan3A_226 step %scan3A_227 iter_args(%scan3A_243 = %scan3A_223) -> (i32)  : i32 {
          %mul3A_244 = arith.constant 16 : i32
          %mul3A_245 = arith.muli %scan3A_242, %mul3A_244 : i32
          %get3A = arith.index_cast %mul3A_245 : i32 to index
          %get3A_246 = tpu.vector_load %arg7[%get3A] {strides = array<i32>} : memref<80xi32, #tpu.memory_space<vmem>>, vector<16xi32>,
          %get3A_247 = vector.shape_cast %get3A_246 : vector<16xi32> to vector<16xi32>
          %mul3A_248 = arith.constant 10240 : i32
          %mul3A_249 = arith.muli %add3A_94, %mul3A_248 : i32
          %add3A_250 = vector.broadcast %mul3A_249 : i32 to vector<16xi32>
          %add3A_251 = arith.addi %get3A_247, %add3A_250 : vector<16xi32>
          %mul3A_252 = arith.constant 16 : i32
          %mul3A_253 = arith.muli %scan3A_242, %mul3A_252 : i32
          %swap3A = arith.index_cast %mul3A_253 : i32 to index
          %swap3A_254 = tpu.vector_load %arg11[%swap3A] {strides = array<i32>} : memref<80xi32, #tpu.memory_space<vmem>>, vector<16xi32>,
          %swap3A_255 = vector.shape_cast %swap3A_254 : vector<16xi32> to vector<16xi32>
          %swap3A_256 = vector.shape_cast %add3A_251 : vector<16xi32> to vector<16xi32>
          tpu.vector_store %arg11[%swap3A], %swap3A_256 {strides = array<i32>} : memref<80xi32, #tpu.memory_space<vmem>>, vector<16xi32>,
          %scan3A_257 = arith.constant 0 : i32
          scf.yield %scan3A_257 : i32
        }
        %scan3A_229 = arith.constant 5 : i32
        %dma_start3A_230 = arith.constant 0 : i32
        %dma_start3A_231 = arith.constant 0 : i32
        %dma_start3A_232 = tpu.memref_slice %arg5[%dma_start3A_230, %dma_start3A_231] : memref<40960x128xf32, #tpu.memory_space<hbm>> -> memref<40960x128xf32, #tpu.memory_space<hbm>>
        tpu.enqueue_indirect_dma source(%dma_start3A_232 : memref<40960x128xf32, #tpu.memory_space<hbm>>) target(%arg20 : memref<80x128xf32, #tpu.memory_space<vmem>>) offsets(%arg11 : memref<80xi32, #tpu.memory_space<vmem>>) semaphore(%arg22 : memref<!tpu.dma_semaphore, #tpu.memory_space<semaphore_mem>>)
        %dma_start3A_233 = arith.constant 0 : i32
        %dma_start3A_234 = arith.constant 0 : i32
        %dma_start3A_235 = tpu.memref_slice %arg27[%dma_start3A_233, %dma_start3A_234] : memref<10000x16xf32, #tpu.memory_space<vmem_shared>> -> memref<10000x16xf32, #tpu.memory_space<vmem_shared>>
        tpu.enqueue_indirect_dma source(%dma_start3A_235 : memref<10000x16xf32, #tpu.memory_space<vmem_shared>>) target(%arg13 : memref<80x16xf32, #tpu.memory_space<vmem>>) offsets(%arg7 : memref<80xi32, #tpu.memory_space<vmem>>) semaphore(%arg24 : memref<!tpu.dma_semaphore, #tpu.memory_space<semaphore_mem>>)
        %dma_start3A_236 = arith.constant 0 : i32
        %dma_start3A_237 = arith.constant 0 : i32
        %dma_start3A_238 = tpu.memref_slice %arg27[%dma_start3A_236, %dma_start3A_237] : memref<10000x16xf32, #tpu.memory_space<vmem_shared>> -> memref<10000x16xf32, #tpu.memory_space<vmem_shared>>
        tpu.enqueue_indirect_dma source(%dma_start3A_238 : memref<10000x16xf32, #tpu.memory_space<vmem_shared>>) target(%arg15 : memref<80x16xf32, #tpu.memory_space<vmem>>) offsets(%arg9 : memref<80xi32, #tpu.memory_space<vmem>>) semaphore(%arg24 : memref<!tpu.dma_semaphore, #tpu.memory_space<semaphore_mem>>)
        %dma_start3A_239 = arith.constant 0 : i32
        %dma_start3A_240 = arith.constant 0 : i32
        %dma_start3A_241 = tpu.memref_slice %arg26[%dma_start3A_239, %dma_start3A_240] : memref<10000x16xf32, #tpu.memory_space<vmem_shared>> -> memref<10000x16xf32, #tpu.memory_space<vmem_shared>>
        tpu.enqueue_indirect_dma source(%dma_start3A_241 : memref<10000x16xf32, #tpu.memory_space<vmem_shared>>) target(%arg17 : memref<80x16xf32, #tpu.memory_space<vmem>>) offsets(%arg9 : memref<80xi32, #tpu.memory_space<vmem>>) semaphore(%arg24 : memref<!tpu.dma_semaphore, #tpu.memory_space<semaphore_mem>>)
      } else {
      }
      %dma_wait3A_196 = arith.constant 0 : i32
      %dma_wait3A_197 = arith.constant 0 : i32
      %dma_wait3A_198 = tpu.memref_slice %arg27[%dma_wait3A_196, %dma_wait3A_197] : memref<10000x16xf32, #tpu.memory_space<vmem_shared>> -> memref<10000x16xf32, #tpu.memory_space<vmem_shared>>
      tpu.wait_indirect_dma semaphore(%arg25 : memref<!tpu.dma_semaphore, #tpu.memory_space<semaphore_mem>>) src(%dma_wait3A_198 : memref<10000x16xf32, #tpu.memory_space<vmem_shared>>) dst(%arg14 : memref<80x16xf32, #tpu.memory_space<vmem>>)
      %dma_wait3A_199 = arith.constant 0 : i32
      %dma_wait3A_200 = arith.constant 0 : i32
      %dma_wait3A_201 = tpu.memref_slice %arg27[%dma_wait3A_199, %dma_wait3A_200] : memref<10000x16xf32, #tpu.memory_space<vmem_shared>> -> memref<10000x16xf32, #tpu.memory_space<vmem_shared>>
      tpu.wait_indirect_dma semaphore(%arg25 : memref<!tpu.dma_semaphore, #tpu.memory_space<semaphore_mem>>) src(%dma_wait3A_201 : memref<10000x16xf32, #tpu.memory_space<vmem_shared>>) dst(%arg16 : memref<80x16xf32, #tpu.memory_space<vmem>>)
      %dma_wait3A_202 = arith.constant 0 : i32
      %dma_wait3A_203 = arith.constant 0 : i32
      %dma_wait3A_204 = tpu.memref_slice %arg26[%dma_wait3A_202, %dma_wait3A_203] : memref<10000x16xf32, #tpu.memory_space<vmem_shared>> -> memref<10000x16xf32, #tpu.memory_space<vmem_shared>>
      tpu.wait_indirect_dma semaphore(%arg25 : memref<!tpu.dma_semaphore, #tpu.memory_space<semaphore_mem>>) src(%dma_wait3A_204 : memref<10000x16xf32, #tpu.memory_space<vmem_shared>>) dst(%arg18 : memref<80x16xf32, #tpu.memory_space<vmem>>)
      %dma_wait3A_205 = arith.constant 0 : i32
      %dma_wait3A_206 = arith.constant 0 : i32
      %dma_wait3A_207 = tpu.memref_slice %arg5[%dma_wait3A_205, %dma_wait3A_206] : memref<40960x128xf32, #tpu.memory_space<hbm>> -> memref<40960x128xf32, #tpu.memory_space<hbm>>
      tpu.wait_indirect_dma semaphore(%arg23 : memref<!tpu.dma_semaphore, #tpu.memory_space<semaphore_mem>>) src(%dma_wait3A_207 : memref<40960x128xf32, #tpu.memory_space<hbm>>) dst(%arg21 : memref<80x128xf32, #tpu.memory_space<vmem>>)
      %scan3A_208 = arith.constant 0 : i32
      %scan3A_209 = arith.constant 0 : i32
      %scan3A_210 = arith.constant 80 : i32
      %scan3A_211 = arith.addi %scan3A_209, %scan3A_210 : i32
      %scan3A_212 = arith.constant 1 : i32
      %scan3A_213 = scf.for %scan3A_216 = %scan3A_209 to %scan3A_211 step %scan3A_212 iter_args(%scan3A_217 = %scan3A_208) -> (i32)  : i32 {
        %get3A = arith.index_cast %scan3A_216 : i32 to index
        %get3A_218 = arith.constant 0 : index
        %get3A_219 = tpu.vector_load %arg14[%get3A, %get3A_218] {strides = array<i32>} : memref<80x16xf32, #tpu.memory_space<vmem>>, vector<1x16xf32>,
        %get3A_220 = vector.shape_cast %get3A_219 : vector<1x16xf32> to vector<16xf32>
        %get3A_221 = arith.index_cast %scan3A_216 : i32 to index
        %get3A_222 = arith.constant 0 : index
        %get3A_223 = tpu.vector_load %arg16[%get3A_221, %get3A_222] {strides = array<i32>} : memref<80x16xf32, #tpu.memory_space<vmem>>, vector<1x16xf32>,
        %get3A_224 = vector.shape_cast %get3A_223 : vector<1x16xf32> to vector<16xf32>
        %broadcast_in_dim3A_225 = vector.shape_cast %and3A_22 : vector<16xi32> to vector<16x1xi32>
        %gather3A = vector.shape_cast %broadcast_in_dim3A_225 : vector<16x1xi32> to vector<16xi32>
        %gather3A_226 = tpu.dynamic_gather %get3A_224[%gather3A] in [0] : vector<16xf32>, vector<16xi32> -> vector<16xf32>
        %add3A_227 = arith.addf %get3A_220, %gather3A_226 : vector<16xf32>
        %mul3A_228 = arith.constant 2.000000e-01 : f32
        %mul3A_229 = vector.broadcast %mul3A_228 : f32 to vector<16xf32>
        %mul3A_230 = arith.mulf %mul3A_229, %add3A_227 : vector<16xf32>
        %max3A = arith.maximumf %add3A_227, %mul3A_230 : vector<16xf32>
        %exp3A = math.exp %max3A : vector<16xf32>
        %get3A_231 = arith.index_cast %scan3A_216 : i32 to index
        %get3A_232 = arith.constant 0 : index
        %get3A_233 = tpu.vector_load %arg18[%get3A_231, %get3A_232] {strides = array<i32>} : memref<80x16xf32, #tpu.memory_space<vmem>>, vector<1x16xf32>,
        %get3A_234 = vector.shape_cast %get3A_233 : vector<1x16xf32> to vector<16xf32>
        %add3A_235 = arith.constant 9.99999971E-10 : f32
        %add3A_236 = vector.broadcast %add3A_235 : f32 to vector<16xf32>
        %add3A_237 = arith.addf %get3A_234, %add3A_236 : vector<16xf32>
        %div3A = arith.divf %exp3A, %add3A_237 : vector<16xf32>
        %mul3A_238 = arith.constant 2 : i32
        %mul3A_239 = arith.muli %mul3A_238, %add3A_94 : i32
        %broadcast_in_dim3A_240 = vector.broadcast %mul3A_239 : i32 to vector<16xi32>
        %broadcast_in_dim3A_241 = vector.shape_cast %broadcast_in_dim3A_240 : vector<16xi32> to vector<16x1xi32>
        %gather3A_242 = vector.shape_cast %broadcast_in_dim3A_241 : vector<16x1xi32> to vector<16xi32>
        %gather3A_243 = tpu.dynamic_gather %div3A[%gather3A_242] in [0] : vector<16xf32>, vector<16xi32> -> vector<16xf32>
        %mul3A_244 = arith.constant 2 : i32
        %mul3A_245 = arith.muli %mul3A_244, %add3A_94 : i32
        %add3A_246 = arith.constant 1 : i32
        %add3A_247 = arith.addi %mul3A_245, %add3A_246 : i32
        %broadcast_in_dim3A_248 = vector.broadcast %add3A_247 : i32 to vector<16xi32>
        %broadcast_in_dim3A_249 = vector.shape_cast %broadcast_in_dim3A_248 : vector<16xi32> to vector<16x1xi32>
        %gather3A_250 = vector.shape_cast %broadcast_in_dim3A_249 : vector<16x1xi32> to vector<16xi32>
        %gather3A_251 = tpu.dynamic_gather %div3A[%gather3A_250] in [0] : vector<16xf32>, vector<16xi32> -> vector<16xf32>
        %get3A_252 = arith.index_cast %scan3A_216 : i32 to index
        %get3A_253 = arith.constant 0 : index
        %get3A_254 = tpu.vector_load %arg21[%get3A_252, %get3A_253] {strides = array<i32>} : memref<80x128xf32, #tpu.memory_space<vmem>>, vector<1x16xf32>,
        %get3A_255 = vector.shape_cast %get3A_254 : vector<1x16xf32> to vector<16xf32>
        %mul3A_256 = arith.mulf %get3A_255, %gather3A_243 : vector<16xf32>
        %swap3A = arith.index_cast %scan3A_216 : i32 to index
        %swap3A_257 = arith.constant 0 : index
        %swap3A_258 = tpu.vector_load %arg21[%swap3A, %swap3A_257] {strides = array<i32>} : memref<80x128xf32, #tpu.memory_space<vmem>>, vector<1x16xf32>,
        %swap3A_259 = vector.shape_cast %swap3A_258 : vector<1x16xf32> to vector<16xf32>
        %swap3A_260 = vector.shape_cast %mul3A_256 : vector<16xf32> to vector<1x16xf32>
        tpu.vector_store %arg21[%swap3A, %swap3A_257], %swap3A_260 {strides = array<i32>} : memref<80x128xf32, #tpu.memory_space<vmem>>, vector<1x16xf32>,
        %get3A_261 = arith.index_cast %scan3A_216 : i32 to index
        %get3A_262 = arith.constant 16 : index
        %get3A_263 = tpu.vector_load %arg21[%get3A_261, %get3A_262] {strides = array<i32>} : memref<80x128xf32, #tpu.memory_space<vmem>>, vector<1x16xf32>,
        %get3A_264 = vector.shape_cast %get3A_263 : vector<1x16xf32> to vector<16xf32>
        %mul3A_265 = arith.mulf %get3A_264, %gather3A_243 : vector<16xf32>
        %swap3A_266 = arith.index_cast %scan3A_216 : i32 to index
        %swap3A_267 = arith.constant 16 : index
        %swap3A_268 = tpu.vector_load %arg21[%swap3A_266, %swap3A_267] {strides = array<i32>} : memref<80x128xf32, #tpu.memory_space<vmem>>, vector<1x16xf32>,
        %swap3A_269 = vector.shape_cast %swap3A_268 : vector<1x16xf32> to vector<16xf32>
        %swap3A_270 = vector.shape_cast %mul3A_265 : vector<16xf32> to vector<1x16xf32>
        tpu.vector_store %arg21[%swap3A_266, %swap3A_267], %swap3A_270 {strides = array<i32>} : memref<80x128xf32, #tpu.memory_space<vmem>>, vector<1x16xf32>,
        %get3A_271 = arith.index_cast %scan3A_216 : i32 to index
        %get3A_272 = arith.constant 32 : index
        %get3A_273 = tpu.vector_load %arg21[%get3A_271, %get3A_272] {strides = array<i32>} : memref<80x128xf32, #tpu.memory_space<vmem>>, vector<1x16xf32>,
        %get3A_274 = vector.shape_cast %get3A_273 : vector<1x16xf32> to vector<16xf32>
        %mul3A_275 = arith.mulf %get3A_274, %gather3A_243 : vector<16xf32>
        %swap3A_276 = arith.index_cast %scan3A_216 : i32 to index
        %swap3A_277 = arith.constant 32 : index
        %swap3A_278 = tpu.vector_load %arg21[%swap3A_276, %swap3A_277] {strides = array<i32>} : memref<80x128xf32, #tpu.memory_space<vmem>>, vector<1x16xf32>,
        %swap3A_279 = vector.shape_cast %swap3A_278 : vector<1x16xf32> to vector<16xf32>
        %swap3A_280 = vector.shape_cast %mul3A_275 : vector<16xf32> to vector<1x16xf32>
        tpu.vector_store %arg21[%swap3A_276, %swap3A_277], %swap3A_280 {strides = array<i32>} : memref<80x128xf32, #tpu.memory_space<vmem>>, vector<1x16xf32>,
        %get3A_281 = arith.index_cast %scan3A_216 : i32 to index
        %get3A_282 = arith.constant 48 : index
        %get3A_283 = tpu.vector_load %arg21[%get3A_281, %get3A_282] {strides = array<i32>} : memref<80x128xf32, #tpu.memory_space<vmem>>, vector<1x16xf32>,
        %get3A_284 = vector.shape_cast %get3A_283 : vector<1x16xf32> to vector<16xf32>
        %mul3A_285 = arith.mulf %get3A_284, %gather3A_243 : vector<16xf32>
        %swap3A_286 = arith.index_cast %scan3A_216 : i32 to index
        %swap3A_287 = arith.constant 48 : index
        %swap3A_288 = tpu.vector_load %arg21[%swap3A_286, %swap3A_287] {strides = array<i32>} : memref<80x128xf32, #tpu.memory_space<vmem>>, vector<1x16xf32>,
        %swap3A_289 = vector.shape_cast %swap3A_288 : vector<1x16xf32> to vector<16xf32>
        %swap3A_290 = vector.shape_cast %mul3A_285 : vector<16xf32> to vector<1x16xf32>
        tpu.vector_store %arg21[%swap3A_286, %swap3A_287], %swap3A_290 {strides = array<i32>} : memref<80x128xf32, #tpu.memory_space<vmem>>, vector<1x16xf32>,
        %get3A_291 = arith.index_cast %scan3A_216 : i32 to index
        %get3A_292 = arith.constant 64 : index
        %get3A_293 = tpu.vector_load %arg21[%get3A_291, %get3A_292] {strides = array<i32>} : memref<80x128xf32, #tpu.memory_space<vmem>>, vector<1x16xf32>,
        %get3A_294 = vector.shape_cast %get3A_293 : vector<1x16xf32> to vector<16xf32>
        %mul3A_295 = arith.mulf %get3A_294, %gather3A_251 : vector<16xf32>
        %swap3A_296 = arith.index_cast %scan3A_216 : i32 to index
        %swap3A_297 = arith.constant 64 : index
        %swap3A_298 = tpu.vector_load %arg21[%swap3A_296, %swap3A_297] {strides = array<i32>} : memref<80x128xf32, #tpu.memory_space<vmem>>, vector<1x16xf32>,
        %swap3A_299 = vector.shape_cast %swap3A_298 : vector<1x16xf32> to vector<16xf32>
        %swap3A_300 = vector.shape_cast %mul3A_295 : vector<16xf32> to vector<1x16xf32>
        tpu.vector_store %arg21[%swap3A_296, %swap3A_297], %swap3A_300 {strides = array<i32>} : memref<80x128xf32, #tpu.memory_space<vmem>>, vector<1x16xf32>,
        %get3A_301 = arith.index_cast %scan3A_216 : i32 to index
        %get3A_302 = arith.constant 80 : index
        %get3A_303 = tpu.vector_load %arg21[%get3A_301, %get3A_302] {strides = array<i32>} : memref<80x128xf32, #tpu.memory_space<vmem>>, vector<1x16xf32>,
        %get3A_304 = vector.shape_cast %get3A_303 : vector<1x16xf32> to vector<16xf32>
        %mul3A_305 = arith.mulf %get3A_304, %gather3A_251 : vector<16xf32>
        %swap3A_306 = arith.index_cast %scan3A_216 : i32 to index
        %swap3A_307 = arith.constant 80 : index
        %swap3A_308 = tpu.vector_load %arg21[%swap3A_306, %swap3A_307] {strides = array<i32>} : memref<80x128xf32, #tpu.memory_space<vmem>>, vector<1x16xf32>,
        %swap3A_309 = vector.shape_cast %swap3A_308 : vector<1x16xf32> to vector<16xf32>
        %swap3A_310 = vector.shape_cast %mul3A_305 : vector<16xf32> to vector<1x16xf32>
        tpu.vector_store %arg21[%swap3A_306, %swap3A_307], %swap3A_310 {strides = array<i32>} : memref<80x128xf32, #tpu.memory_space<vmem>>, vector<1x16xf32>,
        %get3A_311 = arith.index_cast %scan3A_216 : i32 to index
        %get3A_312 = arith.constant 96 : index
        %get3A_313 = tpu.vector_load %arg21[%get3A_311, %get3A_312] {strides = array<i32>} : memref<80x128xf32, #tpu.memory_space<vmem>>, vector<1x16xf32>,
        %get3A_314 = vector.shape_cast %get3A_313 : vector<1x16xf32> to vector<16xf32>
        %mul3A_315 = arith.mulf %get3A_314, %gather3A_251 : vector<16xf32>
        %swap3A_316 = arith.index_cast %scan3A_216 : i32 to index
        %swap3A_317 = arith.constant 96 : index
        %swap3A_318 = tpu.vector_load %arg21[%swap3A_316, %swap3A_317] {strides = array<i32>} : memref<80x128xf32, #tpu.memory_space<vmem>>, vector<1x16xf32>,
        %swap3A_319 = vector.shape_cast %swap3A_318 : vector<1x16xf32> to vector<16xf32>
        %swap3A_320 = vector.shape_cast %mul3A_315 : vector<16xf32> to vector<1x16xf32>
        tpu.vector_store %arg21[%swap3A_316, %swap3A_317], %swap3A_320 {strides = array<i32>} : memref<80x128xf32, #tpu.memory_space<vmem>>, vector<1x16xf32>,
        %get3A_321 = arith.index_cast %scan3A_216 : i32 to index
        %get3A_322 = arith.constant 112 : index
        %get3A_323 = tpu.vector_load %arg21[%get3A_321, %get3A_322] {strides = array<i32>} : memref<80x128xf32, #tpu.memory_space<vmem>>, vector<1x16xf32>,
        %get3A_324 = vector.shape_cast %get3A_323 : vector<1x16xf32> to vector<16xf32>
        %mul3A_325 = arith.mulf %get3A_324, %gather3A_251 : vector<16xf32>
        %swap3A_326 = arith.index_cast %scan3A_216 : i32 to index
        %swap3A_327 = arith.constant 112 : index
        %swap3A_328 = tpu.vector_load %arg21[%swap3A_326, %swap3A_327] {strides = array<i32>} : memref<80x128xf32, #tpu.memory_space<vmem>>, vector<1x16xf32>,
        %swap3A_329 = vector.shape_cast %swap3A_328 : vector<1x16xf32> to vector<16xf32>
        %swap3A_330 = vector.shape_cast %mul3A_325 : vector<16xf32> to vector<1x16xf32>
        tpu.vector_store %arg21[%swap3A_326, %swap3A_327], %swap3A_330 {strides = array<i32>} : memref<80x128xf32, #tpu.memory_space<vmem>>, vector<1x16xf32>,
        %scan3A_331 = arith.constant 0 : i32
        scf.yield %scan3A_331 : i32
      }
      %scan3A_214 = arith.constant 80 : i32
      "tpu.region"() ({
        %run_scoped3A = tpu.sem_alloc : memref<!tpu.dma_semaphore, #tpu.memory_space<semaphore_mem>>
        %dma_start3A_216 = arith.constant 0 : i32
        %dma_start3A_217 = arith.constant 0 : i32
        %dma_start3A_218 = tpu.memref_slice %arg28[%dma_start3A_216, %dma_start3A_217] : memref<10000x128xf32, #tpu.memory_space<vmem_shared>> -> memref<10000x128xf32, #tpu.memory_space<vmem_shared>>
        tpu.enqueue_indirect_dma source(%arg21 : memref<80x128xf32, #tpu.memory_space<vmem>>) target(%dma_start3A_218 : memref<10000x128xf32, #tpu.memory_space<vmem_shared>>) offsets(%arg10 : memref<80xi32, #tpu.memory_space<vmem>>) semaphore(%run_scoped3A : memref<!tpu.dma_semaphore, #tpu.memory_space<semaphore_mem>>) {add = true}
        %dma_wait3A_219 = arith.constant 0 : i32
        %dma_wait3A_220 = arith.constant 0 : i32
        %dma_wait3A_221 = tpu.memref_slice %arg28[%dma_wait3A_219, %dma_wait3A_220] : memref<10000x128xf32, #tpu.memory_space<vmem_shared>> -> memref<10000x128xf32, #tpu.memory_space<vmem_shared>>
        tpu.wait_indirect_dma semaphore(%run_scoped3A : memref<!tpu.dma_semaphore, #tpu.memory_space<semaphore_mem>>) src(%arg21 : memref<80x128xf32, #tpu.memory_space<vmem>>) dst(%dma_wait3A_221 : memref<10000x128xf32, #tpu.memory_space<vmem_shared>>)
        tpu.yield
      }) : () -> ()
      %scan3A_215 = arith.constant 0 : i32
      scf.yield %scan3A_215 : i32
    }
    %scan3A_137 = arith.constant 125 : i32
    %barrier3A_138 = arith.constant 0 : index
    tpu.barrier barrier_id(%barrier3A_138)
    %mul3A_139 = arith.constant 625 : i32
    %mul3A_140 = arith.muli %arg1, %mul3A_139 : i32
    %mul3A_141 = arith.constant 625 : i32
    %mul3A_142 = arith.muli %arg1, %mul3A_141 : i32
    "tpu.region"() ({
      %run_scoped3A = tpu.sem_alloc : memref<!tpu.dma_semaphore, #tpu.memory_space<semaphore_mem>>
      %dma_start3A_144 = arith.constant 0 : i32
      %dma_start3A_145 = tpu.memref_slice %arg6[%add3A_94, %mul3A_142, %dma_start3A_144] : memref<4x10000x128xf32, #tpu.memory_space<hbm>> -> memref<1x625x128xf32, #tpu.memory_space<hbm>>
      %dma_start3A_146 = tpu.memref_squeeze %dma_start3A_145 : memref<1x625x128xf32, #tpu.memory_space<hbm>> -> memref<625x128xf32, #tpu.memory_space<hbm>>
      %dma_start3A_147 = arith.constant 0 : i32
      %dma_start3A_148 = tpu.memref_slice %arg28[%mul3A_140, %dma_start3A_147] : memref<10000x128xf32, #tpu.memory_space<vmem_shared>> -> memref<625x128xf32, #tpu.memory_space<vmem_shared>>
      tpu.enqueue_dma source(%dma_start3A_148 : memref<625x128xf32, #tpu.memory_space<vmem_shared>>) target(%dma_start3A_146 : memref<625x128xf32, #tpu.memory_space<hbm>>) target_semaphore(%run_scoped3A : memref<!tpu.dma_semaphore, #tpu.memory_space<semaphore_mem>>)
      %dma_wait3A = arith.constant 0 : i32
      %dma_wait3A_149 = tpu.memref_slice %arg6[%add3A_94, %mul3A_142, %dma_wait3A] : memref<4x10000x128xf32, #tpu.memory_space<hbm>> -> memref<1x625x128xf32, #tpu.memory_space<hbm>>
      %dma_wait3A_150 = tpu.memref_squeeze %dma_wait3A_149 : memref<1x625x128xf32, #tpu.memory_space<hbm>> -> memref<625x128xf32, #tpu.memory_space<hbm>>
      %dma_wait3A_151 = arith.constant 0 : i32
      %dma_wait3A_152 = tpu.memref_slice %arg28[%mul3A_140, %dma_wait3A_151] : memref<10000x128xf32, #tpu.memory_space<vmem_shared>> -> memref<625x128xf32, #tpu.memory_space<vmem_shared>>
      tpu.wait_dma2 semaphore(%run_scoped3A : memref<!tpu.dma_semaphore, #tpu.memory_space<semaphore_mem>>) src(%dma_wait3A_152 : memref<625x128xf32, #tpu.memory_space<vmem_shared>>) dst(%dma_wait3A_150 : memref<625x128xf32, #tpu.memory_space<hbm>>)
      tpu.yield
    }) : () -> ()
    %barrier3A_143 = arith.constant 0 : index
    tpu.barrier barrier_id(%barrier3A_143)
    return
  }
}

#map = affine_map<(d0, d1) -> (0)>
#map1 = affine_map<(d0, d1) -> (0, 0)>
#map2 = affine_map<(d0, d1) -> (0, 0, 0)>
module attributes {stable_mosaic.version = 14 : i64} {
  func.func @k(%arg0: i32, %arg1: i32, %arg2: memref<320000xi32, #tpu.memory_space<hbm>>, %arg3: memref<320000xi32, #tpu.memory_space<hbm>>, %arg4: memref<10240x16xf32, #tpu.memory_space<hbm>>, %arg5: memref<40960x128xf32, #tpu.memory_space<hbm>>, %arg6: memref<4x10000x128xf32, #tpu.memory_space<hbm>>, %arg7: memref<80xi32, #tpu.memory_space<vmem>>, %arg8: memref<80xi32, #tpu.memory_space<vmem>>, %arg9: memref<80xi32, #tpu.memory_space<vmem>>, %arg10: memref<80xi32, #tpu.memory_space<vmem>>, %arg11: memref<80xi32, #tpu.memory_space<vmem>>, %arg12: memref<80xi32, #tpu.memory_space<vmem>>, %arg13: memref<80x16xf32, #tpu.memory_space<vmem>>, %arg14: memref<80x16xf32, #tpu.memory_space<vmem>>, %arg15: memref<80x16xf32, #tpu.memory_space<vmem>>, %arg16: memref<80x16xf32, #tpu.memory_space<vmem>>, %arg17: memref<80x16xf32, #tpu.memory_space<vmem>>, %arg18: memref<80x16xf32, #tpu.memory_space<vmem>>, %arg19: memref<80x16xf32, #tpu.memory_space<vmem>>, %arg20: memref<80x128xf32, #tpu.memory_space<vmem>>, %arg21: memref<80x128xf32, #tpu.memory_space<vmem>>, %arg22: memref<!tpu.dma_semaphore, #tpu.memory_space<semaphore_mem>>, %arg23: memref<!tpu.dma_semaphore, #tpu.memory_space<semaphore_mem>>, %arg24: memref<!tpu.dma_semaphore, #tpu.memory_space<semaphore_mem>>, %arg25: memref<!tpu.dma_semaphore, #tpu.memory_space<semaphore_mem>>, %arg26: memref<10000x16xf32, #tpu.memory_space<vmem_shared>>, %arg27: memref<10000x16xf32, #tpu.memory_space<vmem_shared>>, %arg28: memref<10000x128xf32, #tpu.memory_space<vmem_shared>>) attributes {dimension_semantics = [#tpu.dimension_semantics<core_parallel>, #tpu.dimension_semantics<subcore_parallel>], iteration_bounds = array<i64: 2, 16>, scalar_prefetch = 0 : i64, scratch_operands = 22 : i64, tpu.core_type = #tpu.core_type<sc_vector_subcore>, window_params = [{transform_indices = #map}, {transform_indices = #map}, {transform_indices = #map1}, {transform_indices = #map1}, {transform_indices = #map2}]} {
    %mul3A = arith.constant 20000 : i32
    %mul3A_0 = arith.muli %arg1, %mul3A : i32
    %iota3A = tpu.iota {dimensions = array<i32: 0>} : vector<16xi32>
    %broadcast_in_dim3A = arith.constant 0.000000e+00 : f32
    %broadcast_in_dim3A_1 = vector.broadcast %broadcast_in_dim3A : f32 to vector<16xf32>
    %mul3A_2 = arith.constant 625 : i32
    %mul3A_3 = arith.muli %arg1, %mul3A_2 : i32
    %mul3A_4 = arith.constant 625 : i32
    %mul3A_5 = arith.muli %arg1, %mul3A_4 : i32
    "tpu.region"() ({
      %run_scoped3A = tpu.sem_alloc : memref<!tpu.dma_semaphore, #tpu.memory_space<semaphore_mem>>
      %dma_start3A_144 = arith.constant 0 : i32
      %dma_start3A_145 = tpu.memref_slice %arg27[%mul3A_5, %dma_start3A_144] : memref<10000x16xf32, #tpu.memory_space<vmem_shared>> -> memref<625x16xf32, #tpu.memory_space<vmem_shared>>
      %dma_start3A_146 = arith.constant 0 : i32
      %dma_start3A_147 = tpu.memref_slice %arg4[%mul3A_3, %dma_start3A_146] : memref<10240x16xf32, #tpu.memory_space<hbm>> -> memref<625x16xf32, #tpu.memory_space<hbm>>
      tpu.enqueue_dma source(%dma_start3A_147 : memref<625x16xf32, #tpu.memory_space<hbm>>) target(%dma_start3A_145 : memref<625x16xf32, #tpu.memory_space<vmem_shared>>) target_semaphore(%run_scoped3A : memref<!tpu.dma_semaphore, #tpu.memory_space<semaphore_mem>>)
      %dma_wait3A = arith.constant 0 : i32
      %dma_wait3A_148 = tpu.memref_slice %arg27[%mul3A_5, %dma_wait3A] : memref<10000x16xf32, #tpu.memory_space<vmem_shared>> -> memref<625x16xf32, #tpu.memory_space<vmem_shared>>
      %dma_wait3A_149 = arith.constant 0 : i32
      %dma_wait3A_150 = tpu.memref_slice %arg4[%mul3A_3, %dma_wait3A_149] : memref<10240x16xf32, #tpu.memory_space<hbm>> -> memref<625x16xf32, #tpu.memory_space<hbm>>
      tpu.wait_dma2 semaphore(%run_scoped3A : memref<!tpu.dma_semaphore, #tpu.memory_space<semaphore_mem>>) src(%dma_wait3A_150 : memref<625x16xf32, #tpu.memory_space<hbm>>) dst(%dma_wait3A_148 : memref<625x16xf32, #tpu.memory_space<vmem_shared>>)
      tpu.yield
    }) : () -> ()
    %scan3A = arith.constant 0 : i32
    %scan3A_6 = arith.constant 0 : i32
    %scan3A_7 = arith.constant 80 : i32
    %scan3A_8 = arith.addi %scan3A_6, %scan3A_7 : i32
    %scan3A_9 = arith.constant 1 : i32
    %scan3A_10 = scf.for %scan3A_144 = %scan3A_6 to %scan3A_8 step %scan3A_9 iter_args(%scan3A_145 = %scan3A) -> (i32)  : i32 {
      %swap3A = arith.index_cast %scan3A_144 : i32 to index
      %swap3A_146 = arith.constant 0 : index
      %swap3A_147 = tpu.vector_load %arg19[%swap3A, %swap3A_146] {strides = array<i32>} : memref<80x16xf32, #tpu.memory_space<vmem>>, vector<1x16xf32>,
      %swap3A_148 = vector.shape_cast %swap3A_147 : vector<1x16xf32> to vector<16xf32>
      %swap3A_149 = vector.shape_cast %broadcast_in_dim3A_1 : vector<16xf32> to vector<1x16xf32>
      tpu.vector_store %arg19[%swap3A, %swap3A_146], %swap3A_149 {strides = array<i32>} : memref<80x16xf32, #tpu.memory_space<vmem>>, vector<1x16xf32>,
      %scan3A_150 = arith.constant 0 : i32
      scf.yield %scan3A_150 : i32
    }
    %scan3A_11 = arith.constant 80 : i32
    %scan3A_12 = arith.constant 0 : i32
    %scan3A_13 = arith.constant 0 : i32
    %scan3A_14 = arith.constant 25 : i32
    %scan3A_15 = arith.addi %scan3A_13, %scan3A_14 : i32
    %scan3A_16 = arith.constant 1 : i32
    %scan3A_17 = scf.for %scan3A_144 = %scan3A_13 to %scan3A_15 step %scan3A_16 iter_args(%scan3A_145 = %scan3A_12) -> (i32)  : i32 {
      %mul3A_146 = arith.constant 625 : i32
      %mul3A_147 = arith.muli %arg1, %mul3A_146 : i32
      %mul3A_148 = arith.constant 25 : i32
      %mul3A_149 = arith.muli %scan3A_144, %mul3A_148 : i32
      %add3A_150 = arith.addi %mul3A_147, %mul3A_149 : i32
      "tpu.region"() ({
        %run_scoped3A = tpu.sem_alloc : memref<!tpu.dma_semaphore, #tpu.memory_space<semaphore_mem>>
        %dma_start3A_152 = arith.constant 0 : i32
        %dma_start3A_153 = arith.constant 0 : i32
        %dma_start3A_154 = tpu.memref_slice %arg19[%dma_start3A_152, %dma_start3A_153] : memref<80x16xf32, #tpu.memory_space<vmem>> -> memref<25x16xf32, #tpu.memory_space<vmem>>
        %dma_start3A_155 = arith.constant 0 : i32
        %dma_start3A_156 = tpu.memref_slice %arg26[%add3A_150, %dma_start3A_155] : memref<10000x16xf32, #tpu.memory_space<vmem_shared>> -> memref<25x16xf32, #tpu.memory_space<vmem_shared>>
        %dma_start3A_157 = arith.constant 0 : i32
        %dma_start3A_158 = tpu.memref_slice %arg26[%add3A_150, %dma_start3A_157] : memref<10000x16xf32, #tpu.memory_space<vmem_shared>> -> memref<25x16xf32, #tpu.memory_space<vmem_shared>>
        %dma_start3A_159 = arith.constant 0 : i32
        %dma_start3A_160 = arith.constant 0 : i32
        %dma_start3A_161 = tpu.memref_slice %arg19[%dma_start3A_159, %dma_start3A_160] : memref<80x16xf32, #tpu.memory_space<vmem>> -> memref<25x16xf32, #tpu.memory_space<vmem>>
        tpu.enqueue_dma source(%dma_start3A_161 : memref<25x16xf32, #tpu.memory_space<vmem>>) target(%dma_start3A_158 : memref<25x16xf32, #tpu.memory_space<vmem_shared>>) target_semaphore(%run_scoped3A : memref<!tpu.dma_semaphore, #tpu.memory_space<semaphore_mem>>)
        %dma_wait3A = arith.constant 0 : i32
        %dma_wait3A_162 = arith.constant 0 : i32
        %dma_wait3A_163 = tpu.memref_slice %arg19[%dma_wait3A, %dma_wait3A_162] : memref<80x16xf32, #tpu.memory_space<vmem>> -> memref<25x16xf32, #tpu.memory_space<vmem>>
        %dma_wait3A_164 = arith.constant 0 : i32
        %dma_wait3A_165 = tpu.memref_slice %arg26[%add3A_150, %dma_wait3A_164] : memref<10000x16xf32, #tpu.memory_space<vmem_shared>> -> memref<25x16xf32, #tpu.memory_space<vmem_shared>>
        %dma_wait3A_166 = arith.constant 0 : i32
        %dma_wait3A_167 = tpu.memref_slice %arg26[%add3A_150, %dma_wait3A_166] : memref<10000x16xf32, #tpu.memory_space<vmem_shared>> -> memref<25x16xf32, #tpu.memory_space<vmem_shared>>
        %dma_wait3A_168 = arith.constant 0 : i32
        %dma_wait3A_169 = arith.constant 0 : i32
        %dma_wait3A_170 = tpu.memref_slice %arg19[%dma_wait3A_168, %dma_wait3A_169] : memref<80x16xf32, #tpu.memory_space<vmem>> -> memref<25x16xf32, #tpu.memory_space<vmem>>
        tpu.wait_dma2 semaphore(%run_scoped3A : memref<!tpu.dma_semaphore, #tpu.memory_space<semaphore_mem>>) src(%dma_wait3A_170 : memref<25x16xf32, #tpu.memory_space<vmem>>) dst(%dma_wait3A_167 : memref<25x16xf32, #tpu.memory_space<vmem_shared>>)
        tpu.yield
      }) : () -> ()
      %scan3A_151 = arith.constant 0 : i32
      scf.yield %scan3A_151 : i32
    }
    %scan3A_18 = arith.constant 25 : i32
    %barrier3A = arith.constant 0 : index
    tpu.barrier barrier_id(%barrier3A)
    %add3A = arith.constant 8 : i32
    %add3A_19 = vector.broadcast %add3A : i32 to vector<16xi32>
    %add3A_20 = arith.addi %iota3A, %add3A_19 : vector<16xi32>
    %and3A = arith.constant 15 : i32
    %and3A_21 = vector.broadcast %and3A : i32 to vector<16xi32>
    %and3A_22 = arith.andi %add3A_20, %and3A_21 : vector<16xi32>
    %add3A_23 = arith.constant 0 : i32
    %add3A_24 = arith.addi %mul3A_0, %add3A_23 : i32
    "tpu.region"() ({
      %run_scoped3A = tpu.sem_alloc : memref<!tpu.dma_semaphore, #tpu.memory_space<semaphore_mem>>
      %dma_start3A_144 = tpu.memref_slice %arg2[%add3A_24] : memref<320000xi32, #tpu.memory_space<hbm>> -> memref<80xi32, #tpu.memory_space<hbm>>
      %dma_start3A_145 = tpu.memref_slice %arg2[%add3A_24] : memref<320000xi32, #tpu.memory_space<hbm>> -> memref<80xi32, #tpu.memory_space<hbm>>
      tpu.enqueue_dma source(%dma_start3A_145 : memref<80xi32, #tpu.memory_space<hbm>>) target(%arg7 : memref<80xi32, #tpu.memory_space<vmem>>) target_semaphore(%run_scoped3A : memref<!tpu.dma_semaphore, #tpu.memory_space<semaphore_mem>>)
      %dma_wait3A = tpu.memref_slice %arg2[%add3A_24] : memref<320000xi32, #tpu.memory_space<hbm>> -> memref<80xi32, #tpu.memory_space<hbm>>
      %dma_wait3A_146 = tpu.memref_slice %arg2[%add3A_24] : memref<320000xi32, #tpu.memory_space<hbm>> -> memref<80xi32, #tpu.memory_space<hbm>>
      tpu.wait_dma2 semaphore(%run_scoped3A : memref<!tpu.dma_semaphore, #tpu.memory_space<semaphore_mem>>) src(%dma_wait3A_146 : memref<80xi32, #tpu.memory_space<hbm>>) dst(%arg7 : memref<80xi32, #tpu.memory_space<vmem>>)
      tpu.yield
    }) : () -> ()
    "tpu.region"() ({
      %run_scoped3A = tpu.sem_alloc : memref<!tpu.dma_semaphore, #tpu.memory_space<semaphore_mem>>
      %dma_start3A_144 = tpu.memref_slice %arg3[%add3A_24] : memref<320000xi32, #tpu.memory_space<hbm>> -> memref<80xi32, #tpu.memory_space<hbm>>
      %dma_start3A_145 = tpu.memref_slice %arg3[%add3A_24] : memref<320000xi32, #tpu.memory_space<hbm>> -> memref<80xi32, #tpu.memory_space<hbm>>
      tpu.enqueue_dma source(%dma_start3A_145 : memref<80xi32, #tpu.memory_space<hbm>>) target(%arg9 : memref<80xi32, #tpu.memory_space<vmem>>) target_semaphore(%run_scoped3A : memref<!tpu.dma_semaphore, #tpu.memory_space<semaphore_mem>>)
      %dma_wait3A = tpu.memref_slice %arg3[%add3A_24] : memref<320000xi32, #tpu.memory_space<hbm>> -> memref<80xi32, #tpu.memory_space<hbm>>
      %dma_wait3A_146 = tpu.memref_slice %arg3[%add3A_24] : memref<320000xi32, #tpu.memory_space<hbm>> -> memref<80xi32, #tpu.memory_space<hbm>>
      tpu.wait_dma2 semaphore(%run_scoped3A : memref<!tpu.dma_semaphore, #tpu.memory_space<semaphore_mem>>) src(%dma_wait3A_146 : memref<80xi32, #tpu.memory_space<hbm>>) dst(%arg9 : memref<80xi32, #tpu.memory_space<vmem>>)
      tpu.yield
    }) : () -> ()
    %dma_start3A = arith.constant 0 : i32
    %dma_start3A_25 = arith.constant 0 : i32
    %dma_start3A_26 = tpu.memref_slice %arg27[%dma_start3A, %dma_start3A_25] : memref<10000x16xf32, #tpu.memory_space<vmem_shared>> -> memref<10000x16xf32, #tpu.memory_space<vmem_shared>>
    tpu.enqueue_indirect_dma source(%dma_start3A_26 : memref<10000x16xf32, #tpu.memory_space<vmem_shared>>) target(%arg13 : memref<80x16xf32, #tpu.memory_space<vmem>>) offsets(%arg7 : memref<80xi32, #tpu.memory_space<vmem>>) semaphore(%arg24 : memref<!tpu.dma_semaphore, #tpu.memory_space<semaphore_mem>>)
    %dma_start3A_27 = arith.constant 0 : i32
    %dma_start3A_28 = arith.constant 0 : i32
    %dma_start3A_29 = tpu.memref_slice %arg27[%dma_start3A_27, %dma_start3A_28] : memref<10000x16xf32, #tpu.memory_space<vmem_shared>> -> memref<10000x16xf32, #tpu.memory_space<vmem_shared>>
    tpu.enqueue_indirect_dma source(%dma_start3A_29 : memref<10000x16xf32, #tpu.memory_space<vmem_shared>>) target(%arg15 : memref<80x16xf32, #tpu.memory_space<vmem>>) offsets(%arg9 : memref<80xi32, #tpu.memory_space<vmem>>) semaphore(%arg24 : memref<!tpu.dma_semaphore, #tpu.memory_space<semaphore_mem>>)
    %scan3A_30 = arith.constant 0 : i32
    %scan3A_31 = arith.constant 0 : i32
    %scan3A_32 = arith.constant 125 : i32
    %scan3A_33 = arith.addi %scan3A_31, %scan3A_32 : i32
    %scan3A_34 = arith.constant 1 : i32
    %scan3A_35 = scf.for %scan3A_144 = %scan3A_31 to %scan3A_33 step %scan3A_34 iter_args(%scan3A_145 = %scan3A_30) -> (i32)  : i32 {
      %mul3A_146 = arith.constant 2 : i32
      %mul3A_147 = arith.muli %mul3A_146, %scan3A_144 : i32
      %add3A_148 = arith.constant 1 : i32
      %add3A_149 = arith.addi %mul3A_147, %add3A_148 : i32
      %mul3A_150 = arith.constant 80 : i32
      %mul3A_151 = arith.muli %add3A_149, %mul3A_150 : i32
      %add3A_152 = arith.addi %mul3A_0, %mul3A_151 : i32
      "tpu.region"() ({
        %run_scoped3A = tpu.sem_alloc : memref<!tpu.dma_semaphore, #tpu.memory_space<semaphore_mem>>
        %dma_start3A_191 = tpu.memref_slice %arg2[%add3A_152] : memref<320000xi32, #tpu.memory_space<hbm>> -> memref<80xi32, #tpu.memory_space<hbm>>
        %dma_start3A_192 = tpu.memref_slice %arg2[%add3A_152] : memref<320000xi32, #tpu.memory_space<hbm>> -> memref<80xi32, #tpu.memory_space<hbm>>
        tpu.enqueue_dma source(%dma_start3A_192 : memref<80xi32, #tpu.memory_space<hbm>>) target(%arg8 : memref<80xi32, #tpu.memory_space<vmem>>) target_semaphore(%run_scoped3A : memref<!tpu.dma_semaphore, #tpu.memory_space<semaphore_mem>>)
        %dma_wait3A_193 = tpu.memref_slice %arg2[%add3A_152] : memref<320000xi32, #tpu.memory_space<hbm>> -> memref<80xi32, #tpu.memory_space<hbm>>
        %dma_wait3A_194 = tpu.memref_slice %arg2[%add3A_152] : memref<320000xi32, #tpu.memory_space<hbm>> -> memref<80xi32, #tpu.memory_space<hbm>>
        tpu.wait_dma2 semaphore(%run_scoped3A : memref<!tpu.dma_semaphore, #tpu.memory_space<semaphore_mem>>) src(%dma_wait3A_194 : memref<80xi32, #tpu.memory_space<hbm>>) dst(%arg8 : memref<80xi32, #tpu.memory_space<vmem>>)
        tpu.yield
      }) : () -> ()
      "tpu.region"() ({
        %run_scoped3A = tpu.sem_alloc : memref<!tpu.dma_semaphore, #tpu.memory_space<semaphore_mem>>
        %dma_start3A_191 = tpu.memref_slice %arg3[%add3A_152] : memref<320000xi32, #tpu.memory_space<hbm>> -> memref<80xi32, #tpu.memory_space<hbm>>
        %dma_start3A_192 = tpu.memref_slice %arg3[%add3A_152] : memref<320000xi32, #tpu.memory_space<hbm>> -> memref<80xi32, #tpu.memory_space<hbm>>
        tpu.enqueue_dma source(%dma_start3A_192 : memref<80xi32, #tpu.memory_space<hbm>>) target(%arg10 : memref<80xi32, #tpu.memory_space<vmem>>) target_semaphore(%run_scoped3A : memref<!tpu.dma_semaphore, #tpu.memory_space<semaphore_mem>>)
        %dma_wait3A_193 = tpu.memref_slice %arg3[%add3A_152] : memref<320000xi32, #tpu.memory_space<hbm>> -> memref<80xi32, #tpu.memory_space<hbm>>
        %dma_wait3A_194 = tpu.memref_slice %arg3[%add3A_152] : memref<320000xi32, #tpu.memory_space<hbm>> -> memref<80xi32, #tpu.memory_space<hbm>>
        tpu.wait_dma2 semaphore(%run_scoped3A : memref<!tpu.dma_semaphore, #tpu.memory_space<semaphore_mem>>) src(%dma_wait3A_194 : memref<80xi32, #tpu.memory_space<hbm>>) dst(%arg10 : memref<80xi32, #tpu.memory_space<vmem>>)
        tpu.yield
      }) : () -> ()
      %dma_start3A_153 = arith.constant 0 : i32
      %dma_start3A_154 = arith.constant 0 : i32
      %dma_start3A_155 = tpu.memref_slice %arg27[%dma_start3A_153, %dma_start3A_154] : memref<10000x16xf32, #tpu.memory_space<vmem_shared>> -> memref<10000x16xf32, #tpu.memory_space<vmem_shared>>
      tpu.enqueue_indirect_dma source(%dma_start3A_155 : memref<10000x16xf32, #tpu.memory_space<vmem_shared>>) target(%arg14 : memref<80x16xf32, #tpu.memory_space<vmem>>) offsets(%arg8 : memref<80xi32, #tpu.memory_space<vmem>>) semaphore(%arg25 : memref<!tpu.dma_semaphore, #tpu.memory_space<semaphore_mem>>)
      %dma_start3A_156 = arith.constant 0 : i32
      %dma_start3A_157 = arith.constant 0 : i32
      %dma_start3A_158 = tpu.memref_slice %arg27[%dma_start3A_156, %dma_start3A_157] : memref<10000x16xf32, #tpu.memory_space<vmem_shared>> -> memref<10000x16xf32, #tpu.memory_space<vmem_shared>>
      tpu.enqueue_indirect_dma source(%dma_start3A_158 : memref<10000x16xf32, #tpu.memory_space<vmem_shared>>) target(%arg16 : memref<80x16xf32, #tpu.memory_space<vmem>>) offsets(%arg10 : memref<80xi32, #tpu.memory_space<vmem>>) semaphore(%arg25 : memref<!tpu.dma_semaphore, #tpu.memory_space<semaphore_mem>>)
      %dma_wait3A = arith.constant 0 : i32
      %dma_wait3A_159 = arith.constant 0 : i32
      %dma_wait3A_160 = tpu.memref_slice %arg27[%dma_wait3A, %dma_wait3A_159] : memref<10000x16xf32, #tpu.memory_space<vmem_shared>> -> memref<10000x16xf32, #tpu.memory_space<vmem_shared>>
      tpu.wait_indirect_dma semaphore(%arg24 : memref<!tpu.dma_semaphore, #tpu.memory_space<semaphore_mem>>) src(%dma_wait3A_160 : memref<10000x16xf32, #tpu.memory_space<vmem_shared>>) dst(%arg13 : memref<80x16xf32, #tpu.memory_space<vmem>>)
      %dma_wait3A_161 = arith.constant 0 : i32
      %dma_wait3A_162 = arith.constant 0 : i32
      %dma_wait3A_163 = tpu.memref_slice %arg27[%dma_wait3A_161, %dma_wait3A_162] : memref<10000x16xf32, #tpu.memory_space<vmem_shared>> -> memref<10000x16xf32, #tpu.memory_space<vmem_shared>>
      tpu.wait_indirect_dma semaphore(%arg24 : memref<!tpu.dma_semaphore, #tpu.memory_space<semaphore_mem>>) src(%dma_wait3A_163 : memref<10000x16xf32, #tpu.memory_space<vmem_shared>>) dst(%arg15 : memref<80x16xf32, #tpu.memory_space<vmem>>)
      %scan3A_164 = arith.constant 0 : i32
      %scan3A_165 = arith.constant 0 : i32
      %scan3A_166 = arith.constant 80 : i32
      %scan3A_167 = arith.addi %scan3A_165, %scan3A_166 : i32
      %scan3A_168 = arith.constant 1 : i32
      %scan3A_169 = scf.for %scan3A_191 = %scan3A_165 to %scan3A_167 step %scan3A_168 iter_args(%scan3A_192 = %scan3A_164) -> (i32)  : i32 {
        %get3A = arith.index_cast %scan3A_191 : i32 to index
        %get3A_193 = arith.constant 0 : index
        %get3A_194 = tpu.vector_load %arg13[%get3A, %get3A_193] {strides = array<i32>} : memref<80x16xf32, #tpu.memory_space<vmem>>, vector<1x16xf32>,
        %get3A_195 = vector.shape_cast %get3A_194 : vector<1x16xf32> to vector<16xf32>
        %get3A_196 = arith.index_cast %scan3A_191 : i32 to index
        %get3A_197 = arith.constant 0 : index
        %get3A_198 = tpu.vector_load %arg15[%get3A_196, %get3A_197] {strides = array<i32>} : memref<80x16xf32, #tpu.memory_space<vmem>>, vector<1x16xf32>,
        %get3A_199 = vector.shape_cast %get3A_198 : vector<1x16xf32> to vector<16xf32>
        %broadcast_in_dim3A_200 = vector.shape_cast %and3A_22 : vector<16xi32> to vector<16x1xi32>
        %gather3A = vector.shape_cast %broadcast_in_dim3A_200 : vector<16x1xi32> to vector<16xi32>
        %gather3A_201 = tpu.dynamic_gather %get3A_199[%gather3A] in [0] : vector<16xf32>, vector<16xi32> -> vector<16xf32>
        %add3A_202 = arith.addf %get3A_195, %gather3A_201 : vector<16xf32>
        %mul3A_203 = arith.constant 2.000000e-01 : f32
        %mul3A_204 = vector.broadcast %mul3A_203 : f32 to vector<16xf32>
        %mul3A_205 = arith.mulf %mul3A_204, %add3A_202 : vector<16xf32>
        %max3A = arith.maximumf %add3A_202, %mul3A_205 : vector<16xf32>
        %exp3A = math.exp %max3A : vector<16xf32>
        %swap3A = arith.index_cast %scan3A_191 : i32 to index
        %swap3A_206 = arith.constant 0 : index
        %swap3A_207 = tpu.vector_load %arg19[%swap3A, %swap3A_206] {strides = array<i32>} : memref<80x16xf32, #tpu.memory_space<vmem>>, vector<1x16xf32>,
        %swap3A_208 = vector.shape_cast %swap3A_207 : vector<1x16xf32> to vector<16xf32>
        %swap3A_209 = vector.shape_cast %exp3A : vector<16xf32> to vector<1x16xf32>
        tpu.vector_store %arg19[%swap3A, %swap3A_206], %swap3A_209 {strides = array<i32>} : memref<80x16xf32, #tpu.memory_space<vmem>>, vector<1x16xf32>,
        %scan3A_210 = arith.constant 0 : i32
        scf.yield %scan3A_210 : i32
      }
      %scan3A_170 = arith.constant 80 : i32
      "tpu.region"() ({
        %run_scoped3A = tpu.sem_alloc : memref<!tpu.dma_semaphore, #tpu.memory_space<semaphore_mem>>
        %dma_start3A_191 = arith.constant 0 : i32
        %dma_start3A_192 = arith.constant 0 : i32
        %dma_start3A_193 = tpu.memref_slice %arg26[%dma_start3A_191, %dma_start3A_192] : memref<10000x16xf32, #tpu.memory_space<vmem_shared>> -> memref<10000x16xf32, #tpu.memory_space<vmem_shared>>
        tpu.enqueue_indirect_dma source(%arg19 : memref<80x16xf32, #tpu.memory_space<vmem>>) target(%dma_start3A_193 : memref<10000x16xf32, #tpu.memory_space<vmem_shared>>) offsets(%arg9 : memref<80xi32, #tpu.memory_space<vmem>>) semaphore(%run_scoped3A : memref<!tpu.dma_semaphore, #tpu.memory_space<semaphore_mem>>) {add = true}
        %dma_wait3A_194 = arith.constant 0 : i32
        %dma_wait3A_195 = arith.constant 0 : i32
        %dma_wait3A_196 = tpu.memref_slice %arg26[%dma_wait3A_194, %dma_wait3A_195] : memref<10000x16xf32, #tpu.memory_space<vmem_shared>> -> memref<10000x16xf32, #tpu.memory_space<vmem_shared>>
        tpu.wait_indirect_dma semaphore(%run_scoped3A : memref<!tpu.dma_semaphore, #tpu.memory_space<semaphore_mem>>) src(%arg19 : memref<80x16xf32, #tpu.memory_space<vmem>>) dst(%dma_wait3A_196 : memref<10000x16xf32, #tpu.memory_space<vmem_shared>>)
        tpu.yield
      }) : () -> ()
      %mul3A_171 = arith.constant 2 : i32
      %mul3A_172 = arith.muli %mul3A_171, %scan3A_144 : i32
      %add3A_173 = arith.constant 2 : i32
      %add3A_174 = arith.addi %mul3A_172, %add3A_173 : i32
      %lt3A = arith.constant 250 : i32
      %lt3A_175 = arith.cmpi slt, %add3A_174, %lt3A : i32
      %convert_element_type3A = arith.extui %lt3A_175 : i1 to i32
      %cond3A = arith.constant 0 : i32
      %cond3A_176 = arith.cmpi ne, %convert_element_type3A, %cond3A : i32
      scf.if %cond3A_176 {
        %mul3A_191 = arith.constant 2 : i32
        %mul3A_192 = arith.muli %mul3A_191, %scan3A_144 : i32
        %add3A_193 = arith.constant 2 : i32
        %add3A_194 = arith.addi %mul3A_192, %add3A_193 : i32
        %mul3A_195 = arith.constant 80 : i32
        %mul3A_196 = arith.muli %add3A_194, %mul3A_195 : i32
        %add3A_197 = arith.addi %mul3A_0, %mul3A_196 : i32
        "tpu.region"() ({
          %run_scoped3A = tpu.sem_alloc : memref<!tpu.dma_semaphore, #tpu.memory_space<semaphore_mem>>
          %dma_start3A_204 = tpu.memref_slice %arg2[%add3A_197] : memref<320000xi32, #tpu.memory_space<hbm>> -> memref<80xi32, #tpu.memory_space<hbm>>
          %dma_start3A_205 = tpu.memref_slice %arg2[%add3A_197] : memref<320000xi32, #tpu.memory_space<hbm>> -> memref<80xi32, #tpu.memory_space<hbm>>
          tpu.enqueue_dma source(%dma_start3A_205 : memref<80xi32, #tpu.memory_space<hbm>>) target(%arg7 : memref<80xi32, #tpu.memory_space<vmem>>) target_semaphore(%run_scoped3A : memref<!tpu.dma_semaphore, #tpu.memory_space<semaphore_mem>>)
          %dma_wait3A_206 = tpu.memref_slice %arg2[%add3A_197] : memref<320000xi32, #tpu.memory_space<hbm>> -> memref<80xi32, #tpu.memory_space<hbm>>
          %dma_wait3A_207 = tpu.memref_slice %arg2[%add3A_197] : memref<320000xi32, #tpu.memory_space<hbm>> -> memref<80xi32, #tpu.memory_space<hbm>>
          tpu.wait_dma2 semaphore(%run_scoped3A : memref<!tpu.dma_semaphore, #tpu.memory_space<semaphore_mem>>) src(%dma_wait3A_207 : memref<80xi32, #tpu.memory_space<hbm>>) dst(%arg7 : memref<80xi32, #tpu.memory_space<vmem>>)
          tpu.yield
        }) : () -> ()
        "tpu.region"() ({
          %run_scoped3A = tpu.sem_alloc : memref<!tpu.dma_semaphore, #tpu.memory_space<semaphore_mem>>
          %dma_start3A_204 = tpu.memref_slice %arg3[%add3A_197] : memref<320000xi32, #tpu.memory_space<hbm>> -> memref<80xi32, #tpu.memory_space<hbm>>
          %dma_start3A_205 = tpu.memref_slice %arg3[%add3A_197] : memref<320000xi32, #tpu.memory_space<hbm>> -> memref<80xi32, #tpu.memory_space<hbm>>
          tpu.enqueue_dma source(%dma_start3A_205 : memref<80xi32, #tpu.memory_space<hbm>>) target(%arg9 : memref<80xi32, #tpu.memory_space<vmem>>) target_semaphore(%run_scoped3A : memref<!tpu.dma_semaphore, #tpu.memory_space<semaphore_mem>>)
          %dma_wait3A_206 = tpu.memref_slice %arg3[%add3A_197] : memref<320000xi32, #tpu.memory_space<hbm>> -> memref<80xi32, #tpu.memory_space<hbm>>
          %dma_wait3A_207 = tpu.memref_slice %arg3[%add3A_197] : memref<320000xi32, #tpu.memory_space<hbm>> -> memref<80xi32, #tpu.memory_space<hbm>>
          tpu.wait_dma2 semaphore(%run_scoped3A : memref<!tpu.dma_semaphore, #tpu.memory_space<semaphore_mem>>) src(%dma_wait3A_207 : memref<80xi32, #tpu.memory_space<hbm>>) dst(%arg9 : memref<80xi32, #tpu.memory_space<vmem>>)
          tpu.yield
        }) : () -> ()
        %dma_start3A_198 = arith.constant 0 : i32
        %dma_start3A_199 = arith.constant 0 : i32
        %dma_start3A_200 = tpu.memref_slice %arg27[%dma_start3A_198, %dma_start3A_199] : memref<10000x16xf32, #tpu.memory_space<vmem_shared>> -> memref<10000x16xf32, #tpu.memory_space<vmem_shared>>
        tpu.enqueue_indirect_dma source(%dma_start3A_200 : memref<10000x16xf32, #tpu.memory_space<vmem_shared>>) target(%arg13 : memref<80x16xf32, #tpu.memory_space<vmem>>) offsets(%arg7 : memref<80xi32, #tpu.memory_space<vmem>>) semaphore(%arg24 : memref<!tpu.dma_semaphore, #tpu.memory_space<semaphore_mem>>)
        %dma_start3A_201 = arith.constant 0 : i32
        %dma_start3A_202 = arith.constant 0 : i32
        %dma_start3A_203 = tpu.memref_slice %arg27[%dma_start3A_201, %dma_start3A_202] : memref<10000x16xf32, #tpu.memory_space<vmem_shared>> -> memref<10000x16xf32, #tpu.memory_space<vmem_shared>>
        tpu.enqueue_indirect_dma source(%dma_start3A_203 : memref<10000x16xf32, #tpu.memory_space<vmem_shared>>) target(%arg15 : memref<80x16xf32, #tpu.memory_space<vmem>>) offsets(%arg9 : memref<80xi32, #tpu.memory_space<vmem>>) semaphore(%arg24 : memref<!tpu.dma_semaphore, #tpu.memory_space<semaphore_mem>>)
      } else {
      }
      %dma_wait3A_177 = arith.constant 0 : i32
      %dma_wait3A_178 = arith.constant 0 : i32
      %dma_wait3A_179 = tpu.memref_slice %arg27[%dma_wait3A_177, %dma_wait3A_178] : memref<10000x16xf32, #tpu.memory_space<vmem_shared>> -> memref<10000x16xf32, #tpu.memory_space<vmem_shared>>
      tpu.wait_indirect_dma semaphore(%arg25 : memref<!tpu.dma_semaphore, #tpu.memory_space<semaphore_mem>>) src(%dma_wait3A_179 : memref<10000x16xf32, #tpu.memory_space<vmem_shared>>) dst(%arg14 : memref<80x16xf32, #tpu.memory_space<vmem>>)
      %dma_wait3A_180 = arith.constant 0 : i32
      %dma_wait3A_181 = arith.constant 0 : i32
      %dma_wait3A_182 = tpu.memref_slice %arg27[%dma_wait3A_180, %dma_wait3A_181] : memref<10000x16xf32, #tpu.memory_space<vmem_shared>> -> memref<10000x16xf32, #tpu.memory_space<vmem_shared>>
      tpu.wait_indirect_dma semaphore(%arg25 : memref<!tpu.dma_semaphore, #tpu.memory_space<semaphore_mem>>) src(%dma_wait3A_182 : memref<10000x16xf32, #tpu.memory_space<vmem_shared>>) dst(%arg16 : memref<80x16xf32, #tpu.memory_space<vmem>>)
      %scan3A_183 = arith.constant 0 : i32
      %scan3A_184 = arith.constant 0 : i32
      %scan3A_185 = arith.constant 80 : i32
      %scan3A_186 = arith.addi %scan3A_184, %scan3A_185 : i32
      %scan3A_187 = arith.constant 1 : i32
      %scan3A_188 = scf.for %scan3A_191 = %scan3A_184 to %scan3A_186 step %scan3A_187 iter_args(%scan3A_192 = %scan3A_183) -> (i32)  : i32 {
        %get3A = arith.index_cast %scan3A_191 : i32 to index
        %get3A_193 = arith.constant 0 : index
        %get3A_194 = tpu.vector_load %arg14[%get3A, %get3A_193] {strides = array<i32>} : memref<80x16xf32, #tpu.memory_space<vmem>>, vector<1x16xf32>,
        %get3A_195 = vector.shape_cast %get3A_194 : vector<1x16xf32> to vector<16xf32>
        %get3A_196 = arith.index_cast %scan3A_191 : i32 to index
        %get3A_197 = arith.constant 0 : index
        %get3A_198 = tpu.vector_load %arg16[%get3A_196, %get3A_197] {strides = array<i32>} : memref<80x16xf32, #tpu.memory_space<vmem>>, vector<1x16xf32>,
        %get3A_199 = vector.shape_cast %get3A_198 : vector<1x16xf32> to vector<16xf32>
        %broadcast_in_dim3A_200 = vector.shape_cast %and3A_22 : vector<16xi32> to vector<16x1xi32>
        %gather3A = vector.shape_cast %broadcast_in_dim3A_200 : vector<16x1xi32> to vector<16xi32>
        %gather3A_201 = tpu.dynamic_gather %get3A_199[%gather3A] in [0] : vector<16xf32>, vector<16xi32> -> vector<16xf32>
        %add3A_202 = arith.addf %get3A_195, %gather3A_201 : vector<16xf32>
        %mul3A_203 = arith.constant 2.000000e-01 : f32
        %mul3A_204 = vector.broadcast %mul3A_203 : f32 to vector<16xf32>
        %mul3A_205 = arith.mulf %mul3A_204, %add3A_202 : vector<16xf32>
        %max3A = arith.maximumf %add3A_202, %mul3A_205 : vector<16xf32>
        %exp3A = math.exp %max3A : vector<16xf32>
        %swap3A = arith.index_cast %scan3A_191 : i32 to index
        %swap3A_206 = arith.constant 0 : index
        %swap3A_207 = tpu.vector_load %arg19[%swap3A, %swap3A_206] {strides = array<i32>} : memref<80x16xf32, #tpu.memory_space<vmem>>, vector<1x16xf32>,
        %swap3A_208 = vector.shape_cast %swap3A_207 : vector<1x16xf32> to vector<16xf32>
        %swap3A_209 = vector.shape_cast %exp3A : vector<16xf32> to vector<1x16xf32>
        tpu.vector_store %arg19[%swap3A, %swap3A_206], %swap3A_209 {strides = array<i32>} : memref<80x16xf32, #tpu.memory_space<vmem>>, vector<1x16xf32>,
        %scan3A_210 = arith.constant 0 : i32
        scf.yield %scan3A_210 : i32
      }
      %scan3A_189 = arith.constant 80 : i32
      "tpu.region"() ({
        %run_scoped3A = tpu.sem_alloc : memref<!tpu.dma_semaphore, #tpu.memory_space<semaphore_mem>>
        %dma_start3A_191 = arith.constant 0 : i32
        %dma_start3A_192 = arith.constant 0 : i32
        %dma_start3A_193 = tpu.memref_slice %arg26[%dma_start3A_191, %dma_start3A_192] : memref<10000x16xf32, #tpu.memory_space<vmem_shared>> -> memref<10000x16xf32, #tpu.memory_space<vmem_shared>>
        tpu.enqueue_indirect_dma source(%arg19 : memref<80x16xf32, #tpu.memory_space<vmem>>) target(%dma_start3A_193 : memref<10000x16xf32, #tpu.memory_space<vmem_shared>>) offsets(%arg10 : memref<80xi32, #tpu.memory_space<vmem>>) semaphore(%run_scoped3A : memref<!tpu.dma_semaphore, #tpu.memory_space<semaphore_mem>>) {add = true}
        %dma_wait3A_194 = arith.constant 0 : i32
        %dma_wait3A_195 = arith.constant 0 : i32
        %dma_wait3A_196 = tpu.memref_slice %arg26[%dma_wait3A_194, %dma_wait3A_195] : memref<10000x16xf32, #tpu.memory_space<vmem_shared>> -> memref<10000x16xf32, #tpu.memory_space<vmem_shared>>
        tpu.wait_indirect_dma semaphore(%run_scoped3A : memref<!tpu.dma_semaphore, #tpu.memory_space<semaphore_mem>>) src(%arg19 : memref<80x16xf32, #tpu.memory_space<vmem>>) dst(%dma_wait3A_196 : memref<10000x16xf32, #tpu.memory_space<vmem_shared>>)
        tpu.yield
      }) : () -> ()
      %scan3A_190 = arith.constant 0 : i32
      scf.yield %scan3A_190 : i32
    }
    %scan3A_36 = arith.constant 125 : i32
    %barrier3A_37 = arith.constant 0 : index
    tpu.barrier barrier_id(%barrier3A_37)
    %mul3A_38 = arith.constant 2 : i32
    %mul3A_39 = arith.muli %mul3A_38, %arg0 : i32
    %add3A_40 = arith.constant 0 : i32
    %add3A_41 = arith.addi %mul3A_39, %add3A_40 : i32
    %scan3A_42 = arith.constant 0 : i32
    %scan3A_43 = arith.constant 0 : i32
    %scan3A_44 = arith.constant 80 : i32
    %scan3A_45 = arith.addi %scan3A_43, %scan3A_44 : i32
    %scan3A_46 = arith.constant 1 : i32
    %scan3A_47 = scf.for %scan3A_144 = %scan3A_43 to %scan3A_45 step %scan3A_46 iter_args(%scan3A_145 = %scan3A_42) -> (i32)  : i32 {
      %swap3A = arith.index_cast %scan3A_144 : i32 to index
      %swap3A_146 = arith.constant 0 : index
      %swap3A_147 = tpu.vector_load %arg20[%swap3A, %swap3A_146] {strides = array<i32>} : memref<80x128xf32, #tpu.memory_space<vmem>>, vector<1x16xf32>,
      %swap3A_148 = vector.shape_cast %swap3A_147 : vector<1x16xf32> to vector<16xf32>
      %swap3A_149 = vector.shape_cast %broadcast_in_dim3A_1 : vector<16xf32> to vector<1x16xf32>
      tpu.vector_store %arg20[%swap3A, %swap3A_146], %swap3A_149 {strides = array<i32>} : memref<80x128xf32, #tpu.memory_space<vmem>>, vector<1x16xf32>,
      %swap3A_150 = arith.index_cast %scan3A_144 : i32 to index
      %swap3A_151 = arith.constant 16 : index
      %swap3A_152 = tpu.vector_load %arg20[%swap3A_150, %swap3A_151] {strides = array<i32>} : memref<80x128xf32, #tpu.memory_space<vmem>>, vector<1x16xf32>,
      %swap3A_153 = vector.shape_cast %swap3A_152 : vector<1x16xf32> to vector<16xf32>
      %swap3A_154 = vector.shape_cast %broadcast_in_dim3A_1 : vector<16xf32> to vector<1x16xf32>
      tpu.vector_store %arg20[%swap3A_150, %swap3A_151], %swap3A_154 {strides = array<i32>} : memref<80x128xf32, #tpu.memory_space<vmem>>, vector<1x16xf32>,
      %swap3A_155 = arith.index_cast %scan3A_144 : i32 to index
      %swap3A_156 = arith.constant 32 : index
      %swap3A_157 = tpu.vector_load %arg20[%swap3A_155, %swap3A_156] {strides = array<i32>} : memref<80x128xf32, #tpu.memory_space<vmem>>, vector<1x16xf32>,
      %swap3A_158 = vector.shape_cast %swap3A_157 : vector<1x16xf32> to vector<16xf32>
      %swap3A_159 = vector.shape_cast %broadcast_in_dim3A_1 : vector<16xf32> to vector<1x16xf32>
      tpu.vector_store %arg20[%swap3A_155, %swap3A_156], %swap3A_159 {strides = array<i32>} : memref<80x128xf32, #tpu.memory_space<vmem>>, vector<1x16xf32>,
      %swap3A_160 = arith.index_cast %scan3A_144 : i32 to index
      %swap3A_161 = arith.constant 48 : index
      %swap3A_162 = tpu.vector_load %arg20[%swap3A_160, %swap3A_161] {strides = array<i32>} : memref<80x128xf32, #tpu.memory_space<vmem>>, vector<1x16xf32>,
      %swap3A_163 = vector.shape_cast %swap3A_162 : vector<1x16xf32> to vector<16xf32>
      %swap3A_164 = vector.shape_cast %broadcast_in_dim3A_1 : vector<16xf32> to vector<1x16xf32>
      tpu.vector_store %arg20[%swap3A_160, %swap3A_161], %swap3A_164 {strides = array<i32>} : memref<80x128xf32, #tpu.memory_space<vmem>>, vector<1x16xf32>,
      %swap3A_165 = arith.index_cast %scan3A_144 : i32 to index
      %swap3A_166 = arith.constant 64 : index
      %swap3A_167 = tpu.vector_load %arg20[%swap3A_165, %swap3A_166] {strides = array<i32>} : memref<80x128xf32, #tpu.memory_space<vmem>>, vector<1x16xf32>,
      %swap3A_168 = vector.shape_cast %swap3A_167 : vector<1x16xf32> to vector<16xf32>
      %swap3A_169 = vector.shape_cast %broadcast_in_dim3A_1 : vector<16xf32> to vector<1x16xf32>
      tpu.vector_store %arg20[%swap3A_165, %swap3A_166], %swap3A_169 {strides = array<i32>} : memref<80x128xf32, #tpu.memory_space<vmem>>, vector<1x16xf32>,
      %swap3A_170 = arith.index_cast %scan3A_144 : i32 to index
      %swap3A_171 = arith.constant 80 : index
      %swap3A_172 = tpu.vector_load %arg20[%swap3A_170, %swap3A_171] {strides = array<i32>} : memref<80x128xf32, #tpu.memory_space<vmem>>, vector<1x16xf32>,
      %swap3A_173 = vector.shape_cast %swap3A_172 : vector<1x16xf32> to vector<16xf32>
      %swap3A_174 = vector.shape_cast %broadcast_in_dim3A_1 : vector<16xf32> to vector<1x16xf32>
      tpu.vector_store %arg20[%swap3A_170, %swap3A_171], %swap3A_174 {strides = array<i32>} : memref<80x128xf32, #tpu.memory_space<vmem>>, vector<1x16xf32>,
      %swap3A_175 = arith.index_cast %scan3A_144 : i32 to index
      %swap3A_176 = arith.constant 96 : index
      %swap3A_177 = tpu.vector_load %arg20[%swap3A_175, %swap3A_176] {strides = array<i32>} : memref<80x128xf32, #tpu.memory_space<vmem>>, vector<1x16xf32>,
      %swap3A_178 = vector.shape_cast %swap3A_177 : vector<1x16xf32> to vector<16xf32>
      %swap3A_179 = vector.shape_cast %broadcast_in_dim3A_1 : vector<16xf32> to vector<1x16xf32>
      tpu.vector_store %arg20[%swap3A_175, %swap3A_176], %swap3A_179 {strides = array<i32>} : memref<80x128xf32, #tpu.memory_space<vmem>>, vector<1x16xf32>,
      %swap3A_180 = arith.index_cast %scan3A_144 : i32 to index
      %swap3A_181 = arith.constant 112 : index
      %swap3A_182 = tpu.vector_load %arg20[%swap3A_180, %swap3A_181] {strides = array<i32>} : memref<80x128xf32, #tpu.memory_space<vmem>>, vector<1x16xf32>,
      %swap3A_183 = vector.shape_cast %swap3A_182 : vector<1x16xf32> to vector<16xf32>
      %swap3A_184 = vector.shape_cast %broadcast_in_dim3A_1 : vector<16xf32> to vector<1x16xf32>
      tpu.vector_store %arg20[%swap3A_180, %swap3A_181], %swap3A_184 {strides = array<i32>} : memref<80x128xf32, #tpu.memory_space<vmem>>, vector<1x16xf32>,
      %scan3A_185 = arith.constant 0 : i32
      scf.yield %scan3A_185 : i32
    }
    %scan3A_48 = arith.constant 80 : i32
    %scan3A_49 = arith.constant 0 : i32
    %scan3A_50 = arith.constant 0 : i32
    %scan3A_51 = arith.constant 25 : i32
    %scan3A_52 = arith.addi %scan3A_50, %scan3A_51 : i32
    %scan3A_53 = arith.constant 1 : i32
    %scan3A_54 = scf.for %scan3A_144 = %scan3A_50 to %scan3A_52 step %scan3A_53 iter_args(%scan3A_145 = %scan3A_49) -> (i32)  : i32 {
      %mul3A_146 = arith.constant 625 : i32
      %mul3A_147 = arith.muli %arg1, %mul3A_146 : i32
      %mul3A_148 = arith.constant 25 : i32
      %mul3A_149 = arith.muli %scan3A_144, %mul3A_148 : i32
      %add3A_150 = arith.addi %mul3A_147, %mul3A_149 : i32
      "tpu.region"() ({
        %run_scoped3A = tpu.sem_alloc : memref<!tpu.dma_semaphore, #tpu.memory_space<semaphore_mem>>
        %dma_start3A_152 = arith.constant 0 : i32
        %dma_start3A_153 = arith.constant 0 : i32
        %dma_start3A_154 = tpu.memref_slice %arg20[%dma_start3A_152, %dma_start3A_153] : memref<80x128xf32, #tpu.memory_space<vmem>> -> memref<25x128xf32, #tpu.memory_space<vmem>>
        %dma_start3A_155 = arith.constant 0 : i32
        %dma_start3A_156 = tpu.memref_slice %arg28[%add3A_150, %dma_start3A_155] : memref<10000x128xf32, #tpu.memory_space<vmem_shared>> -> memref<25x128xf32, #tpu.memory_space<vmem_shared>>
        %dma_start3A_157 = arith.constant 0 : i32
        %dma_start3A_158 = tpu.memref_slice %arg28[%add3A_150, %dma_start3A_157] : memref<10000x128xf32, #tpu.memory_space<vmem_shared>> -> memref<25x128xf32, #tpu.memory_space<vmem_shared>>
        %dma_start3A_159 = arith.constant 0 : i32
        %dma_start3A_160 = arith.constant 0 : i32
        %dma_start3A_161 = tpu.memref_slice %arg20[%dma_start3A_159, %dma_start3A_160] : memref<80x128xf32, #tpu.memory_space<vmem>> -> memref<25x128xf32, #tpu.memory_space<vmem>>
        tpu.enqueue_dma source(%dma_start3A_161 : memref<25x128xf32, #tpu.memory_space<vmem>>) target(%dma_start3A_158 : memref<25x128xf32, #tpu.memory_space<vmem_shared>>) target_semaphore(%run_scoped3A : memref<!tpu.dma_semaphore, #tpu.memory_space<semaphore_mem>>)
        %dma_wait3A = arith.constant 0 : i32
        %dma_wait3A_162 = arith.constant 0 : i32
        %dma_wait3A_163 = tpu.memref_slice %arg20[%dma_wait3A, %dma_wait3A_162] : memref<80x128xf32, #tpu.memory_space<vmem>> -> memref<25x128xf32, #tpu.memory_space<vmem>>
        %dma_wait3A_164 = arith.constant 0 : i32
        %dma_wait3A_165 = tpu.memref_slice %arg28[%add3A_150, %dma_wait3A_164] : memref<10000x128xf32, #tpu.memory_space<vmem_shared>> -> memref<25x128xf32, #tpu.memory_space<vmem_shared>>
        %dma_wait3A_166 = arith.constant 0 : i32
        %dma_wait3A_167 = tpu.memref_slice %arg28[%add3A_150, %dma_wait3A_166] : memref<10000x128xf32, #tpu.memory_space<vmem_shared>> -> memref<25x128xf32, #tpu.memory_space<vmem_shared>>
        %dma_wait3A_168 = arith.constant 0 : i32
        %dma_wait3A_169 = arith.constant 0 : i32
        %dma_wait3A_170 = tpu.memref_slice %arg20[%dma_wait3A_168, %dma_wait3A_169] : memref<80x128xf32, #tpu.memory_space<vmem>> -> memref<25x128xf32, #tpu.memory_space<vmem>>
        tpu.wait_dma2 semaphore(%run_scoped3A : memref<!tpu.dma_semaphore, #tpu.memory_space<semaphore_mem>>) src(%dma_wait3A_170 : memref<25x128xf32, #tpu.memory_space<vmem>>) dst(%dma_wait3A_167 : memref<25x128xf32, #tpu.memory_space<vmem_shared>>)
        tpu.yield
      }) : () -> ()
      %scan3A_151 = arith.constant 0 : i32
      scf.yield %scan3A_151 : i32
    }
    %scan3A_55 = arith.constant 25 : i32
    %barrier3A_56 = arith.constant 0 : index
    tpu.barrier barrier_id(%barrier3A_56)
    %add3A_57 = arith.constant 0 : i32
    %add3A_58 = arith.addi %mul3A_0, %add3A_57 : i32
    "tpu.region"() ({
      %run_scoped3A = tpu.sem_alloc : memref<!tpu.dma_semaphore, #tpu.memory_space<semaphore_mem>>
      %dma_start3A_144 = tpu.memref_slice %arg2[%add3A_58] : memref<320000xi32, #tpu.memory_space<hbm>> -> memref<80xi32, #tpu.memory_space<hbm>>
      %dma_start3A_145 = tpu.memref_slice %arg2[%add3A_58] : memref<320000xi32, #tpu.memory_space<hbm>> -> memref<80xi32, #tpu.memory_space<hbm>>
      tpu.enqueue_dma source(%dma_start3A_145 : memref<80xi32, #tpu.memory_space<hbm>>) target(%arg7 : memref<80xi32, #tpu.memory_space<vmem>>) target_semaphore(%run_scoped3A : memref<!tpu.dma_semaphore, #tpu.memory_space<semaphore_mem>>)
      %dma_wait3A = tpu.memref_slice %arg2[%add3A_58] : memref<320000xi32, #tpu.memory_space<hbm>> -> memref<80xi32, #tpu.memory_space<hbm>>
      %dma_wait3A_146 = tpu.memref_slice %arg2[%add3A_58] : memref<320000xi32, #tpu.memory_space<hbm>> -> memref<80xi32, #tpu.memory_space<hbm>>
      tpu.wait_dma2 semaphore(%run_scoped3A : memref<!tpu.dma_semaphore, #tpu.memory_space<semaphore_mem>>) src(%dma_wait3A_146 : memref<80xi32, #tpu.memory_space<hbm>>) dst(%arg7 : memref<80xi32, #tpu.memory_space<vmem>>)
      tpu.yield
    }) : () -> ()
    "tpu.region"() ({
      %run_scoped3A = tpu.sem_alloc : memref<!tpu.dma_semaphore, #tpu.memory_space<semaphore_mem>>
      %dma_start3A_144 = tpu.memref_slice %arg3[%add3A_58] : memref<320000xi32, #tpu.memory_space<hbm>> -> memref<80xi32, #tpu.memory_space<hbm>>
      %dma_start3A_145 = tpu.memref_slice %arg3[%add3A_58] : memref<320000xi32, #tpu.memory_space<hbm>> -> memref<80xi32, #tpu.memory_space<hbm>>
      tpu.enqueue_dma source(%dma_start3A_145 : memref<80xi32, #tpu.memory_space<hbm>>) target(%arg9 : memref<80xi32, #tpu.memory_space<vmem>>) target_semaphore(%run_scoped3A : memref<!tpu.dma_semaphore, #tpu.memory_space<semaphore_mem>>)
      %dma_wait3A = tpu.memref_slice %arg3[%add3A_58] : memref<320000xi32, #tpu.memory_space<hbm>> -> memref<80xi32, #tpu.memory_space<hbm>>
      %dma_wait3A_146 = tpu.memref_slice %arg3[%add3A_58] : memref<320000xi32, #tpu.memory_space<hbm>> -> memref<80xi32, #tpu.memory_space<hbm>>
      tpu.wait_dma2 semaphore(%run_scoped3A : memref<!tpu.dma_semaphore, #tpu.memory_space<semaphore_mem>>) src(%dma_wait3A_146 : memref<80xi32, #tpu.memory_space<hbm>>) dst(%arg9 : memref<80xi32, #tpu.memory_space<vmem>>)
      tpu.yield
    }) : () -> ()
    %scan3A_59 = arith.constant 0 : i32
    %scan3A_60 = arith.constant 0 : i32
    %scan3A_61 = arith.constant 5 : i32
    %scan3A_62 = arith.addi %scan3A_60, %scan3A_61 : i32
    %scan3A_63 = arith.constant 1 : i32
    %scan3A_64 = scf.for %scan3A_144 = %scan3A_60 to %scan3A_62 step %scan3A_63 iter_args(%scan3A_145 = %scan3A_59) -> (i32)  : i32 {
      %mul3A_146 = arith.constant 16 : i32
      %mul3A_147 = arith.muli %scan3A_144, %mul3A_146 : i32
      %get3A = arith.index_cast %mul3A_147 : i32 to index
      %get3A_148 = tpu.vector_load %arg7[%get3A] {strides = array<i32>} : memref<80xi32, #tpu.memory_space<vmem>>, vector<16xi32>,
      %get3A_149 = vector.shape_cast %get3A_148 : vector<16xi32> to vector<16xi32>
      %mul3A_150 = arith.constant 10240 : i32
      %mul3A_151 = arith.muli %add3A_41, %mul3A_150 : i32
      %add3A_152 = vector.broadcast %mul3A_151 : i32 to vector<16xi32>
      %add3A_153 = arith.addi %get3A_149, %add3A_152 : vector<16xi32>
      %mul3A_154 = arith.constant 16 : i32
      %mul3A_155 = arith.muli %scan3A_144, %mul3A_154 : i32
      %swap3A = arith.index_cast %mul3A_155 : i32 to index
      %swap3A_156 = tpu.vector_load %arg11[%swap3A] {strides = array<i32>} : memref<80xi32, #tpu.memory_space<vmem>>, vector<16xi32>,
      %swap3A_157 = vector.shape_cast %swap3A_156 : vector<16xi32> to vector<16xi32>
      %swap3A_158 = vector.shape_cast %add3A_153 : vector<16xi32> to vector<16xi32>
      tpu.vector_store %arg11[%swap3A], %swap3A_158 {strides = array<i32>} : memref<80xi32, #tpu.memory_space<vmem>>, vector<16xi32>,
      %scan3A_159 = arith.constant 0 : i32
      scf.yield %scan3A_159 : i32
    }
    %scan3A_65 = arith.constant 5 : i32
    %dma_start3A_66 = arith.constant 0 : i32
    %dma_start3A_67 = arith.constant 0 : i32
    %dma_start3A_68 = tpu.memref_slice %arg5[%dma_start3A_66, %dma_start3A_67] : memref<40960x128xf32, #tpu.memory_space<hbm>> -> memref<40960x128xf32, #tpu.memory_space<hbm>>
    tpu.enqueue_indirect_dma source(%dma_start3A_68 : memref<40960x128xf32, #tpu.memory_space<hbm>>) target(%arg20 : memref<80x128xf32, #tpu.memory_space<vmem>>) offsets(%arg11 : memref<80xi32, #tpu.memory_space<vmem>>) semaphore(%arg22 : memref<!tpu.dma_semaphore, #tpu.memory_space<semaphore_mem>>)
    %dma_start3A_69 = arith.constant 0 : i32
    %dma_start3A_70 = arith.constant 0 : i32
    %dma_start3A_71 = tpu.memref_slice %arg27[%dma_start3A_69, %dma_start3A_70] : memref<10000x16xf32, #tpu.memory_space<vmem_shared>> -> memref<10000x16xf32, #tpu.memory_space<vmem_shared>>
    tpu.enqueue_indirect_dma source(%dma_start3A_71 : memref<10000x16xf32, #tpu.memory_space<vmem_shared>>) target(%arg13 : memref<80x16xf32, #tpu.memory_space<vmem>>) offsets(%arg7 : memref<80xi32, #tpu.memory_space<vmem>>) semaphore(%arg24 : memref<!tpu.dma_semaphore, #tpu.memory_space<semaphore_mem>>)
    %dma_start3A_72 = arith.constant 0 : i32
    %dma_start3A_73 = arith.constant 0 : i32
    %dma_start3A_74 = tpu.memref_slice %arg27[%dma_start3A_72, %dma_start3A_73] : memref<10000x16xf32, #tpu.memory_space<vmem_shared>> -> memref<10000x16xf32, #tpu.memory_space<vmem_shared>>
    tpu.enqueue_indirect_dma source(%dma_start3A_74 : memref<10000x16xf32, #tpu.memory_space<vmem_shared>>) target(%arg15 : memref<80x16xf32, #tpu.memory_space<vmem>>) offsets(%arg9 : memref<80xi32, #tpu.memory_space<vmem>>) semaphore(%arg24 : memref<!tpu.dma_semaphore, #tpu.memory_space<semaphore_mem>>)
    %dma_start3A_75 = arith.constant 0 : i32
    %dma_start3A_76 = arith.constant 0 : i32
    %dma_start3A_77 = tpu.memref_slice %arg26[%dma_start3A_75, %dma_start3A_76] : memref<10000x16xf32, #tpu.memory_space<vmem_shared>> -> memref<10000x16xf32, #tpu.memory_space<vmem_shared>>
    tpu.enqueue_indirect_dma source(%dma_start3A_77 : memref<10000x16xf32, #tpu.memory_space<vmem_shared>>) target(%arg17 : memref<80x16xf32, #tpu.memory_space<vmem>>) offsets(%arg9 : memref<80xi32, #tpu.memory_space<vmem>>) semaphore(%arg24 : memref<!tpu.dma_semaphore, #tpu.memory_space<semaphore_mem>>)
    %scan3A_78 = arith.constant 0 : i32
    %scan3A_79 = arith.constant 0 : i32
    %scan3A_80 = arith.constant 125 : i32
    %scan3A_81 = arith.addi %scan3A_79, %scan3A_80 : i32
    %scan3A_82 = arith.constant 1 : i32
    %scan3A_83 = scf.for %scan3A_144 = %scan3A_79 to %scan3A_81 step %scan3A_82 iter_args(%scan3A_145 = %scan3A_78) -> (i32)  : i32 {
      %mul3A_146 = arith.constant 2 : i32
      %mul3A_147 = arith.muli %mul3A_146, %scan3A_144 : i32
      %add3A_148 = arith.constant 1 : i32
      %add3A_149 = arith.addi %mul3A_147, %add3A_148 : i32
      %mul3A_150 = arith.constant 80 : i32
      %mul3A_151 = arith.muli %add3A_149, %mul3A_150 : i32
      %add3A_152 = arith.addi %mul3A_0, %mul3A_151 : i32
      "tpu.region"() ({
        %run_scoped3A = tpu.sem_alloc : memref<!tpu.dma_semaphore, #tpu.memory_space<semaphore_mem>>
        %dma_start3A_216 = tpu.memref_slice %arg2[%add3A_152] : memref<320000xi32, #tpu.memory_space<hbm>> -> memref<80xi32, #tpu.memory_space<hbm>>
        %dma_start3A_217 = tpu.memref_slice %arg2[%add3A_152] : memref<320000xi32, #tpu.memory_space<hbm>> -> memref<80xi32, #tpu.memory_space<hbm>>
        tpu.enqueue_dma source(%dma_start3A_217 : memref<80xi32, #tpu.memory_space<hbm>>) target(%arg8 : memref<80xi32, #tpu.memory_space<vmem>>) target_semaphore(%run_scoped3A : memref<!tpu.dma_semaphore, #tpu.memory_space<semaphore_mem>>)
        %dma_wait3A_218 = tpu.memref_slice %arg2[%add3A_152] : memref<320000xi32, #tpu.memory_space<hbm>> -> memref<80xi32, #tpu.memory_space<hbm>>
        %dma_wait3A_219 = tpu.memref_slice %arg2[%add3A_152] : memref<320000xi32, #tpu.memory_space<hbm>> -> memref<80xi32, #tpu.memory_space<hbm>>
        tpu.wait_dma2 semaphore(%run_scoped3A : memref<!tpu.dma_semaphore, #tpu.memory_space<semaphore_mem>>) src(%dma_wait3A_219 : memref<80xi32, #tpu.memory_space<hbm>>) dst(%arg8 : memref<80xi32, #tpu.memory_space<vmem>>)
        tpu.yield
      }) : () -> ()
      "tpu.region"() ({
        %run_scoped3A = tpu.sem_alloc : memref<!tpu.dma_semaphore, #tpu.memory_space<semaphore_mem>>
        %dma_start3A_216 = tpu.memref_slice %arg3[%add3A_152] : memref<320000xi32, #tpu.memory_space<hbm>> -> memref<80xi32, #tpu.memory_space<hbm>>
        %dma_start3A_217 = tpu.memref_slice %arg3[%add3A_152] : memref<320000xi32, #tpu.memory_space<hbm>> -> memref<80xi32, #tpu.memory_space<hbm>>
        tpu.enqueue_dma source(%dma_start3A_217 : memref<80xi32, #tpu.memory_space<hbm>>) target(%arg10 : memref<80xi32, #tpu.memory_space<vmem>>) target_semaphore(%run_scoped3A : memref<!tpu.dma_semaphore, #tpu.memory_space<semaphore_mem>>)
        %dma_wait3A_218 = tpu.memref_slice %arg3[%add3A_152] : memref<320000xi32, #tpu.memory_space<hbm>> -> memref<80xi32, #tpu.memory_space<hbm>>
        %dma_wait3A_219 = tpu.memref_slice %arg3[%add3A_152] : memref<320000xi32, #tpu.memory_space<hbm>> -> memref<80xi32, #tpu.memory_space<hbm>>
        tpu.wait_dma2 semaphore(%run_scoped3A : memref<!tpu.dma_semaphore, #tpu.memory_space<semaphore_mem>>) src(%dma_wait3A_219 : memref<80xi32, #tpu.memory_space<hbm>>) dst(%arg10 : memref<80xi32, #tpu.memory_space<vmem>>)
        tpu.yield
      }) : () -> ()
      %scan3A_153 = arith.constant 0 : i32
      %scan3A_154 = arith.constant 0 : i32
      %scan3A_155 = arith.constant 5 : i32
      %scan3A_156 = arith.addi %scan3A_154, %scan3A_155 : i32
      %scan3A_157 = arith.constant 1 : i32
      %scan3A_158 = scf.for %scan3A_216 = %scan3A_154 to %scan3A_156 step %scan3A_157 iter_args(%scan3A_217 = %scan3A_153) -> (i32)  : i32 {
        %mul3A_218 = arith.constant 16 : i32
        %mul3A_219 = arith.muli %scan3A_216, %mul3A_218 : i32
        %get3A = arith.index_cast %mul3A_219 : i32 to index
        %get3A_220 = tpu.vector_load %arg8[%get3A] {strides = array<i32>} : memref<80xi32, #tpu.memory_space<vmem>>, vector<16xi32>,
        %get3A_221 = vector.shape_cast %get3A_220 : vector<16xi32> to vector<16xi32>
        %mul3A_222 = arith.constant 10240 : i32
        %mul3A_223 = arith.muli %add3A_41, %mul3A_222 : i32
        %add3A_224 = vector.broadcast %mul3A_223 : i32 to vector<16xi32>
        %add3A_225 = arith.addi %get3A_221, %add3A_224 : vector<16xi32>
        %mul3A_226 = arith.constant 16 : i32
        %mul3A_227 = arith.muli %scan3A_216, %mul3A_226 : i32
        %swap3A = arith.index_cast %mul3A_227 : i32 to index
        %swap3A_228 = tpu.vector_load %arg12[%swap3A] {strides = array<i32>} : memref<80xi32, #tpu.memory_space<vmem>>, vector<16xi32>,
        %swap3A_229 = vector.shape_cast %swap3A_228 : vector<16xi32> to vector<16xi32>
        %swap3A_230 = vector.shape_cast %add3A_225 : vector<16xi32> to vector<16xi32>
        tpu.vector_store %arg12[%swap3A], %swap3A_230 {strides = array<i32>} : memref<80xi32, #tpu.memory_space<vmem>>, vector<16xi32>,
        %scan3A_231 = arith.constant 0 : i32
        scf.yield %scan3A_231 : i32
      }
      %scan3A_159 = arith.constant 5 : i32
      %dma_start3A_160 = arith.constant 0 : i32
      %dma_start3A_161 = arith.constant 0 : i32
      %dma_start3A_162 = tpu.memref_slice %arg5[%dma_start3A_160, %dma_start3A_161] : memref<40960x128xf32, #tpu.memory_space<hbm>> -> memref<40960x128xf32, #tpu.memory_space<hbm>>
      tpu.enqueue_indirect_dma source(%dma_start3A_162 : memref<40960x128xf32, #tpu.memory_space<hbm>>) target(%arg21 : memref<80x128xf32, #tpu.memory_space<vmem>>) offsets(%arg12 : memref<80xi32, #tpu.memory_space<vmem>>) semaphore(%arg23 : memref<!tpu.dma_semaphore, #tpu.memory_space<semaphore_mem>>)
      %dma_start3A_163 = arith.constant 0 : i32
      %dma_start3A_164 = arith.constant 0 : i32
      %dma_start3A_165 = tpu.memref_slice %arg27[%dma_start3A_163, %dma_start3A_164] : memref<10000x16xf32, #tpu.memory_space<vmem_shared>> -> memref<10000x16xf32, #tpu.memory_space<vmem_shared>>
      tpu.enqueue_indirect_dma source(%dma_start3A_165 : memref<10000x16xf32, #tpu.memory_space<vmem_shared>>) target(%arg14 : memref<80x16xf32, #tpu.memory_space<vmem>>) offsets(%arg8 : memref<80xi32, #tpu.memory_space<vmem>>) semaphore(%arg25 : memref<!tpu.dma_semaphore, #tpu.memory_space<semaphore_mem>>)
      %dma_start3A_166 = arith.constant 0 : i32
      %dma_start3A_167 = arith.constant 0 : i32
      %dma_start3A_168 = tpu.memref_slice %arg27[%dma_start3A_166, %dma_start3A_167] : memref<10000x16xf32, #tpu.memory_space<vmem_shared>> -> memref<10000x16xf32, #tpu.memory_space<vmem_shared>>
      tpu.enqueue_indirect_dma source(%dma_start3A_168 : memref<10000x16xf32, #tpu.memory_space<vmem_shared>>) target(%arg16 : memref<80x16xf32, #tpu.memory_space<vmem>>) offsets(%arg10 : memref<80xi32, #tpu.memory_space<vmem>>) semaphore(%arg25 : memref<!tpu.dma_semaphore, #tpu.memory_space<semaphore_mem>>)
      %dma_start3A_169 = arith.constant 0 : i32
      %dma_start3A_170 = arith.constant 0 : i32
      %dma_start3A_171 = tpu.memref_slice %arg26[%dma_start3A_169, %dma_start3A_170] : memref<10000x16xf32, #tpu.memory_space<vmem_shared>> -> memref<10000x16xf32, #tpu.memory_space<vmem_shared>>
      tpu.enqueue_indirect_dma source(%dma_start3A_171 : memref<10000x16xf32, #tpu.memory_space<vmem_shared>>) target(%arg18 : memref<80x16xf32, #tpu.memory_space<vmem>>) offsets(%arg10 : memref<80xi32, #tpu.memory_space<vmem>>) semaphore(%arg25 : memref<!tpu.dma_semaphore, #tpu.memory_space<semaphore_mem>>)
      %dma_wait3A = arith.constant 0 : i32
      %dma_wait3A_172 = arith.constant 0 : i32
      %dma_wait3A_173 = tpu.memref_slice %arg27[%dma_wait3A, %dma_wait3A_172] : memref<10000x16xf32, #tpu.memory_space<vmem_shared>> -> memref<10000x16xf32, #tpu.memory_space<vmem_shared>>
      tpu.wait_indirect_dma semaphore(%arg24 : memref<!tpu.dma_semaphore, #tpu.memory_space<semaphore_mem>>) src(%dma_wait3A_173 : memref<10000x16xf32, #tpu.memory_space<vmem_shared>>) dst(%arg13 : memref<80x16xf32, #tpu.memory_space<vmem>>)
      %dma_wait3A_174 = arith.constant 0 : i32
      %dma_wait3A_175 = arith.constant 0 : i32
      %dma_wait3A_176 = tpu.memref_slice %arg27[%dma_wait3A_174, %dma_wait3A_175] : memref<10000x16xf32, #tpu.memory_space<vmem_shared>> -> memref<10000x16xf32, #tpu.memory_space<vmem_shared>>
      tpu.wait_indirect_dma semaphore(%arg24 : memref<!tpu.dma_semaphore, #tpu.memory_space<semaphore_mem>>) src(%dma_wait3A_176 : memref<10000x16xf32, #tpu.memory_space<vmem_shared>>) dst(%arg15 : memref<80x16xf32, #tpu.memory_space<vmem>>)
      %dma_wait3A_177 = arith.constant 0 : i32
      %dma_wait3A_178 = arith.constant 0 : i32
      %dma_wait3A_179 = tpu.memref_slice %arg26[%dma_wait3A_177, %dma_wait3A_178] : memref<10000x16xf32, #tpu.memory_space<vmem_shared>> -> memref<10000x16xf32, #tpu.memory_space<vmem_shared>>
      tpu.wait_indirect_dma semaphore(%arg24 : memref<!tpu.dma_semaphore, #tpu.memory_space<semaphore_mem>>) src(%dma_wait3A_179 : memref<10000x16xf32, #tpu.memory_space<vmem_shared>>) dst(%arg17 : memref<80x16xf32, #tpu.memory_space<vmem>>)
      %dma_wait3A_180 = arith.constant 0 : i32
      %dma_wait3A_181 = arith.constant 0 : i32
      %dma_wait3A_182 = tpu.memref_slice %arg5[%dma_wait3A_180, %dma_wait3A_181] : memref<40960x128xf32, #tpu.memory_space<hbm>> -> memref<40960x128xf32, #tpu.memory_space<hbm>>
      tpu.wait_indirect_dma semaphore(%arg22 : memref<!tpu.dma_semaphore, #tpu.memory_space<semaphore_mem>>) src(%dma_wait3A_182 : memref<40960x128xf32, #tpu.memory_space<hbm>>) dst(%arg20 : memref<80x128xf32, #tpu.memory_space<vmem>>)
      %scan3A_183 = arith.constant 0 : i32
      %scan3A_184 = arith.constant 0 : i32
      %scan3A_185 = arith.constant 80 : i32
      %scan3A_186 = arith.addi %scan3A_184, %scan3A_185 : i32
      %scan3A_187 = arith.constant 1 : i32
      %scan3A_188 = scf.for %scan3A_216 = %scan3A_184 to %scan3A_186 step %scan3A_187 iter_args(%scan3A_217 = %scan3A_183) -> (i32)  : i32 {
        %get3A = arith.index_cast %scan3A_216 : i32 to index
        %get3A_218 = arith.constant 0 : index
        %get3A_219 = tpu.vector_load %arg13[%get3A, %get3A_218] {strides = array<i32>} : memref<80x16xf32, #tpu.memory_space<vmem>>, vector<1x16xf32>,
        %get3A_220 = vector.shape_cast %get3A_219 : vector<1x16xf32> to vector<16xf32>
        %get3A_221 = arith.index_cast %scan3A_216 : i32 to index
        %get3A_222 = arith.constant 0 : index
        %get3A_223 = tpu.vector_load %arg15[%get3A_221, %get3A_222] {strides = array<i32>} : memref<80x16xf32, #tpu.memory_space<vmem>>, vector<1x16xf32>,
        %get3A_224 = vector.shape_cast %get3A_223 : vector<1x16xf32> to vector<16xf32>
        %broadcast_in_dim3A_225 = vector.shape_cast %and3A_22 : vector<16xi32> to vector<16x1xi32>
        %gather3A = vector.shape_cast %broadcast_in_dim3A_225 : vector<16x1xi32> to vector<16xi32>
        %gather3A_226 = tpu.dynamic_gather %get3A_224[%gather3A] in [0] : vector<16xf32>, vector<16xi32> -> vector<16xf32>
        %add3A_227 = arith.addf %get3A_220, %gather3A_226 : vector<16xf32>
        %mul3A_228 = arith.constant 2.000000e-01 : f32
        %mul3A_229 = vector.broadcast %mul3A_228 : f32 to vector<16xf32>
        %mul3A_230 = arith.mulf %mul3A_229, %add3A_227 : vector<16xf32>
        %max3A = arith.maximumf %add3A_227, %mul3A_230 : vector<16xf32>
        %exp3A = math.exp %max3A : vector<16xf32>
        %get3A_231 = arith.index_cast %scan3A_216 : i32 to index
        %get3A_232 = arith.constant 0 : index
        %get3A_233 = tpu.vector_load %arg17[%get3A_231, %get3A_232] {strides = array<i32>} : memref<80x16xf32, #tpu.memory_space<vmem>>, vector<1x16xf32>,
        %get3A_234 = vector.shape_cast %get3A_233 : vector<1x16xf32> to vector<16xf32>
        %add3A_235 = arith.constant 9.99999971E-10 : f32
        %add3A_236 = vector.broadcast %add3A_235 : f32 to vector<16xf32>
        %add3A_237 = arith.addf %get3A_234, %add3A_236 : vector<16xf32>
        %div3A = arith.divf %exp3A, %add3A_237 : vector<16xf32>
        %mul3A_238 = arith.constant 2 : i32
        %mul3A_239 = arith.muli %mul3A_238, %add3A_41 : i32
        %broadcast_in_dim3A_240 = vector.broadcast %mul3A_239 : i32 to vector<16xi32>
        %broadcast_in_dim3A_241 = vector.shape_cast %broadcast_in_dim3A_240 : vector<16xi32> to vector<16x1xi32>
        %gather3A_242 = vector.shape_cast %broadcast_in_dim3A_241 : vector<16x1xi32> to vector<16xi32>
        %gather3A_243 = tpu.dynamic_gather %div3A[%gather3A_242] in [0] : vector<16xf32>, vector<16xi32> -> vector<16xf32>
        %mul3A_244 = arith.constant 2 : i32
        %mul3A_245 = arith.muli %mul3A_244, %add3A_41 : i32
        %add3A_246 = arith.constant 1 : i32
        %add3A_247 = arith.addi %mul3A_245, %add3A_246 : i32
        %broadcast_in_dim3A_248 = vector.broadcast %add3A_247 : i32 to vector<16xi32>
        %broadcast_in_dim3A_249 = vector.shape_cast %broadcast_in_dim3A_248 : vector<16xi32> to vector<16x1xi32>
        %gather3A_250 = vector.shape_cast %broadcast_in_dim3A_249 : vector<16x1xi32> to vector<16xi32>
        %gather3A_251 = tpu.dynamic_gather %div3A[%gather3A_250] in [0] : vector<16xf32>, vector<16xi32> -> vector<16xf32>
        %get3A_252 = arith.index_cast %scan3A_216 : i32 to index
        %get3A_253 = arith.constant 0 : index
        %get3A_254 = tpu.vector_load %arg20[%get3A_252, %get3A_253] {strides = array<i32>} : memref<80x128xf32, #tpu.memory_space<vmem>>, vector<1x16xf32>,
        %get3A_255 = vector.shape_cast %get3A_254 : vector<1x16xf32> to vector<16xf32>
        %mul3A_256 = arith.mulf %get3A_255, %gather3A_243 : vector<16xf32>
        %swap3A = arith.index_cast %scan3A_216 : i32 to index
        %swap3A_257 = arith.constant 0 : index
        %swap3A_258 = tpu.vector_load %arg20[%swap3A, %swap3A_257] {strides = array<i32>} : memref<80x128xf32, #tpu.memory_space<vmem>>, vector<1x16xf32>,
        %swap3A_259 = vector.shape_cast %swap3A_258 : vector<1x16xf32> to vector<16xf32>
        %swap3A_260 = vector.shape_cast %mul3A_256 : vector<16xf32> to vector<1x16xf32>
        tpu.vector_store %arg20[%swap3A, %swap3A_257], %swap3A_260 {strides = array<i32>} : memref<80x128xf32, #tpu.memory_space<vmem>>, vector<1x16xf32>,
        %get3A_261 = arith.index_cast %scan3A_216 : i32 to index
        %get3A_262 = arith.constant 16 : index
        %get3A_263 = tpu.vector_load %arg20[%get3A_261, %get3A_262] {strides = array<i32>} : memref<80x128xf32, #tpu.memory_space<vmem>>, vector<1x16xf32>,
        %get3A_264 = vector.shape_cast %get3A_263 : vector<1x16xf32> to vector<16xf32>
        %mul3A_265 = arith.mulf %get3A_264, %gather3A_243 : vector<16xf32>
        %swap3A_266 = arith.index_cast %scan3A_216 : i32 to index
        %swap3A_267 = arith.constant 16 : index
        %swap3A_268 = tpu.vector_load %arg20[%swap3A_266, %swap3A_267] {strides = array<i32>} : memref<80x128xf32, #tpu.memory_space<vmem>>, vector<1x16xf32>,
        %swap3A_269 = vector.shape_cast %swap3A_268 : vector<1x16xf32> to vector<16xf32>
        %swap3A_270 = vector.shape_cast %mul3A_265 : vector<16xf32> to vector<1x16xf32>
        tpu.vector_store %arg20[%swap3A_266, %swap3A_267], %swap3A_270 {strides = array<i32>} : memref<80x128xf32, #tpu.memory_space<vmem>>, vector<1x16xf32>,
        %get3A_271 = arith.index_cast %scan3A_216 : i32 to index
        %get3A_272 = arith.constant 32 : index
        %get3A_273 = tpu.vector_load %arg20[%get3A_271, %get3A_272] {strides = array<i32>} : memref<80x128xf32, #tpu.memory_space<vmem>>, vector<1x16xf32>,
        %get3A_274 = vector.shape_cast %get3A_273 : vector<1x16xf32> to vector<16xf32>
        %mul3A_275 = arith.mulf %get3A_274, %gather3A_243 : vector<16xf32>
        %swap3A_276 = arith.index_cast %scan3A_216 : i32 to index
        %swap3A_277 = arith.constant 32 : index
        %swap3A_278 = tpu.vector_load %arg20[%swap3A_276, %swap3A_277] {strides = array<i32>} : memref<80x128xf32, #tpu.memory_space<vmem>>, vector<1x16xf32>,
        %swap3A_279 = vector.shape_cast %swap3A_278 : vector<1x16xf32> to vector<16xf32>
        %swap3A_280 = vector.shape_cast %mul3A_275 : vector<16xf32> to vector<1x16xf32>
        tpu.vector_store %arg20[%swap3A_276, %swap3A_277], %swap3A_280 {strides = array<i32>} : memref<80x128xf32, #tpu.memory_space<vmem>>, vector<1x16xf32>,
        %get3A_281 = arith.index_cast %scan3A_216 : i32 to index
        %get3A_282 = arith.constant 48 : index
        %get3A_283 = tpu.vector_load %arg20[%get3A_281, %get3A_282] {strides = array<i32>} : memref<80x128xf32, #tpu.memory_space<vmem>>, vector<1x16xf32>,
        %get3A_284 = vector.shape_cast %get3A_283 : vector<1x16xf32> to vector<16xf32>
        %mul3A_285 = arith.mulf %get3A_284, %gather3A_243 : vector<16xf32>
        %swap3A_286 = arith.index_cast %scan3A_216 : i32 to index
        %swap3A_287 = arith.constant 48 : index
        %swap3A_288 = tpu.vector_load %arg20[%swap3A_286, %swap3A_287] {strides = array<i32>} : memref<80x128xf32, #tpu.memory_space<vmem>>, vector<1x16xf32>,
        %swap3A_289 = vector.shape_cast %swap3A_288 : vector<1x16xf32> to vector<16xf32>
        %swap3A_290 = vector.shape_cast %mul3A_285 : vector<16xf32> to vector<1x16xf32>
        tpu.vector_store %arg20[%swap3A_286, %swap3A_287], %swap3A_290 {strides = array<i32>} : memref<80x128xf32, #tpu.memory_space<vmem>>, vector<1x16xf32>,
        %get3A_291 = arith.index_cast %scan3A_216 : i32 to index
        %get3A_292 = arith.constant 64 : index
        %get3A_293 = tpu.vector_load %arg20[%get3A_291, %get3A_292] {strides = array<i32>} : memref<80x128xf32, #tpu.memory_space<vmem>>, vector<1x16xf32>,
        %get3A_294 = vector.shape_cast %get3A_293 : vector<1x16xf32> to vector<16xf32>
        %mul3A_295 = arith.mulf %get3A_294, %gather3A_251 : vector<16xf32>
        %swap3A_296 = arith.index_cast %scan3A_216 : i32 to index
        %swap3A_297 = arith.constant 64 : index
        %swap3A_298 = tpu.vector_load %arg20[%swap3A_296, %swap3A_297] {strides = array<i32>} : memref<80x128xf32, #tpu.memory_space<vmem>>, vector<1x16xf32>,
        %swap3A_299 = vector.shape_cast %swap3A_298 : vector<1x16xf32> to vector<16xf32>
        %swap3A_300 = vector.shape_cast %mul3A_295 : vector<16xf32> to vector<1x16xf32>
        tpu.vector_store %arg20[%swap3A_296, %swap3A_297], %swap3A_300 {strides = array<i32>} : memref<80x128xf32, #tpu.memory_space<vmem>>, vector<1x16xf32>,
        %get3A_301 = arith.index_cast %scan3A_216 : i32 to index
        %get3A_302 = arith.constant 80 : index
        %get3A_303 = tpu.vector_load %arg20[%get3A_301, %get3A_302] {strides = array<i32>} : memref<80x128xf32, #tpu.memory_space<vmem>>, vector<1x16xf32>,
        %get3A_304 = vector.shape_cast %get3A_303 : vector<1x16xf32> to vector<16xf32>
        %mul3A_305 = arith.mulf %get3A_304, %gather3A_251 : vector<16xf32>
        %swap3A_306 = arith.index_cast %scan3A_216 : i32 to index
        %swap3A_307 = arith.constant 80 : index
        %swap3A_308 = tpu.vector_load %arg20[%swap3A_306, %swap3A_307] {strides = array<i32>} : memref<80x128xf32, #tpu.memory_space<vmem>>, vector<1x16xf32>,
        %swap3A_309 = vector.shape_cast %swap3A_308 : vector<1x16xf32> to vector<16xf32>
        %swap3A_310 = vector.shape_cast %mul3A_305 : vector<16xf32> to vector<1x16xf32>
        tpu.vector_store %arg20[%swap3A_306, %swap3A_307], %swap3A_310 {strides = array<i32>} : memref<80x128xf32, #tpu.memory_space<vmem>>, vector<1x16xf32>,
        %get3A_311 = arith.index_cast %scan3A_216 : i32 to index
        %get3A_312 = arith.constant 96 : index
        %get3A_313 = tpu.vector_load %arg20[%get3A_311, %get3A_312] {strides = array<i32>} : memref<80x128xf32, #tpu.memory_space<vmem>>, vector<1x16xf32>,
        %get3A_314 = vector.shape_cast %get3A_313 : vector<1x16xf32> to vector<16xf32>
        %mul3A_315 = arith.mulf %get3A_314, %gather3A_251 : vector<16xf32>
        %swap3A_316 = arith.index_cast %scan3A_216 : i32 to index
        %swap3A_317 = arith.constant 96 : index
        %swap3A_318 = tpu.vector_load %arg20[%swap3A_316, %swap3A_317] {strides = array<i32>} : memref<80x128xf32, #tpu.memory_space<vmem>>, vector<1x16xf32>,
        %swap3A_319 = vector.shape_cast %swap3A_318 : vector<1x16xf32> to vector<16xf32>
        %swap3A_320 = vector.shape_cast %mul3A_315 : vector<16xf32> to vector<1x16xf32>
        tpu.vector_store %arg20[%swap3A_316, %swap3A_317], %swap3A_320 {strides = array<i32>} : memref<80x128xf32, #tpu.memory_space<vmem>>, vector<1x16xf32>,
        %get3A_321 = arith.index_cast %scan3A_216 : i32 to index
        %get3A_322 = arith.constant 112 : index
        %get3A_323 = tpu.vector_load %arg20[%get3A_321, %get3A_322] {strides = array<i32>} : memref<80x128xf32, #tpu.memory_space<vmem>>, vector<1x16xf32>,
        %get3A_324 = vector.shape_cast %get3A_323 : vector<1x16xf32> to vector<16xf32>
        %mul3A_325 = arith.mulf %get3A_324, %gather3A_251 : vector<16xf32>
        %swap3A_326 = arith.index_cast %scan3A_216 : i32 to index
        %swap3A_327 = arith.constant 112 : index
        %swap3A_328 = tpu.vector_load %arg20[%swap3A_326, %swap3A_327] {strides = array<i32>} : memref<80x128xf32, #tpu.memory_space<vmem>>, vector<1x16xf32>,
        %swap3A_329 = vector.shape_cast %swap3A_328 : vector<1x16xf32> to vector<16xf32>
        %swap3A_330 = vector.shape_cast %mul3A_325 : vector<16xf32> to vector<1x16xf32>
        tpu.vector_store %arg20[%swap3A_326, %swap3A_327], %swap3A_330 {strides = array<i32>} : memref<80x128xf32, #tpu.memory_space<vmem>>, vector<1x16xf32>,
        %scan3A_331 = arith.constant 0 : i32
        scf.yield %scan3A_331 : i32
      }
      %scan3A_189 = arith.constant 80 : i32
      "tpu.region"() ({
        %run_scoped3A = tpu.sem_alloc : memref<!tpu.dma_semaphore, #tpu.memory_space<semaphore_mem>>
        %dma_start3A_216 = arith.constant 0 : i32
        %dma_start3A_217 = arith.constant 0 : i32
        %dma_start3A_218 = tpu.memref_slice %arg28[%dma_start3A_216, %dma_start3A_217] : memref<10000x128xf32, #tpu.memory_space<vmem_shared>> -> memref<10000x128xf32, #tpu.memory_space<vmem_shared>>
        tpu.enqueue_indirect_dma source(%arg20 : memref<80x128xf32, #tpu.memory_space<vmem>>) target(%dma_start3A_218 : memref<10000x128xf32, #tpu.memory_space<vmem_shared>>) offsets(%arg9 : memref<80xi32, #tpu.memory_space<vmem>>) semaphore(%run_scoped3A : memref<!tpu.dma_semaphore, #tpu.memory_space<semaphore_mem>>) {add = true}
        %dma_wait3A_219 = arith.constant 0 : i32
        %dma_wait3A_220 = arith.constant 0 : i32
        %dma_wait3A_221 = tpu.memref_slice %arg28[%dma_wait3A_219, %dma_wait3A_220] : memref<10000x128xf32, #tpu.memory_space<vmem_shared>> -> memref<10000x128xf32, #tpu.memory_space<vmem_shared>>
        tpu.wait_indirect_dma semaphore(%run_scoped3A : memref<!tpu.dma_semaphore, #tpu.memory_space<semaphore_mem>>) src(%arg20 : memref<80x128xf32, #tpu.memory_space<vmem>>) dst(%dma_wait3A_221 : memref<10000x128xf32, #tpu.memory_space<vmem_shared>>)
        tpu.yield
      }) : () -> ()
      %mul3A_190 = arith.constant 2 : i32
      %mul3A_191 = arith.muli %mul3A_190, %scan3A_144 : i32
      %add3A_192 = arith.constant 2 : i32
      %add3A_193 = arith.addi %mul3A_191, %add3A_192 : i32
      %lt3A = arith.constant 250 : i32
      %lt3A_194 = arith.cmpi slt, %add3A_193, %lt3A : i32
      %convert_element_type3A = arith.extui %lt3A_194 : i1 to i32
      %cond3A = arith.constant 0 : i32
      %cond3A_195 = arith.cmpi ne, %convert_element_type3A, %cond3A : i32
      scf.if %cond3A_195 {
        %mul3A_216 = arith.constant 2 : i32
        %mul3A_217 = arith.muli %mul3A_216, %scan3A_144 : i32
        %add3A_218 = arith.constant 2 : i32
        %add3A_219 = arith.addi %mul3A_217, %add3A_218 : i32
        %mul3A_220 = arith.constant 80 : i32
        %mul3A_221 = arith.muli %add3A_219, %mul3A_220 : i32
        %add3A_222 = arith.addi %mul3A_0, %mul3A_221 : i32
        "tpu.region"() ({
          %run_scoped3A = tpu.sem_alloc : memref<!tpu.dma_semaphore, #tpu.memory_space<semaphore_mem>>
          %dma_start3A_242 = tpu.memref_slice %arg2[%add3A_222] : memref<320000xi32, #tpu.memory_space<hbm>> -> memref<80xi32, #tpu.memory_space<hbm>>
          %dma_start3A_243 = tpu.memref_slice %arg2[%add3A_222] : memref<320000xi32, #tpu.memory_space<hbm>> -> memref<80xi32, #tpu.memory_space<hbm>>
          tpu.enqueue_dma source(%dma_start3A_243 : memref<80xi32, #tpu.memory_space<hbm>>) target(%arg7 : memref<80xi32, #tpu.memory_space<vmem>>) target_semaphore(%run_scoped3A : memref<!tpu.dma_semaphore, #tpu.memory_space<semaphore_mem>>)
          %dma_wait3A_244 = tpu.memref_slice %arg2[%add3A_222] : memref<320000xi32, #tpu.memory_space<hbm>> -> memref<80xi32, #tpu.memory_space<hbm>>
          %dma_wait3A_245 = tpu.memref_slice %arg2[%add3A_222] : memref<320000xi32, #tpu.memory_space<hbm>> -> memref<80xi32, #tpu.memory_space<hbm>>
          tpu.wait_dma2 semaphore(%run_scoped3A : memref<!tpu.dma_semaphore, #tpu.memory_space<semaphore_mem>>) src(%dma_wait3A_245 : memref<80xi32, #tpu.memory_space<hbm>>) dst(%arg7 : memref<80xi32, #tpu.memory_space<vmem>>)
          tpu.yield
        }) : () -> ()
        "tpu.region"() ({
          %run_scoped3A = tpu.sem_alloc : memref<!tpu.dma_semaphore, #tpu.memory_space<semaphore_mem>>
          %dma_start3A_242 = tpu.memref_slice %arg3[%add3A_222] : memref<320000xi32, #tpu.memory_space<hbm>> -> memref<80xi32, #tpu.memory_space<hbm>>
          %dma_start3A_243 = tpu.memref_slice %arg3[%add3A_222] : memref<320000xi32, #tpu.memory_space<hbm>> -> memref<80xi32, #tpu.memory_space<hbm>>
          tpu.enqueue_dma source(%dma_start3A_243 : memref<80xi32, #tpu.memory_space<hbm>>) target(%arg9 : memref<80xi32, #tpu.memory_space<vmem>>) target_semaphore(%run_scoped3A : memref<!tpu.dma_semaphore, #tpu.memory_space<semaphore_mem>>)
          %dma_wait3A_244 = tpu.memref_slice %arg3[%add3A_222] : memref<320000xi32, #tpu.memory_space<hbm>> -> memref<80xi32, #tpu.memory_space<hbm>>
          %dma_wait3A_245 = tpu.memref_slice %arg3[%add3A_222] : memref<320000xi32, #tpu.memory_space<hbm>> -> memref<80xi32, #tpu.memory_space<hbm>>
          tpu.wait_dma2 semaphore(%run_scoped3A : memref<!tpu.dma_semaphore, #tpu.memory_space<semaphore_mem>>) src(%dma_wait3A_245 : memref<80xi32, #tpu.memory_space<hbm>>) dst(%arg9 : memref<80xi32, #tpu.memory_space<vmem>>)
          tpu.yield
        }) : () -> ()
        %scan3A_223 = arith.constant 0 : i32
        %scan3A_224 = arith.constant 0 : i32
        %scan3A_225 = arith.constant 5 : i32
        %scan3A_226 = arith.addi %scan3A_224, %scan3A_225 : i32
        %scan3A_227 = arith.constant 1 : i32
        %scan3A_228 = scf.for %scan3A_242 = %scan3A_224 to %scan3A_226 step %scan3A_227 iter_args(%scan3A_243 = %scan3A_223) -> (i32)  : i32 {
          %mul3A_244 = arith.constant 16 : i32
          %mul3A_245 = arith.muli %scan3A_242, %mul3A_244 : i32
          %get3A = arith.index_cast %mul3A_245 : i32 to index
          %get3A_246 = tpu.vector_load %arg7[%get3A] {strides = array<i32>} : memref<80xi32, #tpu.memory_space<vmem>>, vector<16xi32>,
          %get3A_247 = vector.shape_cast %get3A_246 : vector<16xi32> to vector<16xi32>
          %mul3A_248 = arith.constant 10240 : i32
          %mul3A_249 = arith.muli %add3A_41, %mul3A_248 : i32
          %add3A_250 = vector.broadcast %mul3A_249 : i32 to vector<16xi32>
          %add3A_251 = arith.addi %get3A_247, %add3A_250 : vector<16xi32>
          %mul3A_252 = arith.constant 16 : i32
          %mul3A_253 = arith.muli %scan3A_242, %mul3A_252 : i32
          %swap3A = arith.index_cast %mul3A_253 : i32 to index
          %swap3A_254 = tpu.vector_load %arg11[%swap3A] {strides = array<i32>} : memref<80xi32, #tpu.memory_space<vmem>>, vector<16xi32>,
          %swap3A_255 = vector.shape_cast %swap3A_254 : vector<16xi32> to vector<16xi32>
          %swap3A_256 = vector.shape_cast %add3A_251 : vector<16xi32> to vector<16xi32>
          tpu.vector_store %arg11[%swap3A], %swap3A_256 {strides = array<i32>} : memref<80xi32, #tpu.memory_space<vmem>>, vector<16xi32>,
          %scan3A_257 = arith.constant 0 : i32
          scf.yield %scan3A_257 : i32
        }
        %scan3A_229 = arith.constant 5 : i32
        %dma_start3A_230 = arith.constant 0 : i32
        %dma_start3A_231 = arith.constant 0 : i32
        %dma_start3A_232 = tpu.memref_slice %arg5[%dma_start3A_230, %dma_start3A_231] : memref<40960x128xf32, #tpu.memory_space<hbm>> -> memref<40960x128xf32, #tpu.memory_space<hbm>>
        tpu.enqueue_indirect_dma source(%dma_start3A_232 : memref<40960x128xf32, #tpu.memory_space<hbm>>) target(%arg20 : memref<80x128xf32, #tpu.memory_space<vmem>>) offsets(%arg11 : memref<80xi32, #tpu.memory_space<vmem>>) semaphore(%arg22 : memref<!tpu.dma_semaphore, #tpu.memory_space<semaphore_mem>>)
        %dma_start3A_233 = arith.constant 0 : i32
        %dma_start3A_234 = arith.constant 0 : i32
        %dma_start3A_235 = tpu.memref_slice %arg27[%dma_start3A_233, %dma_start3A_234] : memref<10000x16xf32, #tpu.memory_space<vmem_shared>> -> memref<10000x16xf32, #tpu.memory_space<vmem_shared>>
        tpu.enqueue_indirect_dma source(%dma_start3A_235 : memref<10000x16xf32, #tpu.memory_space<vmem_shared>>) target(%arg13 : memref<80x16xf32, #tpu.memory_space<vmem>>) offsets(%arg7 : memref<80xi32, #tpu.memory_space<vmem>>) semaphore(%arg24 : memref<!tpu.dma_semaphore, #tpu.memory_space<semaphore_mem>>)
        %dma_start3A_236 = arith.constant 0 : i32
        %dma_start3A_237 = arith.constant 0 : i32
        %dma_start3A_238 = tpu.memref_slice %arg27[%dma_start3A_236, %dma_start3A_237] : memref<10000x16xf32, #tpu.memory_space<vmem_shared>> -> memref<10000x16xf32, #tpu.memory_space<vmem_shared>>
        tpu.enqueue_indirect_dma source(%dma_start3A_238 : memref<10000x16xf32, #tpu.memory_space<vmem_shared>>) target(%arg15 : memref<80x16xf32, #tpu.memory_space<vmem>>) offsets(%arg9 : memref<80xi32, #tpu.memory_space<vmem>>) semaphore(%arg24 : memref<!tpu.dma_semaphore, #tpu.memory_space<semaphore_mem>>)
        %dma_start3A_239 = arith.constant 0 : i32
        %dma_start3A_240 = arith.constant 0 : i32
        %dma_start3A_241 = tpu.memref_slice %arg26[%dma_start3A_239, %dma_start3A_240] : memref<10000x16xf32, #tpu.memory_space<vmem_shared>> -> memref<10000x16xf32, #tpu.memory_space<vmem_shared>>
        tpu.enqueue_indirect_dma source(%dma_start3A_241 : memref<10000x16xf32, #tpu.memory_space<vmem_shared>>) target(%arg17 : memref<80x16xf32, #tpu.memory_space<vmem>>) offsets(%arg9 : memref<80xi32, #tpu.memory_space<vmem>>) semaphore(%arg24 : memref<!tpu.dma_semaphore, #tpu.memory_space<semaphore_mem>>)
      } else {
      }
      %dma_wait3A_196 = arith.constant 0 : i32
      %dma_wait3A_197 = arith.constant 0 : i32
      %dma_wait3A_198 = tpu.memref_slice %arg27[%dma_wait3A_196, %dma_wait3A_197] : memref<10000x16xf32, #tpu.memory_space<vmem_shared>> -> memref<10000x16xf32, #tpu.memory_space<vmem_shared>>
      tpu.wait_indirect_dma semaphore(%arg25 : memref<!tpu.dma_semaphore, #tpu.memory_space<semaphore_mem>>) src(%dma_wait3A_198 : memref<10000x16xf32, #tpu.memory_space<vmem_shared>>) dst(%arg14 : memref<80x16xf32, #tpu.memory_space<vmem>>)
      %dma_wait3A_199 = arith.constant 0 : i32
      %dma_wait3A_200 = arith.constant 0 : i32
      %dma_wait3A_201 = tpu.memref_slice %arg27[%dma_wait3A_199, %dma_wait3A_200] : memref<10000x16xf32, #tpu.memory_space<vmem_shared>> -> memref<10000x16xf32, #tpu.memory_space<vmem_shared>>
      tpu.wait_indirect_dma semaphore(%arg25 : memref<!tpu.dma_semaphore, #tpu.memory_space<semaphore_mem>>) src(%dma_wait3A_201 : memref<10000x16xf32, #tpu.memory_space<vmem_shared>>) dst(%arg16 : memref<80x16xf32, #tpu.memory_space<vmem>>)
      %dma_wait3A_202 = arith.constant 0 : i32
      %dma_wait3A_203 = arith.constant 0 : i32
      %dma_wait3A_204 = tpu.memref_slice %arg26[%dma_wait3A_202, %dma_wait3A_203] : memref<10000x16xf32, #tpu.memory_space<vmem_shared>> -> memref<10000x16xf32, #tpu.memory_space<vmem_shared>>
      tpu.wait_indirect_dma semaphore(%arg25 : memref<!tpu.dma_semaphore, #tpu.memory_space<semaphore_mem>>) src(%dma_wait3A_204 : memref<10000x16xf32, #tpu.memory_space<vmem_shared>>) dst(%arg18 : memref<80x16xf32, #tpu.memory_space<vmem>>)
      %dma_wait3A_205 = arith.constant 0 : i32
      %dma_wait3A_206 = arith.constant 0 : i32
      %dma_wait3A_207 = tpu.memref_slice %arg5[%dma_wait3A_205, %dma_wait3A_206] : memref<40960x128xf32, #tpu.memory_space<hbm>> -> memref<40960x128xf32, #tpu.memory_space<hbm>>
      tpu.wait_indirect_dma semaphore(%arg23 : memref<!tpu.dma_semaphore, #tpu.memory_space<semaphore_mem>>) src(%dma_wait3A_207 : memref<40960x128xf32, #tpu.memory_space<hbm>>) dst(%arg21 : memref<80x128xf32, #tpu.memory_space<vmem>>)
      %scan3A_208 = arith.constant 0 : i32
      %scan3A_209 = arith.constant 0 : i32
      %scan3A_210 = arith.constant 80 : i32
      %scan3A_211 = arith.addi %scan3A_209, %scan3A_210 : i32
      %scan3A_212 = arith.constant 1 : i32
      %scan3A_213 = scf.for %scan3A_216 = %scan3A_209 to %scan3A_211 step %scan3A_212 iter_args(%scan3A_217 = %scan3A_208) -> (i32)  : i32 {
        %get3A = arith.index_cast %scan3A_216 : i32 to index
        %get3A_218 = arith.constant 0 : index
        %get3A_219 = tpu.vector_load %arg14[%get3A, %get3A_218] {strides = array<i32>} : memref<80x16xf32, #tpu.memory_space<vmem>>, vector<1x16xf32>,
        %get3A_220 = vector.shape_cast %get3A_219 : vector<1x16xf32> to vector<16xf32>
        %get3A_221 = arith.index_cast %scan3A_216 : i32 to index
        %get3A_222 = arith.constant 0 : index
        %get3A_223 = tpu.vector_load %arg16[%get3A_221, %get3A_222] {strides = array<i32>} : memref<80x16xf32, #tpu.memory_space<vmem>>, vector<1x16xf32>,
        %get3A_224 = vector.shape_cast %get3A_223 : vector<1x16xf32> to vector<16xf32>
        %broadcast_in_dim3A_225 = vector.shape_cast %and3A_22 : vector<16xi32> to vector<16x1xi32>
        %gather3A = vector.shape_cast %broadcast_in_dim3A_225 : vector<16x1xi32> to vector<16xi32>
        %gather3A_226 = tpu.dynamic_gather %get3A_224[%gather3A] in [0] : vector<16xf32>, vector<16xi32> -> vector<16xf32>
        %add3A_227 = arith.addf %get3A_220, %gather3A_226 : vector<16xf32>
        %mul3A_228 = arith.constant 2.000000e-01 : f32
        %mul3A_229 = vector.broadcast %mul3A_228 : f32 to vector<16xf32>
        %mul3A_230 = arith.mulf %mul3A_229, %add3A_227 : vector<16xf32>
        %max3A = arith.maximumf %add3A_227, %mul3A_230 : vector<16xf32>
        %exp3A = math.exp %max3A : vector<16xf32>
        %get3A_231 = arith.index_cast %scan3A_216 : i32 to index
        %get3A_232 = arith.constant 0 : index
        %get3A_233 = tpu.vector_load %arg18[%get3A_231, %get3A_232] {strides = array<i32>} : memref<80x16xf32, #tpu.memory_space<vmem>>, vector<1x16xf32>,
        %get3A_234 = vector.shape_cast %get3A_233 : vector<1x16xf32> to vector<16xf32>
        %add3A_235 = arith.constant 9.99999971E-10 : f32
        %add3A_236 = vector.broadcast %add3A_235 : f32 to vector<16xf32>
        %add3A_237 = arith.addf %get3A_234, %add3A_236 : vector<16xf32>
        %div3A = arith.divf %exp3A, %add3A_237 : vector<16xf32>
        %mul3A_238 = arith.constant 2 : i32
        %mul3A_239 = arith.muli %mul3A_238, %add3A_41 : i32
        %broadcast_in_dim3A_240 = vector.broadcast %mul3A_239 : i32 to vector<16xi32>
        %broadcast_in_dim3A_241 = vector.shape_cast %broadcast_in_dim3A_240 : vector<16xi32> to vector<16x1xi32>
        %gather3A_242 = vector.shape_cast %broadcast_in_dim3A_241 : vector<16x1xi32> to vector<16xi32>
        %gather3A_243 = tpu.dynamic_gather %div3A[%gather3A_242] in [0] : vector<16xf32>, vector<16xi32> -> vector<16xf32>
        %mul3A_244 = arith.constant 2 : i32
        %mul3A_245 = arith.muli %mul3A_244, %add3A_41 : i32
        %add3A_246 = arith.constant 1 : i32
        %add3A_247 = arith.addi %mul3A_245, %add3A_246 : i32
        %broadcast_in_dim3A_248 = vector.broadcast %add3A_247 : i32 to vector<16xi32>
        %broadcast_in_dim3A_249 = vector.shape_cast %broadcast_in_dim3A_248 : vector<16xi32> to vector<16x1xi32>
        %gather3A_250 = vector.shape_cast %broadcast_in_dim3A_249 : vector<16x1xi32> to vector<16xi32>
        %gather3A_251 = tpu.dynamic_gather %div3A[%gather3A_250] in [0] : vector<16xf32>, vector<16xi32> -> vector<16xf32>
        %get3A_252 = arith.index_cast %scan3A_216 : i32 to index
        %get3A_253 = arith.constant 0 : index
        %get3A_254 = tpu.vector_load %arg21[%get3A_252, %get3A_253] {strides = array<i32>} : memref<80x128xf32, #tpu.memory_space<vmem>>, vector<1x16xf32>,
        %get3A_255 = vector.shape_cast %get3A_254 : vector<1x16xf32> to vector<16xf32>
        %mul3A_256 = arith.mulf %get3A_255, %gather3A_243 : vector<16xf32>
        %swap3A = arith.index_cast %scan3A_216 : i32 to index
        %swap3A_257 = arith.constant 0 : index
        %swap3A_258 = tpu.vector_load %arg21[%swap3A, %swap3A_257] {strides = array<i32>} : memref<80x128xf32, #tpu.memory_space<vmem>>, vector<1x16xf32>,
        %swap3A_259 = vector.shape_cast %swap3A_258 : vector<1x16xf32> to vector<16xf32>
        %swap3A_260 = vector.shape_cast %mul3A_256 : vector<16xf32> to vector<1x16xf32>
        tpu.vector_store %arg21[%swap3A, %swap3A_257], %swap3A_260 {strides = array<i32>} : memref<80x128xf32, #tpu.memory_space<vmem>>, vector<1x16xf32>,
        %get3A_261 = arith.index_cast %scan3A_216 : i32 to index
        %get3A_262 = arith.constant 16 : index
        %get3A_263 = tpu.vector_load %arg21[%get3A_261, %get3A_262] {strides = array<i32>} : memref<80x128xf32, #tpu.memory_space<vmem>>, vector<1x16xf32>,
        %get3A_264 = vector.shape_cast %get3A_263 : vector<1x16xf32> to vector<16xf32>
        %mul3A_265 = arith.mulf %get3A_264, %gather3A_243 : vector<16xf32>
        %swap3A_266 = arith.index_cast %scan3A_216 : i32 to index
        %swap3A_267 = arith.constant 16 : index
        %swap3A_268 = tpu.vector_load %arg21[%swap3A_266, %swap3A_267] {strides = array<i32>} : memref<80x128xf32, #tpu.memory_space<vmem>>, vector<1x16xf32>,
        %swap3A_269 = vector.shape_cast %swap3A_268 : vector<1x16xf32> to vector<16xf32>
        %swap3A_270 = vector.shape_cast %mul3A_265 : vector<16xf32> to vector<1x16xf32>
        tpu.vector_store %arg21[%swap3A_266, %swap3A_267], %swap3A_270 {strides = array<i32>} : memref<80x128xf32, #tpu.memory_space<vmem>>, vector<1x16xf32>,
        %get3A_271 = arith.index_cast %scan3A_216 : i32 to index
        %get3A_272 = arith.constant 32 : index
        %get3A_273 = tpu.vector_load %arg21[%get3A_271, %get3A_272] {strides = array<i32>} : memref<80x128xf32, #tpu.memory_space<vmem>>, vector<1x16xf32>,
        %get3A_274 = vector.shape_cast %get3A_273 : vector<1x16xf32> to vector<16xf32>
        %mul3A_275 = arith.mulf %get3A_274, %gather3A_243 : vector<16xf32>
        %swap3A_276 = arith.index_cast %scan3A_216 : i32 to index
        %swap3A_277 = arith.constant 32 : index
        %swap3A_278 = tpu.vector_load %arg21[%swap3A_276, %swap3A_277] {strides = array<i32>} : memref<80x128xf32, #tpu.memory_space<vmem>>, vector<1x16xf32>,
        %swap3A_279 = vector.shape_cast %swap3A_278 : vector<1x16xf32> to vector<16xf32>
        %swap3A_280 = vector.shape_cast %mul3A_275 : vector<16xf32> to vector<1x16xf32>
        tpu.vector_store %arg21[%swap3A_276, %swap3A_277], %swap3A_280 {strides = array<i32>} : memref<80x128xf32, #tpu.memory_space<vmem>>, vector<1x16xf32>,
        %get3A_281 = arith.index_cast %scan3A_216 : i32 to index
        %get3A_282 = arith.constant 48 : index
        %get3A_283 = tpu.vector_load %arg21[%get3A_281, %get3A_282] {strides = array<i32>} : memref<80x128xf32, #tpu.memory_space<vmem>>, vector<1x16xf32>,
        %get3A_284 = vector.shape_cast %get3A_283 : vector<1x16xf32> to vector<16xf32>
        %mul3A_285 = arith.mulf %get3A_284, %gather3A_243 : vector<16xf32>
        %swap3A_286 = arith.index_cast %scan3A_216 : i32 to index
        %swap3A_287 = arith.constant 48 : index
        %swap3A_288 = tpu.vector_load %arg21[%swap3A_286, %swap3A_287] {strides = array<i32>} : memref<80x128xf32, #tpu.memory_space<vmem>>, vector<1x16xf32>,
        %swap3A_289 = vector.shape_cast %swap3A_288 : vector<1x16xf32> to vector<16xf32>
        %swap3A_290 = vector.shape_cast %mul3A_285 : vector<16xf32> to vector<1x16xf32>
        tpu.vector_store %arg21[%swap3A_286, %swap3A_287], %swap3A_290 {strides = array<i32>} : memref<80x128xf32, #tpu.memory_space<vmem>>, vector<1x16xf32>,
        %get3A_291 = arith.index_cast %scan3A_216 : i32 to index
        %get3A_292 = arith.constant 64 : index
        %get3A_293 = tpu.vector_load %arg21[%get3A_291, %get3A_292] {strides = array<i32>} : memref<80x128xf32, #tpu.memory_space<vmem>>, vector<1x16xf32>,
        %get3A_294 = vector.shape_cast %get3A_293 : vector<1x16xf32> to vector<16xf32>
        %mul3A_295 = arith.mulf %get3A_294, %gather3A_251 : vector<16xf32>
        %swap3A_296 = arith.index_cast %scan3A_216 : i32 to index
        %swap3A_297 = arith.constant 64 : index
        %swap3A_298 = tpu.vector_load %arg21[%swap3A_296, %swap3A_297] {strides = array<i32>} : memref<80x128xf32, #tpu.memory_space<vmem>>, vector<1x16xf32>,
        %swap3A_299 = vector.shape_cast %swap3A_298 : vector<1x16xf32> to vector<16xf32>
        %swap3A_300 = vector.shape_cast %mul3A_295 : vector<16xf32> to vector<1x16xf32>
        tpu.vector_store %arg21[%swap3A_296, %swap3A_297], %swap3A_300 {strides = array<i32>} : memref<80x128xf32, #tpu.memory_space<vmem>>, vector<1x16xf32>,
        %get3A_301 = arith.index_cast %scan3A_216 : i32 to index
        %get3A_302 = arith.constant 80 : index
        %get3A_303 = tpu.vector_load %arg21[%get3A_301, %get3A_302] {strides = array<i32>} : memref<80x128xf32, #tpu.memory_space<vmem>>, vector<1x16xf32>,
        %get3A_304 = vector.shape_cast %get3A_303 : vector<1x16xf32> to vector<16xf32>
        %mul3A_305 = arith.mulf %get3A_304, %gather3A_251 : vector<16xf32>
        %swap3A_306 = arith.index_cast %scan3A_216 : i32 to index
        %swap3A_307 = arith.constant 80 : index
        %swap3A_308 = tpu.vector_load %arg21[%swap3A_306, %swap3A_307] {strides = array<i32>} : memref<80x128xf32, #tpu.memory_space<vmem>>, vector<1x16xf32>,
        %swap3A_309 = vector.shape_cast %swap3A_308 : vector<1x16xf32> to vector<16xf32>
        %swap3A_310 = vector.shape_cast %mul3A_305 : vector<16xf32> to vector<1x16xf32>
        tpu.vector_store %arg21[%swap3A_306, %swap3A_307], %swap3A_310 {strides = array<i32>} : memref<80x128xf32, #tpu.memory_space<vmem>>, vector<1x16xf32>,
        %get3A_311 = arith.index_cast %scan3A_216 : i32 to index
        %get3A_312 = arith.constant 96 : index
        %get3A_313 = tpu.vector_load %arg21[%get3A_311, %get3A_312] {strides = array<i32>} : memref<80x128xf32, #tpu.memory_space<vmem>>, vector<1x16xf32>,
        %get3A_314 = vector.shape_cast %get3A_313 : vector<1x16xf32> to vector<16xf32>
        %mul3A_315 = arith.mulf %get3A_314, %gather3A_251 : vector<16xf32>
        %swap3A_316 = arith.index_cast %scan3A_216 : i32 to index
        %swap3A_317 = arith.constant 96 : index
        %swap3A_318 = tpu.vector_load %arg21[%swap3A_316, %swap3A_317] {strides = array<i32>} : memref<80x128xf32, #tpu.memory_space<vmem>>, vector<1x16xf32>,
        %swap3A_319 = vector.shape_cast %swap3A_318 : vector<1x16xf32> to vector<16xf32>
        %swap3A_320 = vector.shape_cast %mul3A_315 : vector<16xf32> to vector<1x16xf32>
        tpu.vector_store %arg21[%swap3A_316, %swap3A_317], %swap3A_320 {strides = array<i32>} : memref<80x128xf32, #tpu.memory_space<vmem>>, vector<1x16xf32>,
        %get3A_321 = arith.index_cast %scan3A_216 : i32 to index
        %get3A_322 = arith.constant 112 : index
        %get3A_323 = tpu.vector_load %arg21[%get3A_321, %get3A_322] {strides = array<i32>} : memref<80x128xf32, #tpu.memory_space<vmem>>, vector<1x16xf32>,
        %get3A_324 = vector.shape_cast %get3A_323 : vector<1x16xf32> to vector<16xf32>
        %mul3A_325 = arith.mulf %get3A_324, %gather3A_251 : vector<16xf32>
        %swap3A_326 = arith.index_cast %scan3A_216 : i32 to index
        %swap3A_327 = arith.constant 112 : index
        %swap3A_328 = tpu.vector_load %arg21[%swap3A_326, %swap3A_327] {strides = array<i32>} : memref<80x128xf32, #tpu.memory_space<vmem>>, vector<1x16xf32>,
        %swap3A_329 = vector.shape_cast %swap3A_328 : vector<1x16xf32> to vector<16xf32>
        %swap3A_330 = vector.shape_cast %mul3A_325 : vector<16xf32> to vector<1x16xf32>
        tpu.vector_store %arg21[%swap3A_326, %swap3A_327], %swap3A_330 {strides = array<i32>} : memref<80x128xf32, #tpu.memory_space<vmem>>, vector<1x16xf32>,
        %scan3A_331 = arith.constant 0 : i32
        scf.yield %scan3A_331 : i32
      }
      %scan3A_214 = arith.constant 80 : i32
      "tpu.region"() ({
        %run_scoped3A = tpu.sem_alloc : memref<!tpu.dma_semaphore, #tpu.memory_space<semaphore_mem>>
        %dma_start3A_216 = arith.constant 0 : i32
        %dma_start3A_217 = arith.constant 0 : i32
        %dma_start3A_218 = tpu.memref_slice %arg28[%dma_start3A_216, %dma_start3A_217] : memref<10000x128xf32, #tpu.memory_space<vmem_shared>> -> memref<10000x128xf32, #tpu.memory_space<vmem_shared>>
        tpu.enqueue_indirect_dma source(%arg21 : memref<80x128xf32, #tpu.memory_space<vmem>>) target(%dma_start3A_218 : memref<10000x128xf32, #tpu.memory_space<vmem_shared>>) offsets(%arg10 : memref<80xi32, #tpu.memory_space<vmem>>) semaphore(%run_scoped3A : memref<!tpu.dma_semaphore, #tpu.memory_space<semaphore_mem>>) {add = true}
        %dma_wait3A_219 = arith.constant 0 : i32
        %dma_wait3A_220 = arith.constant 0 : i32
        %dma_wait3A_221 = tpu.memref_slice %arg28[%dma_wait3A_219, %dma_wait3A_220] : memref<10000x128xf32, #tpu.memory_space<vmem_shared>> -> memref<10000x128xf32, #tpu.memory_space<vmem_shared>>
        tpu.wait_indirect_dma semaphore(%run_scoped3A : memref<!tpu.dma_semaphore, #tpu.memory_space<semaphore_mem>>) src(%arg21 : memref<80x128xf32, #tpu.memory_space<vmem>>) dst(%dma_wait3A_221 : memref<10000x128xf32, #tpu.memory_space<vmem_shared>>)
        tpu.yield
      }) : () -> ()
      %scan3A_215 = arith.constant 0 : i32
      scf.yield %scan3A_215 : i32
    }
    %scan3A_84 = arith.constant 125 : i32
    %barrier3A_85 = arith.constant 0 : index
    tpu.barrier barrier_id(%barrier3A_85)
    %mul3A_86 = arith.constant 625 : i32
    %mul3A_87 = arith.muli %arg1, %mul3A_86 : i32
    %mul3A_88 = arith.constant 625 : i32
    %mul3A_89 = arith.muli %arg1, %mul3A_88 : i32
    "tpu.region"() ({
      %run_scoped3A = tpu.sem_alloc : memref<!tpu.dma_semaphore, #tpu.memory_space<semaphore_mem>>
      %dma_start3A_144 = arith.constant 0 : i32
      %dma_start3A_145 = tpu.memref_slice %arg6[%add3A_41, %mul3A_89, %dma_start3A_144] : memref<4x10000x128xf32, #tpu.memory_space<hbm>> -> memref<1x625x128xf32, #tpu.memory_space<hbm>>
      %dma_start3A_146 = tpu.memref_squeeze %dma_start3A_145 : memref<1x625x128xf32, #tpu.memory_space<hbm>> -> memref<625x128xf32, #tpu.memory_space<hbm>>
      %dma_start3A_147 = arith.constant 0 : i32
      %dma_start3A_148 = tpu.memref_slice %arg28[%mul3A_87, %dma_start3A_147] : memref<10000x128xf32, #tpu.memory_space<vmem_shared>> -> memref<625x128xf32, #tpu.memory_space<vmem_shared>>
      tpu.enqueue_dma source(%dma_start3A_148 : memref<625x128xf32, #tpu.memory_space<vmem_shared>>) target(%dma_start3A_146 : memref<625x128xf32, #tpu.memory_space<hbm>>) target_semaphore(%run_scoped3A : memref<!tpu.dma_semaphore, #tpu.memory_space<semaphore_mem>>)
      %dma_wait3A = arith.constant 0 : i32
      %dma_wait3A_149 = tpu.memref_slice %arg6[%add3A_41, %mul3A_89, %dma_wait3A] : memref<4x10000x128xf32, #tpu.memory_space<hbm>> -> memref<1x625x128xf32, #tpu.memory_space<hbm>>
      %dma_wait3A_150 = tpu.memref_squeeze %dma_wait3A_149 : memref<1x625x128xf32, #tpu.memory_space<hbm>> -> memref<625x128xf32, #tpu.memory_space<hbm>>
      %dma_wait3A_151 = arith.constant 0 : i32
      %dma_wait3A_152 = tpu.memref_slice %arg28[%mul3A_87, %dma_wait3A_151] : memref<10000x128xf32, #tpu.memory_space<vmem_shared>> -> memref<625x128xf32, #tpu.memory_space<vmem_shared>>
      tpu.wait_dma2 semaphore(%run_scoped3A : memref<!tpu.dma_semaphore, #tpu.memory_space<semaphore_mem>>) src(%dma_wait3A_152 : memref<625x128xf32, #tpu.memory_space<vmem_shared>>) dst(%dma_wait3A_150 : memref<625x128xf32, #tpu.memory_space<hbm>>)
      tpu.yield
    }) : () -> ()
    %barrier3A_90 = arith.constant 0 : index
    tpu.barrier barrier_id(%barrier3A_90)
    %mul3A_91 = arith.constant 2 : i32
    %mul3A_92 = arith.muli %mul3A_91, %arg0 : i32
    %add3A_93 = arith.constant 1 : i32
    %add3A_94 = arith.addi %mul3A_92, %add3A_93 : i32
    %scan3A_95 = arith.constant 0 : i32
    %scan3A_96 = arith.constant 0 : i32
    %scan3A_97 = arith.constant 80 : i32
    %scan3A_98 = arith.addi %scan3A_96, %scan3A_97 : i32
    %scan3A_99 = arith.constant 1 : i32
    %scan3A_100 = scf.for %scan3A_144 = %scan3A_96 to %scan3A_98 step %scan3A_99 iter_args(%scan3A_145 = %scan3A_95) -> (i32)  : i32 {
      %swap3A = arith.index_cast %scan3A_144 : i32 to index
      %swap3A_146 = arith.constant 0 : index
      %swap3A_147 = tpu.vector_load %arg20[%swap3A, %swap3A_146] {strides = array<i32>} : memref<80x128xf32, #tpu.memory_space<vmem>>, vector<1x16xf32>,
      %swap3A_148 = vector.shape_cast %swap3A_147 : vector<1x16xf32> to vector<16xf32>
      %swap3A_149 = vector.shape_cast %broadcast_in_dim3A_1 : vector<16xf32> to vector<1x16xf32>
      tpu.vector_store %arg20[%swap3A, %swap3A_146], %swap3A_149 {strides = array<i32>} : memref<80x128xf32, #tpu.memory_space<vmem>>, vector<1x16xf32>,
      %swap3A_150 = arith.index_cast %scan3A_144 : i32 to index
      %swap3A_151 = arith.constant 16 : index
      %swap3A_152 = tpu.vector_load %arg20[%swap3A_150, %swap3A_151] {strides = array<i32>} : memref<80x128xf32, #tpu.memory_space<vmem>>, vector<1x16xf32>,
      %swap3A_153 = vector.shape_cast %swap3A_152 : vector<1x16xf32> to vector<16xf32>
      %swap3A_154 = vector.shape_cast %broadcast_in_dim3A_1 : vector<16xf32> to vector<1x16xf32>
      tpu.vector_store %arg20[%swap3A_150, %swap3A_151], %swap3A_154 {strides = array<i32>} : memref<80x128xf32, #tpu.memory_space<vmem>>, vector<1x16xf32>,
      %swap3A_155 = arith.index_cast %scan3A_144 : i32 to index
      %swap3A_156 = arith.constant 32 : index
      %swap3A_157 = tpu.vector_load %arg20[%swap3A_155, %swap3A_156] {strides = array<i32>} : memref<80x128xf32, #tpu.memory_space<vmem>>, vector<1x16xf32>,
      %swap3A_158 = vector.shape_cast %swap3A_157 : vector<1x16xf32> to vector<16xf32>
      %swap3A_159 = vector.shape_cast %broadcast_in_dim3A_1 : vector<16xf32> to vector<1x16xf32>
      tpu.vector_store %arg20[%swap3A_155, %swap3A_156], %swap3A_159 {strides = array<i32>} : memref<80x128xf32, #tpu.memory_space<vmem>>, vector<1x16xf32>,
      %swap3A_160 = arith.index_cast %scan3A_144 : i32 to index
      %swap3A_161 = arith.constant 48 : index
      %swap3A_162 = tpu.vector_load %arg20[%swap3A_160, %swap3A_161] {strides = array<i32>} : memref<80x128xf32, #tpu.memory_space<vmem>>, vector<1x16xf32>,
      %swap3A_163 = vector.shape_cast %swap3A_162 : vector<1x16xf32> to vector<16xf32>
      %swap3A_164 = vector.shape_cast %broadcast_in_dim3A_1 : vector<16xf32> to vector<1x16xf32>
      tpu.vector_store %arg20[%swap3A_160, %swap3A_161], %swap3A_164 {strides = array<i32>} : memref<80x128xf32, #tpu.memory_space<vmem>>, vector<1x16xf32>,
      %swap3A_165 = arith.index_cast %scan3A_144 : i32 to index
      %swap3A_166 = arith.constant 64 : index
      %swap3A_167 = tpu.vector_load %arg20[%swap3A_165, %swap3A_166] {strides = array<i32>} : memref<80x128xf32, #tpu.memory_space<vmem>>, vector<1x16xf32>,
      %swap3A_168 = vector.shape_cast %swap3A_167 : vector<1x16xf32> to vector<16xf32>
      %swap3A_169 = vector.shape_cast %broadcast_in_dim3A_1 : vector<16xf32> to vector<1x16xf32>
      tpu.vector_store %arg20[%swap3A_165, %swap3A_166], %swap3A_169 {strides = array<i32>} : memref<80x128xf32, #tpu.memory_space<vmem>>, vector<1x16xf32>,
      %swap3A_170 = arith.index_cast %scan3A_144 : i32 to index
      %swap3A_171 = arith.constant 80 : index
      %swap3A_172 = tpu.vector_load %arg20[%swap3A_170, %swap3A_171] {strides = array<i32>} : memref<80x128xf32, #tpu.memory_space<vmem>>, vector<1x16xf32>,
      %swap3A_173 = vector.shape_cast %swap3A_172 : vector<1x16xf32> to vector<16xf32>
      %swap3A_174 = vector.shape_cast %broadcast_in_dim3A_1 : vector<16xf32> to vector<1x16xf32>
      tpu.vector_store %arg20[%swap3A_170, %swap3A_171], %swap3A_174 {strides = array<i32>} : memref<80x128xf32, #tpu.memory_space<vmem>>, vector<1x16xf32>,
      %swap3A_175 = arith.index_cast %scan3A_144 : i32 to index
      %swap3A_176 = arith.constant 96 : index
      %swap3A_177 = tpu.vector_load %arg20[%swap3A_175, %swap3A_176] {strides = array<i32>} : memref<80x128xf32, #tpu.memory_space<vmem>>, vector<1x16xf32>,
      %swap3A_178 = vector.shape_cast %swap3A_177 : vector<1x16xf32> to vector<16xf32>
      %swap3A_179 = vector.shape_cast %broadcast_in_dim3A_1 : vector<16xf32> to vector<1x16xf32>
      tpu.vector_store %arg20[%swap3A_175, %swap3A_176], %swap3A_179 {strides = array<i32>} : memref<80x128xf32, #tpu.memory_space<vmem>>, vector<1x16xf32>,
      %swap3A_180 = arith.index_cast %scan3A_144 : i32 to index
      %swap3A_181 = arith.constant 112 : index
      %swap3A_182 = tpu.vector_load %arg20[%swap3A_180, %swap3A_181] {strides = array<i32>} : memref<80x128xf32, #tpu.memory_space<vmem>>, vector<1x16xf32>,
      %swap3A_183 = vector.shape_cast %swap3A_182 : vector<1x16xf32> to vector<16xf32>
      %swap3A_184 = vector.shape_cast %broadcast_in_dim3A_1 : vector<16xf32> to vector<1x16xf32>
      tpu.vector_store %arg20[%swap3A_180, %swap3A_181], %swap3A_184 {strides = array<i32>} : memref<80x128xf32, #tpu.memory_space<vmem>>, vector<1x16xf32>,
      %scan3A_185 = arith.constant 0 : i32
      scf.yield %scan3A_185 : i32
    }
    %scan3A_101 = arith.constant 80 : i32
    %scan3A_102 = arith.constant 0 : i32
    %scan3A_103 = arith.constant 0 : i32
    %scan3A_104 = arith.constant 25 : i32
    %scan3A_105 = arith.addi %scan3A_103, %scan3A_104 : i32
    %scan3A_106 = arith.constant 1 : i32
    %scan3A_107 = scf.for %scan3A_144 = %scan3A_103 to %scan3A_105 step %scan3A_106 iter_args(%scan3A_145 = %scan3A_102) -> (i32)  : i32 {
      %mul3A_146 = arith.constant 625 : i32
      %mul3A_147 = arith.muli %arg1, %mul3A_146 : i32
      %mul3A_148 = arith.constant 25 : i32
      %mul3A_149 = arith.muli %scan3A_144, %mul3A_148 : i32
      %add3A_150 = arith.addi %mul3A_147, %mul3A_149 : i32
      "tpu.region"() ({
        %run_scoped3A = tpu.sem_alloc : memref<!tpu.dma_semaphore, #tpu.memory_space<semaphore_mem>>
        %dma_start3A_152 = arith.constant 0 : i32
        %dma_start3A_153 = arith.constant 0 : i32
        %dma_start3A_154 = tpu.memref_slice %arg20[%dma_start3A_152, %dma_start3A_153] : memref<80x128xf32, #tpu.memory_space<vmem>> -> memref<25x128xf32, #tpu.memory_space<vmem>>
        %dma_start3A_155 = arith.constant 0 : i32
        %dma_start3A_156 = tpu.memref_slice %arg28[%add3A_150, %dma_start3A_155] : memref<10000x128xf32, #tpu.memory_space<vmem_shared>> -> memref<25x128xf32, #tpu.memory_space<vmem_shared>>
        %dma_start3A_157 = arith.constant 0 : i32
        %dma_start3A_158 = tpu.memref_slice %arg28[%add3A_150, %dma_start3A_157] : memref<10000x128xf32, #tpu.memory_space<vmem_shared>> -> memref<25x128xf32, #tpu.memory_space<vmem_shared>>
        %dma_start3A_159 = arith.constant 0 : i32
        %dma_start3A_160 = arith.constant 0 : i32
        %dma_start3A_161 = tpu.memref_slice %arg20[%dma_start3A_159, %dma_start3A_160] : memref<80x128xf32, #tpu.memory_space<vmem>> -> memref<25x128xf32, #tpu.memory_space<vmem>>
        tpu.enqueue_dma source(%dma_start3A_161 : memref<25x128xf32, #tpu.memory_space<vmem>>) target(%dma_start3A_158 : memref<25x128xf32, #tpu.memory_space<vmem_shared>>) target_semaphore(%run_scoped3A : memref<!tpu.dma_semaphore, #tpu.memory_space<semaphore_mem>>)
        %dma_wait3A = arith.constant 0 : i32
        %dma_wait3A_162 = arith.constant 0 : i32
        %dma_wait3A_163 = tpu.memref_slice %arg20[%dma_wait3A, %dma_wait3A_162] : memref<80x128xf32, #tpu.memory_space<vmem>> -> memref<25x128xf32, #tpu.memory_space<vmem>>
        %dma_wait3A_164 = arith.constant 0 : i32
        %dma_wait3A_165 = tpu.memref_slice %arg28[%add3A_150, %dma_wait3A_164] : memref<10000x128xf32, #tpu.memory_space<vmem_shared>> -> memref<25x128xf32, #tpu.memory_space<vmem_shared>>
        %dma_wait3A_166 = arith.constant 0 : i32
        %dma_wait3A_167 = tpu.memref_slice %arg28[%add3A_150, %dma_wait3A_166] : memref<10000x128xf32, #tpu.memory_space<vmem_shared>> -> memref<25x128xf32, #tpu.memory_space<vmem_shared>>
        %dma_wait3A_168 = arith.constant 0 : i32
        %dma_wait3A_169 = arith.constant 0 : i32
        %dma_wait3A_170 = tpu.memref_slice %arg20[%dma_wait3A_168, %dma_wait3A_169] : memref<80x128xf32, #tpu.memory_space<vmem>> -> memref<25x128xf32, #tpu.memory_space<vmem>>
        tpu.wait_dma2 semaphore(%run_scoped3A : memref<!tpu.dma_semaphore, #tpu.memory_space<semaphore_mem>>) src(%dma_wait3A_170 : memref<25x128xf32, #tpu.memory_space<vmem>>) dst(%dma_wait3A_167 : memref<25x128xf32, #tpu.memory_space<vmem_shared>>)
        tpu.yield
      }) : () -> ()
      %scan3A_151 = arith.constant 0 : i32
      scf.yield %scan3A_151 : i32
    }
    %scan3A_108 = arith.constant 25 : i32
    %barrier3A_109 = arith.constant 0 : index
    tpu.barrier barrier_id(%barrier3A_109)
    %add3A_110 = arith.constant 0 : i32
    %add3A_111 = arith.addi %mul3A_0, %add3A_110 : i32
    "tpu.region"() ({
      %run_scoped3A = tpu.sem_alloc : memref<!tpu.dma_semaphore, #tpu.memory_space<semaphore_mem>>
      %dma_start3A_144 = tpu.memref_slice %arg2[%add3A_111] : memref<320000xi32, #tpu.memory_space<hbm>> -> memref<80xi32, #tpu.memory_space<hbm>>
      %dma_start3A_145 = tpu.memref_slice %arg2[%add3A_111] : memref<320000xi32, #tpu.memory_space<hbm>> -> memref<80xi32, #tpu.memory_space<hbm>>
      tpu.enqueue_dma source(%dma_start3A_145 : memref<80xi32, #tpu.memory_space<hbm>>) target(%arg7 : memref<80xi32, #tpu.memory_space<vmem>>) target_semaphore(%run_scoped3A : memref<!tpu.dma_semaphore, #tpu.memory_space<semaphore_mem>>)
      %dma_wait3A = tpu.memref_slice %arg2[%add3A_111] : memref<320000xi32, #tpu.memory_space<hbm>> -> memref<80xi32, #tpu.memory_space<hbm>>
      %dma_wait3A_146 = tpu.memref_slice %arg2[%add3A_111] : memref<320000xi32, #tpu.memory_space<hbm>> -> memref<80xi32, #tpu.memory_space<hbm>>
      tpu.wait_dma2 semaphore(%run_scoped3A : memref<!tpu.dma_semaphore, #tpu.memory_space<semaphore_mem>>) src(%dma_wait3A_146 : memref<80xi32, #tpu.memory_space<hbm>>) dst(%arg7 : memref<80xi32, #tpu.memory_space<vmem>>)
      tpu.yield
    }) : () -> ()
    "tpu.region"() ({
      %run_scoped3A = tpu.sem_alloc : memref<!tpu.dma_semaphore, #tpu.memory_space<semaphore_mem>>
      %dma_start3A_144 = tpu.memref_slice %arg3[%add3A_111] : memref<320000xi32, #tpu.memory_space<hbm>> -> memref<80xi32, #tpu.memory_space<hbm>>
      %dma_start3A_145 = tpu.memref_slice %arg3[%add3A_111] : memref<320000xi32, #tpu.memory_space<hbm>> -> memref<80xi32, #tpu.memory_space<hbm>>
      tpu.enqueue_dma source(%dma_start3A_145 : memref<80xi32, #tpu.memory_space<hbm>>) target(%arg9 : memref<80xi32, #tpu.memory_space<vmem>>) target_semaphore(%run_scoped3A : memref<!tpu.dma_semaphore, #tpu.memory_space<semaphore_mem>>)
      %dma_wait3A = tpu.memref_slice %arg3[%add3A_111] : memref<320000xi32, #tpu.memory_space<hbm>> -> memref<80xi32, #tpu.memory_space<hbm>>
      %dma_wait3A_146 = tpu.memref_slice %arg3[%add3A_111] : memref<320000xi32, #tpu.memory_space<hbm>> -> memref<80xi32, #tpu.memory_space<hbm>>
      tpu.wait_dma2 semaphore(%run_scoped3A : memref<!tpu.dma_semaphore, #tpu.memory_space<semaphore_mem>>) src(%dma_wait3A_146 : memref<80xi32, #tpu.memory_space<hbm>>) dst(%arg9 : memref<80xi32, #tpu.memory_space<vmem>>)
      tpu.yield
    }) : () -> ()
    %scan3A_112 = arith.constant 0 : i32
    %scan3A_113 = arith.constant 0 : i32
    %scan3A_114 = arith.constant 5 : i32
    %scan3A_115 = arith.addi %scan3A_113, %scan3A_114 : i32
    %scan3A_116 = arith.constant 1 : i32
    %scan3A_117 = scf.for %scan3A_144 = %scan3A_113 to %scan3A_115 step %scan3A_116 iter_args(%scan3A_145 = %scan3A_112) -> (i32)  : i32 {
      %mul3A_146 = arith.constant 16 : i32
      %mul3A_147 = arith.muli %scan3A_144, %mul3A_146 : i32
      %get3A = arith.index_cast %mul3A_147 : i32 to index
      %get3A_148 = tpu.vector_load %arg7[%get3A] {strides = array<i32>} : memref<80xi32, #tpu.memory_space<vmem>>, vector<16xi32>,
      %get3A_149 = vector.shape_cast %get3A_148 : vector<16xi32> to vector<16xi32>
      %mul3A_150 = arith.constant 10240 : i32
      %mul3A_151 = arith.muli %add3A_94, %mul3A_150 : i32
      %add3A_152 = vector.broadcast %mul3A_151 : i32 to vector<16xi32>
      %add3A_153 = arith.addi %get3A_149, %add3A_152 : vector<16xi32>
      %mul3A_154 = arith.constant 16 : i32
      %mul3A_155 = arith.muli %scan3A_144, %mul3A_154 : i32
      %swap3A = arith.index_cast %mul3A_155 : i32 to index
      %swap3A_156 = tpu.vector_load %arg11[%swap3A] {strides = array<i32>} : memref<80xi32, #tpu.memory_space<vmem>>, vector<16xi32>,
      %swap3A_157 = vector.shape_cast %swap3A_156 : vector<16xi32> to vector<16xi32>
      %swap3A_158 = vector.shape_cast %add3A_153 : vector<16xi32> to vector<16xi32>
      tpu.vector_store %arg11[%swap3A], %swap3A_158 {strides = array<i32>} : memref<80xi32, #tpu.memory_space<vmem>>, vector<16xi32>,
      %scan3A_159 = arith.constant 0 : i32
      scf.yield %scan3A_159 : i32
    }
    %scan3A_118 = arith.constant 5 : i32
    %dma_start3A_119 = arith.constant 0 : i32
    %dma_start3A_120 = arith.constant 0 : i32
    %dma_start3A_121 = tpu.memref_slice %arg5[%dma_start3A_119, %dma_start3A_120] : memref<40960x128xf32, #tpu.memory_space<hbm>> -> memref<40960x128xf32, #tpu.memory_space<hbm>>
    tpu.enqueue_indirect_dma source(%dma_start3A_121 : memref<40960x128xf32, #tpu.memory_space<hbm>>) target(%arg20 : memref<80x128xf32, #tpu.memory_space<vmem>>) offsets(%arg11 : memref<80xi32, #tpu.memory_space<vmem>>) semaphore(%arg22 : memref<!tpu.dma_semaphore, #tpu.memory_space<semaphore_mem>>)
    %dma_start3A_122 = arith.constant 0 : i32
    %dma_start3A_123 = arith.constant 0 : i32
    %dma_start3A_124 = tpu.memref_slice %arg27[%dma_start3A_122, %dma_start3A_123] : memref<10000x16xf32, #tpu.memory_space<vmem_shared>> -> memref<10000x16xf32, #tpu.memory_space<vmem_shared>>
    tpu.enqueue_indirect_dma source(%dma_start3A_124 : memref<10000x16xf32, #tpu.memory_space<vmem_shared>>) target(%arg13 : memref<80x16xf32, #tpu.memory_space<vmem>>) offsets(%arg7 : memref<80xi32, #tpu.memory_space<vmem>>) semaphore(%arg24 : memref<!tpu.dma_semaphore, #tpu.memory_space<semaphore_mem>>)
    %dma_start3A_125 = arith.constant 0 : i32
    %dma_start3A_126 = arith.constant 0 : i32
    %dma_start3A_127 = tpu.memref_slice %arg27[%dma_start3A_125, %dma_start3A_126] : memref<10000x16xf32, #tpu.memory_space<vmem_shared>> -> memref<10000x16xf32, #tpu.memory_space<vmem_shared>>
    tpu.enqueue_indirect_dma source(%dma_start3A_127 : memref<10000x16xf32, #tpu.memory_space<vmem_shared>>) target(%arg15 : memref<80x16xf32, #tpu.memory_space<vmem>>) offsets(%arg9 : memref<80xi32, #tpu.memory_space<vmem>>) semaphore(%arg24 : memref<!tpu.dma_semaphore, #tpu.memory_space<semaphore_mem>>)
    %dma_start3A_128 = arith.constant 0 : i32
    %dma_start3A_129 = arith.constant 0 : i32
    %dma_start3A_130 = tpu.memref_slice %arg26[%dma_start3A_128, %dma_start3A_129] : memref<10000x16xf32, #tpu.memory_space<vmem_shared>> -> memref<10000x16xf32, #tpu.memory_space<vmem_shared>>
    tpu.enqueue_indirect_dma source(%dma_start3A_130 : memref<10000x16xf32, #tpu.memory_space<vmem_shared>>) target(%arg17 : memref<80x16xf32, #tpu.memory_space<vmem>>) offsets(%arg9 : memref<80xi32, #tpu.memory_space<vmem>>) semaphore(%arg24 : memref<!tpu.dma_semaphore, #tpu.memory_space<semaphore_mem>>)
    %scan3A_131 = arith.constant 0 : i32
    %scan3A_132 = arith.constant 0 : i32
    %scan3A_133 = arith.constant 125 : i32
    %scan3A_134 = arith.addi %scan3A_132, %scan3A_133 : i32
    %scan3A_135 = arith.constant 1 : i32
    %scan3A_136 = scf.for %scan3A_144 = %scan3A_132 to %scan3A_134 step %scan3A_135 iter_args(%scan3A_145 = %scan3A_131) -> (i32)  : i32 {
      %mul3A_146 = arith.constant 2 : i32
      %mul3A_147 = arith.muli %mul3A_146, %scan3A_144 : i32
      %add3A_148 = arith.constant 1 : i32
      %add3A_149 = arith.addi %mul3A_147, %add3A_148 : i32
      %mul3A_150 = arith.constant 80 : i32
      %mul3A_151 = arith.muli %add3A_149, %mul3A_150 : i32
      %add3A_152 = arith.addi %mul3A_0, %mul3A_151 : i32
      "tpu.region"() ({
        %run_scoped3A = tpu.sem_alloc : memref<!tpu.dma_semaphore, #tpu.memory_space<semaphore_mem>>
        %dma_start3A_216 = tpu.memref_slice %arg2[%add3A_152] : memref<320000xi32, #tpu.memory_space<hbm>> -> memref<80xi32, #tpu.memory_space<hbm>>
        %dma_start3A_217 = tpu.memref_slice %arg2[%add3A_152] : memref<320000xi32, #tpu.memory_space<hbm>> -> memref<80xi32, #tpu.memory_space<hbm>>
        tpu.enqueue_dma source(%dma_start3A_217 : memref<80xi32, #tpu.memory_space<hbm>>) target(%arg8 : memref<80xi32, #tpu.memory_space<vmem>>) target_semaphore(%run_scoped3A : memref<!tpu.dma_semaphore, #tpu.memory_space<semaphore_mem>>)
        %dma_wait3A_218 = tpu.memref_slice %arg2[%add3A_152] : memref<320000xi32, #tpu.memory_space<hbm>> -> memref<80xi32, #tpu.memory_space<hbm>>
        %dma_wait3A_219 = tpu.memref_slice %arg2[%add3A_152] : memref<320000xi32, #tpu.memory_space<hbm>> -> memref<80xi32, #tpu.memory_space<hbm>>
        tpu.wait_dma2 semaphore(%run_scoped3A : memref<!tpu.dma_semaphore, #tpu.memory_space<semaphore_mem>>) src(%dma_wait3A_219 : memref<80xi32, #tpu.memory_space<hbm>>) dst(%arg8 : memref<80xi32, #tpu.memory_space<vmem>>)
        tpu.yield
      }) : () -> ()
      "tpu.region"() ({
        %run_scoped3A = tpu.sem_alloc : memref<!tpu.dma_semaphore, #tpu.memory_space<semaphore_mem>>
        %dma_start3A_216 = tpu.memref_slice %arg3[%add3A_152] : memref<320000xi32, #tpu.memory_space<hbm>> -> memref<80xi32, #tpu.memory_space<hbm>>
        %dma_start3A_217 = tpu.memref_slice %arg3[%add3A_152] : memref<320000xi32, #tpu.memory_space<hbm>> -> memref<80xi32, #tpu.memory_space<hbm>>
        tpu.enqueue_dma source(%dma_start3A_217 : memref<80xi32, #tpu.memory_space<hbm>>) target(%arg10 : memref<80xi32, #tpu.memory_space<vmem>>) target_semaphore(%run_scoped3A : memref<!tpu.dma_semaphore, #tpu.memory_space<semaphore_mem>>)
        %dma_wait3A_218 = tpu.memref_slice %arg3[%add3A_152] : memref<320000xi32, #tpu.memory_space<hbm>> -> memref<80xi32, #tpu.memory_space<hbm>>
        %dma_wait3A_219 = tpu.memref_slice %arg3[%add3A_152] : memref<320000xi32, #tpu.memory_space<hbm>> -> memref<80xi32, #tpu.memory_space<hbm>>
        tpu.wait_dma2 semaphore(%run_scoped3A : memref<!tpu.dma_semaphore, #tpu.memory_space<semaphore_mem>>) src(%dma_wait3A_219 : memref<80xi32, #tpu.memory_space<hbm>>) dst(%arg10 : memref<80xi32, #tpu.memory_space<vmem>>)
        tpu.yield
      }) : () -> ()
      %scan3A_153 = arith.constant 0 : i32
      %scan3A_154 = arith.constant 0 : i32
      %scan3A_155 = arith.constant 5 : i32
      %scan3A_156 = arith.addi %scan3A_154, %scan3A_155 : i32
      %scan3A_157 = arith.constant 1 : i32
      %scan3A_158 = scf.for %scan3A_216 = %scan3A_154 to %scan3A_156 step %scan3A_157 iter_args(%scan3A_217 = %scan3A_153) -> (i32)  : i32 {
        %mul3A_218 = arith.constant 16 : i32
        %mul3A_219 = arith.muli %scan3A_216, %mul3A_218 : i32
        %get3A = arith.index_cast %mul3A_219 : i32 to index
        %get3A_220 = tpu.vector_load %arg8[%get3A] {strides = array<i32>} : memref<80xi32, #tpu.memory_space<vmem>>, vector<16xi32>,
        %get3A_221 = vector.shape_cast %get3A_220 : vector<16xi32> to vector<16xi32>
        %mul3A_222 = arith.constant 10240 : i32
        %mul3A_223 = arith.muli %add3A_94, %mul3A_222 : i32
        %add3A_224 = vector.broadcast %mul3A_223 : i32 to vector<16xi32>
        %add3A_225 = arith.addi %get3A_221, %add3A_224 : vector<16xi32>
        %mul3A_226 = arith.constant 16 : i32
        %mul3A_227 = arith.muli %scan3A_216, %mul3A_226 : i32
        %swap3A = arith.index_cast %mul3A_227 : i32 to index
        %swap3A_228 = tpu.vector_load %arg12[%swap3A] {strides = array<i32>} : memref<80xi32, #tpu.memory_space<vmem>>, vector<16xi32>,
        %swap3A_229 = vector.shape_cast %swap3A_228 : vector<16xi32> to vector<16xi32>
        %swap3A_230 = vector.shape_cast %add3A_225 : vector<16xi32> to vector<16xi32>
        tpu.vector_store %arg12[%swap3A], %swap3A_230 {strides = array<i32>} : memref<80xi32, #tpu.memory_space<vmem>>, vector<16xi32>,
        %scan3A_231 = arith.constant 0 : i32
        scf.yield %scan3A_231 : i32
      }
      %scan3A_159 = arith.constant 5 : i32
      %dma_start3A_160 = arith.constant 0 : i32
      %dma_start3A_161 = arith.constant 0 : i32
      %dma_start3A_162 = tpu.memref_slice %arg5[%dma_start3A_160, %dma_start3A_161] : memref<40960x128xf32, #tpu.memory_space<hbm>> -> memref<40960x128xf32, #tpu.memory_space<hbm>>
      tpu.enqueue_indirect_dma source(%dma_start3A_162 : memref<40960x128xf32, #tpu.memory_space<hbm>>) target(%arg21 : memref<80x128xf32, #tpu.memory_space<vmem>>) offsets(%arg12 : memref<80xi32, #tpu.memory_space<vmem>>) semaphore(%arg23 : memref<!tpu.dma_semaphore, #tpu.memory_space<semaphore_mem>>)
      %dma_start3A_163 = arith.constant 0 : i32
      %dma_start3A_164 = arith.constant 0 : i32
      %dma_start3A_165 = tpu.memref_slice %arg27[%dma_start3A_163, %dma_start3A_164] : memref<10000x16xf32, #tpu.memory_space<vmem_shared>> -> memref<10000x16xf32, #tpu.memory_space<vmem_shared>>
      tpu.enqueue_indirect_dma source(%dma_start3A_165 : memref<10000x16xf32, #tpu.memory_space<vmem_shared>>) target(%arg14 : memref<80x16xf32, #tpu.memory_space<vmem>>) offsets(%arg8 : memref<80xi32, #tpu.memory_space<vmem>>) semaphore(%arg25 : memref<!tpu.dma_semaphore, #tpu.memory_space<semaphore_mem>>)
      %dma_start3A_166 = arith.constant 0 : i32
      %dma_start3A_167 = arith.constant 0 : i32
      %dma_start3A_168 = tpu.memref_slice %arg27[%dma_start3A_166, %dma_start3A_167] : memref<10000x16xf32, #tpu.memory_space<vmem_shared>> -> memref<10000x16xf32, #tpu.memory_space<vmem_shared>>
      tpu.enqueue_indirect_dma source(%dma_start3A_168 : memref<10000x16xf32, #tpu.memory_space<vmem_shared>>) target(%arg16 : memref<80x16xf32, #tpu.memory_space<vmem>>) offsets(%arg10 : memref<80xi32, #tpu.memory_space<vmem>>) semaphore(%arg25 : memref<!tpu.dma_semaphore, #tpu.memory_space<semaphore_mem>>)
      %dma_start3A_169 = arith.constant 0 : i32
      %dma_start3A_170 = arith.constant 0 : i32
      %dma_start3A_171 = tpu.memref_slice %arg26[%dma_start3A_169, %dma_start3A_170] : memref<10000x16xf32, #tpu.memory_space<vmem_shared>> -> memref<10000x16xf32, #tpu.memory_space<vmem_shared>>
      tpu.enqueue_indirect_dma source(%dma_start3A_171 : memref<10000x16xf32, #tpu.memory_space<vmem_shared>>) target(%arg18 : memref<80x16xf32, #tpu.memory_space<vmem>>) offsets(%arg10 : memref<80xi32, #tpu.memory_space<vmem>>) semaphore(%arg25 : memref<!tpu.dma_semaphore, #tpu.memory_space<semaphore_mem>>)
      %dma_wait3A = arith.constant 0 : i32
      %dma_wait3A_172 = arith.constant 0 : i32
      %dma_wait3A_173 = tpu.memref_slice %arg27[%dma_wait3A, %dma_wait3A_172] : memref<10000x16xf32, #tpu.memory_space<vmem_shared>> -> memref<10000x16xf32, #tpu.memory_space<vmem_shared>>
      tpu.wait_indirect_dma semaphore(%arg24 : memref<!tpu.dma_semaphore, #tpu.memory_space<semaphore_mem>>) src(%dma_wait3A_173 : memref<10000x16xf32, #tpu.memory_space<vmem_shared>>) dst(%arg13 : memref<80x16xf32, #tpu.memory_space<vmem>>)
      %dma_wait3A_174 = arith.constant 0 : i32
      %dma_wait3A_175 = arith.constant 0 : i32
      %dma_wait3A_176 = tpu.memref_slice %arg27[%dma_wait3A_174, %dma_wait3A_175] : memref<10000x16xf32, #tpu.memory_space<vmem_shared>> -> memref<10000x16xf32, #tpu.memory_space<vmem_shared>>
      tpu.wait_indirect_dma semaphore(%arg24 : memref<!tpu.dma_semaphore, #tpu.memory_space<semaphore_mem>>) src(%dma_wait3A_176 : memref<10000x16xf32, #tpu.memory_space<vmem_shared>>) dst(%arg15 : memref<80x16xf32, #tpu.memory_space<vmem>>)
      %dma_wait3A_177 = arith.constant 0 : i32
      %dma_wait3A_178 = arith.constant 0 : i32
      %dma_wait3A_179 = tpu.memref_slice %arg26[%dma_wait3A_177, %dma_wait3A_178] : memref<10000x16xf32, #tpu.memory_space<vmem_shared>> -> memref<10000x16xf32, #tpu.memory_space<vmem_shared>>
      tpu.wait_indirect_dma semaphore(%arg24 : memref<!tpu.dma_semaphore, #tpu.memory_space<semaphore_mem>>) src(%dma_wait3A_179 : memref<10000x16xf32, #tpu.memory_space<vmem_shared>>) dst(%arg17 : memref<80x16xf32, #tpu.memory_space<vmem>>)
      %dma_wait3A_180 = arith.constant 0 : i32
      %dma_wait3A_181 = arith.constant 0 : i32
      %dma_wait3A_182 = tpu.memref_slice %arg5[%dma_wait3A_180, %dma_wait3A_181] : memref<40960x128xf32, #tpu.memory_space<hbm>> -> memref<40960x128xf32, #tpu.memory_space<hbm>>
      tpu.wait_indirect_dma semaphore(%arg22 : memref<!tpu.dma_semaphore, #tpu.memory_space<semaphore_mem>>) src(%dma_wait3A_182 : memref<40960x128xf32, #tpu.memory_space<hbm>>) dst(%arg20 : memref<80x128xf32, #tpu.memory_space<vmem>>)
      %scan3A_183 = arith.constant 0 : i32
      %scan3A_184 = arith.constant 0 : i32
      %scan3A_185 = arith.constant 80 : i32
      %scan3A_186 = arith.addi %scan3A_184, %scan3A_185 : i32
      %scan3A_187 = arith.constant 1 : i32
      %scan3A_188 = scf.for %scan3A_216 = %scan3A_184 to %scan3A_186 step %scan3A_187 iter_args(%scan3A_217 = %scan3A_183) -> (i32)  : i32 {
        %get3A = arith.index_cast %scan3A_216 : i32 to index
        %get3A_218 = arith.constant 0 : index
        %get3A_219 = tpu.vector_load %arg13[%get3A, %get3A_218] {strides = array<i32>} : memref<80x16xf32, #tpu.memory_space<vmem>>, vector<1x16xf32>,
        %get3A_220 = vector.shape_cast %get3A_219 : vector<1x16xf32> to vector<16xf32>
        %get3A_221 = arith.index_cast %scan3A_216 : i32 to index
        %get3A_222 = arith.constant 0 : index
        %get3A_223 = tpu.vector_load %arg15[%get3A_221, %get3A_222] {strides = array<i32>} : memref<80x16xf32, #tpu.memory_space<vmem>>, vector<1x16xf32>,
        %get3A_224 = vector.shape_cast %get3A_223 : vector<1x16xf32> to vector<16xf32>
        %broadcast_in_dim3A_225 = vector.shape_cast %and3A_22 : vector<16xi32> to vector<16x1xi32>
        %gather3A = vector.shape_cast %broadcast_in_dim3A_225 : vector<16x1xi32> to vector<16xi32>
        %gather3A_226 = tpu.dynamic_gather %get3A_224[%gather3A] in [0] : vector<16xf32>, vector<16xi32> -> vector<16xf32>
        %add3A_227 = arith.addf %get3A_220, %gather3A_226 : vector<16xf32>
        %mul3A_228 = arith.constant 2.000000e-01 : f32
        %mul3A_229 = vector.broadcast %mul3A_228 : f32 to vector<16xf32>
        %mul3A_230 = arith.mulf %mul3A_229, %add3A_227 : vector<16xf32>
        %max3A = arith.maximumf %add3A_227, %mul3A_230 : vector<16xf32>
        %exp3A = math.exp %max3A : vector<16xf32>
        %get3A_231 = arith.index_cast %scan3A_216 : i32 to index
        %get3A_232 = arith.constant 0 : index
        %get3A_233 = tpu.vector_load %arg17[%get3A_231, %get3A_232] {strides = array<i32>} : memref<80x16xf32, #tpu.memory_space<vmem>>, vector<1x16xf32>,
        %get3A_234 = vector.shape_cast %get3A_233 : vector<1x16xf32> to vector<16xf32>
        %add3A_235 = arith.constant 9.99999971E-10 : f32
        %add3A_236 = vector.broadcast %add3A_235 : f32 to vector<16xf32>
        %add3A_237 = arith.addf %get3A_234, %add3A_236 : vector<16xf32>
        %div3A = arith.divf %exp3A, %add3A_237 : vector<16xf32>
        %mul3A_238 = arith.constant 2 : i32
        %mul3A_239 = arith.muli %mul3A_238, %add3A_94 : i32
        %broadcast_in_dim3A_240 = vector.broadcast %mul3A_239 : i32 to vector<16xi32>
        %broadcast_in_dim3A_241 = vector.shape_cast %broadcast_in_dim3A_240 : vector<16xi32> to vector<16x1xi32>
        %gather3A_242 = vector.shape_cast %broadcast_in_dim3A_241 : vector<16x1xi32> to vector<16xi32>
        %gather3A_243 = tpu.dynamic_gather %div3A[%gather3A_242] in [0] : vector<16xf32>, vector<16xi32> -> vector<16xf32>
        %mul3A_244 = arith.constant 2 : i32
        %mul3A_245 = arith.muli %mul3A_244, %add3A_94 : i32
        %add3A_246 = arith.constant 1 : i32
        %add3A_247 = arith.addi %mul3A_245, %add3A_246 : i32
        %broadcast_in_dim3A_248 = vector.broadcast %add3A_247 : i32 to vector<16xi32>
        %broadcast_in_dim3A_249 = vector.shape_cast %broadcast_in_dim3A_248 : vector<16xi32> to vector<16x1xi32>
        %gather3A_250 = vector.shape_cast %broadcast_in_dim3A_249 : vector<16x1xi32> to vector<16xi32>
        %gather3A_251 = tpu.dynamic_gather %div3A[%gather3A_250] in [0] : vector<16xf32>, vector<16xi32> -> vector<16xf32>
        %get3A_252 = arith.index_cast %scan3A_216 : i32 to index
        %get3A_253 = arith.constant 0 : index
        %get3A_254 = tpu.vector_load %arg20[%get3A_252, %get3A_253] {strides = array<i32>} : memref<80x128xf32, #tpu.memory_space<vmem>>, vector<1x16xf32>,
        %get3A_255 = vector.shape_cast %get3A_254 : vector<1x16xf32> to vector<16xf32>
        %mul3A_256 = arith.mulf %get3A_255, %gather3A_243 : vector<16xf32>
        %swap3A = arith.index_cast %scan3A_216 : i32 to index
        %swap3A_257 = arith.constant 0 : index
        %swap3A_258 = tpu.vector_load %arg20[%swap3A, %swap3A_257] {strides = array<i32>} : memref<80x128xf32, #tpu.memory_space<vmem>>, vector<1x16xf32>,
        %swap3A_259 = vector.shape_cast %swap3A_258 : vector<1x16xf32> to vector<16xf32>
        %swap3A_260 = vector.shape_cast %mul3A_256 : vector<16xf32> to vector<1x16xf32>
        tpu.vector_store %arg20[%swap3A, %swap3A_257], %swap3A_260 {strides = array<i32>} : memref<80x128xf32, #tpu.memory_space<vmem>>, vector<1x16xf32>,
        %get3A_261 = arith.index_cast %scan3A_216 : i32 to index
        %get3A_262 = arith.constant 16 : index
        %get3A_263 = tpu.vector_load %arg20[%get3A_261, %get3A_262] {strides = array<i32>} : memref<80x128xf32, #tpu.memory_space<vmem>>, vector<1x16xf32>,
        %get3A_264 = vector.shape_cast %get3A_263 : vector<1x16xf32> to vector<16xf32>
        %mul3A_265 = arith.mulf %get3A_264, %gather3A_243 : vector<16xf32>
        %swap3A_266 = arith.index_cast %scan3A_216 : i32 to index
        %swap3A_267 = arith.constant 16 : index
        %swap3A_268 = tpu.vector_load %arg20[%swap3A_266, %swap3A_267] {strides = array<i32>} : memref<80x128xf32, #tpu.memory_space<vmem>>, vector<1x16xf32>,
        %swap3A_269 = vector.shape_cast %swap3A_268 : vector<1x16xf32> to vector<16xf32>
        %swap3A_270 = vector.shape_cast %mul3A_265 : vector<16xf32> to vector<1x16xf32>
        tpu.vector_store %arg20[%swap3A_266, %swap3A_267], %swap3A_270 {strides = array<i32>} : memref<80x128xf32, #tpu.memory_space<vmem>>, vector<1x16xf32>,
        %get3A_271 = arith.index_cast %scan3A_216 : i32 to index
        %get3A_272 = arith.constant 32 : index
        %get3A_273 = tpu.vector_load %arg20[%get3A_271, %get3A_272] {strides = array<i32>} : memref<80x128xf32, #tpu.memory_space<vmem>>, vector<1x16xf32>,
        %get3A_274 = vector.shape_cast %get3A_273 : vector<1x16xf32> to vector<16xf32>
        %mul3A_275 = arith.mulf %get3A_274, %gather3A_243 : vector<16xf32>
        %swap3A_276 = arith.index_cast %scan3A_216 : i32 to index
        %swap3A_277 = arith.constant 32 : index
        %swap3A_278 = tpu.vector_load %arg20[%swap3A_276, %swap3A_277] {strides = array<i32>} : memref<80x128xf32, #tpu.memory_space<vmem>>, vector<1x16xf32>,
        %swap3A_279 = vector.shape_cast %swap3A_278 : vector<1x16xf32> to vector<16xf32>
        %swap3A_280 = vector.shape_cast %mul3A_275 : vector<16xf32> to vector<1x16xf32>
        tpu.vector_store %arg20[%swap3A_276, %swap3A_277], %swap3A_280 {strides = array<i32>} : memref<80x128xf32, #tpu.memory_space<vmem>>, vector<1x16xf32>,
        %get3A_281 = arith.index_cast %scan3A_216 : i32 to index
        %get3A_282 = arith.constant 48 : index
        %get3A_283 = tpu.vector_load %arg20[%get3A_281, %get3A_282] {strides = array<i32>} : memref<80x128xf32, #tpu.memory_space<vmem>>, vector<1x16xf32>,
        %get3A_284 = vector.shape_cast %get3A_283 : vector<1x16xf32> to vector<16xf32>
        %mul3A_285 = arith.mulf %get3A_284, %gather3A_243 : vector<16xf32>
        %swap3A_286 = arith.index_cast %scan3A_216 : i32 to index
        %swap3A_287 = arith.constant 48 : index
        %swap3A_288 = tpu.vector_load %arg20[%swap3A_286, %swap3A_287] {strides = array<i32>} : memref<80x128xf32, #tpu.memory_space<vmem>>, vector<1x16xf32>,
        %swap3A_289 = vector.shape_cast %swap3A_288 : vector<1x16xf32> to vector<16xf32>
        %swap3A_290 = vector.shape_cast %mul3A_285 : vector<16xf32> to vector<1x16xf32>
        tpu.vector_store %arg20[%swap3A_286, %swap3A_287], %swap3A_290 {strides = array<i32>} : memref<80x128xf32, #tpu.memory_space<vmem>>, vector<1x16xf32>,
        %get3A_291 = arith.index_cast %scan3A_216 : i32 to index
        %get3A_292 = arith.constant 64 : index
        %get3A_293 = tpu.vector_load %arg20[%get3A_291, %get3A_292] {strides = array<i32>} : memref<80x128xf32, #tpu.memory_space<vmem>>, vector<1x16xf32>,
        %get3A_294 = vector.shape_cast %get3A_293 : vector<1x16xf32> to vector<16xf32>
        %mul3A_295 = arith.mulf %get3A_294, %gather3A_251 : vector<16xf32>
        %swap3A_296 = arith.index_cast %scan3A_216 : i32 to index
        %swap3A_297 = arith.constant 64 : index
        %swap3A_298 = tpu.vector_load %arg20[%swap3A_296, %swap3A_297] {strides = array<i32>} : memref<80x128xf32, #tpu.memory_space<vmem>>, vector<1x16xf32>,
        %swap3A_299 = vector.shape_cast %swap3A_298 : vector<1x16xf32> to vector<16xf32>
        %swap3A_300 = vector.shape_cast %mul3A_295 : vector<16xf32> to vector<1x16xf32>
        tpu.vector_store %arg20[%swap3A_296, %swap3A_297], %swap3A_300 {strides = array<i32>} : memref<80x128xf32, #tpu.memory_space<vmem>>, vector<1x16xf32>,
        %get3A_301 = arith.index_cast %scan3A_216 : i32 to index
        %get3A_302 = arith.constant 80 : index
        %get3A_303 = tpu.vector_load %arg20[%get3A_301, %get3A_302] {strides = array<i32>} : memref<80x128xf32, #tpu.memory_space<vmem>>, vector<1x16xf32>,
        %get3A_304 = vector.shape_cast %get3A_303 : vector<1x16xf32> to vector<16xf32>
        %mul3A_305 = arith.mulf %get3A_304, %gather3A_251 : vector<16xf32>
        %swap3A_306 = arith.index_cast %scan3A_216 : i32 to index
        %swap3A_307 = arith.constant 80 : index
        %swap3A_308 = tpu.vector_load %arg20[%swap3A_306, %swap3A_307] {strides = array<i32>} : memref<80x128xf32, #tpu.memory_space<vmem>>, vector<1x16xf32>,
        %swap3A_309 = vector.shape_cast %swap3A_308 : vector<1x16xf32> to vector<16xf32>
        %swap3A_310 = vector.shape_cast %mul3A_305 : vector<16xf32> to vector<1x16xf32>
        tpu.vector_store %arg20[%swap3A_306, %swap3A_307], %swap3A_310 {strides = array<i32>} : memref<80x128xf32, #tpu.memory_space<vmem>>, vector<1x16xf32>,
        %get3A_311 = arith.index_cast %scan3A_216 : i32 to index
        %get3A_312 = arith.constant 96 : index
        %get3A_313 = tpu.vector_load %arg20[%get3A_311, %get3A_312] {strides = array<i32>} : memref<80x128xf32, #tpu.memory_space<vmem>>, vector<1x16xf32>,
        %get3A_314 = vector.shape_cast %get3A_313 : vector<1x16xf32> to vector<16xf32>
        %mul3A_315 = arith.mulf %get3A_314, %gather3A_251 : vector<16xf32>
        %swap3A_316 = arith.index_cast %scan3A_216 : i32 to index
        %swap3A_317 = arith.constant 96 : index
        %swap3A_318 = tpu.vector_load %arg20[%swap3A_316, %swap3A_317] {strides = array<i32>} : memref<80x128xf32, #tpu.memory_space<vmem>>, vector<1x16xf32>,
        %swap3A_319 = vector.shape_cast %swap3A_318 : vector<1x16xf32> to vector<16xf32>
        %swap3A_320 = vector.shape_cast %mul3A_315 : vector<16xf32> to vector<1x16xf32>
        tpu.vector_store %arg20[%swap3A_316, %swap3A_317], %swap3A_320 {strides = array<i32>} : memref<80x128xf32, #tpu.memory_space<vmem>>, vector<1x16xf32>,
        %get3A_321 = arith.index_cast %scan3A_216 : i32 to index
        %get3A_322 = arith.constant 112 : index
        %get3A_323 = tpu.vector_load %arg20[%get3A_321, %get3A_322] {strides = array<i32>} : memref<80x128xf32, #tpu.memory_space<vmem>>, vector<1x16xf32>,
        %get3A_324 = vector.shape_cast %get3A_323 : vector<1x16xf32> to vector<16xf32>
        %mul3A_325 = arith.mulf %get3A_324, %gather3A_251 : vector<16xf32>
        %swap3A_326 = arith.index_cast %scan3A_216 : i32 to index
        %swap3A_327 = arith.constant 112 : index
        %swap3A_328 = tpu.vector_load %arg20[%swap3A_326, %swap3A_327] {strides = array<i32>} : memref<80x128xf32, #tpu.memory_space<vmem>>, vector<1x16xf32>,
        %swap3A_329 = vector.shape_cast %swap3A_328 : vector<1x16xf32> to vector<16xf32>
        %swap3A_330 = vector.shape_cast %mul3A_325 : vector<16xf32> to vector<1x16xf32>
        tpu.vector_store %arg20[%swap3A_326, %swap3A_327], %swap3A_330 {strides = array<i32>} : memref<80x128xf32, #tpu.memory_space<vmem>>, vector<1x16xf32>,
        %scan3A_331 = arith.constant 0 : i32
        scf.yield %scan3A_331 : i32
      }
      %scan3A_189 = arith.constant 80 : i32
      "tpu.region"() ({
        %run_scoped3A = tpu.sem_alloc : memref<!tpu.dma_semaphore, #tpu.memory_space<semaphore_mem>>
        %dma_start3A_216 = arith.constant 0 : i32
        %dma_start3A_217 = arith.constant 0 : i32
        %dma_start3A_218 = tpu.memref_slice %arg28[%dma_start3A_216, %dma_start3A_217] : memref<10000x128xf32, #tpu.memory_space<vmem_shared>> -> memref<10000x128xf32, #tpu.memory_space<vmem_shared>>
        tpu.enqueue_indirect_dma source(%arg20 : memref<80x128xf32, #tpu.memory_space<vmem>>) target(%dma_start3A_218 : memref<10000x128xf32, #tpu.memory_space<vmem_shared>>) offsets(%arg9 : memref<80xi32, #tpu.memory_space<vmem>>) semaphore(%run_scoped3A : memref<!tpu.dma_semaphore, #tpu.memory_space<semaphore_mem>>) {add = true}
        %dma_wait3A_219 = arith.constant 0 : i32
        %dma_wait3A_220 = arith.constant 0 : i32
        %dma_wait3A_221 = tpu.memref_slice %arg28[%dma_wait3A_219, %dma_wait3A_220] : memref<10000x128xf32, #tpu.memory_space<vmem_shared>> -> memref<10000x128xf32, #tpu.memory_space<vmem_shared>>
        tpu.wait_indirect_dma semaphore(%run_scoped3A : memref<!tpu.dma_semaphore, #tpu.memory_space<semaphore_mem>>) src(%arg20 : memref<80x128xf32, #tpu.memory_space<vmem>>) dst(%dma_wait3A_221 : memref<10000x128xf32, #tpu.memory_space<vmem_shared>>)
        tpu.yield
      }) : () -> ()
      %mul3A_190 = arith.constant 2 : i32
      %mul3A_191 = arith.muli %mul3A_190, %scan3A_144 : i32
      %add3A_192 = arith.constant 2 : i32
      %add3A_193 = arith.addi %mul3A_191, %add3A_192 : i32
      %lt3A = arith.constant 250 : i32
      %lt3A_194 = arith.cmpi slt, %add3A_193, %lt3A : i32
      %convert_element_type3A = arith.extui %lt3A_194 : i1 to i32
      %cond3A = arith.constant 0 : i32
      %cond3A_195 = arith.cmpi ne, %convert_element_type3A, %cond3A : i32
      scf.if %cond3A_195 {
        %mul3A_216 = arith.constant 2 : i32
        %mul3A_217 = arith.muli %mul3A_216, %scan3A_144 : i32
        %add3A_218 = arith.constant 2 : i32
        %add3A_219 = arith.addi %mul3A_217, %add3A_218 : i32
        %mul3A_220 = arith.constant 80 : i32
        %mul3A_221 = arith.muli %add3A_219, %mul3A_220 : i32
        %add3A_222 = arith.addi %mul3A_0, %mul3A_221 : i32
        "tpu.region"() ({
          %run_scoped3A = tpu.sem_alloc : memref<!tpu.dma_semaphore, #tpu.memory_space<semaphore_mem>>
          %dma_start3A_242 = tpu.memref_slice %arg2[%add3A_222] : memref<320000xi32, #tpu.memory_space<hbm>> -> memref<80xi32, #tpu.memory_space<hbm>>
          %dma_start3A_243 = tpu.memref_slice %arg2[%add3A_222] : memref<320000xi32, #tpu.memory_space<hbm>> -> memref<80xi32, #tpu.memory_space<hbm>>
          tpu.enqueue_dma source(%dma_start3A_243 : memref<80xi32, #tpu.memory_space<hbm>>) target(%arg7 : memref<80xi32, #tpu.memory_space<vmem>>) target_semaphore(%run_scoped3A : memref<!tpu.dma_semaphore, #tpu.memory_space<semaphore_mem>>)
          %dma_wait3A_244 = tpu.memref_slice %arg2[%add3A_222] : memref<320000xi32, #tpu.memory_space<hbm>> -> memref<80xi32, #tpu.memory_space<hbm>>
          %dma_wait3A_245 = tpu.memref_slice %arg2[%add3A_222] : memref<320000xi32, #tpu.memory_space<hbm>> -> memref<80xi32, #tpu.memory_space<hbm>>
          tpu.wait_dma2 semaphore(%run_scoped3A : memref<!tpu.dma_semaphore, #tpu.memory_space<semaphore_mem>>) src(%dma_wait3A_245 : memref<80xi32, #tpu.memory_space<hbm>>) dst(%arg7 : memref<80xi32, #tpu.memory_space<vmem>>)
          tpu.yield
        }) : () -> ()
        "tpu.region"() ({
          %run_scoped3A = tpu.sem_alloc : memref<!tpu.dma_semaphore, #tpu.memory_space<semaphore_mem>>
          %dma_start3A_242 = tpu.memref_slice %arg3[%add3A_222] : memref<320000xi32, #tpu.memory_space<hbm>> -> memref<80xi32, #tpu.memory_space<hbm>>
          %dma_start3A_243 = tpu.memref_slice %arg3[%add3A_222] : memref<320000xi32, #tpu.memory_space<hbm>> -> memref<80xi32, #tpu.memory_space<hbm>>
          tpu.enqueue_dma source(%dma_start3A_243 : memref<80xi32, #tpu.memory_space<hbm>>) target(%arg9 : memref<80xi32, #tpu.memory_space<vmem>>) target_semaphore(%run_scoped3A : memref<!tpu.dma_semaphore, #tpu.memory_space<semaphore_mem>>)
          %dma_wait3A_244 = tpu.memref_slice %arg3[%add3A_222] : memref<320000xi32, #tpu.memory_space<hbm>> -> memref<80xi32, #tpu.memory_space<hbm>>
          %dma_wait3A_245 = tpu.memref_slice %arg3[%add3A_222] : memref<320000xi32, #tpu.memory_space<hbm>> -> memref<80xi32, #tpu.memory_space<hbm>>
          tpu.wait_dma2 semaphore(%run_scoped3A : memref<!tpu.dma_semaphore, #tpu.memory_space<semaphore_mem>>) src(%dma_wait3A_245 : memref<80xi32, #tpu.memory_space<hbm>>) dst(%arg9 : memref<80xi32, #tpu.memory_space<vmem>>)
          tpu.yield
        }) : () -> ()
        %scan3A_223 = arith.constant 0 : i32
        %scan3A_224 = arith.constant 0 : i32
        %scan3A_225 = arith.constant 5 : i32
        %scan3A_226 = arith.addi %scan3A_224, %scan3A_225 : i32
        %scan3A_227 = arith.constant 1 : i32
        %scan3A_228 = scf.for %scan3A_242 = %scan3A_224 to %scan3A_226 step %scan3A_227 iter_args(%scan3A_243 = %scan3A_223) -> (i32)  : i32 {
          %mul3A_244 = arith.constant 16 : i32
          %mul3A_245 = arith.muli %scan3A_242, %mul3A_244 : i32
          %get3A = arith.index_cast %mul3A_245 : i32 to index
          %get3A_246 = tpu.vector_load %arg7[%get3A] {strides = array<i32>} : memref<80xi32, #tpu.memory_space<vmem>>, vector<16xi32>,
          %get3A_247 = vector.shape_cast %get3A_246 : vector<16xi32> to vector<16xi32>
          %mul3A_248 = arith.constant 10240 : i32
          %mul3A_249 = arith.muli %add3A_94, %mul3A_248 : i32
          %add3A_250 = vector.broadcast %mul3A_249 : i32 to vector<16xi32>
          %add3A_251 = arith.addi %get3A_247, %add3A_250 : vector<16xi32>
          %mul3A_252 = arith.constant 16 : i32
          %mul3A_253 = arith.muli %scan3A_242, %mul3A_252 : i32
          %swap3A = arith.index_cast %mul3A_253 : i32 to index
          %swap3A_254 = tpu.vector_load %arg11[%swap3A] {strides = array<i32>} : memref<80xi32, #tpu.memory_space<vmem>>, vector<16xi32>,
          %swap3A_255 = vector.shape_cast %swap3A_254 : vector<16xi32> to vector<16xi32>
          %swap3A_256 = vector.shape_cast %add3A_251 : vector<16xi32> to vector<16xi32>
          tpu.vector_store %arg11[%swap3A], %swap3A_256 {strides = array<i32>} : memref<80xi32, #tpu.memory_space<vmem>>, vector<16xi32>,
          %scan3A_257 = arith.constant 0 : i32
          scf.yield %scan3A_257 : i32
        }
        %scan3A_229 = arith.constant 5 : i32
        %dma_start3A_230 = arith.constant 0 : i32
        %dma_start3A_231 = arith.constant 0 : i32
        %dma_start3A_232 = tpu.memref_slice %arg5[%dma_start3A_230, %dma_start3A_231] : memref<40960x128xf32, #tpu.memory_space<hbm>> -> memref<40960x128xf32, #tpu.memory_space<hbm>>
        tpu.enqueue_indirect_dma source(%dma_start3A_232 : memref<40960x128xf32, #tpu.memory_space<hbm>>) target(%arg20 : memref<80x128xf32, #tpu.memory_space<vmem>>) offsets(%arg11 : memref<80xi32, #tpu.memory_space<vmem>>) semaphore(%arg22 : memref<!tpu.dma_semaphore, #tpu.memory_space<semaphore_mem>>)
        %dma_start3A_233 = arith.constant 0 : i32
        %dma_start3A_234 = arith.constant 0 : i32
        %dma_start3A_235 = tpu.memref_slice %arg27[%dma_start3A_233, %dma_start3A_234] : memref<10000x16xf32, #tpu.memory_space<vmem_shared>> -> memref<10000x16xf32, #tpu.memory_space<vmem_shared>>
        tpu.enqueue_indirect_dma source(%dma_start3A_235 : memref<10000x16xf32, #tpu.memory_space<vmem_shared>>) target(%arg13 : memref<80x16xf32, #tpu.memory_space<vmem>>) offsets(%arg7 : memref<80xi32, #tpu.memory_space<vmem>>) semaphore(%arg24 : memref<!tpu.dma_semaphore, #tpu.memory_space<semaphore_mem>>)
        %dma_start3A_236 = arith.constant 0 : i32
        %dma_start3A_237 = arith.constant 0 : i32
        %dma_start3A_238 = tpu.memref_slice %arg27[%dma_start3A_236, %dma_start3A_237] : memref<10000x16xf32, #tpu.memory_space<vmem_shared>> -> memref<10000x16xf32, #tpu.memory_space<vmem_shared>>
        tpu.enqueue_indirect_dma source(%dma_start3A_238 : memref<10000x16xf32, #tpu.memory_space<vmem_shared>>) target(%arg15 : memref<80x16xf32, #tpu.memory_space<vmem>>) offsets(%arg9 : memref<80xi32, #tpu.memory_space<vmem>>) semaphore(%arg24 : memref<!tpu.dma_semaphore, #tpu.memory_space<semaphore_mem>>)
        %dma_start3A_239 = arith.constant 0 : i32
        %dma_start3A_240 = arith.constant 0 : i32
        %dma_start3A_241 = tpu.memref_slice %arg26[%dma_start3A_239, %dma_start3A_240] : memref<10000x16xf32, #tpu.memory_space<vmem_shared>> -> memref<10000x16xf32, #tpu.memory_space<vmem_shared>>
        tpu.enqueue_indirect_dma source(%dma_start3A_241 : memref<10000x16xf32, #tpu.memory_space<vmem_shared>>) target(%arg17 : memref<80x16xf32, #tpu.memory_space<vmem>>) offsets(%arg9 : memref<80xi32, #tpu.memory_space<vmem>>) semaphore(%arg24 : memref<!tpu.dma_semaphore, #tpu.memory_space<semaphore_mem>>)
      } else {
      }
      %dma_wait3A_196 = arith.constant 0 : i32
      %dma_wait3A_197 = arith.constant 0 : i32
      %dma_wait3A_198 = tpu.memref_slice %arg27[%dma_wait3A_196, %dma_wait3A_197] : memref<10000x16xf32, #tpu.memory_space<vmem_shared>> -> memref<10000x16xf32, #tpu.memory_space<vmem_shared>>
      tpu.wait_indirect_dma semaphore(%arg25 : memref<!tpu.dma_semaphore, #tpu.memory_space<semaphore_mem>>) src(%dma_wait3A_198 : memref<10000x16xf32, #tpu.memory_space<vmem_shared>>) dst(%arg14 : memref<80x16xf32, #tpu.memory_space<vmem>>)
      %dma_wait3A_199 = arith.constant 0 : i32
      %dma_wait3A_200 = arith.constant 0 : i32
      %dma_wait3A_201 = tpu.memref_slice %arg27[%dma_wait3A_199, %dma_wait3A_200] : memref<10000x16xf32, #tpu.memory_space<vmem_shared>> -> memref<10000x16xf32, #tpu.memory_space<vmem_shared>>
      tpu.wait_indirect_dma semaphore(%arg25 : memref<!tpu.dma_semaphore, #tpu.memory_space<semaphore_mem>>) src(%dma_wait3A_201 : memref<10000x16xf32, #tpu.memory_space<vmem_shared>>) dst(%arg16 : memref<80x16xf32, #tpu.memory_space<vmem>>)
      %dma_wait3A_202 = arith.constant 0 : i32
      %dma_wait3A_203 = arith.constant 0 : i32
      %dma_wait3A_204 = tpu.memref_slice %arg26[%dma_wait3A_202, %dma_wait3A_203] : memref<10000x16xf32, #tpu.memory_space<vmem_shared>> -> memref<10000x16xf32, #tpu.memory_space<vmem_shared>>
      tpu.wait_indirect_dma semaphore(%arg25 : memref<!tpu.dma_semaphore, #tpu.memory_space<semaphore_mem>>) src(%dma_wait3A_204 : memref<10000x16xf32, #tpu.memory_space<vmem_shared>>) dst(%arg18 : memref<80x16xf32, #tpu.memory_space<vmem>>)
      %dma_wait3A_205 = arith.constant 0 : i32
      %dma_wait3A_206 = arith.constant 0 : i32
      %dma_wait3A_207 = tpu.memref_slice %arg5[%dma_wait3A_205, %dma_wait3A_206] : memref<40960x128xf32, #tpu.memory_space<hbm>> -> memref<40960x128xf32, #tpu.memory_space<hbm>>
      tpu.wait_indirect_dma semaphore(%arg23 : memref<!tpu.dma_semaphore, #tpu.memory_space<semaphore_mem>>) src(%dma_wait3A_207 : memref<40960x128xf32, #tpu.memory_space<hbm>>) dst(%arg21 : memref<80x128xf32, #tpu.memory_space<vmem>>)
      %scan3A_208 = arith.constant 0 : i32
      %scan3A_209 = arith.constant 0 : i32
      %scan3A_210 = arith.constant 80 : i32
      %scan3A_211 = arith.addi %scan3A_209, %scan3A_210 : i32
      %scan3A_212 = arith.constant 1 : i32
      %scan3A_213 = scf.for %scan3A_216 = %scan3A_209 to %scan3A_211 step %scan3A_212 iter_args(%scan3A_217 = %scan3A_208) -> (i32)  : i32 {
        %get3A = arith.index_cast %scan3A_216 : i32 to index
        %get3A_218 = arith.constant 0 : index
        %get3A_219 = tpu.vector_load %arg14[%get3A, %get3A_218] {strides = array<i32>} : memref<80x16xf32, #tpu.memory_space<vmem>>, vector<1x16xf32>,
        %get3A_220 = vector.shape_cast %get3A_219 : vector<1x16xf32> to vector<16xf32>
        %get3A_221 = arith.index_cast %scan3A_216 : i32 to index
        %get3A_222 = arith.constant 0 : index
        %get3A_223 = tpu.vector_load %arg16[%get3A_221, %get3A_222] {strides = array<i32>} : memref<80x16xf32, #tpu.memory_space<vmem>>, vector<1x16xf32>,
        %get3A_224 = vector.shape_cast %get3A_223 : vector<1x16xf32> to vector<16xf32>
        %broadcast_in_dim3A_225 = vector.shape_cast %and3A_22 : vector<16xi32> to vector<16x1xi32>
        %gather3A = vector.shape_cast %broadcast_in_dim3A_225 : vector<16x1xi32> to vector<16xi32>
        %gather3A_226 = tpu.dynamic_gather %get3A_224[%gather3A] in [0] : vector<16xf32>, vector<16xi32> -> vector<16xf32>
        %add3A_227 = arith.addf %get3A_220, %gather3A_226 : vector<16xf32>
        %mul3A_228 = arith.constant 2.000000e-01 : f32
        %mul3A_229 = vector.broadcast %mul3A_228 : f32 to vector<16xf32>
        %mul3A_230 = arith.mulf %mul3A_229, %add3A_227 : vector<16xf32>
        %max3A = arith.maximumf %add3A_227, %mul3A_230 : vector<16xf32>
        %exp3A = math.exp %max3A : vector<16xf32>
        %get3A_231 = arith.index_cast %scan3A_216 : i32 to index
        %get3A_232 = arith.constant 0 : index
        %get3A_233 = tpu.vector_load %arg18[%get3A_231, %get3A_232] {strides = array<i32>} : memref<80x16xf32, #tpu.memory_space<vmem>>, vector<1x16xf32>,
        %get3A_234 = vector.shape_cast %get3A_233 : vector<1x16xf32> to vector<16xf32>
        %add3A_235 = arith.constant 9.99999971E-10 : f32
        %add3A_236 = vector.broadcast %add3A_235 : f32 to vector<16xf32>
        %add3A_237 = arith.addf %get3A_234, %add3A_236 : vector<16xf32>
        %div3A = arith.divf %exp3A, %add3A_237 : vector<16xf32>
        %mul3A_238 = arith.constant 2 : i32
        %mul3A_239 = arith.muli %mul3A_238, %add3A_94 : i32
        %broadcast_in_dim3A_240 = vector.broadcast %mul3A_239 : i32 to vector<16xi32>
        %broadcast_in_dim3A_241 = vector.shape_cast %broadcast_in_dim3A_240 : vector<16xi32> to vector<16x1xi32>
        %gather3A_242 = vector.shape_cast %broadcast_in_dim3A_241 : vector<16x1xi32> to vector<16xi32>
        %gather3A_243 = tpu.dynamic_gather %div3A[%gather3A_242] in [0] : vector<16xf32>, vector<16xi32> -> vector<16xf32>
        %mul3A_244 = arith.constant 2 : i32
        %mul3A_245 = arith.muli %mul3A_244, %add3A_94 : i32
        %add3A_246 = arith.constant 1 : i32
        %add3A_247 = arith.addi %mul3A_245, %add3A_246 : i32
        %broadcast_in_dim3A_248 = vector.broadcast %add3A_247 : i32 to vector<16xi32>
        %broadcast_in_dim3A_249 = vector.shape_cast %broadcast_in_dim3A_248 : vector<16xi32> to vector<16x1xi32>
        %gather3A_250 = vector.shape_cast %broadcast_in_dim3A_249 : vector<16x1xi32> to vector<16xi32>
        %gather3A_251 = tpu.dynamic_gather %div3A[%gather3A_250] in [0] : vector<16xf32>, vector<16xi32> -> vector<16xf32>
        %get3A_252 = arith.index_cast %scan3A_216 : i32 to index
        %get3A_253 = arith.constant 0 : index
        %get3A_254 = tpu.vector_load %arg21[%get3A_252, %get3A_253] {strides = array<i32>} : memref<80x128xf32, #tpu.memory_space<vmem>>, vector<1x16xf32>,
        %get3A_255 = vector.shape_cast %get3A_254 : vector<1x16xf32> to vector<16xf32>
        %mul3A_256 = arith.mulf %get3A_255, %gather3A_243 : vector<16xf32>
        %swap3A = arith.index_cast %scan3A_216 : i32 to index
        %swap3A_257 = arith.constant 0 : index
        %swap3A_258 = tpu.vector_load %arg21[%swap3A, %swap3A_257] {strides = array<i32>} : memref<80x128xf32, #tpu.memory_space<vmem>>, vector<1x16xf32>,
        %swap3A_259 = vector.shape_cast %swap3A_258 : vector<1x16xf32> to vector<16xf32>
        %swap3A_260 = vector.shape_cast %mul3A_256 : vector<16xf32> to vector<1x16xf32>
        tpu.vector_store %arg21[%swap3A, %swap3A_257], %swap3A_260 {strides = array<i32>} : memref<80x128xf32, #tpu.memory_space<vmem>>, vector<1x16xf32>,
        %get3A_261 = arith.index_cast %scan3A_216 : i32 to index
        %get3A_262 = arith.constant 16 : index
        %get3A_263 = tpu.vector_load %arg21[%get3A_261, %get3A_262] {strides = array<i32>} : memref<80x128xf32, #tpu.memory_space<vmem>>, vector<1x16xf32>,
        %get3A_264 = vector.shape_cast %get3A_263 : vector<1x16xf32> to vector<16xf32>
        %mul3A_265 = arith.mulf %get3A_264, %gather3A_243 : vector<16xf32>
        %swap3A_266 = arith.index_cast %scan3A_216 : i32 to index
        %swap3A_267 = arith.constant 16 : index
        %swap3A_268 = tpu.vector_load %arg21[%swap3A_266, %swap3A_267] {strides = array<i32>} : memref<80x128xf32, #tpu.memory_space<vmem>>, vector<1x16xf32>,
        %swap3A_269 = vector.shape_cast %swap3A_268 : vector<1x16xf32> to vector<16xf32>
        %swap3A_270 = vector.shape_cast %mul3A_265 : vector<16xf32> to vector<1x16xf32>
        tpu.vector_store %arg21[%swap3A_266, %swap3A_267], %swap3A_270 {strides = array<i32>} : memref<80x128xf32, #tpu.memory_space<vmem>>, vector<1x16xf32>,
        %get3A_271 = arith.index_cast %scan3A_216 : i32 to index
        %get3A_272 = arith.constant 32 : index
        %get3A_273 = tpu.vector_load %arg21[%get3A_271, %get3A_272] {strides = array<i32>} : memref<80x128xf32, #tpu.memory_space<vmem>>, vector<1x16xf32>,
        %get3A_274 = vector.shape_cast %get3A_273 : vector<1x16xf32> to vector<16xf32>
        %mul3A_275 = arith.mulf %get3A_274, %gather3A_243 : vector<16xf32>
        %swap3A_276 = arith.index_cast %scan3A_216 : i32 to index
        %swap3A_277 = arith.constant 32 : index
        %swap3A_278 = tpu.vector_load %arg21[%swap3A_276, %swap3A_277] {strides = array<i32>} : memref<80x128xf32, #tpu.memory_space<vmem>>, vector<1x16xf32>,
        %swap3A_279 = vector.shape_cast %swap3A_278 : vector<1x16xf32> to vector<16xf32>
        %swap3A_280 = vector.shape_cast %mul3A_275 : vector<16xf32> to vector<1x16xf32>
        tpu.vector_store %arg21[%swap3A_276, %swap3A_277], %swap3A_280 {strides = array<i32>} : memref<80x128xf32, #tpu.memory_space<vmem>>, vector<1x16xf32>,
        %get3A_281 = arith.index_cast %scan3A_216 : i32 to index
        %get3A_282 = arith.constant 48 : index
        %get3A_283 = tpu.vector_load %arg21[%get3A_281, %get3A_282] {strides = array<i32>} : memref<80x128xf32, #tpu.memory_space<vmem>>, vector<1x16xf32>,
        %get3A_284 = vector.shape_cast %get3A_283 : vector<1x16xf32> to vector<16xf32>
        %mul3A_285 = arith.mulf %get3A_284, %gather3A_243 : vector<16xf32>
        %swap3A_286 = arith.index_cast %scan3A_216 : i32 to index
        %swap3A_287 = arith.constant 48 : index
        %swap3A_288 = tpu.vector_load %arg21[%swap3A_286, %swap3A_287] {strides = array<i32>} : memref<80x128xf32, #tpu.memory_space<vmem>>, vector<1x16xf32>,
        %swap3A_289 = vector.shape_cast %swap3A_288 : vector<1x16xf32> to vector<16xf32>
        %swap3A_290 = vector.shape_cast %mul3A_285 : vector<16xf32> to vector<1x16xf32>
        tpu.vector_store %arg21[%swap3A_286, %swap3A_287], %swap3A_290 {strides = array<i32>} : memref<80x128xf32, #tpu.memory_space<vmem>>, vector<1x16xf32>,
        %get3A_291 = arith.index_cast %scan3A_216 : i32 to index
        %get3A_292 = arith.constant 64 : index
        %get3A_293 = tpu.vector_load %arg21[%get3A_291, %get3A_292] {strides = array<i32>} : memref<80x128xf32, #tpu.memory_space<vmem>>, vector<1x16xf32>,
        %get3A_294 = vector.shape_cast %get3A_293 : vector<1x16xf32> to vector<16xf32>
        %mul3A_295 = arith.mulf %get3A_294, %gather3A_251 : vector<16xf32>
        %swap3A_296 = arith.index_cast %scan3A_216 : i32 to index
        %swap3A_297 = arith.constant 64 : index
        %swap3A_298 = tpu.vector_load %arg21[%swap3A_296, %swap3A_297] {strides = array<i32>} : memref<80x128xf32, #tpu.memory_space<vmem>>, vector<1x16xf32>,
        %swap3A_299 = vector.shape_cast %swap3A_298 : vector<1x16xf32> to vector<16xf32>
        %swap3A_300 = vector.shape_cast %mul3A_295 : vector<16xf32> to vector<1x16xf32>
        tpu.vector_store %arg21[%swap3A_296, %swap3A_297], %swap3A_300 {strides = array<i32>} : memref<80x128xf32, #tpu.memory_space<vmem>>, vector<1x16xf32>,
        %get3A_301 = arith.index_cast %scan3A_216 : i32 to index
        %get3A_302 = arith.constant 80 : index
        %get3A_303 = tpu.vector_load %arg21[%get3A_301, %get3A_302] {strides = array<i32>} : memref<80x128xf32, #tpu.memory_space<vmem>>, vector<1x16xf32>,
        %get3A_304 = vector.shape_cast %get3A_303 : vector<1x16xf32> to vector<16xf32>
        %mul3A_305 = arith.mulf %get3A_304, %gather3A_251 : vector<16xf32>
        %swap3A_306 = arith.index_cast %scan3A_216 : i32 to index
        %swap3A_307 = arith.constant 80 : index
        %swap3A_308 = tpu.vector_load %arg21[%swap3A_306, %swap3A_307] {strides = array<i32>} : memref<80x128xf32, #tpu.memory_space<vmem>>, vector<1x16xf32>,
        %swap3A_309 = vector.shape_cast %swap3A_308 : vector<1x16xf32> to vector<16xf32>
        %swap3A_310 = vector.shape_cast %mul3A_305 : vector<16xf32> to vector<1x16xf32>
        tpu.vector_store %arg21[%swap3A_306, %swap3A_307], %swap3A_310 {strides = array<i32>} : memref<80x128xf32, #tpu.memory_space<vmem>>, vector<1x16xf32>,
        %get3A_311 = arith.index_cast %scan3A_216 : i32 to index
        %get3A_312 = arith.constant 96 : index
        %get3A_313 = tpu.vector_load %arg21[%get3A_311, %get3A_312] {strides = array<i32>} : memref<80x128xf32, #tpu.memory_space<vmem>>, vector<1x16xf32>,
        %get3A_314 = vector.shape_cast %get3A_313 : vector<1x16xf32> to vector<16xf32>
        %mul3A_315 = arith.mulf %get3A_314, %gather3A_251 : vector<16xf32>
        %swap3A_316 = arith.index_cast %scan3A_216 : i32 to index
        %swap3A_317 = arith.constant 96 : index
        %swap3A_318 = tpu.vector_load %arg21[%swap3A_316, %swap3A_317] {strides = array<i32>} : memref<80x128xf32, #tpu.memory_space<vmem>>, vector<1x16xf32>,
        %swap3A_319 = vector.shape_cast %swap3A_318 : vector<1x16xf32> to vector<16xf32>
        %swap3A_320 = vector.shape_cast %mul3A_315 : vector<16xf32> to vector<1x16xf32>
        tpu.vector_store %arg21[%swap3A_316, %swap3A_317], %swap3A_320 {strides = array<i32>} : memref<80x128xf32, #tpu.memory_space<vmem>>, vector<1x16xf32>,
        %get3A_321 = arith.index_cast %scan3A_216 : i32 to index
        %get3A_322 = arith.constant 112 : index
        %get3A_323 = tpu.vector_load %arg21[%get3A_321, %get3A_322] {strides = array<i32>} : memref<80x128xf32, #tpu.memory_space<vmem>>, vector<1x16xf32>,
        %get3A_324 = vector.shape_cast %get3A_323 : vector<1x16xf32> to vector<16xf32>
        %mul3A_325 = arith.mulf %get3A_324, %gather3A_251 : vector<16xf32>
        %swap3A_326 = arith.index_cast %scan3A_216 : i32 to index
        %swap3A_327 = arith.constant 112 : index
        %swap3A_328 = tpu.vector_load %arg21[%swap3A_326, %swap3A_327] {strides = array<i32>} : memref<80x128xf32, #tpu.memory_space<vmem>>, vector<1x16xf32>,
        %swap3A_329 = vector.shape_cast %swap3A_328 : vector<1x16xf32> to vector<16xf32>
        %swap3A_330 = vector.shape_cast %mul3A_325 : vector<16xf32> to vector<1x16xf32>
        tpu.vector_store %arg21[%swap3A_326, %swap3A_327], %swap3A_330 {strides = array<i32>} : memref<80x128xf32, #tpu.memory_space<vmem>>, vector<1x16xf32>,
        %scan3A_331 = arith.constant 0 : i32
        scf.yield %scan3A_331 : i32
      }
      %scan3A_214 = arith.constant 80 : i32
      "tpu.region"() ({
        %run_scoped3A = tpu.sem_alloc : memref<!tpu.dma_semaphore, #tpu.memory_space<semaphore_mem>>
        %dma_start3A_216 = arith.constant 0 : i32
        %dma_start3A_217 = arith.constant 0 : i32
        %dma_start3A_218 = tpu.memref_slice %arg28[%dma_start3A_216, %dma_start3A_217] : memref<10000x128xf32, #tpu.memory_space<vmem_shared>> -> memref<10000x128xf32, #tpu.memory_space<vmem_shared>>
        tpu.enqueue_indirect_dma source(%arg21 : memref<80x128xf32, #tpu.memory_space<vmem>>) target(%dma_start3A_218 : memref<10000x128xf32, #tpu.memory_space<vmem_shared>>) offsets(%arg10 : memref<80xi32, #tpu.memory_space<vmem>>) semaphore(%run_scoped3A : memref<!tpu.dma_semaphore, #tpu.memory_space<semaphore_mem>>) {add = true}
        %dma_wait3A_219 = arith.constant 0 : i32
        %dma_wait3A_220 = arith.constant 0 : i32
        %dma_wait3A_221 = tpu.memref_slice %arg28[%dma_wait3A_219, %dma_wait3A_220] : memref<10000x128xf32, #tpu.memory_space<vmem_shared>> -> memref<10000x128xf32, #tpu.memory_space<vmem_shared>>
        tpu.wait_indirect_dma semaphore(%run_scoped3A : memref<!tpu.dma_semaphore, #tpu.memory_space<semaphore_mem>>) src(%arg21 : memref<80x128xf32, #tpu.memory_space<vmem>>) dst(%dma_wait3A_221 : memref<10000x128xf32, #tpu.memory_space<vmem_shared>>)
        tpu.yield
      }) : () -> ()
      %scan3A_215 = arith.constant 0 : i32
      scf.yield %scan3A_215 : i32
    }
    %scan3A_137 = arith.constant 125 : i32
    %barrier3A_138 = arith.constant 0 : index
    tpu.barrier barrier_id(%barrier3A_138)
    %mul3A_139 = arith.constant 625 : i32
    %mul3A_140 = arith.muli %arg1, %mul3A_139 : i32
    %mul3A_141 = arith.constant 625 : i32
    %mul3A_142 = arith.muli %arg1, %mul3A_141 : i32
    "tpu.region"() ({
      %run_scoped3A = tpu.sem_alloc : memref<!tpu.dma_semaphore, #tpu.memory_space<semaphore_mem>>
      %dma_start3A_144 = arith.constant 0 : i32
      %dma_start3A_145 = tpu.memref_slice %arg6[%add3A_94, %mul3A_142, %dma_start3A_144] : memref<4x10000x128xf32, #tpu.memory_space<hbm>> -> memref<1x625x128xf32, #tpu.memory_space<hbm>>
      %dma_start3A_146 = tpu.memref_squeeze %dma_start3A_145 : memref<1x625x128xf32, #tpu.memory_space<hbm>> -> memref<625x128xf32, #tpu.memory_space<hbm>>
      %dma_start3A_147 = arith.constant 0 : i32
      %dma_start3A_148 = tpu.memref_slice %arg28[%mul3A_140, %dma_start3A_147] : memref<10000x128xf32, #tpu.memory_space<vmem_shared>> -> memref<625x128xf32, #tpu.memory_space<vmem_shared>>
      tpu.enqueue_dma source(%dma_start3A_148 : memref<625x128xf32, #tpu.memory_space<vmem_shared>>) target(%dma_start3A_146 : memref<625x128xf32, #tpu.memory_space<hbm>>) target_semaphore(%run_scoped3A : memref<!tpu.dma_semaphore, #tpu.memory_space<semaphore_mem>>)
      %dma_wait3A = arith.constant 0 : i32
      %dma_wait3A_149 = tpu.memref_slice %arg6[%add3A_94, %mul3A_142, %dma_wait3A] : memref<4x10000x128xf32, #tpu.memory_space<hbm>> -> memref<1x625x128xf32, #tpu.memory_space<hbm>>
      %dma_wait3A_150 = tpu.memref_squeeze %dma_wait3A_149 : memref<1x625x128xf32, #tpu.memory_space<hbm>> -> memref<625x128xf32, #tpu.memory_space<hbm>>
      %dma_wait3A_151 = arith.constant 0 : i32
      %dma_wait3A_152 = tpu.memref_slice %arg28[%mul3A_140, %dma_wait3A_151] : memref<10000x128xf32, #tpu.memory_space<vmem_shared>> -> memref<625x128xf32, #tpu.memory_space<vmem_shared>>
      tpu.wait_dma2 semaphore(%run_scoped3A : memref<!tpu.dma_semaphore, #tpu.memory_space<semaphore_mem>>) src(%dma_wait3A_152 : memref<625x128xf32, #tpu.memory_space<vmem_shared>>) dst(%dma_wait3A_150 : memref<625x128xf32, #tpu.memory_space<hbm>>)
      tpu.yield
    }) : () -> ()
    %barrier3A_143 = arith.constant 0 : index
    tpu.barrier barrier_id(%barrier3A_143)
    return
  }
}

module attributes {stable_mosaic.version = 14 : i64} {
  func.func @_dense_body(%arg0: i32, %arg1: i32, %arg2: memref<256x128xf32, #tpu.memory_space<vmem>>, %arg3: memref<128x128xf32, #tpu.memory_space<vmem>>, %arg4: memref<1x256x128xf32, #tpu.memory_space<vmem>>) attributes {dimension_semantics = [#tpu.dimension_semantics<arbitrary>, #tpu.dimension_semantics<arbitrary>], iteration_bounds = array<i64: 40, 9>, scalar_prefetch = 0 : i64, scratch_operands = 0 : i64, tpu.core_type = #tpu.core_type<tc>, window_params = [{transform_indices = @transform_0, window_bounds = array<i64: 256, 128>}, {transform_indices = @transform_1, window_bounds = array<i64: 128, 128>}, {transform_indices = @transform_2, window_bounds = array<i64: 1, 256, 128>}]} {
    %get3A = arith.constant 0 : index
    %get3A_0 = arith.constant 0 : index
    %get3A_1 = vector.load %arg2[%get3A, %get3A_0] : memref<256x128xf32, #tpu.memory_space<vmem>>, vector<256x128xf32>
    %get3A_2 = arith.constant 0 : index
    %get3A_3 = arith.constant 0 : index
    %get3A_4 = vector.load %arg3[%get3A_2, %get3A_3] : memref<128x128xf32, #tpu.memory_space<vmem>>, vector<128x128xf32>
    %dot_general3A = arith.constant dense<0.000000e+00> : vector<256x128xf32>
    %dot_general3A_5 = tpu.matmul %get3A_1, %get3A_4, %dot_general3A {dimension_numbers = #tpu.dot_dimension_numbers<[1], [0], [0], [1], [0, 0, 1, 1], [], []>, transpose_lhs_hint = false} : vector<256x128xf32>, vector<128x128xf32>, vector<256x128xf32> -> vector<256x128xf32>
    %swap3A = arith.constant 0 : index
    %swap3A_6 = arith.constant 0 : index
    %swap3A_7 = arith.constant 0 : index
    %swap3A_8 = vector.load %arg4[%swap3A, %swap3A_6, %swap3A_7] : memref<1x256x128xf32, #tpu.memory_space<vmem>>, vector<1x256x128xf32>
    %swap3A_9 = vector.shape_cast %swap3A_8 : vector<1x256x128xf32> to vector<256x128xf32>
    %swap3A_10 = vector.shape_cast %dot_general3A_5 : vector<256x128xf32> to vector<1x256x128xf32>
    tpu.vector_store %arg4[%swap3A, %swap3A_6, %swap3A_7], %swap3A_10 {strides = array<i32>} : memref<1x256x128xf32, #tpu.memory_space<vmem>>, vector<1x256x128xf32>,
    return
  }
  func.func @transform_0(%arg0: i32, %arg1: i32) -> (i32, i32) {
    %c0_i32 = arith.constant 0 : i32
    %c0_i32_0 = arith.constant 0 : i32
    return %arg0, %c0_i32 : i32, i32
  }
  func.func @transform_1(%arg0: i32, %arg1: i32) -> (i32, i32) {
    %c0_i32 = arith.constant 0 : i32
    %c0_i32_0 = arith.constant 0 : i32
    return %c0_i32, %arg1 : i32, i32
  }
  func.func @transform_2(%arg0: i32, %arg1: i32) -> (i32, i32, i32) {
    %c0_i32 = arith.constant 0 : i32
    %c0_i32_0 = arith.constant 0 : i32
    return %arg1, %arg0, %c0_i32 : i32, i32, i32
  }
}

module attributes {stable_mosaic.version = 14 : i64} {
  func.func @_k3a_body(%arg0: i32, %arg1: memref<4x256x128xf32, #tpu.memory_space<vmem>>, %arg2: memref<4x256x128xf32, #tpu.memory_space<vmem>>, %arg3: memref<4x128xf32, #tpu.memory_space<vmem>>, %arg4: memref<4x128xf32, #tpu.memory_space<vmem>>, %arg5: memref<4x128x128xf32, #tpu.memory_space<vmem>>, %arg6: memref<1x128xf32, #tpu.memory_space<vmem>>, %arg7: memref<1x128xf32, #tpu.memory_space<vmem>>, %arg8: memref<1x1x128xf32, #tpu.memory_space<vmem>>) attributes {dimension_semantics = [#tpu.dimension_semantics<arbitrary>], iteration_bounds = array<i64: 40>, scalar_prefetch = 0 : i64, scratch_operands = 0 : i64, tpu.core_type = #tpu.core_type<tc>, window_params = [{transform_indices = @transform_0, window_bounds = array<i64: 4, 256, 128>}, {transform_indices = @transform_1, window_bounds = array<i64: 4, 256, 128>}, {pipeline_mode = #tpu.pipeline_mode<synchronous>, transform_indices = @transform_2, window_bounds = array<i64: 4, 128>}, {pipeline_mode = #tpu.pipeline_mode<synchronous>, transform_indices = @transform_3, window_bounds = array<i64: 4, 128>}, {pipeline_mode = #tpu.pipeline_mode<synchronous>, transform_indices = @transform_4, window_bounds = array<i64: 4, 128, 128>}, {pipeline_mode = #tpu.pipeline_mode<synchronous>, transform_indices = @transform_5, window_bounds = array<i64: 1, 128>}, {pipeline_mode = #tpu.pipeline_mode<synchronous>, transform_indices = @transform_6, window_bounds = array<i64: 1, 128>}, {transform_indices = @transform_7, window_bounds = array<i64: 1, 1, 128>}]} {
    %broadcast_in_dim3A = arith.constant 0.000000e+00 : f32
    %broadcast_in_dim3A_0 = vector.broadcast %broadcast_in_dim3A : f32 to vector<256x128xf32>
    %broadcast_in_dim3A_1 = arith.constant 0.000000e+00 : f32
    %broadcast_in_dim3A_2 = vector.broadcast %broadcast_in_dim3A_1 : f32 to vector<256x128xf32>
    %get3A = arith.constant 0 : index
    %get3A_3 = arith.constant 0 : index
    %get3A_4 = arith.constant 0 : index
    %get3A_5 = vector.load %arg1[%get3A, %get3A_3, %get3A_4] : memref<4x256x128xf32, #tpu.memory_space<vmem>>, vector<1x256x128xf32>
    %get3A_6 = vector.shape_cast %get3A_5 : vector<1x256x128xf32> to vector<256x128xf32>
    %get3A_7 = arith.constant 0 : index
    %get3A_8 = arith.constant 0 : index
    %get3A_9 = vector.load %arg3[%get3A_7, %get3A_8] : memref<4x128xf32, #tpu.memory_space<vmem>>, vector<1x128xf32>
    %get3A_10 = vector.shape_cast %get3A_9 : vector<1x128xf32> to vector<128xf32>
    %broadcast_in_dim3A_11 = vector.shape_cast %get3A_10 : vector<128xf32> to vector<1x128xf32>
    %add3A = vector.broadcast %broadcast_in_dim3A_11 : vector<1x128xf32> to vector<256x128xf32>
    %add3A_12 = arith.addf %get3A_6, %add3A : vector<256x128xf32>
    %gt3A = arith.constant 0.000000e+00 : f32
    %gt3A_13 = vector.broadcast %gt3A : f32 to vector<256x128xf32>
    %gt3A_14 = arith.cmpf ogt, %add3A_12, %gt3A_13 : vector<256x128xf32>
    %min3A = arith.constant 0.000000e+00 : f32
    %min3A_15 = vector.broadcast %min3A : f32 to vector<256x128xf32>
    %min3A_16 = arith.minimumf %add3A_12, %min3A_15 : vector<256x128xf32>
    %exp3A = math.exp %min3A_16 : vector<256x128xf32>
    %sub3A = arith.constant 1.000000e+00 : f32
    %sub3A_17 = vector.broadcast %sub3A : f32 to vector<256x128xf32>
    %sub3A_18 = arith.subf %exp3A, %sub3A_17 : vector<256x128xf32>
    %select_n3A = arith.select %gt3A_14, %add3A_12, %sub3A_18 : vector<256x128xi1>, vector<256x128xf32>
    %get3A_19 = arith.constant 0 : index
    %get3A_20 = arith.constant 0 : index
    %get3A_21 = arith.constant 0 : index
    %get3A_22 = vector.load %arg2[%get3A_19, %get3A_20, %get3A_21] : memref<4x256x128xf32, #tpu.memory_space<vmem>>, vector<1x256x128xf32>
    %get3A_23 = vector.shape_cast %get3A_22 : vector<1x256x128xf32> to vector<256x128xf32>
    %get3A_24 = arith.constant 0 : index
    %get3A_25 = arith.constant 0 : index
    %get3A_26 = vector.load %arg4[%get3A_24, %get3A_25] : memref<4x128xf32, #tpu.memory_space<vmem>>, vector<1x128xf32>
    %get3A_27 = vector.shape_cast %get3A_26 : vector<1x128xf32> to vector<128xf32>
    %broadcast_in_dim3A_28 = vector.shape_cast %get3A_27 : vector<128xf32> to vector<1x128xf32>
    %add3A_29 = vector.broadcast %broadcast_in_dim3A_28 : vector<1x128xf32> to vector<256x128xf32>
    %add3A_30 = arith.addf %get3A_23, %add3A_29 : vector<256x128xf32>
    %gt3A_31 = arith.constant 0.000000e+00 : f32
    %gt3A_32 = vector.broadcast %gt3A_31 : f32 to vector<256x128xf32>
    %gt3A_33 = arith.cmpf ogt, %add3A_30, %gt3A_32 : vector<256x128xf32>
    %min3A_34 = arith.constant 0.000000e+00 : f32
    %min3A_35 = vector.broadcast %min3A_34 : f32 to vector<256x128xf32>
    %min3A_36 = arith.minimumf %add3A_30, %min3A_35 : vector<256x128xf32>
    %exp3A_37 = math.exp %min3A_36 : vector<256x128xf32>
    %sub3A_38 = arith.constant 1.000000e+00 : f32
    %sub3A_39 = vector.broadcast %sub3A_38 : f32 to vector<256x128xf32>
    %sub3A_40 = arith.subf %exp3A_37, %sub3A_39 : vector<256x128xf32>
    %select_n3A_41 = arith.select %gt3A_33, %add3A_30, %sub3A_40 : vector<256x128xi1>, vector<256x128xf32>
    %get3A_42 = arith.constant 0 : index
    %get3A_43 = arith.constant 0 : index
    %get3A_44 = arith.constant 0 : index
    %get3A_45 = vector.load %arg5[%get3A_42, %get3A_43, %get3A_44] : memref<4x128x128xf32, #tpu.memory_space<vmem>>, vector<1x128x128xf32>
    %get3A_46 = vector.shape_cast %get3A_45 : vector<1x128x128xf32> to vector<128x128xf32>
    %dot_general3A = arith.constant dense<0.000000e+00> : vector<256x128xf32>
    %dot_general3A_47 = tpu.matmul %select_n3A, %get3A_46, %dot_general3A {dimension_numbers = #tpu.dot_dimension_numbers<[1], [0], [0], [1], [0, 0, 1, 1], [], []>, transpose_lhs_hint = false} : vector<256x128xf32>, vector<128x128xf32>, vector<256x128xf32> -> vector<256x128xf32>
    %add3A_48 = arith.addf %broadcast_in_dim3A_0, %dot_general3A_47 : vector<256x128xf32>
    %get3A_49 = arith.constant 0 : index
    %get3A_50 = arith.constant 0 : index
    %get3A_51 = arith.constant 0 : index
    %get3A_52 = vector.load %arg5[%get3A_49, %get3A_50, %get3A_51] : memref<4x128x128xf32, #tpu.memory_space<vmem>>, vector<1x128x128xf32>
    %get3A_53 = vector.shape_cast %get3A_52 : vector<1x128x128xf32> to vector<128x128xf32>
    %dot_general3A_54 = arith.constant dense<0.000000e+00> : vector<256x128xf32>
    %dot_general3A_55 = tpu.matmul %select_n3A_41, %get3A_53, %dot_general3A_54 {dimension_numbers = #tpu.dot_dimension_numbers<[1], [0], [0], [1], [0, 0, 1, 1], [], []>, transpose_lhs_hint = false} : vector<256x128xf32>, vector<128x128xf32>, vector<256x128xf32> -> vector<256x128xf32>
    %add3A_56 = arith.addf %broadcast_in_dim3A_2, %dot_general3A_55 : vector<256x128xf32>
    %get3A_57 = arith.constant 1 : index
    %get3A_58 = arith.constant 0 : index
    %get3A_59 = arith.constant 0 : index
    %get3A_60 = vector.load %arg1[%get3A_57, %get3A_58, %get3A_59] : memref<4x256x128xf32, #tpu.memory_space<vmem>>, vector<1x256x128xf32>
    %get3A_61 = vector.shape_cast %get3A_60 : vector<1x256x128xf32> to vector<256x128xf32>
    %get3A_62 = arith.constant 1 : index
    %get3A_63 = arith.constant 0 : index
    %get3A_64 = vector.load %arg3[%get3A_62, %get3A_63] : memref<4x128xf32, #tpu.memory_space<vmem>>, vector<1x128xf32>
    %get3A_65 = vector.shape_cast %get3A_64 : vector<1x128xf32> to vector<128xf32>
    %broadcast_in_dim3A_66 = vector.shape_cast %get3A_65 : vector<128xf32> to vector<1x128xf32>
    %add3A_67 = vector.broadcast %broadcast_in_dim3A_66 : vector<1x128xf32> to vector<256x128xf32>
    %add3A_68 = arith.addf %get3A_61, %add3A_67 : vector<256x128xf32>
    %gt3A_69 = arith.constant 0.000000e+00 : f32
    %gt3A_70 = vector.broadcast %gt3A_69 : f32 to vector<256x128xf32>
    %gt3A_71 = arith.cmpf ogt, %add3A_68, %gt3A_70 : vector<256x128xf32>
    %min3A_72 = arith.constant 0.000000e+00 : f32
    %min3A_73 = vector.broadcast %min3A_72 : f32 to vector<256x128xf32>
    %min3A_74 = arith.minimumf %add3A_68, %min3A_73 : vector<256x128xf32>
    %exp3A_75 = math.exp %min3A_74 : vector<256x128xf32>
    %sub3A_76 = arith.constant 1.000000e+00 : f32
    %sub3A_77 = vector.broadcast %sub3A_76 : f32 to vector<256x128xf32>
    %sub3A_78 = arith.subf %exp3A_75, %sub3A_77 : vector<256x128xf32>
    %select_n3A_79 = arith.select %gt3A_71, %add3A_68, %sub3A_78 : vector<256x128xi1>, vector<256x128xf32>
    %get3A_80 = arith.constant 1 : index
    %get3A_81 = arith.constant 0 : index
    %get3A_82 = arith.constant 0 : index
    %get3A_83 = vector.load %arg2[%get3A_80, %get3A_81, %get3A_82] : memref<4x256x128xf32, #tpu.memory_space<vmem>>, vector<1x256x128xf32>
    %get3A_84 = vector.shape_cast %get3A_83 : vector<1x256x128xf32> to vector<256x128xf32>
    %get3A_85 = arith.constant 1 : index
    %get3A_86 = arith.constant 0 : index
    %get3A_87 = vector.load %arg4[%get3A_85, %get3A_86] : memref<4x128xf32, #tpu.memory_space<vmem>>, vector<1x128xf32>
    %get3A_88 = vector.shape_cast %get3A_87 : vector<1x128xf32> to vector<128xf32>
    %broadcast_in_dim3A_89 = vector.shape_cast %get3A_88 : vector<128xf32> to vector<1x128xf32>
    %add3A_90 = vector.broadcast %broadcast_in_dim3A_89 : vector<1x128xf32> to vector<256x128xf32>
    %add3A_91 = arith.addf %get3A_84, %add3A_90 : vector<256x128xf32>
    %gt3A_92 = arith.constant 0.000000e+00 : f32
    %gt3A_93 = vector.broadcast %gt3A_92 : f32 to vector<256x128xf32>
    %gt3A_94 = arith.cmpf ogt, %add3A_91, %gt3A_93 : vector<256x128xf32>
    %min3A_95 = arith.constant 0.000000e+00 : f32
    %min3A_96 = vector.broadcast %min3A_95 : f32 to vector<256x128xf32>
    %min3A_97 = arith.minimumf %add3A_91, %min3A_96 : vector<256x128xf32>
    %exp3A_98 = math.exp %min3A_97 : vector<256x128xf32>
    %sub3A_99 = arith.constant 1.000000e+00 : f32
    %sub3A_100 = vector.broadcast %sub3A_99 : f32 to vector<256x128xf32>
    %sub3A_101 = arith.subf %exp3A_98, %sub3A_100 : vector<256x128xf32>
    %select_n3A_102 = arith.select %gt3A_94, %add3A_91, %sub3A_101 : vector<256x128xi1>, vector<256x128xf32>
    %get3A_103 = arith.constant 1 : index
    %get3A_104 = arith.constant 0 : index
    %get3A_105 = arith.constant 0 : index
    %get3A_106 = vector.load %arg5[%get3A_103, %get3A_104, %get3A_105] : memref<4x128x128xf32, #tpu.memory_space<vmem>>, vector<1x128x128xf32>
    %get3A_107 = vector.shape_cast %get3A_106 : vector<1x128x128xf32> to vector<128x128xf32>
    %dot_general3A_108 = arith.constant dense<0.000000e+00> : vector<256x128xf32>
    %dot_general3A_109 = tpu.matmul %select_n3A_79, %get3A_107, %dot_general3A_108 {dimension_numbers = #tpu.dot_dimension_numbers<[1], [0], [0], [1], [0, 0, 1, 1], [], []>, transpose_lhs_hint = false} : vector<256x128xf32>, vector<128x128xf32>, vector<256x128xf32> -> vector<256x128xf32>
    %add3A_110 = arith.addf %add3A_48, %dot_general3A_109 : vector<256x128xf32>
    %get3A_111 = arith.constant 1 : index
    %get3A_112 = arith.constant 0 : index
    %get3A_113 = arith.constant 0 : index
    %get3A_114 = vector.load %arg5[%get3A_111, %get3A_112, %get3A_113] : memref<4x128x128xf32, #tpu.memory_space<vmem>>, vector<1x128x128xf32>
    %get3A_115 = vector.shape_cast %get3A_114 : vector<1x128x128xf32> to vector<128x128xf32>
    %dot_general3A_116 = arith.constant dense<0.000000e+00> : vector<256x128xf32>
    %dot_general3A_117 = tpu.matmul %select_n3A_102, %get3A_115, %dot_general3A_116 {dimension_numbers = #tpu.dot_dimension_numbers<[1], [0], [0], [1], [0, 0, 1, 1], [], []>, transpose_lhs_hint = false} : vector<256x128xf32>, vector<128x128xf32>, vector<256x128xf32> -> vector<256x128xf32>
    %add3A_118 = arith.addf %add3A_56, %dot_general3A_117 : vector<256x128xf32>
    %get3A_119 = arith.constant 2 : index
    %get3A_120 = arith.constant 0 : index
    %get3A_121 = arith.constant 0 : index
    %get3A_122 = vector.load %arg1[%get3A_119, %get3A_120, %get3A_121] : memref<4x256x128xf32, #tpu.memory_space<vmem>>, vector<1x256x128xf32>
    %get3A_123 = vector.shape_cast %get3A_122 : vector<1x256x128xf32> to vector<256x128xf32>
    %get3A_124 = arith.constant 2 : index
    %get3A_125 = arith.constant 0 : index
    %get3A_126 = vector.load %arg3[%get3A_124, %get3A_125] : memref<4x128xf32, #tpu.memory_space<vmem>>, vector<1x128xf32>
    %get3A_127 = vector.shape_cast %get3A_126 : vector<1x128xf32> to vector<128xf32>
    %broadcast_in_dim3A_128 = vector.shape_cast %get3A_127 : vector<128xf32> to vector<1x128xf32>
    %add3A_129 = vector.broadcast %broadcast_in_dim3A_128 : vector<1x128xf32> to vector<256x128xf32>
    %add3A_130 = arith.addf %get3A_123, %add3A_129 : vector<256x128xf32>
    %gt3A_131 = arith.constant 0.000000e+00 : f32
    %gt3A_132 = vector.broadcast %gt3A_131 : f32 to vector<256x128xf32>
    %gt3A_133 = arith.cmpf ogt, %add3A_130, %gt3A_132 : vector<256x128xf32>
    %min3A_134 = arith.constant 0.000000e+00 : f32
    %min3A_135 = vector.broadcast %min3A_134 : f32 to vector<256x128xf32>
    %min3A_136 = arith.minimumf %add3A_130, %min3A_135 : vector<256x128xf32>
    %exp3A_137 = math.exp %min3A_136 : vector<256x128xf32>
    %sub3A_138 = arith.constant 1.000000e+00 : f32
    %sub3A_139 = vector.broadcast %sub3A_138 : f32 to vector<256x128xf32>
    %sub3A_140 = arith.subf %exp3A_137, %sub3A_139 : vector<256x128xf32>
    %select_n3A_141 = arith.select %gt3A_133, %add3A_130, %sub3A_140 : vector<256x128xi1>, vector<256x128xf32>
    %get3A_142 = arith.constant 2 : index
    %get3A_143 = arith.constant 0 : index
    %get3A_144 = arith.constant 0 : index
    %get3A_145 = vector.load %arg2[%get3A_142, %get3A_143, %get3A_144] : memref<4x256x128xf32, #tpu.memory_space<vmem>>, vector<1x256x128xf32>
    %get3A_146 = vector.shape_cast %get3A_145 : vector<1x256x128xf32> to vector<256x128xf32>
    %get3A_147 = arith.constant 2 : index
    %get3A_148 = arith.constant 0 : index
    %get3A_149 = vector.load %arg4[%get3A_147, %get3A_148] : memref<4x128xf32, #tpu.memory_space<vmem>>, vector<1x128xf32>
    %get3A_150 = vector.shape_cast %get3A_149 : vector<1x128xf32> to vector<128xf32>
    %broadcast_in_dim3A_151 = vector.shape_cast %get3A_150 : vector<128xf32> to vector<1x128xf32>
    %add3A_152 = vector.broadcast %broadcast_in_dim3A_151 : vector<1x128xf32> to vector<256x128xf32>
    %add3A_153 = arith.addf %get3A_146, %add3A_152 : vector<256x128xf32>
    %gt3A_154 = arith.constant 0.000000e+00 : f32
    %gt3A_155 = vector.broadcast %gt3A_154 : f32 to vector<256x128xf32>
    %gt3A_156 = arith.cmpf ogt, %add3A_153, %gt3A_155 : vector<256x128xf32>
    %min3A_157 = arith.constant 0.000000e+00 : f32
    %min3A_158 = vector.broadcast %min3A_157 : f32 to vector<256x128xf32>
    %min3A_159 = arith.minimumf %add3A_153, %min3A_158 : vector<256x128xf32>
    %exp3A_160 = math.exp %min3A_159 : vector<256x128xf32>
    %sub3A_161 = arith.constant 1.000000e+00 : f32
    %sub3A_162 = vector.broadcast %sub3A_161 : f32 to vector<256x128xf32>
    %sub3A_163 = arith.subf %exp3A_160, %sub3A_162 : vector<256x128xf32>
    %select_n3A_164 = arith.select %gt3A_156, %add3A_153, %sub3A_163 : vector<256x128xi1>, vector<256x128xf32>
    %get3A_165 = arith.constant 2 : index
    %get3A_166 = arith.constant 0 : index
    %get3A_167 = arith.constant 0 : index
    %get3A_168 = vector.load %arg5[%get3A_165, %get3A_166, %get3A_167] : memref<4x128x128xf32, #tpu.memory_space<vmem>>, vector<1x128x128xf32>
    %get3A_169 = vector.shape_cast %get3A_168 : vector<1x128x128xf32> to vector<128x128xf32>
    %dot_general3A_170 = arith.constant dense<0.000000e+00> : vector<256x128xf32>
    %dot_general3A_171 = tpu.matmul %select_n3A_141, %get3A_169, %dot_general3A_170 {dimension_numbers = #tpu.dot_dimension_numbers<[1], [0], [0], [1], [0, 0, 1, 1], [], []>, transpose_lhs_hint = false} : vector<256x128xf32>, vector<128x128xf32>, vector<256x128xf32> -> vector<256x128xf32>
    %add3A_172 = arith.addf %add3A_110, %dot_general3A_171 : vector<256x128xf32>
    %get3A_173 = arith.constant 2 : index
    %get3A_174 = arith.constant 0 : index
    %get3A_175 = arith.constant 0 : index
    %get3A_176 = vector.load %arg5[%get3A_173, %get3A_174, %get3A_175] : memref<4x128x128xf32, #tpu.memory_space<vmem>>, vector<1x128x128xf32>
    %get3A_177 = vector.shape_cast %get3A_176 : vector<1x128x128xf32> to vector<128x128xf32>
    %dot_general3A_178 = arith.constant dense<0.000000e+00> : vector<256x128xf32>
    %dot_general3A_179 = tpu.matmul %select_n3A_164, %get3A_177, %dot_general3A_178 {dimension_numbers = #tpu.dot_dimension_numbers<[1], [0], [0], [1], [0, 0, 1, 1], [], []>, transpose_lhs_hint = false} : vector<256x128xf32>, vector<128x128xf32>, vector<256x128xf32> -> vector<256x128xf32>
    %add3A_180 = arith.addf %add3A_118, %dot_general3A_179 : vector<256x128xf32>
    %get3A_181 = arith.constant 3 : index
    %get3A_182 = arith.constant 0 : index
    %get3A_183 = arith.constant 0 : index
    %get3A_184 = vector.load %arg1[%get3A_181, %get3A_182, %get3A_183] : memref<4x256x128xf32, #tpu.memory_space<vmem>>, vector<1x256x128xf32>
    %get3A_185 = vector.shape_cast %get3A_184 : vector<1x256x128xf32> to vector<256x128xf32>
    %get3A_186 = arith.constant 3 : index
    %get3A_187 = arith.constant 0 : index
    %get3A_188 = vector.load %arg3[%get3A_186, %get3A_187] : memref<4x128xf32, #tpu.memory_space<vmem>>, vector<1x128xf32>
    %get3A_189 = vector.shape_cast %get3A_188 : vector<1x128xf32> to vector<128xf32>
    %broadcast_in_dim3A_190 = vector.shape_cast %get3A_189 : vector<128xf32> to vector<1x128xf32>
    %add3A_191 = vector.broadcast %broadcast_in_dim3A_190 : vector<1x128xf32> to vector<256x128xf32>
    %add3A_192 = arith.addf %get3A_185, %add3A_191 : vector<256x128xf32>
    %gt3A_193 = arith.constant 0.000000e+00 : f32
    %gt3A_194 = vector.broadcast %gt3A_193 : f32 to vector<256x128xf32>
    %gt3A_195 = arith.cmpf ogt, %add3A_192, %gt3A_194 : vector<256x128xf32>
    %min3A_196 = arith.constant 0.000000e+00 : f32
    %min3A_197 = vector.broadcast %min3A_196 : f32 to vector<256x128xf32>
    %min3A_198 = arith.minimumf %add3A_192, %min3A_197 : vector<256x128xf32>
    %exp3A_199 = math.exp %min3A_198 : vector<256x128xf32>
    %sub3A_200 = arith.constant 1.000000e+00 : f32
    %sub3A_201 = vector.broadcast %sub3A_200 : f32 to vector<256x128xf32>
    %sub3A_202 = arith.subf %exp3A_199, %sub3A_201 : vector<256x128xf32>
    %select_n3A_203 = arith.select %gt3A_195, %add3A_192, %sub3A_202 : vector<256x128xi1>, vector<256x128xf32>
    %get3A_204 = arith.constant 3 : index
    %get3A_205 = arith.constant 0 : index
    %get3A_206 = arith.constant 0 : index
    %get3A_207 = vector.load %arg2[%get3A_204, %get3A_205, %get3A_206] : memref<4x256x128xf32, #tpu.memory_space<vmem>>, vector<1x256x128xf32>
    %get3A_208 = vector.shape_cast %get3A_207 : vector<1x256x128xf32> to vector<256x128xf32>
    %get3A_209 = arith.constant 3 : index
    %get3A_210 = arith.constant 0 : index
    %get3A_211 = vector.load %arg4[%get3A_209, %get3A_210] : memref<4x128xf32, #tpu.memory_space<vmem>>, vector<1x128xf32>
    %get3A_212 = vector.shape_cast %get3A_211 : vector<1x128xf32> to vector<128xf32>
    %broadcast_in_dim3A_213 = vector.shape_cast %get3A_212 : vector<128xf32> to vector<1x128xf32>
    %add3A_214 = vector.broadcast %broadcast_in_dim3A_213 : vector<1x128xf32> to vector<256x128xf32>
    %add3A_215 = arith.addf %get3A_208, %add3A_214 : vector<256x128xf32>
    %gt3A_216 = arith.constant 0.000000e+00 : f32
    %gt3A_217 = vector.broadcast %gt3A_216 : f32 to vector<256x128xf32>
    %gt3A_218 = arith.cmpf ogt, %add3A_215, %gt3A_217 : vector<256x128xf32>
    %min3A_219 = arith.constant 0.000000e+00 : f32
    %min3A_220 = vector.broadcast %min3A_219 : f32 to vector<256x128xf32>
    %min3A_221 = arith.minimumf %add3A_215, %min3A_220 : vector<256x128xf32>
    %exp3A_222 = math.exp %min3A_221 : vector<256x128xf32>
    %sub3A_223 = arith.constant 1.000000e+00 : f32
    %sub3A_224 = vector.broadcast %sub3A_223 : f32 to vector<256x128xf32>
    %sub3A_225 = arith.subf %exp3A_222, %sub3A_224 : vector<256x128xf32>
    %select_n3A_226 = arith.select %gt3A_218, %add3A_215, %sub3A_225 : vector<256x128xi1>, vector<256x128xf32>
    %get3A_227 = arith.constant 3 : index
    %get3A_228 = arith.constant 0 : index
    %get3A_229 = arith.constant 0 : index
    %get3A_230 = vector.load %arg5[%get3A_227, %get3A_228, %get3A_229] : memref<4x128x128xf32, #tpu.memory_space<vmem>>, vector<1x128x128xf32>
    %get3A_231 = vector.shape_cast %get3A_230 : vector<1x128x128xf32> to vector<128x128xf32>
    %dot_general3A_232 = arith.constant dense<0.000000e+00> : vector<256x128xf32>
    %dot_general3A_233 = tpu.matmul %select_n3A_203, %get3A_231, %dot_general3A_232 {dimension_numbers = #tpu.dot_dimension_numbers<[1], [0], [0], [1], [0, 0, 1, 1], [], []>, transpose_lhs_hint = false} : vector<256x128xf32>, vector<128x128xf32>, vector<256x128xf32> -> vector<256x128xf32>
    %add3A_234 = arith.addf %add3A_172, %dot_general3A_233 : vector<256x128xf32>
    %get3A_235 = arith.constant 3 : index
    %get3A_236 = arith.constant 0 : index
    %get3A_237 = arith.constant 0 : index
    %get3A_238 = vector.load %arg5[%get3A_235, %get3A_236, %get3A_237] : memref<4x128x128xf32, #tpu.memory_space<vmem>>, vector<1x128x128xf32>
    %get3A_239 = vector.shape_cast %get3A_238 : vector<1x128x128xf32> to vector<128x128xf32>
    %dot_general3A_240 = arith.constant dense<0.000000e+00> : vector<256x128xf32>
    %dot_general3A_241 = tpu.matmul %select_n3A_226, %get3A_239, %dot_general3A_240 {dimension_numbers = #tpu.dot_dimension_numbers<[1], [0], [0], [1], [0, 0, 1, 1], [], []>, transpose_lhs_hint = false} : vector<256x128xf32>, vector<128x128xf32>, vector<256x128xf32> -> vector<256x128xf32>
    %add3A_242 = arith.addf %add3A_180, %dot_general3A_241 : vector<256x128xf32>
    %get3A_243 = arith.constant 0 : index
    %get3A_244 = arith.constant 0 : index
    %get3A_245 = vector.load %arg6[%get3A_243, %get3A_244] : memref<1x128xf32, #tpu.memory_space<vmem>>, vector<1x128xf32>
    %get3A_246 = vector.shape_cast %get3A_245 : vector<1x128xf32> to vector<128xf32>
    %broadcast_in_dim3A_247 = vector.shape_cast %get3A_246 : vector<128xf32> to vector<1x128xf32>
    %add3A_248 = vector.broadcast %broadcast_in_dim3A_247 : vector<1x128xf32> to vector<256x128xf32>
    %add3A_249 = arith.addf %add3A_234, %add3A_248 : vector<256x128xf32>
    %tanh3A = math.tanh %add3A_249 : vector<256x128xf32>
    %get3A_250 = arith.constant 0 : index
    %get3A_251 = arith.constant 0 : index
    %get3A_252 = vector.load %arg6[%get3A_250, %get3A_251] : memref<1x128xf32, #tpu.memory_space<vmem>>, vector<1x128xf32>
    %get3A_253 = vector.shape_cast %get3A_252 : vector<1x128xf32> to vector<128xf32>
    %broadcast_in_dim3A_254 = vector.shape_cast %get3A_253 : vector<128xf32> to vector<1x128xf32>
    %add3A_255 = vector.broadcast %broadcast_in_dim3A_254 : vector<1x128xf32> to vector<256x128xf32>
    %add3A_256 = arith.addf %add3A_242, %add3A_255 : vector<256x128xf32>
    %tanh3A_257 = math.tanh %add3A_256 : vector<256x128xf32>
    %get3A_258 = arith.constant 0 : index
    %get3A_259 = arith.constant 0 : index
    %get3A_260 = vector.load %arg7[%get3A_258, %get3A_259] : memref<1x128xf32, #tpu.memory_space<vmem>>, vector<1x128xf32>
    %get3A_261 = vector.shape_cast %get3A_260 : vector<1x128xf32> to vector<128xf32>
    %broadcast_in_dim3A_262 = vector.shape_cast %get3A_261 : vector<128xf32> to vector<1x128xf32>
    %mul3A = vector.broadcast %broadcast_in_dim3A_262 : vector<1x128xf32> to vector<256x128xf32>
    %mul3A_263 = arith.mulf %tanh3A, %mul3A : vector<256x128xf32>
    %reduce_sum3A = arith.constant dense<0.000000e+00> : vector<256xf32>
    %reduce_sum3A_264 = vector.multi_reduction <add>, %mul3A_263, %reduce_sum3A [1] : vector<256x128xf32> to vector<256xf32>
    %get3A_265 = arith.constant 0 : index
    %get3A_266 = arith.constant 0 : index
    %get3A_267 = vector.load %arg7[%get3A_265, %get3A_266] : memref<1x128xf32, #tpu.memory_space<vmem>>, vector<1x128xf32>
    %get3A_268 = vector.shape_cast %get3A_267 : vector<1x128xf32> to vector<128xf32>
    %broadcast_in_dim3A_269 = vector.shape_cast %get3A_268 : vector<128xf32> to vector<1x128xf32>
    %mul3A_270 = vector.broadcast %broadcast_in_dim3A_269 : vector<1x128xf32> to vector<256x128xf32>
    %mul3A_271 = arith.mulf %tanh3A_257, %mul3A_270 : vector<256x128xf32>
    %reduce_sum3A_272 = arith.constant dense<0.000000e+00> : vector<256xf32>
    %reduce_sum3A_273 = vector.multi_reduction <add>, %mul3A_271, %reduce_sum3A_272 [1] : vector<256x128xf32> to vector<256xf32>
    %mul3A_274 = arith.constant 256 : i32
    %mul3A_275 = arith.muli %arg0, %mul3A_274 : i32
    %iota3A = tpu.iota {dimensions = array<i32: 1>} : vector<1x256xi32>
    %iota3A_276 = vector.shape_cast %iota3A : vector<1x256xi32> to vector<256xi32>
    %add3A_277 = vector.broadcast %mul3A_275 : i32 to vector<256xi32>
    %add3A_278 = arith.addi %add3A_277, %iota3A_276 : vector<256xi32>
    %lt3A = arith.constant 10000 : i32
    %lt3A_279 = vector.broadcast %lt3A : i32 to vector<256xi32>
    %lt3A_280 = arith.cmpi slt, %add3A_278, %lt3A_279 : vector<256xi32>
    %convert_element_type3A = arith.extui %lt3A_280 : vector<256xi1> to vector<256xi32>
    %convert_element_type3A_281 = arith.sitofp %convert_element_type3A : vector<256xi32> to vector<256xf32>
    %mul3A_282 = arith.mulf %reduce_sum3A_264, %convert_element_type3A_281 : vector<256xf32>
    %reduce_sum3A_283 = vector.shape_cast %mul3A_282 : vector<256xf32> to vector<1x256xf32>
    %reduce_sum3A_284 = arith.constant dense<0.000000e+00> : vector<1xf32>
    %reduce_sum3A_285 = vector.multi_reduction <add>, %reduce_sum3A_283, %reduce_sum3A_284 [1] : vector<1x256xf32> to vector<1xf32>
    %reduce_sum3A_286 = vector.shape_cast %reduce_sum3A_285 : vector<1xf32> to vector<1x1xf32>
    %reduce_sum3A_287 = vector.extract %reduce_sum3A_286[0, 0] : f32 from vector<1x1xf32>
    %mul3A_288 = arith.mulf %reduce_sum3A_273, %convert_element_type3A_281 : vector<256xf32>
    %reduce_sum3A_289 = vector.shape_cast %mul3A_288 : vector<256xf32> to vector<1x256xf32>
    %reduce_sum3A_290 = arith.constant dense<0.000000e+00> : vector<1xf32>
    %reduce_sum3A_291 = vector.multi_reduction <add>, %reduce_sum3A_289, %reduce_sum3A_290 [1] : vector<1x256xf32> to vector<1xf32>
    %reduce_sum3A_292 = vector.shape_cast %reduce_sum3A_291 : vector<1xf32> to vector<1x1xf32>
    %reduce_sum3A_293 = vector.extract %reduce_sum3A_292[0, 0] : f32 from vector<1x1xf32>
    %iota3A_294 = tpu.iota {dimensions = array<i32: 2>} : vector<1x1x128xi32>
    %eq3A = arith.constant 0 : i32
    %eq3A_295 = vector.broadcast %eq3A : i32 to vector<1x1x128xi32>
    %eq3A_296 = arith.cmpi eq, %iota3A_294, %eq3A_295 : vector<1x1x128xi32>
    %eq3A_297 = arith.constant 1 : i32
    %eq3A_298 = vector.broadcast %eq3A_297 : i32 to vector<1x1x128xi32>
    %eq3A_299 = arith.cmpi eq, %iota3A_294, %eq3A_298 : vector<1x1x128xi32>
    %jit3A = arith.constant 0.000000e+00 : f32
    %broadcast_in_dim3A_300 = vector.broadcast %reduce_sum3A_293 : f32 to vector<1x1x128xf32>
    %broadcast_in_dim3A_301 = vector.broadcast %jit3A : f32 to vector<1x1x128xf32>
    %select_n3A_302 = arith.select %eq3A_299, %broadcast_in_dim3A_300, %broadcast_in_dim3A_301 : vector<1x1x128xi1>, vector<1x1x128xf32>
    %broadcast_in_dim3A_303 = vector.broadcast %reduce_sum3A_287 : f32 to vector<1x1x128xf32>
    %select_n3A_304 = arith.select %eq3A_296, %broadcast_in_dim3A_303, %select_n3A_302 : vector<1x1x128xi1>, vector<1x1x128xf32>
    %swap3A = arith.constant 0 : index
    %swap3A_305 = arith.constant 0 : index
    %swap3A_306 = arith.constant 0 : index
    %swap3A_307 = vector.load %arg8[%swap3A, %swap3A_305, %swap3A_306] : memref<1x1x128xf32, #tpu.memory_space<vmem>>, vector<1x1x128xf32>
    tpu.vector_store %arg8[%swap3A, %swap3A_305, %swap3A_306], %select_n3A_304 {strides = array<i32>} : memref<1x1x128xf32, #tpu.memory_space<vmem>>, vector<1x1x128xf32>,
    return
  }
  func.func @transform_0(%arg0: i32) -> (i32, i32, i32) {
    %c0_i32 = arith.constant 0 : i32
    %c0_i32_0 = arith.constant 0 : i32
    %c0_i32_1 = arith.constant 0 : i32
    return %c0_i32, %arg0, %c0_i32_0 : i32, i32, i32
  }
  func.func @transform_1(%arg0: i32) -> (i32, i32, i32) {
    %c0_i32 = arith.constant 0 : i32
    %c0_i32_0 = arith.constant 0 : i32
    %c0_i32_1 = arith.constant 0 : i32
    return %c0_i32, %arg0, %c0_i32_0 : i32, i32, i32
  }
  func.func @transform_2(%arg0: i32) -> (i32, i32) {
    %c0_i32 = arith.constant 0 : i32
    %c0_i32_0 = arith.constant 0 : i32
    %c0_i32_1 = arith.constant 0 : i32
    return %c0_i32, %c0_i32_0 : i32, i32
  }
  func.func @transform_3(%arg0: i32) -> (i32, i32) {
    %c0_i32 = arith.constant 0 : i32
    %c0_i32_0 = arith.constant 0 : i32
    %c0_i32_1 = arith.constant 0 : i32
    return %c0_i32, %c0_i32_0 : i32, i32
  }
  func.func @transform_4(%arg0: i32) -> (i32, i32, i32) {
    %c0_i32 = arith.constant 0 : i32
    %c0_i32_0 = arith.constant 0 : i32
    %c0_i32_1 = arith.constant 0 : i32
    %c0_i32_2 = arith.constant 0 : i32
    return %c0_i32, %c0_i32_0, %c0_i32_1 : i32, i32, i32
  }
  func.func @transform_5(%arg0: i32) -> (i32, i32) {
    %c0_i32 = arith.constant 0 : i32
    %c0_i32_0 = arith.constant 0 : i32
    %c0_i32_1 = arith.constant 0 : i32
    return %c0_i32, %c0_i32_0 : i32, i32
  }
  func.func @transform_6(%arg0: i32) -> (i32, i32) {
    %c0_i32 = arith.constant 0 : i32
    %c0_i32_0 = arith.constant 0 : i32
    %c0_i32_1 = arith.constant 0 : i32
    return %c0_i32, %c0_i32_0 : i32, i32
  }
  func.func @transform_7(%arg0: i32) -> (i32, i32, i32) {
    %c0_i32 = arith.constant 0 : i32
    %c0_i32_0 = arith.constant 0 : i32
    %c0_i32_1 = arith.constant 0 : i32
    return %arg0, %c0_i32, %c0_i32_0 : i32, i32, i32
  }
}

module attributes {stable_mosaic.version = 14 : i64} {
  func.func @_k3b_body(%arg0: i32, %arg1: memref<4x256x128xf32, #tpu.memory_space<vmem>>, %arg2: memref<4x256x128xf32, #tpu.memory_space<vmem>>, %arg3: memref<4x128xf32, #tpu.memory_space<vmem>>, %arg4: memref<4x128xf32, #tpu.memory_space<vmem>>, %arg5: memref<2x1xf32, #tpu.memory_space<smem>>, %arg6: memref<256x512xf32, #tpu.memory_space<vmem>>) attributes {dimension_semantics = [#tpu.dimension_semantics<arbitrary>], iteration_bounds = array<i64: 40>, scalar_prefetch = 0 : i64, scratch_operands = 0 : i64, tpu.core_type = #tpu.core_type<tc>, window_params = [{transform_indices = @transform_0, window_bounds = array<i64: 4, 256, 128>}, {transform_indices = @transform_1, window_bounds = array<i64: 4, 256, 128>}, {pipeline_mode = #tpu.pipeline_mode<synchronous>, transform_indices = @transform_2, window_bounds = array<i64: 4, 128>}, {pipeline_mode = #tpu.pipeline_mode<synchronous>, transform_indices = @transform_3, window_bounds = array<i64: 4, 128>}, {transform_indices = @transform_4, window_bounds = array<i64: 2, 1>}, {transform_indices = @transform_5, window_bounds = array<i64: 256, 512>}]} {
    %get3A = arith.constant 0 : index
    %get3A_0 = arith.constant 0 : index
    %get3A_1 = memref.load %arg5[%get3A, %get3A_0] : memref<2x1xf32, #tpu.memory_space<smem>>
    %get3A_2 = arith.constant 1 : index
    %get3A_3 = arith.constant 0 : index
    %get3A_4 = memref.load %arg5[%get3A_2, %get3A_3] : memref<2x1xf32, #tpu.memory_space<smem>>
    %get3A_5 = arith.constant 0 : index
    %get3A_6 = arith.constant 0 : index
    %get3A_7 = arith.constant 0 : index
    %get3A_8 = vector.load %arg1[%get3A_5, %get3A_6, %get3A_7] : memref<4x256x128xf32, #tpu.memory_space<vmem>>, vector<1x256x128xf32>
    %get3A_9 = vector.shape_cast %get3A_8 : vector<1x256x128xf32> to vector<256x128xf32>
    %get3A_10 = arith.constant 0 : index
    %get3A_11 = arith.constant 0 : index
    %get3A_12 = vector.load %arg3[%get3A_10, %get3A_11] : memref<4x128xf32, #tpu.memory_space<vmem>>, vector<1x128xf32>
    %get3A_13 = vector.shape_cast %get3A_12 : vector<1x128xf32> to vector<128xf32>
    %broadcast_in_dim3A = vector.shape_cast %get3A_13 : vector<128xf32> to vector<1x128xf32>
    %add3A = vector.broadcast %broadcast_in_dim3A : vector<1x128xf32> to vector<256x128xf32>
    %add3A_14 = arith.addf %get3A_9, %add3A : vector<256x128xf32>
    %gt3A = arith.constant 0.000000e+00 : f32
    %gt3A_15 = vector.broadcast %gt3A : f32 to vector<256x128xf32>
    %gt3A_16 = arith.cmpf ogt, %add3A_14, %gt3A_15 : vector<256x128xf32>
    %min3A = arith.constant 0.000000e+00 : f32
    %min3A_17 = vector.broadcast %min3A : f32 to vector<256x128xf32>
    %min3A_18 = arith.minimumf %add3A_14, %min3A_17 : vector<256x128xf32>
    %exp3A = math.exp %min3A_18 : vector<256x128xf32>
    %sub3A = arith.constant 1.000000e+00 : f32
    %sub3A_19 = vector.broadcast %sub3A : f32 to vector<256x128xf32>
    %sub3A_20 = arith.subf %exp3A, %sub3A_19 : vector<256x128xf32>
    %select_n3A = arith.select %gt3A_16, %add3A_14, %sub3A_20 : vector<256x128xi1>, vector<256x128xf32>
    %get3A_21 = arith.constant 0 : index
    %get3A_22 = arith.constant 0 : index
    %get3A_23 = arith.constant 0 : index
    %get3A_24 = vector.load %arg2[%get3A_21, %get3A_22, %get3A_23] : memref<4x256x128xf32, #tpu.memory_space<vmem>>, vector<1x256x128xf32>
    %get3A_25 = vector.shape_cast %get3A_24 : vector<1x256x128xf32> to vector<256x128xf32>
    %get3A_26 = arith.constant 0 : index
    %get3A_27 = arith.constant 0 : index
    %get3A_28 = vector.load %arg4[%get3A_26, %get3A_27] : memref<4x128xf32, #tpu.memory_space<vmem>>, vector<1x128xf32>
    %get3A_29 = vector.shape_cast %get3A_28 : vector<1x128xf32> to vector<128xf32>
    %broadcast_in_dim3A_30 = vector.shape_cast %get3A_29 : vector<128xf32> to vector<1x128xf32>
    %add3A_31 = vector.broadcast %broadcast_in_dim3A_30 : vector<1x128xf32> to vector<256x128xf32>
    %add3A_32 = arith.addf %get3A_25, %add3A_31 : vector<256x128xf32>
    %gt3A_33 = arith.constant 0.000000e+00 : f32
    %gt3A_34 = vector.broadcast %gt3A_33 : f32 to vector<256x128xf32>
    %gt3A_35 = arith.cmpf ogt, %add3A_32, %gt3A_34 : vector<256x128xf32>
    %min3A_36 = arith.constant 0.000000e+00 : f32
    %min3A_37 = vector.broadcast %min3A_36 : f32 to vector<256x128xf32>
    %min3A_38 = arith.minimumf %add3A_32, %min3A_37 : vector<256x128xf32>
    %exp3A_39 = math.exp %min3A_38 : vector<256x128xf32>
    %sub3A_40 = arith.constant 1.000000e+00 : f32
    %sub3A_41 = vector.broadcast %sub3A_40 : f32 to vector<256x128xf32>
    %sub3A_42 = arith.subf %exp3A_39, %sub3A_41 : vector<256x128xf32>
    %select_n3A_43 = arith.select %gt3A_35, %add3A_32, %sub3A_42 : vector<256x128xi1>, vector<256x128xf32>
    %mul3A = vector.broadcast %get3A_1 : f32 to vector<256x128xf32>
    %mul3A_44 = arith.mulf %mul3A, %select_n3A : vector<256x128xf32>
    %mul3A_45 = vector.broadcast %get3A_4 : f32 to vector<256x128xf32>
    %mul3A_46 = arith.mulf %mul3A_45, %select_n3A_43 : vector<256x128xf32>
    %add3A_47 = arith.addf %mul3A_44, %mul3A_46 : vector<256x128xf32>
    %swap3A = arith.constant 0 : index
    %swap3A_48 = arith.constant 0 : index
    %swap3A_49 = vector.load %arg6[%swap3A, %swap3A_48] : memref<256x512xf32, #tpu.memory_space<vmem>>, vector<256x128xf32>
    tpu.vector_store %arg6[%swap3A, %swap3A_48], %add3A_47 {strides = array<i32>} : memref<256x512xf32, #tpu.memory_space<vmem>>, vector<256x128xf32>,
    %get3A_50 = arith.constant 1 : index
    %get3A_51 = arith.constant 0 : index
    %get3A_52 = arith.constant 0 : index
    %get3A_53 = vector.load %arg1[%get3A_50, %get3A_51, %get3A_52] : memref<4x256x128xf32, #tpu.memory_space<vmem>>, vector<1x256x128xf32>
    %get3A_54 = vector.shape_cast %get3A_53 : vector<1x256x128xf32> to vector<256x128xf32>
    %get3A_55 = arith.constant 1 : index
    %get3A_56 = arith.constant 0 : index
    %get3A_57 = vector.load %arg3[%get3A_55, %get3A_56] : memref<4x128xf32, #tpu.memory_space<vmem>>, vector<1x128xf32>
    %get3A_58 = vector.shape_cast %get3A_57 : vector<1x128xf32> to vector<128xf32>
    %broadcast_in_dim3A_59 = vector.shape_cast %get3A_58 : vector<128xf32> to vector<1x128xf32>
    %add3A_60 = vector.broadcast %broadcast_in_dim3A_59 : vector<1x128xf32> to vector<256x128xf32>
    %add3A_61 = arith.addf %get3A_54, %add3A_60 : vector<256x128xf32>
    %gt3A_62 = arith.constant 0.000000e+00 : f32
    %gt3A_63 = vector.broadcast %gt3A_62 : f32 to vector<256x128xf32>
    %gt3A_64 = arith.cmpf ogt, %add3A_61, %gt3A_63 : vector<256x128xf32>
    %min3A_65 = arith.constant 0.000000e+00 : f32
    %min3A_66 = vector.broadcast %min3A_65 : f32 to vector<256x128xf32>
    %min3A_67 = arith.minimumf %add3A_61, %min3A_66 : vector<256x128xf32>
    %exp3A_68 = math.exp %min3A_67 : vector<256x128xf32>
    %sub3A_69 = arith.constant 1.000000e+00 : f32
    %sub3A_70 = vector.broadcast %sub3A_69 : f32 to vector<256x128xf32>
    %sub3A_71 = arith.subf %exp3A_68, %sub3A_70 : vector<256x128xf32>
    %select_n3A_72 = arith.select %gt3A_64, %add3A_61, %sub3A_71 : vector<256x128xi1>, vector<256x128xf32>
    %get3A_73 = arith.constant 1 : index
    %get3A_74 = arith.constant 0 : index
    %get3A_75 = arith.constant 0 : index
    %get3A_76 = vector.load %arg2[%get3A_73, %get3A_74, %get3A_75] : memref<4x256x128xf32, #tpu.memory_space<vmem>>, vector<1x256x128xf32>
    %get3A_77 = vector.shape_cast %get3A_76 : vector<1x256x128xf32> to vector<256x128xf32>
    %get3A_78 = arith.constant 1 : index
    %get3A_79 = arith.constant 0 : index
    %get3A_80 = vector.load %arg4[%get3A_78, %get3A_79] : memref<4x128xf32, #tpu.memory_space<vmem>>, vector<1x128xf32>
    %get3A_81 = vector.shape_cast %get3A_80 : vector<1x128xf32> to vector<128xf32>
    %broadcast_in_dim3A_82 = vector.shape_cast %get3A_81 : vector<128xf32> to vector<1x128xf32>
    %add3A_83 = vector.broadcast %broadcast_in_dim3A_82 : vector<1x128xf32> to vector<256x128xf32>
    %add3A_84 = arith.addf %get3A_77, %add3A_83 : vector<256x128xf32>
    %gt3A_85 = arith.constant 0.000000e+00 : f32
    %gt3A_86 = vector.broadcast %gt3A_85 : f32 to vector<256x128xf32>
    %gt3A_87 = arith.cmpf ogt, %add3A_84, %gt3A_86 : vector<256x128xf32>
    %min3A_88 = arith.constant 0.000000e+00 : f32
    %min3A_89 = vector.broadcast %min3A_88 : f32 to vector<256x128xf32>
    %min3A_90 = arith.minimumf %add3A_84, %min3A_89 : vector<256x128xf32>
    %exp3A_91 = math.exp %min3A_90 : vector<256x128xf32>
    %sub3A_92 = arith.constant 1.000000e+00 : f32
    %sub3A_93 = vector.broadcast %sub3A_92 : f32 to vector<256x128xf32>
    %sub3A_94 = arith.subf %exp3A_91, %sub3A_93 : vector<256x128xf32>
    %select_n3A_95 = arith.select %gt3A_87, %add3A_84, %sub3A_94 : vector<256x128xi1>, vector<256x128xf32>
    %mul3A_96 = vector.broadcast %get3A_1 : f32 to vector<256x128xf32>
    %mul3A_97 = arith.mulf %mul3A_96, %select_n3A_72 : vector<256x128xf32>
    %mul3A_98 = vector.broadcast %get3A_4 : f32 to vector<256x128xf32>
    %mul3A_99 = arith.mulf %mul3A_98, %select_n3A_95 : vector<256x128xf32>
    %add3A_100 = arith.addf %mul3A_97, %mul3A_99 : vector<256x128xf32>
    %swap3A_101 = arith.constant 0 : index
    %swap3A_102 = arith.constant 128 : index
    %swap3A_103 = vector.load %arg6[%swap3A_101, %swap3A_102] : memref<256x512xf32, #tpu.memory_space<vmem>>, vector<256x128xf32>
    tpu.vector_store %arg6[%swap3A_101, %swap3A_102], %add3A_100 {strides = array<i32>} : memref<256x512xf32, #tpu.memory_space<vmem>>, vector<256x128xf32>,
    %get3A_104 = arith.constant 2 : index
    %get3A_105 = arith.constant 0 : index
    %get3A_106 = arith.constant 0 : index
    %get3A_107 = vector.load %arg1[%get3A_104, %get3A_105, %get3A_106] : memref<4x256x128xf32, #tpu.memory_space<vmem>>, vector<1x256x128xf32>
    %get3A_108 = vector.shape_cast %get3A_107 : vector<1x256x128xf32> to vector<256x128xf32>
    %get3A_109 = arith.constant 2 : index
    %get3A_110 = arith.constant 0 : index
    %get3A_111 = vector.load %arg3[%get3A_109, %get3A_110] : memref<4x128xf32, #tpu.memory_space<vmem>>, vector<1x128xf32>
    %get3A_112 = vector.shape_cast %get3A_111 : vector<1x128xf32> to vector<128xf32>
    %broadcast_in_dim3A_113 = vector.shape_cast %get3A_112 : vector<128xf32> to vector<1x128xf32>
    %add3A_114 = vector.broadcast %broadcast_in_dim3A_113 : vector<1x128xf32> to vector<256x128xf32>
    %add3A_115 = arith.addf %get3A_108, %add3A_114 : vector<256x128xf32>
    %gt3A_116 = arith.constant 0.000000e+00 : f32
    %gt3A_117 = vector.broadcast %gt3A_116 : f32 to vector<256x128xf32>
    %gt3A_118 = arith.cmpf ogt, %add3A_115, %gt3A_117 : vector<256x128xf32>
    %min3A_119 = arith.constant 0.000000e+00 : f32
    %min3A_120 = vector.broadcast %min3A_119 : f32 to vector<256x128xf32>
    %min3A_121 = arith.minimumf %add3A_115, %min3A_120 : vector<256x128xf32>
    %exp3A_122 = math.exp %min3A_121 : vector<256x128xf32>
    %sub3A_123 = arith.constant 1.000000e+00 : f32
    %sub3A_124 = vector.broadcast %sub3A_123 : f32 to vector<256x128xf32>
    %sub3A_125 = arith.subf %exp3A_122, %sub3A_124 : vector<256x128xf32>
    %select_n3A_126 = arith.select %gt3A_118, %add3A_115, %sub3A_125 : vector<256x128xi1>, vector<256x128xf32>
    %get3A_127 = arith.constant 2 : index
    %get3A_128 = arith.constant 0 : index
    %get3A_129 = arith.constant 0 : index
    %get3A_130 = vector.load %arg2[%get3A_127, %get3A_128, %get3A_129] : memref<4x256x128xf32, #tpu.memory_space<vmem>>, vector<1x256x128xf32>
    %get3A_131 = vector.shape_cast %get3A_130 : vector<1x256x128xf32> to vector<256x128xf32>
    %get3A_132 = arith.constant 2 : index
    %get3A_133 = arith.constant 0 : index
    %get3A_134 = vector.load %arg4[%get3A_132, %get3A_133] : memref<4x128xf32, #tpu.memory_space<vmem>>, vector<1x128xf32>
    %get3A_135 = vector.shape_cast %get3A_134 : vector<1x128xf32> to vector<128xf32>
    %broadcast_in_dim3A_136 = vector.shape_cast %get3A_135 : vector<128xf32> to vector<1x128xf32>
    %add3A_137 = vector.broadcast %broadcast_in_dim3A_136 : vector<1x128xf32> to vector<256x128xf32>
    %add3A_138 = arith.addf %get3A_131, %add3A_137 : vector<256x128xf32>
    %gt3A_139 = arith.constant 0.000000e+00 : f32
    %gt3A_140 = vector.broadcast %gt3A_139 : f32 to vector<256x128xf32>
    %gt3A_141 = arith.cmpf ogt, %add3A_138, %gt3A_140 : vector<256x128xf32>
    %min3A_142 = arith.constant 0.000000e+00 : f32
    %min3A_143 = vector.broadcast %min3A_142 : f32 to vector<256x128xf32>
    %min3A_144 = arith.minimumf %add3A_138, %min3A_143 : vector<256x128xf32>
    %exp3A_145 = math.exp %min3A_144 : vector<256x128xf32>
    %sub3A_146 = arith.constant 1.000000e+00 : f32
    %sub3A_147 = vector.broadcast %sub3A_146 : f32 to vector<256x128xf32>
    %sub3A_148 = arith.subf %exp3A_145, %sub3A_147 : vector<256x128xf32>
    %select_n3A_149 = arith.select %gt3A_141, %add3A_138, %sub3A_148 : vector<256x128xi1>, vector<256x128xf32>
    %mul3A_150 = vector.broadcast %get3A_1 : f32 to vector<256x128xf32>
    %mul3A_151 = arith.mulf %mul3A_150, %select_n3A_126 : vector<256x128xf32>
    %mul3A_152 = vector.broadcast %get3A_4 : f32 to vector<256x128xf32>
    %mul3A_153 = arith.mulf %mul3A_152, %select_n3A_149 : vector<256x128xf32>
    %add3A_154 = arith.addf %mul3A_151, %mul3A_153 : vector<256x128xf32>
    %swap3A_155 = arith.constant 0 : index
    %swap3A_156 = arith.constant 256 : index
    %swap3A_157 = vector.load %arg6[%swap3A_155, %swap3A_156] : memref<256x512xf32, #tpu.memory_space<vmem>>, vector<256x128xf32>
    tpu.vector_store %arg6[%swap3A_155, %swap3A_156], %add3A_154 {strides = array<i32>} : memref<256x512xf32, #tpu.memory_space<vmem>>, vector<256x128xf32>,
    %get3A_158 = arith.constant 3 : index
    %get3A_159 = arith.constant 0 : index
    %get3A_160 = arith.constant 0 : index
    %get3A_161 = vector.load %arg1[%get3A_158, %get3A_159, %get3A_160] : memref<4x256x128xf32, #tpu.memory_space<vmem>>, vector<1x256x128xf32>
    %get3A_162 = vector.shape_cast %get3A_161 : vector<1x256x128xf32> to vector<256x128xf32>
    %get3A_163 = arith.constant 3 : index
    %get3A_164 = arith.constant 0 : index
    %get3A_165 = vector.load %arg3[%get3A_163, %get3A_164] : memref<4x128xf32, #tpu.memory_space<vmem>>, vector<1x128xf32>
    %get3A_166 = vector.shape_cast %get3A_165 : vector<1x128xf32> to vector<128xf32>
    %broadcast_in_dim3A_167 = vector.shape_cast %get3A_166 : vector<128xf32> to vector<1x128xf32>
    %add3A_168 = vector.broadcast %broadcast_in_dim3A_167 : vector<1x128xf32> to vector<256x128xf32>
    %add3A_169 = arith.addf %get3A_162, %add3A_168 : vector<256x128xf32>
    %gt3A_170 = arith.constant 0.000000e+00 : f32
    %gt3A_171 = vector.broadcast %gt3A_170 : f32 to vector<256x128xf32>
    %gt3A_172 = arith.cmpf ogt, %add3A_169, %gt3A_171 : vector<256x128xf32>
    %min3A_173 = arith.constant 0.000000e+00 : f32
    %min3A_174 = vector.broadcast %min3A_173 : f32 to vector<256x128xf32>
    %min3A_175 = arith.minimumf %add3A_169, %min3A_174 : vector<256x128xf32>
    %exp3A_176 = math.exp %min3A_175 : vector<256x128xf32>
    %sub3A_177 = arith.constant 1.000000e+00 : f32
    %sub3A_178 = vector.broadcast %sub3A_177 : f32 to vector<256x128xf32>
    %sub3A_179 = arith.subf %exp3A_176, %sub3A_178 : vector<256x128xf32>
    %select_n3A_180 = arith.select %gt3A_172, %add3A_169, %sub3A_179 : vector<256x128xi1>, vector<256x128xf32>
    %get3A_181 = arith.constant 3 : index
    %get3A_182 = arith.constant 0 : index
    %get3A_183 = arith.constant 0 : index
    %get3A_184 = vector.load %arg2[%get3A_181, %get3A_182, %get3A_183] : memref<4x256x128xf32, #tpu.memory_space<vmem>>, vector<1x256x128xf32>
    %get3A_185 = vector.shape_cast %get3A_184 : vector<1x256x128xf32> to vector<256x128xf32>
    %get3A_186 = arith.constant 3 : index
    %get3A_187 = arith.constant 0 : index
    %get3A_188 = vector.load %arg4[%get3A_186, %get3A_187] : memref<4x128xf32, #tpu.memory_space<vmem>>, vector<1x128xf32>
    %get3A_189 = vector.shape_cast %get3A_188 : vector<1x128xf32> to vector<128xf32>
    %broadcast_in_dim3A_190 = vector.shape_cast %get3A_189 : vector<128xf32> to vector<1x128xf32>
    %add3A_191 = vector.broadcast %broadcast_in_dim3A_190 : vector<1x128xf32> to vector<256x128xf32>
    %add3A_192 = arith.addf %get3A_185, %add3A_191 : vector<256x128xf32>
    %gt3A_193 = arith.constant 0.000000e+00 : f32
    %gt3A_194 = vector.broadcast %gt3A_193 : f32 to vector<256x128xf32>
    %gt3A_195 = arith.cmpf ogt, %add3A_192, %gt3A_194 : vector<256x128xf32>
    %min3A_196 = arith.constant 0.000000e+00 : f32
    %min3A_197 = vector.broadcast %min3A_196 : f32 to vector<256x128xf32>
    %min3A_198 = arith.minimumf %add3A_192, %min3A_197 : vector<256x128xf32>
    %exp3A_199 = math.exp %min3A_198 : vector<256x128xf32>
    %sub3A_200 = arith.constant 1.000000e+00 : f32
    %sub3A_201 = vector.broadcast %sub3A_200 : f32 to vector<256x128xf32>
    %sub3A_202 = arith.subf %exp3A_199, %sub3A_201 : vector<256x128xf32>
    %select_n3A_203 = arith.select %gt3A_195, %add3A_192, %sub3A_202 : vector<256x128xi1>, vector<256x128xf32>
    %mul3A_204 = vector.broadcast %get3A_1 : f32 to vector<256x128xf32>
    %mul3A_205 = arith.mulf %mul3A_204, %select_n3A_180 : vector<256x128xf32>
    %mul3A_206 = vector.broadcast %get3A_4 : f32 to vector<256x128xf32>
    %mul3A_207 = arith.mulf %mul3A_206, %select_n3A_203 : vector<256x128xf32>
    %add3A_208 = arith.addf %mul3A_205, %mul3A_207 : vector<256x128xf32>
    %swap3A_209 = arith.constant 0 : index
    %swap3A_210 = arith.constant 384 : index
    %swap3A_211 = vector.load %arg6[%swap3A_209, %swap3A_210] : memref<256x512xf32, #tpu.memory_space<vmem>>, vector<256x128xf32>
    tpu.vector_store %arg6[%swap3A_209, %swap3A_210], %add3A_208 {strides = array<i32>} : memref<256x512xf32, #tpu.memory_space<vmem>>, vector<256x128xf32>,
    return
  }
  func.func @transform_0(%arg0: i32) -> (i32, i32, i32) {
    %c0_i32 = arith.constant 0 : i32
    %c0_i32_0 = arith.constant 0 : i32
    %c0_i32_1 = arith.constant 0 : i32
    return %c0_i32, %arg0, %c0_i32_0 : i32, i32, i32
  }
  func.func @transform_1(%arg0: i32) -> (i32, i32, i32) {
    %c0_i32 = arith.constant 0 : i32
    %c0_i32_0 = arith.constant 0 : i32
    %c0_i32_1 = arith.constant 0 : i32
    return %c0_i32, %arg0, %c0_i32_0 : i32, i32, i32
  }
  func.func @transform_2(%arg0: i32) -> (i32, i32) {
    %c0_i32 = arith.constant 0 : i32
    %c0_i32_0 = arith.constant 0 : i32
    %c0_i32_1 = arith.constant 0 : i32
    return %c0_i32, %c0_i32_0 : i32, i32
  }
  func.func @transform_3(%arg0: i32) -> (i32, i32) {
    %c0_i32 = arith.constant 0 : i32
    %c0_i32_0 = arith.constant 0 : i32
    %c0_i32_1 = arith.constant 0 : i32
    return %c0_i32, %c0_i32_0 : i32, i32
  }
  func.func @transform_4(%arg0: i32) -> (i32, i32) {
    %c0_i32 = arith.constant 0 : i32
    %c0_i32_0 = arith.constant 0 : i32
    %c0_i32_1 = arith.constant 0 : i32
    return %c0_i32, %c0_i32_0 : i32, i32
  }
  func.func @transform_5(%arg0: i32) -> (i32, i32) {
    %c0_i32 = arith.constant 0 : i32
    %c0_i32_0 = arith.constant 0 : i32
    return %arg0, %c0_i32 : i32, i32
  }
}

</mosaic_0001>

<sc_bundles>
// kernel: kernel.10.cloned.1.call-start
scs
__scs_entry_jumppad:
0x0: {  	(pc) =	sbr.rel $0x88, $3  }
0x1: {  	(tag) =	ssettag $0x0;
	lr =	simm.s32 $0x1  }
0x2: {  	[smem:$0x3F93] =	sst lr;
	_ =	strace $0xD0000000  }
0x3: {  	_ = 	snop  }
0x4: {  	_ = 	snop  }
0x5: {  	_ = 	snop  }
0x6: {  	_ = 	snop  }
0x7: {  	_ = 	snop  }
__scs_overlays_trampoline_lowered:
0x8: {  	[smem:$0x3FA2] =	sst s0  }
0x9: {  	[smem:$0x3FA3] =	sst s1  }
0xa: {  	[smem:$0x3FA4] =	sst s2  }
0xb: {  	[smem:$0x3FA5] =	sst s3  }
0xc: {  	[smem:$0x3FA6] =	sst s4  }
0xd: {  	[smem:$0x3FA7] =	sst s5  }
0xe: {  	[smem:$0x3FA8] =	sst s6  }
0xf: {  	[smem:$0x3FA9] =	sst s7  }
0x10: {  	[smem:$0x3FAA] =	sst s8  }
0x11: {  	[smem:$0x3FAB] =	sst s9;
	s0 =	simm.s32 @!p0 $0x0  }
0x12: {  	s1 =	sld [smem:$0x3F91];
	s0 =	simm.s32 @p0 $0x1  }
0x13: {  	[smem:$0x3FAC] =	sst s0;
	s0 =	simm.s32 @!p1 $0x0  }
0x14: {  	s2 =	sld [smem:$0x3F90];
	s0 =	simm.s32 @p1 $0x1  }
0x15: {  	[smem:$0x3FAD] =	sst s0;
	s0 =	simm.s32 @!p2 $0x0  }
0x16: {  	s3 =	sld [smem:$0x3FDB];
	s0 =	simm.s32 @p2 $0x1  }
0x17: {  	s4 =	simm.s32 $0x1BF5;
	[smem:$0x3FAF] =	sst s0  }
0x18: {  	s0 =	sld [smem:$0x3F92];
	_ =	swait.ge [sflag:s4], $0x0  }
0x19: {  	s7 =	sld [smem:$0x3F93]  }
0x1a: {  	s8 =	sadd.s32 $0xFFFFE003, lr  }
0x1b: {  	s9 =	sadd.s32 $0xFFFFFEF7, lr;
	s5 =	simm.s32 $0xFFFFFFFF;
	p2 =	slt.u32 s8, $0xFFFFF086  }
0x1c: {  	p1 =	slt.u32 s9, $0xF7A;
	s5 =	simm.s32 @!p2 $0x0  }
0x1d: {  	s5 =	simm.s32 @p1 $0x1;
	p0 =	seq.s32 s7, s2  }
0x1e: {  	s7 =	smul.u32 @!p0 $0xF7A, s2;
	p2 =	seq.s32 @!p0 s5, $0x0  }
0x1f: {  	s9 =	smul.u32 $0xF7A, s1;
	s8 =	simm.s32 @!p0 $0x1BF5;
	p2 =	por !p2, p0  }
0x20: {  	[sflag:s8] =	ssyncset.s32 @!p0 $0xFFFFF086;
	s6 =	sadd.s32 @!p0 s3, s7;
	s7 =	simm.s32 @!p0 $0x108  }
0x21: {  	s3 =	sadd.s32 s3, s9;
	s6 =	sadd.s32 @!p0 $0x88, s6;
	s7 =	simm.s32 @p2 $0x1082  }
0x22: {  	[simem:s7], [sflag:s8] =	dma.local @!p0 [hbm:s6], $0xF7A  }
0x23: {  	s9 =	sor.u32 $0xD0000000, s2;
	s6 =	simm.s32 $0x108;
	_ =	swait.ge @!p0 [sflag:s8], $0x0  }
0x24: {  	s3 =	sadd.s32 $0x88, s3;
	s6 =	simm.s32 @!p1 $0x1082;
	[sflag:s4] =	ssyncset.s32 $0xFFFFF086  }
0x25: {  	[simem:s6], [sflag:s4] =	dma.local [hbm:s3], $0xF7A  }
0x26: {  	[smem:$0x3F93] =	sst s1;
	(tag) =	ssettag s2;
	_ =	strace s9  }
0x27: {  	s1 =	sld [smem:$0x3FA3]  }
0x28: {  	s2 =	sld [smem:$0x3FA4]  }
0x29: {  	s4 =	sld [smem:$0x3FA6]  }
0x2a: {  	p0 =	seq.s32 s5, $0x0;
	s5 =	sld [smem:$0x3FA7]  }
0x2b: {  	s6 =	sld [smem:$0x3FA8]  }
0x2c: {  	s7 =	sld [smem:$0x3FA9]  }
0x2d: {  	s3 =	simm.s32 $0x108;
	s8 =	sld [smem:$0x3FAA]  }
0x2e: {  	s3 =	simm.s32 @!p0 $0x1082;
	s9 =	sld [smem:$0x3FAB]  }
0x2f: {  	lr =	sadd.s32 s0, s3;
	s0 =	sld [smem:$0x3FA2]  }
0x30: {  	s3 =	sld [smem:$0x3FA5]  }
0x31: {  	[smem:$0x3FAE] =	sst s10  }
0x32: {  	s10 =	sld [smem:$0x3FAC];
	_ =	sdelay $0x3  }
0x33: {  	p0 =	seq.s32 s10, $0x1;
	s10 =	sld [smem:$0x3FAE];
	_ =	sdelay $0x3  }
0x34: {  	[smem:$0x3FAE] =	sst s10  }
0x35: {  	s10 =	sld [smem:$0x3FAD];
	_ =	sdelay $0x3  }
0x36: {  	p1 =	seq.s32 s10, $0x1;
	s10 =	sld [smem:$0x3FAE];
	_ =	sdelay $0x3  }
0x37: {  	[smem:$0x3FAE] =	sst s10  }
0x38: {  	s10 =	sld [smem:$0x3FAF]  }
0x39: {  	_ = 	snop;
	(pc) =	sbr.ind lr, $3  }
0x3a: {  	_ = 	snop  }
0x3b: {  	_ = 	snop  }
0x3c: {  	p2 =	seq.s32 s10, $0x1;
	s10 =	sld [smem:$0x3FAE]  }
0x3d: {  	_ =	shalt  }
0x3e: {  	_ =	shalt  }
0x3f: {  	_ =	shalt  }
0x40: {  	_ =	shalt  }
0x41: {  	_ =	shalt  }
0x42: {  	_ =	shalt  }
0x43: {  	_ =	shalt  }
0x44: {  	_ =	shalt  }
0x45: {  	_ =	shalt  }
0x46: {  	_ =	shalt  }
0x47: {  	_ =	shalt  }
0x48: {  	_ =	shalt  }
0x49: {  	_ =	shalt  }
0x4a: {  	_ =	shalt  }
0x4b: {  	_ =	shalt  }
0x4c: {  	_ =	shalt  }
0x4d: {  	_ =	shalt  }
0x4e: {  	_ =	shalt  }
0x4f: {  	_ =	shalt  }
0x50: {  	_ =	shalt  }
0x51: {  	_ =	shalt  }
0x52: {  	_ =	shalt  }
0x53: {  	_ =	shalt  }
0x54: {  	_ =	shalt  }
0x55: {  	_ =	shalt  }
0x56: {  	_ =	shalt  }
0x57: {  	_ =	shalt  }
0x58: {  	_ =	shalt  }
0x59: {  	_ =	shalt  }
0x5a: {  	_ =	shalt  }
0x5b: {  	_ =	shalt  }
0x5c: {  	_ =	shalt  }
0x5d: {  	_ =	shalt  }
0x5e: {  	_ =	shalt  }
0x5f: {  	_ =	shalt  }
0x60: {  	_ =	shalt  }
0x61: {  	_ =	shalt  }
0x62: {  	_ =	shalt  }
0x63: {  	_ =	shalt  }
0x64: {  	_ =	shalt  }
0x65: {  	_ =	shalt  }
0x66: {  	_ =	shalt  }
0x67: {  	_ =	shalt  }
0x68: {  	_ =	shalt  }
0x69: {  	_ =	shalt  }
0x6a: {  	_ =	shalt  }
0x6b: {  	_ =	shalt  }
0x6c: {  	_ =	shalt  }
0x6d: {  	_ =	shalt  }
0x6e: {  	_ =	shalt  }
0x6f: {  	_ =	shalt  }
0x70: {  	_ =	shalt  }
0x71: {  	_ =	shalt  }
0x72: {  	_ =	shalt  }
0x73: {  	_ =	shalt  }
0x74: {  	_ =	shalt  }
0x75: {  	_ =	shalt  }
0x76: {  	_ =	shalt  }
0x77: {  	_ =	shalt  }
0x78: {  	_ =	shalt  }
0x79: {  	_ =	shalt  }
0x7a: {  	_ =	shalt  }
0x7b: {  	_ =	shalt  }
0x7c: {  	_ =	shalt  }
0x7d: {  	_ =	shalt  }
0x7e: {  	_ =	shalt  }
0x7f: {  	_ =	shalt  }
0x80: {  	_ =	shalt  }
0x81: {  	_ =	shalt  }
0x82: {  	_ =	shalt  }
0x83: {  	_ =	shalt  }
0x84: {  	_ =	shalt  }
0x85: {  	_ =	shalt  }
0x86: {  	_ =	shalt  }
0x87: {  	_ =	shalt  }
.Lfunc_end0:
.L_simem_size_0:
called_computation.1_lowered:
.L_overlay_start_0:
0x88: {  	s2 =	sld [smem:$0x3FD9]  }
0x89: {  	s3 =	sld [smem:$0x3FFE];
	_ =	sdelay $0x1  }
0x8a: {  	s1 =	srdreg.scid  }
0x8b: {  	s0 =	sand.u32 $0x1, s1  }
0x8c: {  	s16 =	sshll.u32 s0, $0xA;
	s2 =	sadd.s32 s3, s2  }
0x8d: {  	s2 =	sadd.s32 s2, s16  }
0x8e: {  	[smem:$0x3FBA] =	sst s2  }
0x8f: {  	_ = 	snop  }
0x90: {  	(tm) =	ssettm $0x1  }
0x91: {  	s17 =	sld [smem:$0x3FFB];
	_ =	sdelay $0x3  }
0x92: {  	_ =	strace s17  }
0x93: {  	s2 =	sld [smem:$0x3FFC];
	_ =	sdelay $0x3  }
0x94: {  	_ =	strace s2  }
0x95: {  	s2 =	sld [smem:$0x3FFD];
	_ =	sdelay $0x3  }
0x96: {  	_ =	strace s2  }
0x97: {  	_ =	strace $0x8FFFFFFF  }
0x98: {  	s18 =	sld [smem:$0x3FDB];
	_ =	sdelay $0x1  }
0x99: {  	s19 =	simm.s32 $_scs_section_size  }
0x9a: {  	s4 =	simm.s32 $_size__tile_overlayer_lowered;
	s5 =	simm.s32 $_tile_overlayer_lowered  }
0x9b: {  	s22 =	simm.s32 $0x1BFF;
	s21 =	sshll.u32 s5, $0x1;
	s2 =	sadd.s32 s19, s18  }
0x9c: {  	s6 =	simm.s32 $0x0;
	s20 =	sshll.u32 s4, $0x1;
	s4 =	sadd.s32 s21, s2  }
0x9d: {  	[timem:s6], [sflag:s22] =	dma.local [hbm:s4], s20  }
0x9e: {  	_ =	swait.ge [sflag:s22], s20  }
0x9f: {  	s3 =	ssub.s32 $0x0, s20;
	[sflag:s22] =	ssyncset.done $0x0  }
0xa0: {  	[sflag:s22] =	ssyncadd.s32 s3;
	_ =	sdelay $0x1  }
0xa1: {  	s23 =	simm.s32 $0x1B8B  }
0xa2: {  	_ =	swait.ge [sflag:s23], $0x1  }
0xa3: {  	[sflag:s23] =	ssyncset.done $0x0  }
0xa4: {  	s25 =	simm.s32 $0x1B8E;
	s24 =	sld [smem:$0x3FFE];
	[sflag:s23] =	ssyncadd.s32 $0xFFFFFFFF  }
0xa5: {  	s26 =	simm.s32 $execute0_lowered;
	[smem:$0x3FD2] =	sst s25  }
0xa6: {  	s4 =	sshll.u32 s26, $0x1;
	_ =	strace $0x80000046;
	[dreg:$0x1] =	wrdreg $0xFFFFFFFF  }
0xa7: {  	s28 =	simm.s32 $_size_execute0_lowered;
	s2 =	sadd.s32 s2, s4;
	[dreg:$0x0] =	wrdreg $0x0  }
0xa8: {  	s4 =	sshll.u32 s28, $0x1;
	[dreg:$0x2] =	wrdreg s2  }
0xa9: {  	[dreg:$0x3] =	wrdreg s4  }
0xaa: {  	[dreg:$0x4] =	wrdreg $0xC0  }
0xab: {  	_ =	task [dreg:s6], $0x5FFFF  }
0xac: {  	[dreg:$0x1] =	wrdreg $0xFFFFFFFF  }
0xad: {  	[dreg:$0x0] =	wrdreg $0x60  }
0xae: {  	[dreg:$0x2] =	wrdreg s24  }
0xaf: {  	[dreg:$0x3] =	wrdreg $0x9BF00  }
0xb0: {  	[dreg:$0x4] =	wrdreg $0x74E00  }
0xb1: {  	[dreg:$0x5] =	wrdreg $0xC3000  }
0xb2: {  	[dreg:$0x6] =	wrdreg $0xA  }
0xb3: {  	_ =	task.clear_ibuf [dreg:s6], $0x7FFFF;
	_ =	strace $0x90000046  }
0xb4: {  	s29 =	simm.s32 $0xA;
	_ =	strace $0x80000048  }
0xb5: {  	_ =	swait.ge [sflag:s29], $0x1  }
0xb6: {  	[sflag:s29] =	ssyncadd.s32 $0xFFFFFFFF  }
0xb7: {  	_ =	strace $0x90000048  }
0xb8: {  	_ =	sfence  }
0xb9: {  	s30 =	sld [smem:$0x0];
	_ =	sdelay $0x2  }
0xba: {  	s31 =	sshll.u32 s1, $0xD;
	s1 =	sshrl.u32 s1, $0x2  }
0xbb: {  	s3 =	sand.u32 $0x4000, s31;
	s1 =	sadd.s32 s1, s30  }
0xbc: {  	s0 =	sor.u32 s3, s0;
	s1 =	sshll.u32 s1, $0x11  }
0xbd: {  	s0 =	sor.u32 s1, s0  }
0xbe: {  	s0 =	sadd.s32 $0x8F2B, s0  }
0xbf: {  	[sflag:s0] =	ssyncadd.remote.s32 $0x1  }
0xc0: {  	_ =	sfence.sel $0xFFFF  }
0xc1: {  	[dreg:$0x0] =	wrdreg $0xFFFFFFFF;
	(pc) =	sbr.abs _section_cstart, $3  }
0xc2: {  	[dreg:$0x1] =	wrdreg $0xFFFFFFFF  }
0xc3: {  	_ =	task.clear_ibuf [dreg:s6], $0x2FFFF;
	_ =	strace $0x9FFFFFFF  }
0xc4: {  	(tm) =	ssettm $0x7FFFFFFF  }
0xc5: {  	_ =	shalt  }
tec
execute0_lowered:
.L_overlay_start_1:
0x0: {  	(tag) =	ssettag $0x1  }
0x1: {  	s0 =	rddreg [dreg:$0x0]  }
0x2: {  	s1 =	rddreg [dreg:$0x1]  }
0x3: {  	s2 =	rddreg [dreg:$0x2]  }
0x4: {  	s3 =	rddreg [dreg:$0x3];
	s17 =	simm.s32 $0x0;
	s18 =	stileid.u32  }
0x5: {  	s4 =	srdreg.scid;
	s29 =	simm.s32 $0xF0;
	s5 =	smul.u32 $0x2710, s18  }
0x6: {  	s31 =	simm.s32 $0x10E0;
	[smem:$0x7FF] =	sst s17;
	s12 =	smul.u32 $0x4E20, s18  }
0x7: {  	s6 =	sadd.s32 $0xEE00, s0;
	s7 =	sadd.s32 $0x5000, s0;
	s15 =	smul.u32 $0x13880, s18  }
0x8: {  	s4 =	sand.u32 $0x1, s4;
	s8 =	sadd.s32 $0x168000, s0;
	s19 =	smul.u32 $0x9C40, s18  }
0x9: {  	s9 =	sadd.s32 $0x18C00, s0;
	s21 =	sshll.u32 s18, $0x6;
	s20 =	smul.u32 $0x4E200, s18  }
0xa: {  	s18 =	simm.s32 $0x4CE0;
	_ =	strace $0x80000047;
	s10 =	ssub.s32 $0x2, s4  }
0xb: {  	s30 =	sor.u32 $0x1C05, s21;
	s24 =	smul.u32 $0x271000, s4;
	s25 =	sshllo.u32 s4, $0x1  }
0xc: {  	s16 =	smul.u32 $0x5000, s4;
	s4 =	sshll.u32 s4, $0x2;
	s11 =	sshrl.u32 s10, $0x1  }
0xd: {  	s13 =	sshrl.u32 s5, $0x3;
	s5 =	sadd.s32 s5, s1;
	s28 =	smul.u32 $0x138800, s25  }
0xe: {  	s22 =	sshrl.u32 s12, $0x3;
	s14 =	sadd.s32 $0xA0, s12;
	s21 =	smul.u32 $0x2800, s25  }
0xf: {  	s26 =	sshll.u32 s25, $0x1;
	[dreg:$0x7] =	wrdreg s30;
	s10 =	ssub.s32 s10, s11  }
0x10: {  	s0 =	sadd.s32 s0, s13;
	s23 =	sadd.s32 s6, s22;
	s11 =	sadd.s32 s7, s22  }
0x11: {  	s13 =	sadd.s32 $0x50, s12;
	s5 =	sshrl.u32 s5, $0x3;
	[dreg:$0x6] =	wrdreg s0  }
0x12: {  	v0 =	vmov s16;
	s22 =	simm.s32 $0x5;
	s16 =	simm.s32 $0x2;
	[dreg:$0x8] =	wrdreg s23  }
0x13: {  	[dreg:$0x9] =	wrdreg s11;
	s0 =	sadd.s32 s15, s24;
	s12 =	sadd.s32 s15, s28  }
0x14: {  	v1 =	vimm.s32 $0xFEDCBA98;
	v3 =	vimm.s32 $0x76543210;
	s15 =	sadd.s32 s15, s3;
	s11 =	sshllo.u32 s25, $0x1;
	s10 =	smax.u32 s10, $0x1  }
0x15: {  	v4 =	vunpack.c.l.s4.s8 v1;
	v6 =	vunpack.c.l.s4.s8 v3;
	[dreg:$0xe] =	wrdreg s5;
	s28 =	sor.u32 $0x1, s4;
	s23 =	simm.s32 $0x1FE0  }
0x16: {  	s24 =	simm.s32 $0xA0;
	s25 =	simm.s32 $0x50;
	s5 =	simm.s32 $0x4  }
0x17: {  	v2 =	vmov s4;
	v9 =	vunpack.c.0.s8.s32 v4;
	v10 =	vunpack.c.0.s8.s32 v6;
	s0 =	sshrl.u32 s0, $0x3;
	[dreg:$0xb] =	wrdreg s15;
	s15 =	sshrl.u32 s20, $0x2  }
0x18: {  	v6 =	vimm.f32 $0.0e+00;
	v7 =	vmov s26;
	v2 =	vbroadcast v2, $0x0;
	[dreg:$0xd] =	wrdreg s10;
	s0 =	sadd.s32 s9, s0;
	s20 =	sadd.s32 s15, s3  }
0x19: {  	v4 =	vbroadcast v7, $0x0;
	v5 =	vmov s28;
	v8 =	vmov s11;
	[dreg:$0xa] =	wrdreg s0;
	s0 =	sshrl.u32 s12, $0x3;
	s12 =	sshrl.u32 s19, $0x2  }
0x1a: {  	v7 =	vand.u32 $0xF, v9;
	v3 =	vbroadcast v5, $0x0;
	v5 =	vand.u32 $0xF, v8;
	s15 =	simm.s32 $0x1;
	s0 =	sadd.s32 s9, s0;
	s19 =	sadd.s32 s12, s2  }
0x1b: {  	v1 =	vmov s21;
	v7 =	vcombine.low v7, v10;
	v5 =	vbroadcast v5, $0x0;
	s9 =	simm.s32 $0x24E0;
	[dreg:$0xc] =	wrdreg s0;
	s0 =	simm.s32 $0x3  }
.LBB2_1:
0x1c: {  	s4 =	rddreg [dreg:$0x6]  }
0x1d: {  	s10 =	rddreg [dreg:$0xe]  }
0x1e: {  	[spmem:s10], [sflag:s30] =	dma.local [hbm:s4], $0x4E2  }
0x1f: {  	_ =	swait.ge [sflag:s22], $0x4E2  }
0x20: {  	[sflag:s22] =	ssyncset.done $0x0  }
0x21: {  	s4 =	simm.s32 $0x0;
	[sflag:s22] =	ssyncadd.s32 $0xFFFFFB1E  }
.LBB2_2:
0x22: {  	p0 =	sne.s32 s4, $0x13C0  }
.Ltmp0:
0x23: {  	_ = 	snop;
	(pc) =	sbr.rel @p0 .LBB2_2-.Ltmp0, $3  }
0x24: {  	_ =	sdelay $0x1  }
0x25: {  	s10 =	sshra.s32 s4, $0x2  }
0x26: {  	s4 =	sadd.s32 $0x40, s4;
	[tilespmem:s10+$0x1FE0] =	vst v6  }
0x27: {  	[dreg:$0x5] =	wrdreg s17;
	s4 =	sadd.s32 $0x0, s19  }
0x28: {  	[spmem:s4] =	stream.linear.scatter [tilespmem:s23], [sflag:$0x5], $0x190, $0x38;
	[tilespmem:$0x1FB80] =	vst v63  }
0x29: {  	s4 =	simm.s32 $0x640;
	_ =	swait.ge [sflag:s22], $0x190  }
.LBB2_4:
0x2a: {  	s10 =	sshra.s32 s4, $0x2;
	[sflag:s22] =	ssyncset.done $0x0;
	p0 =	sne.s32 s4, $0x9600  }
.Ltmp1:
0x2b: {  	s10 =	sadd.s32 s10, s19;
	[sflag:s22] =	ssyncadd.s32 $0xFFFFFE70;
	(pc) =	sbr.rel @p0 .LBB2_4-.Ltmp1, $3  }
0x2c: {  	[spmem:s10] =	stream.linear.scatter [tilespmem:s23], [sflag:$0x5], $0x190, $0x38;
	[tilespmem:$0x1FB80] =	vst v63  }
0x2d: {  	s4 =	sadd.s32 $0x640, s4;
	_ =	sdelay $0x1  }
0x2e: {  	_ =	swait.ge [sflag:s22], $0x190  }
0x2f: {  	[sflag:s22] =	ssyncset.done $0x0  }
0x30: {  	[sflag:s22] =	ssyncadd.s32 $0xFFFFFE70  }
0x31: {  	[bflag:$0x0] =	sbarrier.arrive $0xFFFF  }
0x32: {  	s10 =	simm.s32 $0x0;
	s4 =	rddreg [dreg:$0x8]  }
0x33: {  	[tilespmem:s10], [sflag:$0x5] =	stream.linear.gather [hbm4b:s4+s10], $0x50, $0x38;
	[tilespmem:$0x1FB80] =	vst v63  }
0x34: {  	_ =	swait.ge [sflag:s22], $0x50  }
0x35: {  	[sflag:s22] =	ssyncset.done $0x0  }
0x36: {  	s26 =	rddreg [dreg:$0x9];
	[sflag:s22] =	ssyncadd.s32 $0xFFFFFFB0  }
0x37: {  	[tilespmem:s24], [sflag:$0x5] =	stream.linear.gather [hbm4b:s26+s10], $0x50, $0x38;
	[tilespmem:$0x1FB80] =	vst v63  }
0x38: {  	_ =	swait.ge [sflag:s22], $0x50  }
0x39: {  	[sflag:s22] =	ssyncset.done $0x0  }
0x3a: {  	s28 =	simm.s32 $0x1E0;
	[sflag:s22] =	ssyncadd.s32 $0xFFFFFFB0  }
0x3b: {  	[tilespmem:s28], [sflag:$0x3] =	stream.indirect.gather [spmem:s1], $0x10, s10, s25, $0xb8;
	[tilespmem:$0x1FB80] =	vst v63  }
0x3c: {  	s30 =	simm.s32 $0xBE0;
	s11 =	simm.s32 $0x0  }
0x3d: {  	[tilespmem:s30], [sflag:$0x3] =	stream.indirect.gather [spmem:s1], $0x10, s24, s25, $0xb8;
	[tilespmem:$0x1FB80] =	vst v63  }
.LBB2_6:
0x3e: {  	s12 =	smul.u32 $0xA0, s11;
	_ =	sdelay $0x1  }
0x3f: {  	s4 =	sadd.s32 s12, s13  }
0x40: {  	s4 =	sshrl.u32 s4, $0x3  }
0x41: {  	s17 =	sadd.s32 s6, s4  }
0x42: {  	[tilespmem:s25], [sflag:$0x5] =	stream.linear.gather [hbm4b:s17+s10], $0x50, $0x38;
	[tilespmem:$0x1FB80] =	vst v63  }
0x43: {  	_ =	swait.ge [sflag:s22], $0x50  }
0x44: {  	[sflag:s22] =	ssyncset.done $0x0  }
0x45: {  	s4 =	sadd.s32 s7, s4;
	[sflag:s22] =	ssyncadd.s32 $0xFFFFFFB0  }
0x46: {  	[tilespmem:s29], [sflag:$0x5] =	stream.linear.gather [hbm4b:s4+s10], $0x50, $0x38;
	[tilespmem:$0x1FB80] =	vst v63  }
0x47: {  	_ =	swait.ge [sflag:s22], $0x50  }
0x48: {  	[sflag:s22] =	ssyncset.done $0x0  }
0x49: {  	s30 =	simm.s32 $0x6E0;
	[sflag:s22] =	ssyncadd.s32 $0xFFFFFFB0  }
0x4a: {  	[tilespmem:s30], [sflag:$0x4] =	stream.indirect.gather [spmem:s1], $0x10, s25, s25, $0xb8;
	[tilespmem:$0x1FB80] =	vst v63  }
0x4b: {  	_ = 	snop  }
0x4c: {  	[tilespmem:s31], [sflag:$0x4] =	stream.indirect.gather [spmem:s1], $0x10, s29, s25, $0xb8;
	[tilespmem:$0x1FB80] =	vst v63  }
0x4d: {  	_ =	swait.ge [sflag:s0], $0x500  }
0x4e: {  	[sflag:s0] =	ssyncset.done $0x0  }
0x4f: {  	[sflag:s0] =	ssyncadd.s32 $0xFFFFFB00  }
0x50: {  	_ =	swait.ge [sflag:s0], $0x500  }
0x51: {  	[sflag:s0] =	ssyncset.done $0x0  }
0x52: {  	s4 =	simm.s32 $0x0;
	[sflag:s0] =	ssyncadd.s32 $0xFFFFFB00  }
0x53: {  	s26 =	simm.s32 $0x10;
	v8 =	vld [tilespmem:s4+$0xBE0]  }
0x54: {  	v9 =	vld [tilespmem:s26+$0xBE0]  }
0x55: {  	v10 =	vld [tilespmem:s4+$0x1E0];
	_ =	sdelay $0x1  }
0x56: {  	v11 =	vld [tilespmem:s26+$0x1E0]  }
0x57: {  	v8 =	vperm.xlane v8, v7;
	_ =	sdelay $0x1  }
0x58: {  	v9 =	vperm.xlane v9, v7;
	v8 =	vadd.f32 v8, v10;
	_ =	sdelay $0x1  }
0x59: {  	v9 =	vadd.f32 v9, v11;
	v11 =	vmul.f32 $2.000000030e-01, v8;
	_ =	sdelay $0x1  }
0x5a: {  	s28 =	simm.s32 $0x20;
	v8 =	vmax.f32 v8, v11  }
0x5b: {  	v12 =	vld [tilespmem:s28+$0xBE0];
	v8 =	vmul.f32 $1.442695020e+00, v8  }
0x5c: {  	v13 =	vmul.f32 $2.000000030e-01, v9  }
0x5d: {  	v10 =	vld [tilespmem:s28+$0x1E0];
	(erf) = vpow2.f32 v8  }
0x5e: {  	v9 =	vmax.f32 v9, v13  }
0x5f: {  	v63 =	vmul.f32 $1.442695020e+00, v9  }
0x60: {  	s17 =	simm.s32 $0x30;
	v11 =	vperm.xlane v12, v7  }
0x61: {  	v8 =	vld [tilespmem:s17+$0xBE0];
	(erf) = vpow2.f32 v63  }
0x62: {  	v9 =	vadd.f32 v11, v10  }
0x63: {  	v10 =	vld [tilespmem:s17+$0x1E0]  }
0x64: {  	s21 =	simm.s32 $0x100;
	v11 =	vmul.f32 $2.000000030e-01, v9  }
.LBB2_7:
0x65: {  	p0 =	sne.s32 s21, $0x13C0  }
.Ltmp2:
0x66: {  	s30 =	sshra.s32 s21, $0x2;
	s21 =	sadd.s32 $0x40, s21;
	v12 =	vperm.xlane v8, v7;
	v9 =	vmax.f32 v9, v11;
	v11 =	vpop (erf);
	(pc) =	sbr.rel @p0 .LBB2_7-.Ltmp2, $4  }
0x67: {  	v8 =	vld [tilespmem:s30+$0xBE0];
	v13 =	vmul.f32 $1.442695020e+00, v9;
	[tilespmem:s4+$0x1FE0] =	vst v11;
	s4 =	smov.u32 s26;
	s26 =	smov.u32 s28  }
0x68: {  	s28 =	smov.u32 s17;
	s17 =	smov.u32 s30;
	v9 =	vadd.f32 v12, v10  }
0x69: {  	v10 =	vld [tilespmem:s17+$0x1E0];
	(erf) = vpow2.f32 v13  }
0x6a: {  	v11 =	vmul.f32 $2.000000030e-01, v9  }
0x6b: {  	_ = 	snop  }
0x6c: {  	v8 =	vperm.xlane v8, v7;
	_ =	sdelay $0x1  }
0x6d: {  	v8 =	vadd.f32 v8, v10;
	_ =	sdelay $0x1  }
0x6e: {  	v10 =	vmul.f32 $2.000000030e-01, v8  }
0x6f: {  	v9 =	vmax.f32 v9, v11  }
0x70: {  	v9 =	vmul.f32 $1.442695020e+00, v9;
	v8 =	vmax.f32 v8, v10  }
0x71: {  	v8 =	vmul.f32 $1.442695020e+00, v8  }
0x72: {  	(erf) = vpow2.f32 v9  }
0x73: {  	(erf) = vpow2.f32 v8;
	_ =	sdelay $0x5  }
0x74: {  	v8 =	vpop (erf)  }
0x75: {  	v9 =	vpop (erf);
	[tilespmem:s4+$0x1FE0] =	vst v8  }
0x76: {  	[tilespmem:s26+$0x1FE0] =	vst v9;
	v8 =	vpop (erf)  }
0x77: {  	[tilespmem:s28+$0x1FE0] =	vst v8;
	v8 =	vpop (erf)  }
0x78: {  	p0 =	seq.s32 s11, $0x7C;
	[tilespmem:s17+$0x1FE0] =	vst v8  }
0x79: {  	[spmem:s2] =	stream.indirect.scatter.add.f32 [tilespmem:s23], [sflag:$0x5], $0x10, s24, s25, $0xb8;
	[tilespmem:$0x1FB80] =	vst v63  }
0x7a: {  	s4 =	sadd.s32 @!p0 s12, s14;
	_ =	swait.ge [sflag:s22], $0x500  }
0x7b: {  	s4 =	sshrl.u32 @!p0 s4, $0x3;
	[sflag:s22] =	ssyncset.done $0x0  }
0x7c: {  	s12 =	sadd.s32 @!p0 s6, s4;
	s17 =	simm.s32 @!p0 $0x0;
	[sflag:s22] =	ssyncadd.s32 $0xFFFFFB00  }
0x7d: {  	[tilespmem:s17], [sflag:$0x5] =	stream.linear.gather @!p0 [hbm4b:s12+s17], $0x50, $0x38;
	[tilespmem:$0x1FB80] =	vst v63  }
0x7e: {  	s12 =	simm.s32 @!p0 $0x5  }
0x7f: {  	_ =	swait.ge @!p0 [sflag:s12], $0x50  }
0x80: {  	[sflag:s12] =	ssyncset.done @!p0 $0x0  }
0x81: {  	s21 =	simm.s32 @!p0 $0xA0;
	s4 =	sadd.s32 @!p0 s7, s4;
	[sflag:s12] =	ssyncadd.s32 @!p0 $0xFFFFFFB0  }
0x82: {  	[tilespmem:s21], [sflag:$0x5] =	stream.linear.gather @!p0 [hbm4b:s4+s17], $0x50, $0x38;
	[tilespmem:$0x1FB80] =	vst v63  }
0x83: {  	_ =	swait.ge @!p0 [sflag:s12], $0x50  }
0x84: {  	[sflag:s12] =	ssyncset.done @!p0 $0x0  }
0x85: {  	s4 =	simm.s32 @!p0 $0x50;
	[sflag:s12] =	ssyncadd.s32 @!p0 $0xFFFFFFB0;
	s12 =	simm.s32 @!p0 $0x1E0  }
0x86: {  	[tilespmem:s12], [sflag:$0x3] =	stream.indirect.gather @!p0 [spmem:s1], $0x10, s17, s4, $0xb8;
	[tilespmem:$0x1FB80] =	vst v63  }
0x87: {  	s12 =	simm.s32 @!p0 $0xBE0  }
0x88: {  	[tilespmem:s12], [sflag:$0x3] =	stream.indirect.gather @!p0 [spmem:s1], $0x10, s21, s4, $0xb8;
	[tilespmem:$0x1FB80] =	vst v63  }
0x89: {  	_ =	swait.ge [sflag:s5], $0x500  }
0x8a: {  	[sflag:s5] =	ssyncset.done $0x0  }
0x8b: {  	[sflag:s5] =	ssyncadd.s32 $0xFFFFFB00  }
0x8c: {  	_ =	swait.ge [sflag:s5], $0x500  }
0x8d: {  	[sflag:s5] =	ssyncset.done $0x0  }
0x8e: {  	s4 =	simm.s32 $0x0;
	[sflag:s5] =	ssyncadd.s32 $0xFFFFFB00  }
0x8f: {  	s12 =	simm.s32 $0x10;
	v8 =	vld [tilespmem:s4+$0x10E0]  }
0x90: {  	v9 =	vld [tilespmem:s12+$0x10E0]  }
0x91: {  	v10 =	vld [tilespmem:s4+$0x6E0];
	_ =	sdelay $0x1  }
0x92: {  	v11 =	vld [tilespmem:s12+$0x6E0]  }
0x93: {  	v8 =	vperm.xlane v8, v7;
	_ =	sdelay $0x1  }
0x94: {  	v9 =	vperm.xlane v9, v7;
	v8 =	vadd.f32 v8, v10;
	_ =	sdelay $0x1  }
0x95: {  	v9 =	vadd.f32 v9, v11;
	v11 =	vmul.f32 $2.000000030e-01, v8;
	_ =	sdelay $0x1  }
0x96: {  	s26 =	simm.s32 $0x20;
	v8 =	vmax.f32 v8, v11  }
0x97: {  	v12 =	vld [tilespmem:s26+$0x10E0];
	v8 =	vmul.f32 $1.442695020e+00, v8  }
0x98: {  	v13 =	vmul.f32 $2.000000030e-01, v9  }
0x99: {  	v10 =	vld [tilespmem:s26+$0x6E0];
	(erf) = vpow2.f32 v8  }
0x9a: {  	v9 =	vmax.f32 v9, v13  }
0x9b: {  	v63 =	vmul.f32 $1.442695020e+00, v9  }
0x9c: {  	s17 =	simm.s32 $0x30;
	v11 =	vperm.xlane v12, v7  }
0x9d: {  	v8 =	vld [tilespmem:s17+$0x10E0];
	(erf) = vpow2.f32 v63  }
0x9e: {  	v9 =	vadd.f32 v11, v10  }
0x9f: {  	v10 =	vld [tilespmem:s17+$0x6E0]  }
0xa0: {  	s21 =	simm.s32 $0x100;
	v11 =	vmul.f32 $2.000000030e-01, v9  }
.LBB2_9:
0xa1: {  	p0 =	sne.s32 s21, $0x13C0  }
.Ltmp3:
0xa2: {  	s28 =	sshra.s32 s21, $0x2;
	s21 =	sadd.s32 $0x40, s21;
	v12 =	vperm.xlane v8, v7;
	v9 =	vmax.f32 v9, v11;
	v11 =	vpop (erf);
	(pc) =	sbr.rel @p0 .LBB2_9-.Ltmp3, $4  }
0xa3: {  	v8 =	vld [tilespmem:s28+$0x10E0];
	v13 =	vmul.f32 $1.442695020e+00, v9;
	[tilespmem:s4+$0x1FE0] =	vst v11;
	s4 =	smov.u32 s12;
	s12 =	smov.u32 s26  }
0xa4: {  	s26 =	smov.u32 s17;
	s17 =	smov.u32 s28;
	v9 =	vadd.f32 v12, v10  }
0xa5: {  	v10 =	vld [tilespmem:s17+$0x6E0];
	(erf) = vpow2.f32 v13  }
0xa6: {  	v11 =	vmul.f32 $2.000000030e-01, v9  }
0xa7: {  	_ = 	snop  }
0xa8: {  	v8 =	vperm.xlane v8, v7;
	_ =	sdelay $0x1  }
0xa9: {  	v8 =	vadd.f32 v8, v10;
	_ =	sdelay $0x1  }
0xaa: {  	v10 =	vmul.f32 $2.000000030e-01, v8  }
0xab: {  	v9 =	vmax.f32 v9, v11  }
0xac: {  	v9 =	vmul.f32 $1.442695020e+00, v9;
	v8 =	vmax.f32 v8, v10  }
0xad: {  	v8 =	vmul.f32 $1.442695020e+00, v8  }
0xae: {  	(erf) = vpow2.f32 v9  }
0xaf: {  	(erf) = vpow2.f32 v8;
	_ =	sdelay $0x5  }
0xb0: {  	v8 =	vpop (erf)  }
0xb1: {  	v63 =	vpop (erf);
	[tilespmem:s4+$0x1FE0] =	vst v8  }
0xb2: {  	s11 =	sadd.s32 $0x1, s11;
	[tilespmem:s12+$0x1FE0] =	vst v63;
	v8 =	vpop (erf)  }
0xb3: {  	p0 =	sne.s32 s11, $0x7D;
	[tilespmem:s26+$0x1FE0] =	vst v8;
	v8 =	vpop (erf)  }
.Ltmp4:
0xb4: {  	[tilespmem:s17+$0x1FE0] =	vst v8;
	(pc) =	sbr.rel @p0 .LBB2_6-.Ltmp4, $4  }
0xb5: {  	[spmem:s2] =	stream.indirect.scatter.add.f32 [tilespmem:s23], [sflag:$0x5], $0x10, s29, s25, $0xb8;
	[tilespmem:$0x1FB80] =	vst v63  }
0xb6: {  	_ =	swait.ge [sflag:s22], $0x500  }
0xb7: {  	[sflag:s22] =	ssyncset.done $0x0  }
0xb8: {  	[sflag:s22] =	ssyncadd.s32 $0xFFFFFB00  }
0xb9: {  	[bflag:$0x0] =	sbarrier.arrive $0xFFFF;
	s4 =	simm.s32 $0x0;
	s10 =	simm.s32 $0x200  }
.LBB2_12:
0xba: {  	p0 =	sne.s32 s10, $0x9E00;
	[tilespmem:s4+$0x2550] =	vst v6  }
0xbb: {  	[tilespmem:s4+$0x24E0] =	vst v6  }
0xbc: {  	[tilespmem:s4+$0x24F0] =	vst v6  }
.Ltmp5:
0xbd: {  	[tilespmem:s4+$0x2500] =	vst v6;
	(pc) =	sbr.rel @p0 .LBB2_12-.Ltmp5, $4  }
0xbe: {  	[tilespmem:s4+$0x2510] =	vst v6  }
0xbf: {  	[tilespmem:s4+$0x2520] =	vst v6  }
0xc0: {  	[tilespmem:s4+$0x2530] =	vst v6  }
0xc1: {  	[tilespmem:s4+$0x2540] =	vst v6;
	s4 =	sshra.s32 s10, $0x2;
	s10 =	sadd.s32 $0x200, s10  }
0xc2: {  	[tilespmem:s4+$0x2550] =	vst v6  }
0xc3: {  	[tilespmem:s4+$0x24E0] =	vst v6  }
0xc4: {  	[tilespmem:s4+$0x24F0] =	vst v6  }
0xc5: {  	[tilespmem:s4+$0x2500] =	vst v6  }
0xc6: {  	[tilespmem:s4+$0x2510] =	vst v6  }
0xc7: {  	[tilespmem:s4+$0x2520] =	vst v6  }
0xc8: {  	[tilespmem:s4+$0x2530] =	vst v6  }
0xc9: {  	[tilespmem:s4+$0x2540] =	vst v6;
	s28 =	sadd.s32 $0x0, s20  }
0xca: {  	[spmem:s28] =	stream.linear.scatter [tilespmem:s9], [sflag:$0x5], $0xC80, $0x38;
	[tilespmem:$0x1FB80] =	vst v63  }
0xcb: {  	_ =	swait.ge [sflag:s22], $0xC80  }
0xcc: {  	s4 =	simm.s32 $0x3200;
	s30 =	rddreg [dreg:$0x7]  }
.LBB2_14:
0xcd: {  	s10 =	sshra.s32 s4, $0x2;
	[sflag:s22] =	ssyncset.done $0x0;
	p0 =	sne.s32 s4, $0x4B000  }
.Ltmp6:
0xce: {  	s10 =	sadd.s32 s10, s20;
	[sflag:s22] =	ssyncadd.s32 $0xFFFFF380;
	(pc) =	sbr.rel @p0 .LBB2_14-.Ltmp6, $3  }
0xcf: {  	[spmem:s10] =	stream.linear.scatter [tilespmem:s9], [sflag:$0x5], $0xC80, $0x38;
	[tilespmem:$0x1FB80] =	vst v63  }
0xd0: {  	s4 =	sadd.s32 $0x3200, s4;
	_ =	sdelay $0x1  }
0xd1: {  	_ =	swait.ge [sflag:s22], $0xC80  }
0xd2: {  	[sflag:s22] =	ssyncset.done $0x0  }
0xd3: {  	[sflag:s22] =	ssyncadd.s32 $0xFFFFF380  }
0xd4: {  	[bflag:$0x0] =	sbarrier.arrive $0xFFFF  }
0xd5: {  	s26 =	simm.s32 $0x0;
	s4 =	rddreg [dreg:$0x8]  }
0xd6: {  	[tilespmem:s26], [sflag:$0x5] =	stream.linear.gather [hbm4b:s4+s26], $0x50, $0x38;
	[tilespmem:$0x1FB80] =	vst v63  }
0xd7: {  	_ =	swait.ge [sflag:s22], $0x50  }
0xd8: {  	[sflag:s22] =	ssyncset.done $0x0  }
0xd9: {  	s10 =	rddreg [dreg:$0x9];
	[sflag:s22] =	ssyncadd.s32 $0xFFFFFFB0  }
0xda: {  	[tilespmem:s24], [sflag:$0x5] =	stream.linear.gather [hbm4b:s10+s26], $0x50, $0x38;
	[tilespmem:$0x1FB80] =	vst v63  }
0xdb: {  	_ =	swait.ge [sflag:s22], $0x50  }
0xdc: {  	[sflag:s22] =	ssyncset.done $0x0  }
0xdd: {  	[sflag:s22] =	ssyncadd.s32 $0xFFFFFFB0  }
0xde: {  	v8 =	vld [tilespmem:$0x0]  }
0xdf: {  	v9 =	vld [tilespmem:$0x10]  }
0xe0: {  	v10 =	vld [tilespmem:$0x20]  }
0xe1: {  	v11 =	vld [tilespmem:$0x30]  }
0xe2: {  	v12 =	vld [tilespmem:$0x40]  }
0xe3: {  	v8 =	vadd.s32 v0, v8  }
0xe4: {  	[tilespmem:$0x140] =	vst v8;
	v8 =	vadd.s32 v0, v9  }
0xe5: {  	[tilespmem:$0x150] =	vst v8;
	v8 =	vadd.s32 v0, v10  }
0xe6: {  	[tilespmem:$0x160] =	vst v8;
	v8 =	vadd.s32 v0, v11  }
0xe7: {  	[tilespmem:$0x170] =	vst v8;
	v8 =	vadd.s32 v0, v12  }
0xe8: {  	s11 =	simm.s32 $0x140;
	[tilespmem:$0x180] =	vst v8  }
0xe9: {  	[tilespmem:s9], [sflag:$0x1] =	stream.indirect.gather [hbm4b:s8+s25], $0x80, s11, s25, $0xb8;
	[tilespmem:$0x1FB80] =	vst v63  }
0xea: {  	s12 =	simm.s32 $0x1E0  }
0xeb: {  	[tilespmem:s12], [sflag:$0x3] =	stream.indirect.gather [spmem:s1], $0x10, s26, s25, $0xb8;
	[tilespmem:$0x1FB80] =	vst v63  }
0xec: {  	s17 =	simm.s32 $0xBE0  }
0xed: {  	[tilespmem:s17], [sflag:$0x3] =	stream.indirect.gather [spmem:s1], $0x10, s24, s25, $0xb8;
	[tilespmem:$0x1FB80] =	vst v63  }
0xee: {  	s21 =	simm.s32 $0x15E0;
	s28 =	simm.s32 $0x0  }
0xef: {  	[tilespmem:s21], [sflag:$0x3] =	stream.indirect.gather [spmem:s2], $0x10, s24, s25, $0xb8;
	[tilespmem:$0x1FB80] =	vst v63  }
.LBB2_16:
0xf0: {  	s10 =	smul.u32 $0xA0, s28;
	_ =	sdelay $0x1  }
0xf1: {  	s4 =	sadd.s32 s10, s13  }
0xf2: {  	s4 =	sshrl.u32 s4, $0x3  }
0xf3: {  	s11 =	sadd.s32 s6, s4  }
0xf4: {  	[tilespmem:s25], [sflag:$0x5] =	stream.linear.gather [hbm4b:s11+s26], $0x50, $0x38;
	[tilespmem:$0x1FB80] =	vst v63  }
0xf5: {  	_ =	swait.ge [sflag:s22], $0x50  }
0xf6: {  	[sflag:s22] =	ssyncset.done $0x0  }
0xf7: {  	s4 =	sadd.s32 s7, s4;
	[sflag:s22] =	ssyncadd.s32 $0xFFFFFFB0  }
0xf8: {  	[tilespmem:s29], [sflag:$0x5] =	stream.linear.gather [hbm4b:s4+s26], $0x50, $0x38;
	[tilespmem:$0x1FB80] =	vst v63  }
0xf9: {  	_ =	swait.ge [sflag:s22], $0x50  }
0xfa: {  	[sflag:s22] =	ssyncset.done $0x0  }
0xfb: {  	[sflag:s22] =	ssyncadd.s32 $0xFFFFFFB0  }
0xfc: {  	v8 =	vld [tilespmem:$0x50]  }
0xfd: {  	v9 =	vld [tilespmem:$0x60]  }
0xfe: {  	v10 =	vld [tilespmem:$0x70]  }
0xff: {  	v11 =	vld [tilespmem:$0x80]  }
0x100: {  	v12 =	vld [tilespmem:$0x90]  }
0x101: {  	v8 =	vadd.s32 v0, v8  }
0x102: {  	[tilespmem:$0x190] =	vst v8;
	v8 =	vadd.s32 v0, v9  }
0x103: {  	[tilespmem:$0x1A0] =	vst v8;
	v8 =	vadd.s32 v0, v10  }
0x104: {  	[tilespmem:$0x1B0] =	vst v8;
	v8 =	vadd.s32 v0, v11  }
0x105: {  	[tilespmem:$0x1C0] =	vst v8;
	v8 =	vadd.s32 v0, v12  }
0x106: {  	s11 =	simm.s32 $0x190;
	[tilespmem:$0x1D0] =	vst v8  }
0x107: {  	[tilespmem:s18], [sflag:$0x2] =	stream.indirect.gather [hbm4b:s8+s25], $0x80, s11, s25, $0xb8;
	[tilespmem:$0x1FB80] =	vst v63  }
0x108: {  	s12 =	simm.s32 $0x6E0  }
0x109: {  	[tilespmem:s12], [sflag:$0x4] =	stream.indirect.gather [spmem:s1], $0x10, s25, s25, $0xb8;
	[tilespmem:$0x1FB80] =	vst v63  }
0x10a: {  	_ = 	snop  }
0x10b: {  	[tilespmem:s31], [sflag:$0x4] =	stream.indirect.gather [spmem:s1], $0x10, s29, s25, $0xb8;
	[tilespmem:$0x1FB80] =	vst v63  }
0x10c: {  	s17 =	simm.s32 $0x1AE0  }
0x10d: {  	[tilespmem:s17], [sflag:$0x4] =	stream.indirect.gather [spmem:s2], $0x10, s29, s25, $0xb8;
	[tilespmem:$0x1FB80] =	vst v63  }
0x10e: {  	_ =	swait.ge [sflag:s0], $0x500  }
0x10f: {  	[sflag:s0] =	ssyncset.done $0x0  }
0x110: {  	[sflag:s0] =	ssyncadd.s32 $0xFFFFFB00  }
0x111: {  	_ =	swait.ge [sflag:s0], $0x500  }
0x112: {  	[sflag:s0] =	ssyncset.done $0x0  }
0x113: {  	[sflag:s0] =	ssyncadd.s32 $0xFFFFFB00  }
0x114: {  	_ =	swait.ge [sflag:s0], $0x500  }
0x115: {  	[sflag:s0] =	ssyncset.done $0x0  }
0x116: {  	[sflag:s0] =	ssyncadd.s32 $0xFFFFFB00  }
0x117: {  	_ =	swait.ge [sflag:s15], $0x2800  }
0x118: {  	[sflag:s15] =	ssyncset.done $0x0  }
0x119: {  	s21 =	simm.s32 $0x0;
	[sflag:s15] =	ssyncadd.s32 $0xFFFFD800  }
0x11a: {  	v8 =	vld [tilespmem:s21+$0xBE0];
	_ =	sdelay $0x1  }
0x11b: {  	v52 =	vld [tilespmem:s21+$0x1E0];
	_ =	sdelay $0x2  }
0x11c: {  	v8 =	vperm.xlane v8, v7  }
0x11d: {  	v53 =	vld [tilespmem:s21+$0x15E0]  }
0x11e: {  	v8 =	vadd.f32 v8, v52;
	_ =	sdelay $0x1  }
0x11f: {  	v9 =	vmul.f32 $2.000000030e-01, v8;
	_ =	sdelay $0x1  }
0x120: {  	v54 =	vadd.f32 $9.999999710e-10, v53;
	v8 =	vmax.f32 v8, v9  }
0x121: {  	v8 =	vmul.f32 $1.442695020e+00, v8  }
0x122: {  	(erf) = vrcp.f32 v54  }
0x123: {  	(erf) = vpow2.f32 v8;
	_ =	sdelay $0x7  }
0x124: {  	s11 =	simm.s32 $0x2520;
	v8 =	vpop (erf)  }
0x125: {  	v55 =	vld [tilespmem:s11+$0x30];
	v56 =	vpop (erf)  }
0x126: {  	v57 =	vld [tilespmem:s11+$0x20];
	v8 =	vmul.f32 v56, v8  }
0x127: {  	v58 =	vld [tilespmem:s11+$0x10]  }
0x128: {  	v59 =	vld [tilespmem:s11+$0x0];
	v13 =	vperm.xlane v8, v3  }
0x129: {  	v14 =	vld [tilespmem:s11+$0xFFFFFFF0]  }
0x12a: {  	v15 =	vld [tilespmem:s11+$0xFFFFFFE0];
	v9 =	vmul.f32 v55, v13  }
0x12b: {  	v16 =	vld [tilespmem:s11+$0xFFFFFFD0];
	v11 =	vmul.f32 v57, v13  }
0x12c: {  	v17 =	vld [tilespmem:s11+$0xFFFFFFC0];
	v8 =	vperm.xlane v8, v2;
	v10 =	vmul.f32 v58, v13;
	[tilespmem:s11+$0x30] =	vst v9  }
0x12d: {  	v60 =	vmul.f32 v59, v13;
	[tilespmem:s11+$0x20] =	vst v11  }
0x12e: {  	v61 =	vmul.f32 v14, v8;
	[tilespmem:s11+$0x10] =	vst v10  }
0x12f: {  	v62 =	vmul.f32 v15, v8;
	[tilespmem:s11+$0x0] =	vst v60  }
0x130: {  	v63 =	vmul.f32 v16, v8;
	[tilespmem:s11+$0xFFFFFFF0] =	vst v61  }
0x131: {  	v8 =	vmul.f32 v17, v8;
	[tilespmem:s11+$0xFFFFFFE0] =	vst v62  }
0x132: {  	[tilespmem:s11+$0xFFFFFFD0] =	vst v63  }
0x133: {  	s4 =	simm.s32 $0x10;
	s12 =	simm.s32 $0x80;
	[tilespmem:s11+$0xFFFFFFC0] =	vst v8  }
.LBB2_17:
0x134: {  	p0 =	sne.s32 s12, $0x13C0;
	v8 =	vld [tilespmem:s4+$0xBE0]  }
0x135: {  	v9 =	vld [tilespmem:s4+$0x1E0]  }
0x136: {  	v10 =	vld [tilespmem:s4+$0x15E0];
	_ =	sdelay $0x2  }
0x137: {  	v8 =	vperm.xlane v8, v7;
	_ =	sdelay $0x1  }
0x138: {  	v8 =	vadd.f32 v8, v9;
	_ =	sdelay $0x1  }
0x139: {  	v9 =	vmul.f32 $2.000000030e-01, v8;
	_ =	sdelay $0x1  }
0x13a: {  	v8 =	vmax.f32 v8, v9;
	v9 =	vadd.f32 $9.999999710e-10, v10  }
0x13b: {  	v8 =	vmul.f32 $1.442695020e+00, v8  }
0x13c: {  	(erf) = vrcp.f32 v9  }
0x13d: {  	(erf) = vpow2.f32 v8;
	_ =	sdelay $0x3  }
0x13e: {  	s11 =	sadd.s32 $0x80, s11  }
0x13f: {  	v8 =	vld [tilespmem:s11+$0xFFFFFFF0]  }
0x140: {  	v9 =	vld [tilespmem:s11+$0x30]  }
0x141: {  	v10 =	vld [tilespmem:s11+$0x20]  }
0x142: {  	v11 =	vld [tilespmem:s11+$0x10];
	v12 =	vpop (erf)  }
0x143: {  	v13 =	vld [tilespmem:s11+$0x0];
	v14 =	vpop (erf)  }
0x144: {  	v12 =	vmul.f32 v14, v12;
	v14 =	vld [tilespmem:s11+$0xFFFFFFE0]  }
0x145: {  	v15 =	vld [tilespmem:s11+$0xFFFFFFD0]  }
0x146: {  	v16 =	vperm.xlane v12, v2;
	v12 =	vperm.xlane v12, v3;
	v17 =	vld [tilespmem:s11+$0xFFFFFFC0];
	_ =	sdelay $0x1  }
0x147: {  	v10 =	vmul.f32 v10, v12;
	v9 =	vmul.f32 v9, v12  }
0x148: {  	v13 =	vmul.f32 v13, v12;
	v11 =	vmul.f32 v11, v12  }
0x149: {  	v8 =	vmul.f32 v8, v16;
	v12 =	vmul.f32 v14, v16;
	[tilespmem:s11+$0x30] =	vst v9  }
0x14a: {  	v14 =	vmul.f32 v15, v16;
	v9 =	vmul.f32 v17, v16;
	[tilespmem:s11+$0x20] =	vst v10  }
0x14b: {  	[tilespmem:s11+$0x10] =	vst v11  }
.Ltmp7:
0x14c: {  	[tilespmem:s11+$0x0] =	vst v13;
	(pc) =	sbr.rel @p0 .LBB2_17-.Ltmp7, $4  }
0x14d: {  	[tilespmem:s11+$0xFFFFFFF0] =	vst v8  }
0x14e: {  	[tilespmem:s11+$0xFFFFFFE0] =	vst v12  }
0x14f: {  	[tilespmem:s11+$0xFFFFFFD0] =	vst v14  }
0x150: {  	s4 =	sshra.s32 s12, $0x2;
	s12 =	sadd.s32 $0x40, s12;
	[tilespmem:s11+$0xFFFFFFC0] =	vst v9  }
0x151: {  	v8 =	vld [tilespmem:s4+$0xBE0];
	_ =	sdelay $0x1  }
0x152: {  	v9 =	vld [tilespmem:s4+$0x1E0];
	_ =	sdelay $0x2  }
0x153: {  	v8 =	vperm.xlane v8, v7  }
0x154: {  	v10 =	vld [tilespmem:s4+$0x15E0]  }
0x155: {  	v8 =	vadd.f32 v8, v9;
	_ =	sdelay $0x1  }
0x156: {  	v9 =	vmul.f32 $2.000000030e-01, v8;
	_ =	sdelay $0x1  }
0x157: {  	v39 =	vadd.f32 $9.999999710e-10, v10;
	v8 =	vmax.f32 v8, v9  }
0x158: {  	v8 =	vmul.f32 $1.442695020e+00, v8  }
0x159: {  	(erf) = vrcp.f32 v39  }
0x15a: {  	(erf) = vpow2.f32 v8;
	_ =	sdelay $0x7  }
0x15b: {  	s17 =	sadd.s32 $0x80, s11;
	v8 =	vpop (erf)  }
0x15c: {  	v40 =	vld [tilespmem:s17+$0x30];
	v41 =	vpop (erf)  }
0x15d: {  	v11 =	vld [tilespmem:s17+$0x20];
	v8 =	vmul.f32 v41, v8  }
0x15e: {  	v42 =	vld [tilespmem:s17+$0x10]  }
0x15f: {  	v12 =	vld [tilespmem:s17+$0x0];
	v13 =	vperm.xlane v8, v3  }
0x160: {  	v14 =	vld [tilespmem:s17+$0xFFFFFFF0]  }
0x161: {  	v15 =	vld [tilespmem:s17+$0xFFFFFFE0];
	v9 =	vmul.f32 v40, v13  }
0x162: {  	v16 =	vld [tilespmem:s17+$0xFFFFFFD0];
	v11 =	vmul.f32 v11, v13  }
0x163: {  	v17 =	vld [tilespmem:s17+$0xFFFFFFC0];
	v8 =	vperm.xlane v8, v2;
	v10 =	vmul.f32 v42, v13;
	[tilespmem:s17+$0x30] =	vst v9  }
0x164: {  	v43 =	vmul.f32 v12, v13;
	[tilespmem:s17+$0x20] =	vst v11  }
0x165: {  	v44 =	vmul.f32 v14, v8;
	[tilespmem:s17+$0x10] =	vst v10  }
0x166: {  	v45 =	vmul.f32 v15, v8;
	[tilespmem:s17+$0x0] =	vst v43  }
0x167: {  	v46 =	vmul.f32 v16, v8;
	[tilespmem:s17+$0xFFFFFFF0] =	vst v44  }
0x168: {  	v8 =	vmul.f32 v17, v8;
	[tilespmem:s17+$0xFFFFFFE0] =	vst v45  }
0x169: {  	[tilespmem:s17+$0xFFFFFFD0] =	vst v46  }
0x16a: {  	p0 =	seq.s32 s28, $0x7C;
	[tilespmem:s17+$0xFFFFFFC0] =	vst v8  }
0x16b: {  	[spmem:s3] =	stream.indirect.scatter.add.f32 [tilespmem:s9], [sflag:$0x5], $0x80, s24, s25, $0xb8;
	[tilespmem:$0x1FB80] =	vst v63  }
0x16c: {  	s4 =	sadd.s32 @!p0 s10, s14;
	_ =	swait.ge [sflag:s22], $0x2800  }
0x16d: {  	s4 =	sshrl.u32 @!p0 s4, $0x3;
	[sflag:s22] =	ssyncset.done $0x0  }
0x16e: {  	s11 =	simm.s32 @!p0 $0x0;
	s10 =	sadd.s32 @!p0 s6, s4;
	[sflag:s22] =	ssyncadd.s32 $0xFFFFD800  }
0x16f: {  	[tilespmem:s11], [sflag:$0x5] =	stream.linear.gather @!p0 [hbm4b:s10+s11], $0x50, $0x38;
	[tilespmem:$0x1FB80] =	vst v63  }
0x170: {  	s10 =	simm.s32 @!p0 $0x5  }
0x171: {  	_ =	swait.ge @!p0 [sflag:s10], $0x50  }
0x172: {  	[sflag:s10] =	ssyncset.done @!p0 $0x0  }
0x173: {  	s12 =	simm.s32 @!p0 $0xA0;
	s4 =	sadd.s32 @!p0 s7, s4;
	[sflag:s10] =	ssyncadd.s32 @!p0 $0xFFFFFFB0  }
0x174: {  	[tilespmem:s12], [sflag:$0x5] =	stream.linear.gather @!p0 [hbm4b:s4+s11], $0x50, $0x38;
	[tilespmem:$0x1FB80] =	vst v63  }
0x175: {  	_ =	swait.ge @!p0 [sflag:s10], $0x50  }
0x176: {  	[sflag:s10] =	ssyncset.done @!p0 $0x0  }
0x177: {  	[sflag:s10] =	ssyncadd.s32 @!p0 $0xFFFFFFB0  }
0x178: {  	v8 =	vld @!p0 [tilespmem:$0x0]  }
0x179: {  	v9 =	vld @!p0 [tilespmem:$0x10]  }
0x17a: {  	v10 =	vld @!p0 [tilespmem:$0x20]  }
0x17b: {  	v11 =	vld @!p0 [tilespmem:$0x30]  }
0x17c: {  	v12 =	vld @!p0 [tilespmem:$0x40]  }
0x17d: {  	v8 =	vadd.s32 @!p0 v0, v8  }
0x17e: {  	[tilespmem:$0x140] =	vst @!p0 v8;
	v8 =	vadd.s32 @!p0 v0, v9  }
0x17f: {  	[tilespmem:$0x150] =	vst @!p0 v8;
	v8 =	vadd.s32 @!p0 v0, v10  }
0x180: {  	[tilespmem:$0x160] =	vst @!p0 v8;
	v8 =	vadd.s32 @!p0 v0, v11  }
0x181: {  	[tilespmem:$0x170] =	vst @!p0 v8;
	v8 =	vadd.s32 @!p0 v0, v12  }
0x182: {  	s17 =	simm.s32 @!p0 $0x24E0;
	s4 =	simm.s32 @!p0 $0x50;
	s10 =	simm.s32 @!p0 $0x140;
	[tilespmem:$0x180] =	vst @!p0 v8  }
0x183: {  	[tilespmem:s17], [sflag:$0x1] =	stream.indirect.gather @!p0 [hbm4b:s8+s4], $0x80, s10, s4, $0xb8;
	[tilespmem:$0x1FB80] =	vst v63  }
0x184: {  	s10 =	simm.s32 @!p0 $0x1E0  }
0x185: {  	[tilespmem:s10], [sflag:$0x3] =	stream.indirect.gather @!p0 [spmem:s1], $0x10, s11, s4, $0xb8;
	[tilespmem:$0x1FB80] =	vst v63  }
0x186: {  	s10 =	simm.s32 @!p0 $0xBE0  }
0x187: {  	[tilespmem:s10], [sflag:$0x3] =	stream.indirect.gather @!p0 [spmem:s1], $0x10, s12, s4, $0xb8;
	[tilespmem:$0x1FB80] =	vst v63  }
0x188: {  	s10 =	simm.s32 @!p0 $0x15E0  }
0x189: {  	[tilespmem:s10], [sflag:$0x3] =	stream.indirect.gather @!p0 [spmem:s2], $0x10, s12, s4, $0xb8;
	[tilespmem:$0x1FB80] =	vst v63  }
0x18a: {  	_ =	swait.ge [sflag:s5], $0x500  }
0x18b: {  	[sflag:s5] =	ssyncset.done $0x0  }
0x18c: {  	[sflag:s5] =	ssyncadd.s32 $0xFFFFFB00  }
0x18d: {  	_ =	swait.ge [sflag:s5], $0x500  }
0x18e: {  	[sflag:s5] =	ssyncset.done $0x0  }
0x18f: {  	[sflag:s5] =	ssyncadd.s32 $0xFFFFFB00  }
0x190: {  	_ =	swait.ge [sflag:s5], $0x500  }
0x191: {  	[sflag:s5] =	ssyncset.done $0x0  }
0x192: {  	[sflag:s5] =	ssyncadd.s32 $0xFFFFFB00  }
0x193: {  	_ =	swait.ge [sflag:s16], $0x2800  }
0x194: {  	[sflag:s16] =	ssyncset.done $0x0  }
0x195: {  	s21 =	simm.s32 $0x0;
	[sflag:s16] =	ssyncadd.s32 $0xFFFFD800  }
0x196: {  	v8 =	vld [tilespmem:s21+$0x10E0];
	_ =	sdelay $0x1  }
0x197: {  	v47 =	vld [tilespmem:s21+$0x6E0];
	_ =	sdelay $0x2  }
0x198: {  	v8 =	vperm.xlane v8, v7  }
0x199: {  	v48 =	vld [tilespmem:s21+$0x1AE0]  }
0x19a: {  	v8 =	vadd.f32 v8, v47;
	_ =	sdelay $0x1  }
0x19b: {  	v9 =	vmul.f32 $2.000000030e-01, v8;
	_ =	sdelay $0x1  }
0x19c: {  	v49 =	vadd.f32 $9.999999710e-10, v48;
	v8 =	vmax.f32 v8, v9  }
0x19d: {  	v8 =	vmul.f32 $1.442695020e+00, v8  }
0x19e: {  	(erf) = vrcp.f32 v49  }
0x19f: {  	(erf) = vpow2.f32 v8;
	_ =	sdelay $0x7  }
0x1a0: {  	s10 =	simm.s32 $0x4D20;
	v8 =	vpop (erf)  }
0x1a1: {  	v50 =	vld [tilespmem:s10+$0x30];
	v51 =	vpop (erf)  }
0x1a2: {  	v52 =	vld [tilespmem:s10+$0x20];
	v8 =	vmul.f32 v51, v8  }
0x1a3: {  	v53 =	vld [tilespmem:s10+$0x10]  }
0x1a4: {  	v54 =	vld [tilespmem:s10+$0x0];
	v55 =	vperm.xlane v8, v3  }
0x1a5: {  	v56 =	vld [tilespmem:s10+$0xFFFFFFF0]  }
0x1a6: {  	v57 =	vld [tilespmem:s10+$0xFFFFFFE0];
	v9 =	vmul.f32 v50, v55  }
0x1a7: {  	v58 =	vld [tilespmem:s10+$0xFFFFFFD0];
	v11 =	vmul.f32 v52, v55  }
0x1a8: {  	v59 =	vld [tilespmem:s10+$0xFFFFFFC0];
	v8 =	vperm.xlane v8, v2;
	v10 =	vmul.f32 v53, v55;
	[tilespmem:s10+$0x30] =	vst v9  }
0x1a9: {  	v60 =	vmul.f32 v54, v55;
	[tilespmem:s10+$0x20] =	vst v11  }
0x1aa: {  	v61 =	vmul.f32 v56, v8;
	[tilespmem:s10+$0x10] =	vst v10  }
0x1ab: {  	v62 =	vmul.f32 v57, v8;
	[tilespmem:s10+$0x0] =	vst v60  }
0x1ac: {  	v63 =	vmul.f32 v58, v8;
	[tilespmem:s10+$0xFFFFFFF0] =	vst v61  }
0x1ad: {  	v8 =	vmul.f32 v59, v8;
	[tilespmem:s10+$0xFFFFFFE0] =	vst v62  }
0x1ae: {  	[tilespmem:s10+$0xFFFFFFD0] =	vst v63  }
0x1af: {  	s11 =	simm.s32 $0x80;
	s4 =	simm.s32 $0x10;
	[tilespmem:s10+$0xFFFFFFC0] =	vst v8  }
.LBB2_19:
0x1b0: {  	p0 =	sne.s32 s11, $0x13C0;
	v8 =	vld [tilespmem:s4+$0x10E0]  }
0x1b1: {  	v9 =	vld [tilespmem:s4+$0x6E0]  }
0x1b2: {  	v10 =	vld [tilespmem:s4+$0x1AE0];
	_ =	sdelay $0x2  }
0x1b3: {  	v8 =	vperm.xlane v8, v7;
	_ =	sdelay $0x1  }
0x1b4: {  	v8 =	vadd.f32 v8, v9;
	_ =	sdelay $0x1  }
0x1b5: {  	v9 =	vmul.f32 $2.000000030e-01, v8;
	_ =	sdelay $0x1  }
0x1b6: {  	v8 =	vmax.f32 v8, v9;
	v9 =	vadd.f32 $9.999999710e-10, v10  }
0x1b7: {  	v8 =	vmul.f32 $1.442695020e+00, v8  }
0x1b8: {  	(erf) = vrcp.f32 v9  }
0x1b9: {  	(erf) = vpow2.f32 v8;
	_ =	sdelay $0x3  }
0x1ba: {  	s10 =	sadd.s32 $0x80, s10  }
0x1bb: {  	v8 =	vld [tilespmem:s10+$0xFFFFFFF0]  }
0x1bc: {  	v9 =	vld [tilespmem:s10+$0x30]  }
0x1bd: {  	v10 =	vld [tilespmem:s10+$0x20]  }
0x1be: {  	v11 =	vld [tilespmem:s10+$0x10];
	v12 =	vpop (erf)  }
0x1bf: {  	v13 =	vld [tilespmem:s10+$0x0];
	v14 =	vpop (erf)  }
0x1c0: {  	v12 =	vmul.f32 v14, v12;
	v14 =	vld [tilespmem:s10+$0xFFFFFFE0]  }
0x1c1: {  	v15 =	vld [tilespmem:s10+$0xFFFFFFD0]  }
0x1c2: {  	v16 =	vperm.xlane v12, v2;
	v12 =	vperm.xlane v12, v3;
	v17 =	vld [tilespmem:s10+$0xFFFFFFC0];
	_ =	sdelay $0x1  }
0x1c3: {  	v10 =	vmul.f32 v10, v12;
	v9 =	vmul.f32 v9, v12  }
0x1c4: {  	v13 =	vmul.f32 v13, v12;
	v11 =	vmul.f32 v11, v12  }
0x1c5: {  	v8 =	vmul.f32 v8, v16;
	v12 =	vmul.f32 v14, v16;
	[tilespmem:s10+$0x30] =	vst v9  }
0x1c6: {  	v14 =	vmul.f32 v15, v16;
	v9 =	vmul.f32 v17, v16;
	[tilespmem:s10+$0x20] =	vst v10  }
0x1c7: {  	[tilespmem:s10+$0x10] =	vst v11  }
.Ltmp8:
0x1c8: {  	[tilespmem:s10+$0x0] =	vst v13;
	(pc) =	sbr.rel @p0 .LBB2_19-.Ltmp8, $4  }
0x1c9: {  	[tilespmem:s10+$0xFFFFFFF0] =	vst v8  }
0x1ca: {  	[tilespmem:s10+$0xFFFFFFE0] =	vst v12  }
0x1cb: {  	[tilespmem:s10+$0xFFFFFFD0] =	vst v14  }
0x1cc: {  	s4 =	sshra.s32 s11, $0x2;
	s11 =	sadd.s32 $0x40, s11;
	[tilespmem:s10+$0xFFFFFFC0] =	vst v9  }
0x1cd: {  	v8 =	vld [tilespmem:s4+$0x10E0];
	_ =	sdelay $0x1  }
0x1ce: {  	v9 =	vld [tilespmem:s4+$0x6E0];
	_ =	sdelay $0x2  }
0x1cf: {  	v8 =	vperm.xlane v8, v7  }
0x1d0: {  	v10 =	vld [tilespmem:s4+$0x1AE0]  }
0x1d1: {  	v8 =	vadd.f32 v8, v9;
	_ =	sdelay $0x1  }
0x1d2: {  	v9 =	vmul.f32 $2.000000030e-01, v8;
	_ =	sdelay $0x1  }
0x1d3: {  	v56 =	vadd.f32 $9.999999710e-10, v10;
	v8 =	vmax.f32 v8, v9  }
0x1d4: {  	v8 =	vmul.f32 $1.442695020e+00, v8  }
0x1d5: {  	(erf) = vrcp.f32 v56  }
0x1d6: {  	(erf) = vpow2.f32 v8;
	_ =	sdelay $0x7  }
0x1d7: {  	s21 =	sadd.s32 $0x80, s10;
	v8 =	vpop (erf)  }
0x1d8: {  	v57 =	vld [tilespmem:s21+$0x30];
	v58 =	vpop (erf)  }
0x1d9: {  	v11 =	vld [tilespmem:s21+$0x20];
	v8 =	vmul.f32 v58, v8  }
0x1da: {  	v59 =	vld [tilespmem:s21+$0x10]  }
0x1db: {  	v12 =	vld [tilespmem:s21+$0x0];
	v13 =	vperm.xlane v8, v3  }
0x1dc: {  	v14 =	vld [tilespmem:s21+$0xFFFFFFF0]  }
0x1dd: {  	v15 =	vld [tilespmem:s21+$0xFFFFFFE0];
	v9 =	vmul.f32 v57, v13  }
0x1de: {  	v16 =	vld [tilespmem:s21+$0xFFFFFFD0];
	v11 =	vmul.f32 v11, v13  }
0x1df: {  	v17 =	vld [tilespmem:s21+$0xFFFFFFC0];
	v8 =	vperm.xlane v8, v2;
	v10 =	vmul.f32 v59, v13;
	[tilespmem:s21+$0x30] =	vst v9  }
0x1e0: {  	v60 =	vmul.f32 v12, v13;
	[tilespmem:s21+$0x20] =	vst v11  }
0x1e1: {  	v61 =	vmul.f32 v14, v8;
	[tilespmem:s21+$0x10] =	vst v10  }
0x1e2: {  	v62 =	vmul.f32 v15, v8;
	[tilespmem:s21+$0x0] =	vst v60  }
0x1e3: {  	v63 =	vmul.f32 v16, v8;
	[tilespmem:s21+$0xFFFFFFF0] =	vst v61  }
0x1e4: {  	s28 =	sadd.s32 $0x1, s28;
	v8 =	vmul.f32 v17, v8;
	[tilespmem:s21+$0xFFFFFFE0] =	vst v62  }
0x1e5: {  	p0 =	sne.s32 s28, $0x7D;
	[tilespmem:s21+$0xFFFFFFD0] =	vst v63  }
.Ltmp9:
0x1e6: {  	[tilespmem:s21+$0xFFFFFFC0] =	vst v8;
	(pc) =	sbr.rel @p0 .LBB2_16-.Ltmp9, $4  }
0x1e7: {  	[spmem:s3] =	stream.indirect.scatter.add.f32 [tilespmem:s18], [sflag:$0x5], $0x80, s29, s25, $0xb8;
	[tilespmem:$0x1FB80] =	vst v63  }
0x1e8: {  	_ =	swait.ge [sflag:s22], $0x2800  }
0x1e9: {  	[sflag:s22] =	ssyncset.done $0x0  }
0x1ea: {  	[sflag:s22] =	ssyncadd.s32 $0xFFFFD800  }
0x1eb: {  	[bflag:$0x0] =	sbarrier.arrive $0xFFFF  }
0x1ec: {  	s4 =	rddreg [dreg:$0xb]  }
0x1ed: {  	s28 =	rddreg [dreg:$0xa];
	s26 =	sshrl.u32 s4, $0x3  }
0x1ee: {  	[hbm:s28], [sflag:s30] =	dma.local [spmem:s26], $0x2710  }
0x1ef: {  	_ =	swait.ge [sflag:s22], $0x2710  }
0x1f0: {  	[sflag:s22] =	ssyncset.done $0x0  }
0x1f1: {  	[sflag:s22] =	ssyncadd.s32 $0xFFFFD8F0  }
0x1f2: {  	s10 =	simm.s32 $0x200;
	s4 =	simm.s32 $0x0;
	[bflag:$0x0] =	sbarrier.arrive $0xFFFF  }
.LBB2_22:
0x1f3: {  	p0 =	sne.s32 s10, $0x9E00;
	[tilespmem:s4+$0x2550] =	vst v6  }
0x1f4: {  	[tilespmem:s4+$0x24E0] =	vst v6  }
0x1f5: {  	[tilespmem:s4+$0x24F0] =	vst v6  }
.Ltmp10:
0x1f6: {  	[tilespmem:s4+$0x2500] =	vst v6;
	(pc) =	sbr.rel @p0 .LBB2_22-.Ltmp10, $4  }
0x1f7: {  	[tilespmem:s4+$0x2510] =	vst v6  }
0x1f8: {  	[tilespmem:s4+$0x2520] =	vst v6  }
0x1f9: {  	[tilespmem:s4+$0x2530] =	vst v6  }
0x1fa: {  	[tilespmem:s4+$0x2540] =	vst v6;
	s4 =	sshra.s32 s10, $0x2;
	s10 =	sadd.s32 $0x200, s10  }
0x1fb: {  	[tilespmem:s4+$0x2550] =	vst v6  }
0x1fc: {  	[tilespmem:s4+$0x24E0] =	vst v6  }
0x1fd: {  	[tilespmem:s4+$0x24F0] =	vst v6  }
0x1fe: {  	[tilespmem:s4+$0x2500] =	vst v6  }
0x1ff: {  	[tilespmem:s4+$0x2510] =	vst v6  }
0x200: {  	[tilespmem:s4+$0x2520] =	vst v6  }
0x201: {  	[tilespmem:s4+$0x2530] =	vst v6  }
0x202: {  	[tilespmem:s4+$0x2540] =	vst v6;
	s28 =	sadd.s32 $0x0, s20  }
0x203: {  	[spmem:s28] =	stream.linear.scatter [tilespmem:s9], [sflag:$0x5], $0xC80, $0x38;
	[tilespmem:$0x1FB80] =	vst v63  }
0x204: {  	s4 =	simm.s32 $0x3200;
	_ =	swait.ge [sflag:s22], $0xC80  }
.LBB2_24:
0x205: {  	s10 =	sshra.s32 s4, $0x2;
	[sflag:s22] =	ssyncset.done $0x0;
	p0 =	sne.s32 s4, $0x4B000  }
.Ltmp11:
0x206: {  	s10 =	sadd.s32 s10, s20;
	[sflag:s22] =	ssyncadd.s32 $0xFFFFF380;
	(pc) =	sbr.rel @p0 .LBB2_24-.Ltmp11, $3  }
0x207: {  	[spmem:s10] =	stream.linear.scatter [tilespmem:s9], [sflag:$0x5], $0xC80, $0x38;
	[tilespmem:$0x1FB80] =	vst v63  }
0x208: {  	s4 =	sadd.s32 $0x3200, s4;
	_ =	sdelay $0x1  }
0x209: {  	_ =	swait.ge [sflag:s22], $0xC80  }
0x20a: {  	[sflag:s22] =	ssyncset.done $0x0  }
0x20b: {  	[sflag:s22] =	ssyncadd.s32 $0xFFFFF380  }
0x20c: {  	[bflag:$0x0] =	sbarrier.arrive $0xFFFF  }
0x20d: {  	s28 =	simm.s32 $0x0;
	s4 =	rddreg [dreg:$0x8]  }
0x20e: {  	[tilespmem:s28], [sflag:$0x5] =	stream.linear.gather [hbm4b:s4+s28], $0x50, $0x38;
	[tilespmem:$0x1FB80] =	vst v63  }
0x20f: {  	_ =	swait.ge [sflag:s22], $0x50  }
0x210: {  	[sflag:s22] =	ssyncset.done $0x0  }
0x211: {  	s10 =	rddreg [dreg:$0x9];
	[sflag:s22] =	ssyncadd.s32 $0xFFFFFFB0  }
0x212: {  	[tilespmem:s24], [sflag:$0x5] =	stream.linear.gather [hbm4b:s10+s28], $0x50, $0x38;
	[tilespmem:$0x1FB80] =	vst v63  }
0x213: {  	_ =	swait.ge [sflag:s22], $0x50  }
0x214: {  	[sflag:s22] =	ssyncset.done $0x0  }
0x215: {  	[sflag:s22] =	ssyncadd.s32 $0xFFFFFFB0  }
0x216: {  	v8 =	vld [tilespmem:$0x0]  }
0x217: {  	v9 =	vld [tilespmem:$0x10]  }
0x218: {  	v10 =	vld [tilespmem:$0x20]  }
0x219: {  	v11 =	vld [tilespmem:$0x30]  }
0x21a: {  	v12 =	vld [tilespmem:$0x40]  }
0x21b: {  	v8 =	vadd.s32 v1, v8  }
0x21c: {  	[tilespmem:$0x140] =	vst v8;
	v8 =	vadd.s32 v1, v9  }
0x21d: {  	[tilespmem:$0x150] =	vst v8;
	v8 =	vadd.s32 v1, v10  }
0x21e: {  	[tilespmem:$0x160] =	vst v8;
	v8 =	vadd.s32 v1, v11  }
0x21f: {  	[tilespmem:$0x170] =	vst v8;
	v8 =	vadd.s32 v1, v12  }
0x220: {  	s11 =	simm.s32 $0x140;
	[tilespmem:$0x180] =	vst v8  }
0x221: {  	[tilespmem:s9], [sflag:$0x1] =	stream.indirect.gather [hbm4b:s8+s25], $0x80, s11, s25, $0xb8;
	[tilespmem:$0x1FB80] =	vst v63  }
0x222: {  	s12 =	simm.s32 $0x1E0  }
0x223: {  	[tilespmem:s12], [sflag:$0x3] =	stream.indirect.gather [spmem:s1], $0x10, s28, s25, $0xb8;
	[tilespmem:$0x1FB80] =	vst v63  }
0x224: {  	s17 =	simm.s32 $0xBE0  }
0x225: {  	[tilespmem:s17], [sflag:$0x3] =	stream.indirect.gather [spmem:s1], $0x10, s24, s25, $0xb8;
	[tilespmem:$0x1FB80] =	vst v63  }
0x226: {  	s21 =	simm.s32 $0x15E0;
	s10 =	simm.s32 $0x0  }
0x227: {  	[tilespmem:s21], [sflag:$0x3] =	stream.indirect.gather [spmem:s2], $0x10, s24, s25, $0xb8;
	[tilespmem:$0x1FB80] =	vst v63  }
.LBB2_26:
0x228: {  	s11 =	smul.u32 $0xA0, s10;
	_ =	sdelay $0x1  }
0x229: {  	s4 =	sadd.s32 s11, s13  }
0x22a: {  	s4 =	sshrl.u32 s4, $0x3  }
0x22b: {  	s12 =	sadd.s32 s6, s4  }
0x22c: {  	[tilespmem:s25], [sflag:$0x5] =	stream.linear.gather [hbm4b:s12+s28], $0x50, $0x38;
	[tilespmem:$0x1FB80] =	vst v63  }
0x22d: {  	_ =	swait.ge [sflag:s22], $0x50  }
0x22e: {  	[sflag:s22] =	ssyncset.done $0x0  }
0x22f: {  	s4 =	sadd.s32 s7, s4;
	[sflag:s22] =	ssyncadd.s32 $0xFFFFFFB0  }
0x230: {  	[tilespmem:s29], [sflag:$0x5] =	stream.linear.gather [hbm4b:s4+s28], $0x50, $0x38;
	[tilespmem:$0x1FB80] =	vst v63  }
0x231: {  	_ =	swait.ge [sflag:s22], $0x50  }
0x232: {  	[sflag:s22] =	ssyncset.done $0x0  }
0x233: {  	[sflag:s22] =	ssyncadd.s32 $0xFFFFFFB0  }
0x234: {  	v8 =	vld [tilespmem:$0x50]  }
0x235: {  	v9 =	vld [tilespmem:$0x60]  }
0x236: {  	v10 =	vld [tilespmem:$0x70]  }
0x237: {  	v11 =	vld [tilespmem:$0x80]  }
0x238: {  	v12 =	vld [tilespmem:$0x90]  }
0x239: {  	v8 =	vadd.s32 v1, v8  }
0x23a: {  	[tilespmem:$0x190] =	vst v8;
	v8 =	vadd.s32 v1, v9  }
0x23b: {  	[tilespmem:$0x1A0] =	vst v8;
	v8 =	vadd.s32 v1, v10  }
0x23c: {  	[tilespmem:$0x1B0] =	vst v8;
	v8 =	vadd.s32 v1, v11  }
0x23d: {  	[tilespmem:$0x1C0] =	vst v8;
	v8 =	vadd.s32 v1, v12  }
0x23e: {  	s21 =	simm.s32 $0x190;
	[tilespmem:$0x1D0] =	vst v8  }
0x23f: {  	[tilespmem:s18], [sflag:$0x2] =	stream.indirect.gather [hbm4b:s8+s25], $0x80, s21, s25, $0xb8;
	[tilespmem:$0x1FB80] =	vst v63  }
0x240: {  	s12 =	simm.s32 $0x6E0  }
0x241: {  	[tilespmem:s12], [sflag:$0x4] =	stream.indirect.gather [spmem:s1], $0x10, s25, s25, $0xb8;
	[tilespmem:$0x1FB80] =	vst v63  }
0x242: {  	_ = 	snop  }
0x243: {  	[tilespmem:s31], [sflag:$0x4] =	stream.indirect.gather [spmem:s1], $0x10, s29, s25, $0xb8;
	[tilespmem:$0x1FB80] =	vst v63  }
0x244: {  	s17 =	simm.s32 $0x1AE0  }
0x245: {  	[tilespmem:s17], [sflag:$0x4] =	stream.indirect.gather [spmem:s2], $0x10, s29, s25, $0xb8;
	[tilespmem:$0x1FB80] =	vst v63  }
0x246: {  	_ =	swait.ge [sflag:s0], $0x500  }
0x247: {  	[sflag:s0] =	ssyncset.done $0x0  }
0x248: {  	[sflag:s0] =	ssyncadd.s32 $0xFFFFFB00  }
0x249: {  	_ =	swait.ge [sflag:s0], $0x500  }
0x24a: {  	[sflag:s0] =	ssyncset.done $0x0  }
0x24b: {  	[sflag:s0] =	ssyncadd.s32 $0xFFFFFB00  }
0x24c: {  	_ =	swait.ge [sflag:s0], $0x500  }
0x24d: {  	[sflag:s0] =	ssyncset.done $0x0  }
0x24e: {  	[sflag:s0] =	ssyncadd.s32 $0xFFFFFB00  }
0x24f: {  	_ =	swait.ge [sflag:s15], $0x2800  }
0x250: {  	[sflag:s15] =	ssyncset.done $0x0  }
0x251: {  	s21 =	simm.s32 $0x0;
	[sflag:s15] =	ssyncadd.s32 $0xFFFFD800  }
0x252: {  	v8 =	vld [tilespmem:s21+$0xBE0];
	_ =	sdelay $0x1  }
0x253: {  	v52 =	vld [tilespmem:s21+$0x1E0];
	_ =	sdelay $0x2  }
0x254: {  	v8 =	vperm.xlane v8, v7  }
0x255: {  	v53 =	vld [tilespmem:s21+$0x15E0]  }
0x256: {  	v8 =	vadd.f32 v8, v52;
	_ =	sdelay $0x1  }
0x257: {  	v9 =	vmul.f32 $2.000000030e-01, v8;
	_ =	sdelay $0x1  }
0x258: {  	v54 =	vadd.f32 $9.999999710e-10, v53;
	v8 =	vmax.f32 v8, v9  }
0x259: {  	v8 =	vmul.f32 $1.442695020e+00, v8  }
0x25a: {  	(erf) = vrcp.f32 v54  }
0x25b: {  	(erf) = vpow2.f32 v8;
	_ =	sdelay $0x7  }
0x25c: {  	s12 =	simm.s32 $0x2520;
	v8 =	vpop (erf)  }
0x25d: {  	v55 =	vld [tilespmem:s12+$0x30];
	v56 =	vpop (erf)  }
0x25e: {  	v57 =	vld [tilespmem:s12+$0x20];
	v8 =	vmul.f32 v56, v8  }
0x25f: {  	v58 =	vld [tilespmem:s12+$0x10]  }
0x260: {  	v59 =	vld [tilespmem:s12+$0x0];
	v13 =	vperm.xlane v8, v5  }
0x261: {  	v14 =	vld [tilespmem:s12+$0xFFFFFFF0]  }
0x262: {  	v15 =	vld [tilespmem:s12+$0xFFFFFFE0];
	v9 =	vmul.f32 v55, v13  }
0x263: {  	v16 =	vld [tilespmem:s12+$0xFFFFFFD0];
	v11 =	vmul.f32 v57, v13  }
0x264: {  	v17 =	vld [tilespmem:s12+$0xFFFFFFC0];
	v8 =	vperm.xlane v8, v4;
	v10 =	vmul.f32 v58, v13;
	[tilespmem:s12+$0x30] =	vst v9  }
0x265: {  	v60 =	vmul.f32 v59, v13;
	[tilespmem:s12+$0x20] =	vst v11  }
0x266: {  	v61 =	vmul.f32 v14, v8;
	[tilespmem:s12+$0x10] =	vst v10  }
0x267: {  	v62 =	vmul.f32 v15, v8;
	[tilespmem:s12+$0x0] =	vst v60  }
0x268: {  	v63 =	vmul.f32 v16, v8;
	[tilespmem:s12+$0xFFFFFFF0] =	vst v61  }
0x269: {  	v8 =	vmul.f32 v17, v8;
	[tilespmem:s12+$0xFFFFFFE0] =	vst v62  }
0x26a: {  	[tilespmem:s12+$0xFFFFFFD0] =	vst v63  }
0x26b: {  	s4 =	simm.s32 $0x80;
	s17 =	simm.s32 $0x10;
	[tilespmem:s12+$0xFFFFFFC0] =	vst v8  }
.LBB2_27:
0x26c: {  	p0 =	sne.s32 s4, $0x13C0;
	v8 =	vld [tilespmem:s17+$0xBE0]  }
0x26d: {  	v9 =	vld [tilespmem:s17+$0x1E0]  }
0x26e: {  	v10 =	vld [tilespmem:s17+$0x15E0];
	_ =	sdelay $0x2  }
0x26f: {  	v8 =	vperm.xlane v8, v7;
	_ =	sdelay $0x1  }
0x270: {  	v8 =	vadd.f32 v8, v9;
	_ =	sdelay $0x1  }
0x271: {  	v9 =	vmul.f32 $2.000000030e-01, v8;
	_ =	sdelay $0x1  }
0x272: {  	v8 =	vmax.f32 v8, v9;
	v9 =	vadd.f32 $9.999999710e-10, v10  }
0x273: {  	v8 =	vmul.f32 $1.442695020e+00, v8  }
0x274: {  	(erf) = vrcp.f32 v9  }
0x275: {  	(erf) = vpow2.f32 v8;
	_ =	sdelay $0x3  }
0x276: {  	s12 =	sadd.s32 $0x80, s12  }
0x277: {  	v8 =	vld [tilespmem:s12+$0xFFFFFFF0]  }
0x278: {  	v9 =	vld [tilespmem:s12+$0x30]  }
0x279: {  	v10 =	vld [tilespmem:s12+$0x20]  }
0x27a: {  	v11 =	vld [tilespmem:s12+$0x10];
	v12 =	vpop (erf)  }
0x27b: {  	v13 =	vld [tilespmem:s12+$0x0];
	v14 =	vpop (erf)  }
0x27c: {  	v12 =	vmul.f32 v14, v12;
	v14 =	vld [tilespmem:s12+$0xFFFFFFE0]  }
0x27d: {  	v15 =	vld [tilespmem:s12+$0xFFFFFFD0]  }
0x27e: {  	v16 =	vperm.xlane v12, v4;
	v12 =	vperm.xlane v12, v5;
	v17 =	vld [tilespmem:s12+$0xFFFFFFC0];
	_ =	sdelay $0x1  }
0x27f: {  	v10 =	vmul.f32 v10, v12;
	v9 =	vmul.f32 v9, v12  }
0x280: {  	v13 =	vmul.f32 v13, v12;
	v11 =	vmul.f32 v11, v12  }
0x281: {  	v8 =	vmul.f32 v8, v16;
	v12 =	vmul.f32 v14, v16;
	[tilespmem:s12+$0x30] =	vst v9  }
0x282: {  	v14 =	vmul.f32 v15, v16;
	v9 =	vmul.f32 v17, v16;
	[tilespmem:s12+$0x20] =	vst v10  }
0x283: {  	[tilespmem:s12+$0x10] =	vst v11  }
.Ltmp12:
0x284: {  	[tilespmem:s12+$0x0] =	vst v13;
	(pc) =	sbr.rel @p0 .LBB2_27-.Ltmp12, $4  }
0x285: {  	[tilespmem:s12+$0xFFFFFFF0] =	vst v8  }
0x286: {  	[tilespmem:s12+$0xFFFFFFE0] =	vst v12  }
0x287: {  	[tilespmem:s12+$0xFFFFFFD0] =	vst v14  }
0x288: {  	s17 =	sshra.s32 s4, $0x2;
	s4 =	sadd.s32 $0x40, s4;
	[tilespmem:s12+$0xFFFFFFC0] =	vst v9  }
0x289: {  	v8 =	vld [tilespmem:s17+$0xBE0];
	_ =	sdelay $0x1  }
0x28a: {  	v9 =	vld [tilespmem:s17+$0x1E0];
	_ =	sdelay $0x2  }
0x28b: {  	v8 =	vperm.xlane v8, v7  }
0x28c: {  	v10 =	vld [tilespmem:s17+$0x15E0]  }
0x28d: {  	v8 =	vadd.f32 v8, v9;
	_ =	sdelay $0x1  }
0x28e: {  	v9 =	vmul.f32 $2.000000030e-01, v8;
	_ =	sdelay $0x1  }
0x28f: {  	v39 =	vadd.f32 $9.999999710e-10, v10;
	v8 =	vmax.f32 v8, v9  }
0x290: {  	v8 =	vmul.f32 $1.442695020e+00, v8  }
0x291: {  	(erf) = vrcp.f32 v39  }
0x292: {  	(erf) = vpow2.f32 v8;
	_ =	sdelay $0x7  }
0x293: {  	s4 =	sadd.s32 $0x80, s12;
	v8 =	vpop (erf)  }
0x294: {  	v40 =	vld [tilespmem:s4+$0x30];
	v41 =	vpop (erf)  }
0x295: {  	v11 =	vld [tilespmem:s4+$0x20];
	v8 =	vmul.f32 v41, v8  }
0x296: {  	v42 =	vld [tilespmem:s4+$0x10]  }
0x297: {  	v12 =	vld [tilespmem:s4+$0x0];
	v13 =	vperm.xlane v8, v5  }
0x298: {  	v14 =	vld [tilespmem:s4+$0xFFFFFFF0]  }
0x299: {  	v15 =	vld [tilespmem:s4+$0xFFFFFFE0];
	v9 =	vmul.f32 v40, v13  }
0x29a: {  	v16 =	vld [tilespmem:s4+$0xFFFFFFD0];
	v11 =	vmul.f32 v11, v13  }
0x29b: {  	v17 =	vld [tilespmem:s4+$0xFFFFFFC0];
	v8 =	vperm.xlane v8, v4;
	v10 =	vmul.f32 v42, v13;
	[tilespmem:s4+$0x30] =	vst v9  }
0x29c: {  	v43 =	vmul.f32 v12, v13;
	[tilespmem:s4+$0x20] =	vst v11  }
0x29d: {  	v44 =	vmul.f32 v14, v8;
	[tilespmem:s4+$0x10] =	vst v10  }
0x29e: {  	v45 =	vmul.f32 v15, v8;
	[tilespmem:s4+$0x0] =	vst v43  }
0x29f: {  	v46 =	vmul.f32 v16, v8;
	[tilespmem:s4+$0xFFFFFFF0] =	vst v44  }
0x2a0: {  	v8 =	vmul.f32 v17, v8;
	[tilespmem:s4+$0xFFFFFFE0] =	vst v45  }
0x2a1: {  	[tilespmem:s4+$0xFFFFFFD0] =	vst v46  }
0x2a2: {  	p0 =	seq.s32 s10, $0x7C;
	[tilespmem:s4+$0xFFFFFFC0] =	vst v8  }
0x2a3: {  	[spmem:s3] =	stream.indirect.scatter.add.f32 [tilespmem:s9], [sflag:$0x5], $0x80, s24, s25, $0xb8;
	[tilespmem:$0x1FB80] =	vst v63  }
0x2a4: {  	s4 =	sadd.s32 @!p0 s11, s14;
	_ =	swait.ge [sflag:s22], $0x2800  }
0x2a5: {  	s4 =	sshrl.u32 @!p0 s4, $0x3;
	[sflag:s22] =	ssyncset.done $0x0  }
0x2a6: {  	s12 =	simm.s32 @!p0 $0x0;
	s11 =	sadd.s32 @!p0 s6, s4;
	[sflag:s22] =	ssyncadd.s32 $0xFFFFD800  }
0x2a7: {  	[tilespmem:s12], [sflag:$0x5] =	stream.linear.gather @!p0 [hbm4b:s11+s12], $0x50, $0x38;
	[tilespmem:$0x1FB80] =	vst v63  }
0x2a8: {  	s11 =	simm.s32 @!p0 $0x5  }
0x2a9: {  	_ =	swait.ge @!p0 [sflag:s11], $0x50  }
0x2aa: {  	[sflag:s11] =	ssyncset.done @!p0 $0x0  }
0x2ab: {  	s17 =	simm.s32 @!p0 $0xA0;
	s4 =	sadd.s32 @!p0 s7, s4;
	[sflag:s11] =	ssyncadd.s32 @!p0 $0xFFFFFFB0  }
0x2ac: {  	[tilespmem:s17], [sflag:$0x5] =	stream.linear.gather @!p0 [hbm4b:s4+s12], $0x50, $0x38;
	[tilespmem:$0x1FB80] =	vst v63  }
0x2ad: {  	_ =	swait.ge @!p0 [sflag:s11], $0x50  }
0x2ae: {  	[sflag:s11] =	ssyncset.done @!p0 $0x0  }
0x2af: {  	[sflag:s11] =	ssyncadd.s32 @!p0 $0xFFFFFFB0  }
0x2b0: {  	v8 =	vld @!p0 [tilespmem:$0x0]  }
0x2b1: {  	v9 =	vld @!p0 [tilespmem:$0x10]  }
0x2b2: {  	v10 =	vld @!p0 [tilespmem:$0x20]  }
0x2b3: {  	v11 =	vld @!p0 [tilespmem:$0x30]  }
0x2b4: {  	v12 =	vld @!p0 [tilespmem:$0x40]  }
0x2b5: {  	v8 =	vadd.s32 @!p0 v1, v8  }
0x2b6: {  	[tilespmem:$0x140] =	vst @!p0 v8;
	v8 =	vadd.s32 @!p0 v1, v9  }
0x2b7: {  	[tilespmem:$0x150] =	vst @!p0 v8;
	v8 =	vadd.s32 @!p0 v1, v10  }
0x2b8: {  	[tilespmem:$0x160] =	vst @!p0 v8;
	v8 =	vadd.s32 @!p0 v1, v11  }
0x2b9: {  	[tilespmem:$0x170] =	vst @!p0 v8;
	v8 =	vadd.s32 @!p0 v1, v12  }
0x2ba: {  	s21 =	simm.s32 @!p0 $0x24E0;
	s4 =	simm.s32 @!p0 $0x50;
	s11 =	simm.s32 @!p0 $0x140;
	[tilespmem:$0x180] =	vst @!p0 v8  }
0x2bb: {  	[tilespmem:s21], [sflag:$0x1] =	stream.indirect.gather @!p0 [hbm4b:s8+s4], $0x80, s11, s4, $0xb8;
	[tilespmem:$0x1FB80] =	vst v63  }
0x2bc: {  	s11 =	simm.s32 @!p0 $0x1E0  }
0x2bd: {  	[tilespmem:s11], [sflag:$0x3] =	stream.indirect.gather @!p0 [spmem:s1], $0x10, s12, s4, $0xb8;
	[tilespmem:$0x1FB80] =	vst v63  }
0x2be: {  	s11 =	simm.s32 @!p0 $0xBE0  }
0x2bf: {  	[tilespmem:s11], [sflag:$0x3] =	stream.indirect.gather @!p0 [spmem:s1], $0x10, s17, s4, $0xb8;
	[tilespmem:$0x1FB80] =	vst v63  }
0x2c0: {  	s11 =	simm.s32 @!p0 $0x15E0  }
0x2c1: {  	[tilespmem:s11], [sflag:$0x3] =	stream.indirect.gather @!p0 [spmem:s2], $0x10, s17, s4, $0xb8;
	[tilespmem:$0x1FB80] =	vst v63  }
0x2c2: {  	_ =	swait.ge [sflag:s5], $0x500  }
0x2c3: {  	[sflag:s5] =	ssyncset.done $0x0  }
0x2c4: {  	[sflag:s5] =	ssyncadd.s32 $0xFFFFFB00  }
0x2c5: {  	_ =	swait.ge [sflag:s5], $0x500  }
0x2c6: {  	[sflag:s5] =	ssyncset.done $0x0  }
0x2c7: {  	[sflag:s5] =	ssyncadd.s32 $0xFFFFFB00  }
0x2c8: {  	_ =	swait.ge [sflag:s5], $0x500  }
0x2c9: {  	[sflag:s5] =	ssyncset.done $0x0  }
0x2ca: {  	[sflag:s5] =	ssyncadd.s32 $0xFFFFFB00  }
0x2cb: {  	_ =	swait.ge [sflag:s16], $0x2800  }
0x2cc: {  	[sflag:s16] =	ssyncset.done $0x0  }
0x2cd: {  	s21 =	simm.s32 $0x0;
	[sflag:s16] =	ssyncadd.s32 $0xFFFFD800  }
0x2ce: {  	v8 =	vld [tilespmem:s21+$0x10E0];
	_ =	sdelay $0x1  }
0x2cf: {  	v47 =	vld [tilespmem:s21+$0x6E0];
	_ =	sdelay $0x2  }
0x2d0: {  	v8 =	vperm.xlane v8, v7  }
0x2d1: {  	v48 =	vld [tilespmem:s21+$0x1AE0]  }
0x2d2: {  	v8 =	vadd.f32 v8, v47;
	_ =	sdelay $0x1  }
0x2d3: {  	v9 =	vmul.f32 $2.000000030e-01, v8;
	_ =	sdelay $0x1  }
0x2d4: {  	v49 =	vadd.f32 $9.999999710e-10, v48;
	v8 =	vmax.f32 v8, v9  }
0x2d5: {  	v8 =	vmul.f32 $1.442695020e+00, v8  }
0x2d6: {  	(erf) = vrcp.f32 v49  }
0x2d7: {  	(erf) = vpow2.f32 v8;
	_ =	sdelay $0x7  }
0x2d8: {  	s11 =	simm.s32 $0x4D20;
	v8 =	vpop (erf)  }
0x2d9: {  	v50 =	vld [tilespmem:s11+$0x30];
	v51 =	vpop (erf)  }
0x2da: {  	v52 =	vld [tilespmem:s11+$0x20];
	v8 =	vmul.f32 v51, v8  }
0x2db: {  	v53 =	vld [tilespmem:s11+$0x10]  }
0x2dc: {  	v54 =	vld [tilespmem:s11+$0x0];
	v55 =	vperm.xlane v8, v5  }
0x2dd: {  	v56 =	vld [tilespmem:s11+$0xFFFFFFF0]  }
0x2de: {  	v57 =	vld [tilespmem:s11+$0xFFFFFFE0];
	v9 =	vmul.f32 v50, v55  }
0x2df: {  	v58 =	vld [tilespmem:s11+$0xFFFFFFD0];
	v11 =	vmul.f32 v52, v55  }
0x2e0: {  	v59 =	vld [tilespmem:s11+$0xFFFFFFC0];
	v8 =	vperm.xlane v8, v4;
	v10 =	vmul.f32 v53, v55;
	[tilespmem:s11+$0x30] =	vst v9  }
0x2e1: {  	v60 =	vmul.f32 v54, v55;
	[tilespmem:s11+$0x20] =	vst v11  }
0x2e2: {  	v61 =	vmul.f32 v56, v8;
	[tilespmem:s11+$0x10] =	vst v10  }
0x2e3: {  	v62 =	vmul.f32 v57, v8;
	[tilespmem:s11+$0x0] =	vst v60  }
0x2e4: {  	v63 =	vmul.f32 v58, v8;
	[tilespmem:s11+$0xFFFFFFF0] =	vst v61  }
0x2e5: {  	v8 =	vmul.f32 v59, v8;
	[tilespmem:s11+$0xFFFFFFE0] =	vst v62  }
0x2e6: {  	[tilespmem:s11+$0xFFFFFFD0] =	vst v63  }
0x2e7: {  	s12 =	simm.s32 $0x10;
	s4 =	simm.s32 $0x80;
	[tilespmem:s11+$0xFFFFFFC0] =	vst v8  }
.LBB2_29:
0x2e8: {  	p0 =	sne.s32 s4, $0x13C0;
	v8 =	vld [tilespmem:s12+$0x10E0]  }
0x2e9: {  	v9 =	vld [tilespmem:s12+$0x6E0]  }
0x2ea: {  	v10 =	vld [tilespmem:s12+$0x1AE0];
	_ =	sdelay $0x2  }
0x2eb: {  	v8 =	vperm.xlane v8, v7;
	_ =	sdelay $0x1  }
0x2ec: {  	v8 =	vadd.f32 v8, v9;
	_ =	sdelay $0x1  }
0x2ed: {  	v9 =	vmul.f32 $2.000000030e-01, v8;
	_ =	sdelay $0x1  }
0x2ee: {  	v8 =	vmax.f32 v8, v9;
	v9 =	vadd.f32 $9.999999710e-10, v10  }
0x2ef: {  	v8 =	vmul.f32 $1.442695020e+00, v8  }
0x2f0: {  	(erf) = vrcp.f32 v9  }
0x2f1: {  	(erf) = vpow2.f32 v8;
	_ =	sdelay $0x3  }
0x2f2: {  	s11 =	sadd.s32 $0x80, s11  }
0x2f3: {  	v8 =	vld [tilespmem:s11+$0xFFFFFFF0]  }
0x2f4: {  	v9 =	vld [tilespmem:s11+$0x30]  }
0x2f5: {  	v10 =	vld [tilespmem:s11+$0x20]  }
0x2f6: {  	v11 =	vld [tilespmem:s11+$0x10];
	v12 =	vpop (erf)  }
0x2f7: {  	v13 =	vld [tilespmem:s11+$0x0];
	v14 =	vpop (erf)  }
0x2f8: {  	v12 =	vmul.f32 v14, v12;
	v14 =	vld [tilespmem:s11+$0xFFFFFFE0]  }
0x2f9: {  	v15 =	vld [tilespmem:s11+$0xFFFFFFD0]  }
0x2fa: {  	v16 =	vperm.xlane v12, v4;
	v12 =	vperm.xlane v12, v5;
	v17 =	vld [tilespmem:s11+$0xFFFFFFC0];
	_ =	sdelay $0x1  }
0x2fb: {  	v10 =	vmul.f32 v10, v12;
	v9 =	vmul.f32 v9, v12  }
0x2fc: {  	v13 =	vmul.f32 v13, v12;
	v11 =	vmul.f32 v11, v12  }
0x2fd: {  	v8 =	vmul.f32 v8, v16;
	v12 =	vmul.f32 v14, v16;
	[tilespmem:s11+$0x30] =	vst v9  }
0x2fe: {  	v14 =	vmul.f32 v15, v16;
	v9 =	vmul.f32 v17, v16;
	[tilespmem:s11+$0x20] =	vst v10  }
0x2ff: {  	[tilespmem:s11+$0x10] =	vst v11  }
.Ltmp13:
0x300: {  	[tilespmem:s11+$0x0] =	vst v13;
	(pc) =	sbr.rel @p0 .LBB2_29-.Ltmp13, $4  }
0x301: {  	[tilespmem:s11+$0xFFFFFFF0] =	vst v8  }
0x302: {  	[tilespmem:s11+$0xFFFFFFE0] =	vst v12  }
0x303: {  	[tilespmem:s11+$0xFFFFFFD0] =	vst v14  }
0x304: {  	s12 =	sshra.s32 s4, $0x2;
	s4 =	sadd.s32 $0x40, s4;
	[tilespmem:s11+$0xFFFFFFC0] =	vst v9  }
0x305: {  	v8 =	vld [tilespmem:s12+$0x10E0];
	_ =	sdelay $0x1  }
0x306: {  	v9 =	vld [tilespmem:s12+$0x6E0];
	_ =	sdelay $0x2  }
0x307: {  	v8 =	vperm.xlane v8, v7  }
0x308: {  	v10 =	vld [tilespmem:s12+$0x1AE0]  }
0x309: {  	v8 =	vadd.f32 v8, v9;
	_ =	sdelay $0x1  }
0x30a: {  	v9 =	vmul.f32 $2.000000030e-01, v8;
	_ =	sdelay $0x1  }
0x30b: {  	v56 =	vadd.f32 $9.999999710e-10, v10;
	v8 =	vmax.f32 v8, v9  }
0x30c: {  	v8 =	vmul.f32 $1.442695020e+00, v8  }
0x30d: {  	(erf) = vrcp.f32 v56  }
0x30e: {  	(erf) = vpow2.f32 v8;
	_ =	sdelay $0x7  }
0x30f: {  	s4 =	sadd.s32 $0x80, s11;
	v8 =	vpop (erf)  }
0x310: {  	v57 =	vld [tilespmem:s4+$0x30];
	v58 =	vpop (erf)  }
0x311: {  	v11 =	vld [tilespmem:s4+$0x20];
	v8 =	vmul.f32 v58, v8  }
0x312: {  	v59 =	vld [tilespmem:s4+$0x10]  }
0x313: {  	v12 =	vld [tilespmem:s4+$0x0];
	v13 =	vperm.xlane v8, v5  }
0x314: {  	v14 =	vld [tilespmem:s4+$0xFFFFFFF0]  }
0x315: {  	v15 =	vld [tilespmem:s4+$0xFFFFFFE0];
	v9 =	vmul.f32 v57, v13  }
0x316: {  	v16 =	vld [tilespmem:s4+$0xFFFFFFD0];
	v11 =	vmul.f32 v11, v13  }
0x317: {  	v17 =	vld [tilespmem:s4+$0xFFFFFFC0];
	v8 =	vperm.xlane v8, v4;
	v10 =	vmul.f32 v59, v13;
	[tilespmem:s4+$0x30] =	vst v9  }
0x318: {  	v60 =	vmul.f32 v12, v13;
	[tilespmem:s4+$0x20] =	vst v11  }
0x319: {  	v61 =	vmul.f32 v14, v8;
	[tilespmem:s4+$0x10] =	vst v10  }
0x31a: {  	v62 =	vmul.f32 v15, v8;
	[tilespmem:s4+$0x0] =	vst v60  }
0x31b: {  	v63 =	vmul.f32 v16, v8;
	[tilespmem:s4+$0xFFFFFFF0] =	vst v61  }
0x31c: {  	s10 =	sadd.s32 $0x1, s10;
	v8 =	vmul.f32 v17, v8;
	[tilespmem:s4+$0xFFFFFFE0] =	vst v62  }
0x31d: {  	p0 =	sne.s32 s10, $0x7D;
	[tilespmem:s4+$0xFFFFFFD0] =	vst v63  }
.Ltmp14:
0x31e: {  	[tilespmem:s4+$0xFFFFFFC0] =	vst v8;
	(pc) =	sbr.rel @p0 .LBB2_26-.Ltmp14, $4  }
0x31f: {  	[spmem:s3] =	stream.indirect.scatter.add.f32 [tilespmem:s18], [sflag:$0x5], $0x80, s29, s25, $0xb8;
	[tilespmem:$0x1FB80] =	vst v63  }
0x320: {  	_ =	swait.ge [sflag:s22], $0x2800  }
0x321: {  	[sflag:s22] =	ssyncset.done $0x0  }
0x322: {  	[sflag:s22] =	ssyncadd.s32 $0xFFFFD800  }
0x323: {  	[bflag:$0x0] =	sbarrier.arrive $0xFFFF  }
0x324: {  	s4 =	rddreg [dreg:$0xc]  }
0x325: {  	[hbm:s4], [sflag:s30] =	dma.local [spmem:s26], $0x2710  }
0x326: {  	_ =	swait.ge [sflag:s22], $0x2710  }
0x327: {  	s17 =	rddreg [dreg:$0x5]  }
0x328: {  	s28 =	rddreg [dreg:$0xd];
	s17 =	sadd.s32 $0x1, s17  }
0x329: {  	p0 =	sne.s32 s17, s28  }
.Ltmp15:
0x32a: {  	_ = 	snop;
	(pc) =	sbr.rel @p0 .LBB2_1-.Ltmp15, $3  }
0x32b: {  	[sflag:s22] =	ssyncset.done $0x0  }
0x32c: {  	[sflag:s22] =	ssyncadd.s32 $0xFFFFD8F0  }
0x32d: {  	[bflag:$0x0] =	sbarrier.arrive $0xFFFF;
	_ =	sdelay $0x1  }
0x32e: {  	_ =	sfence.sel $0x180000  }
0x32f: {  	[bflag:$0x0] =	sbarrier.arrive $0xFFFF  }
0x330: {  	_ =	strace $0x90000047  }
0x331: {  	s0 =	stileid.u32;
	[bflag:$0x2] =	sbarrier.arrive $0xFFFF  }
0x332: {  	p0 =	sne.s32 s0, $0x0;
	s0 =	rddreg [dreg:$0x4]  }
0x333: {  	s0 =	sadd.s32 @!p0 $0x100000, s0  }
0x334: {  	[sflag:s0] =	ssyncadd.tile.s32 @!p0 $0x1;
	_ =	shalt  }
.Lfunc_end2:
_tile_overlayer_lowered:
.L_overlay_start_2:
0x335: {  	(tag) =	ssettag $0x2  }
0x336: {  	s0 =	rddreg [dreg:$0x0];
	s2 =	stileid.u32  }
0x337: {  	s1 =	rddreg [dreg:$0x1];
	p0 =	sne.s32 s2, $0x0  }
0x338: {  	s3 =	rddreg [dreg:$0x2];
	[bflag:$0x3] =	sbarrier.arrive $0xFFFF;
	s2 =	simm.s32 @!p0 $0x1C05  }
0x339: {  	[timem:s3], [sflag:s2] =	dma.local @!p0 [hbm:s0], s1  }
0x33a: {  	s0 =	simm.s32 @!p0 $0x5  }
0x33b: {  	_ =	swait.ge @!p0 [sflag:s0], s1  }
0x33c: {  	s1 =	ssub.s32 @!p0 $0x0, s1;
	[sflag:s0] =	ssyncset.done @!p0 $0x0  }
0x33d: {  	[sflag:s0] =	ssyncadd.s32 @!p0 s1  }
0x33e: {  	[bflag:$0x3] =	sbarrier.arrive $0xFFFF  }
0x33f: {  	_ =	shalt  }

// kernel: kernel.7.cloned.1.call-start
scs
__scs_entry_jumppad:
0x0: {  	(pc) =	sbr.rel $0x88, $3  }
0x1: {  	(tag) =	ssettag $0x0;
	lr =	simm.s32 $0x1  }
0x2: {  	[smem:$0x3F93] =	sst lr;
	_ =	strace $0xD0000000  }
0x3: {  	_ = 	snop  }
0x4: {  	_ = 	snop  }
0x5: {  	_ = 	snop  }
0x6: {  	_ = 	snop  }
0x7: {  	_ = 	snop  }
__scs_overlays_trampoline_lowered:
0x8: {  	[smem:$0x3FA2] =	sst s0  }
0x9: {  	[smem:$0x3FA3] =	sst s1  }
0xa: {  	[smem:$0x3FA4] =	sst s2  }
0xb: {  	[smem:$0x3FA5] =	sst s3  }
0xc: {  	[smem:$0x3FA6] =	sst s4  }
0xd: {  	[smem:$0x3FA7] =	sst s5  }
0xe: {  	[smem:$0x3FA8] =	sst s6  }
0xf: {  	[smem:$0x3FA9] =	sst s7  }
0x10: {  	[smem:$0x3FAA] =	sst s8  }
0x11: {  	[smem:$0x3FAB] =	sst s9;
	s0 =	simm.s32 @!p0 $0x0  }
0x12: {  	s1 =	sld [smem:$0x3F91];
	s0 =	simm.s32 @p0 $0x1  }
0x13: {  	[smem:$0x3FAC] =	sst s0;
	s0 =	simm.s32 @!p1 $0x0  }
0x14: {  	s2 =	sld [smem:$0x3F90];
	s0 =	simm.s32 @p1 $0x1  }
0x15: {  	[smem:$0x3FAD] =	sst s0;
	s0 =	simm.s32 @!p2 $0x0  }
0x16: {  	s3 =	sld [smem:$0x3FDB];
	s0 =	simm.s32 @p2 $0x1  }
0x17: {  	s4 =	simm.s32 $0x1BF5;
	[smem:$0x3FAF] =	sst s0  }
0x18: {  	s0 =	sld [smem:$0x3F92];
	_ =	swait.ge [sflag:s4], $0x0  }
0x19: {  	s7 =	sld [smem:$0x3F93]  }
0x1a: {  	s8 =	sadd.s32 $0xFFFFE003, lr  }
0x1b: {  	s9 =	sadd.s32 $0xFFFFFEF7, lr;
	s5 =	simm.s32 $0xFFFFFFFF;
	p2 =	slt.u32 s8, $0xFFFFF086  }
0x1c: {  	p1 =	slt.u32 s9, $0xF7A;
	s5 =	simm.s32 @!p2 $0x0  }
0x1d: {  	s5 =	simm.s32 @p1 $0x1;
	p0 =	seq.s32 s7, s2  }
0x1e: {  	s7 =	smul.u32 @!p0 $0xF7A, s2;
	p2 =	seq.s32 @!p0 s5, $0x0  }
0x1f: {  	s9 =	smul.u32 $0xF7A, s1;
	s8 =	simm.s32 @!p0 $0x1BF5;
	p2 =	por !p2, p0  }
0x20: {  	[sflag:s8] =	ssyncset.s32 @!p0 $0xFFFFF086;
	s6 =	sadd.s32 @!p0 s3, s7;
	s7 =	simm.s32 @!p0 $0x108  }
0x21: {  	s3 =	sadd.s32 s3, s9;
	s6 =	sadd.s32 @!p0 $0x88, s6;
	s7 =	simm.s32 @p2 $0x1082  }
0x22: {  	[simem:s7], [sflag:s8] =	dma.local @!p0 [hbm:s6], $0xF7A  }
0x23: {  	s9 =	sor.u32 $0xD0000000, s2;
	s6 =	simm.s32 $0x108;
	_ =	swait.ge @!p0 [sflag:s8], $0x0  }
0x24: {  	s3 =	sadd.s32 $0x88, s3;
	s6 =	simm.s32 @!p1 $0x1082;
	[sflag:s4] =	ssyncset.s32 $0xFFFFF086  }
0x25: {  	[simem:s6], [sflag:s4] =	dma.local [hbm:s3], $0xF7A  }
0x26: {  	[smem:$0x3F93] =	sst s1;
	(tag) =	ssettag s2;
	_ =	strace s9  }
0x27: {  	s1 =	sld [smem:$0x3FA3]  }
0x28: {  	s2 =	sld [smem:$0x3FA4]  }
0x29: {  	s4 =	sld [smem:$0x3FA6]  }
0x2a: {  	p0 =	seq.s32 s5, $0x0;
	s5 =	sld [smem:$0x3FA7]  }
0x2b: {  	s6 =	sld [smem:$0x3FA8]  }
0x2c: {  	s7 =	sld [smem:$0x3FA9]  }
0x2d: {  	s3 =	simm.s32 $0x108;
	s8 =	sld [smem:$0x3FAA]  }
0x2e: {  	s3 =	simm.s32 @!p0 $0x1082;
	s9 =	sld [smem:$0x3FAB]  }
0x2f: {  	lr =	sadd.s32 s0, s3;
	s0 =	sld [smem:$0x3FA2]  }
0x30: {  	s3 =	sld [smem:$0x3FA5]  }
0x31: {  	[smem:$0x3FAE] =	sst s10  }
0x32: {  	s10 =	sld [smem:$0x3FAC];
	_ =	sdelay $0x3  }
0x33: {  	p0 =	seq.s32 s10, $0x1;
	s10 =	sld [smem:$0x3FAE];
	_ =	sdelay $0x3  }
0x34: {  	[smem:$0x3FAE] =	sst s10  }
0x35: {  	s10 =	sld [smem:$0x3FAD];
	_ =	sdelay $0x3  }
0x36: {  	p1 =	seq.s32 s10, $0x1;
	s10 =	sld [smem:$0x3FAE];
	_ =	sdelay $0x3  }
0x37: {  	[smem:$0x3FAE] =	sst s10  }
0x38: {  	s10 =	sld [smem:$0x3FAF]  }
0x39: {  	_ = 	snop;
	(pc) =	sbr.ind lr, $3  }
0x3a: {  	_ = 	snop  }
0x3b: {  	_ = 	snop  }
0x3c: {  	p2 =	seq.s32 s10, $0x1;
	s10 =	sld [smem:$0x3FAE]  }
0x3d: {  	_ =	shalt  }
0x3e: {  	_ =	shalt  }
0x3f: {  	_ =	shalt  }
0x40: {  	_ =	shalt  }
0x41: {  	_ =	shalt  }
0x42: {  	_ =	shalt  }
0x43: {  	_ =	shalt  }
0x44: {  	_ =	shalt  }
0x45: {  	_ =	shalt  }
0x46: {  	_ =	shalt  }
0x47: {  	_ =	shalt  }
0x48: {  	_ =	shalt  }
0x49: {  	_ =	shalt  }
0x4a: {  	_ =	shalt  }
0x4b: {  	_ =	shalt  }
0x4c: {  	_ =	shalt  }
0x4d: {  	_ =	shalt  }
0x4e: {  	_ =	shalt  }
0x4f: {  	_ =	shalt  }
0x50: {  	_ =	shalt  }
0x51: {  	_ =	shalt  }
0x52: {  	_ =	shalt  }
0x53: {  	_ =	shalt  }
0x54: {  	_ =	shalt  }
0x55: {  	_ =	shalt  }
0x56: {  	_ =	shalt  }
0x57: {  	_ =	shalt  }
0x58: {  	_ =	shalt  }
0x59: {  	_ =	shalt  }
0x5a: {  	_ =	shalt  }
0x5b: {  	_ =	shalt  }
0x5c: {  	_ =	shalt  }
0x5d: {  	_ =	shalt  }
0x5e: {  	_ =	shalt  }
0x5f: {  	_ =	shalt  }
0x60: {  	_ =	shalt  }
0x61: {  	_ =	shalt  }
0x62: {  	_ =	shalt  }
0x63: {  	_ =	shalt  }
0x64: {  	_ =	shalt  }
0x65: {  	_ =	shalt  }
0x66: {  	_ =	shalt  }
0x67: {  	_ =	shalt  }
0x68: {  	_ =	shalt  }
0x69: {  	_ =	shalt  }
0x6a: {  	_ =	shalt  }
0x6b: {  	_ =	shalt  }
0x6c: {  	_ =	shalt  }
0x6d: {  	_ =	shalt  }
0x6e: {  	_ =	shalt  }
0x6f: {  	_ =	shalt  }
0x70: {  	_ =	shalt  }
0x71: {  	_ =	shalt  }
0x72: {  	_ =	shalt  }
0x73: {  	_ =	shalt  }
0x74: {  	_ =	shalt  }
0x75: {  	_ =	shalt  }
0x76: {  	_ =	shalt  }
0x77: {  	_ =	shalt  }
0x78: {  	_ =	shalt  }
0x79: {  	_ =	shalt  }
0x7a: {  	_ =	shalt  }
0x7b: {  	_ =	shalt  }
0x7c: {  	_ =	shalt  }
0x7d: {  	_ =	shalt  }
0x7e: {  	_ =	shalt  }
0x7f: {  	_ =	shalt  }
0x80: {  	_ =	shalt  }
0x81: {  	_ =	shalt  }
0x82: {  	_ =	shalt  }
0x83: {  	_ =	shalt  }
0x84: {  	_ =	shalt  }
0x85: {  	_ =	shalt  }
0x86: {  	_ =	shalt  }
0x87: {  	_ =	shalt  }
.Lfunc_end0:
.L_simem_size_0:
called_computation_lowered:
.L_overlay_start_0:
0x88: {  	s2 =	sld [smem:$0x3FD9]  }
0x89: {  	s3 =	sld [smem:$0x3FFE];
	_ =	sdelay $0x1  }
0x8a: {  	s1 =	srdreg.scid  }
0x8b: {  	s0 =	sand.u32 $0x1, s1  }
0x8c: {  	s17 =	sshll.u32 s0, $0xA;
	s2 =	sadd.s32 s3, s2  }
0x8d: {  	s2 =	sadd.s32 s2, s17  }
0x8e: {  	[smem:$0x3FBA] =	sst s2  }
0x8f: {  	_ = 	snop  }
0x90: {  	s18 =	sld [smem:$0x3FD0];
	(tm) =	ssettm $0x1  }
0x91: {  	s19 =	sld [smem:$0x3FFB];
	_ =	sdelay $0x3  }
0x92: {  	_ =	strace s19  }
0x93: {  	s2 =	sld [smem:$0x3FFC];
	_ =	sdelay $0x3  }
0x94: {  	_ =	strace s2  }
0x95: {  	s2 =	sld [smem:$0x3FFD];
	_ =	sdelay $0x3  }
0x96: {  	_ =	strace s2  }
0x97: {  	_ =	strace $0x8FFFFFFF  }
0x98: {  	s20 =	sld [smem:$0x3FDB];
	_ =	sdelay $0x1  }
0x99: {  	s4 =	simm.s32 $_scs_section_size  }
0x9a: {  	s5 =	simm.s32 $_size__tile_overlayer_lowered;
	s6 =	simm.s32 $_tile_overlayer_lowered  }
0x9b: {  	s7 =	simm.s32 $0x1BFF;
	s21 =	sshll.u32 s6, $0x1;
	s4 =	sadd.s32 s4, s20  }
0x9c: {  	s22 =	simm.s32 $0x0;
	s5 =	sshll.u32 s5, $0x1;
	s6 =	sadd.s32 s21, s4  }
0x9d: {  	[timem:s22], [sflag:s7] =	dma.local [hbm:s6], s5  }
0x9e: {  	_ =	swait.ge [sflag:s7], s5  }
0x9f: {  	s5 =	ssub.s32 $0x0, s5;
	[sflag:s7] =	ssyncset.done $0x0  }
0xa0: {  	[sflag:s7] =	ssyncadd.s32 s5;
	_ =	sdelay $0x1  }
0xa1: {  	s23 =	simm.s32 $0x1B8B  }
0xa2: {  	_ =	swait.ge [sflag:s23], $0x1  }
0xa3: {  	[sflag:s23] =	ssyncset.done $0x0  }
0xa4: {  	[sflag:s23] =	ssyncadd.s32 $0xFFFFFFFF  }
0xa5: {  	s5 =	sld [smem:$0x0]  }
0xa6: {  	s6 =	sand.u32 $0xFFFFFFFE, s1  }
0xa7: {  	p0 =	sne.s32 s1, s6  }
0xa8: {  	s6 =	sshll.u32 @p0 s6, $0xE  }
0xa9: {  	s6 =	sadd.s32 @p0 $0x11B8D, s6;
	s7 =	sshll.u32 @p0 s5, $0x11  }
0xaa: {  	s6 =	sor.u32 @p0 s7, s6  }
0xab: {  	[sflag:s6] =	ssyncadd.remote.s32 @p0 $0x1;
	_ =	sdelay $0x1  }
0xac: {  	s6 =	simm.s32 @p0 $0x1B8D  }
0xad: {  	_ =	swait.eq @p0 [sflag:s6], $0x1  }
0xae: {  	[sflag:s6] =	ssyncadd.s32 @p0 $0xFFFFFFFF  }
0xaf: {  	s7 =	sshll.u32 @!p0 s1, $0xE  }
0xb0: {  	s7 =	sor.u32 @!p0 $0x4000, s7;
	s6 =	simm.s32 @!p0 $0x1B8D  }
0xb1: {  	s5 =	sshll.u32 @!p0 s5, $0x11;
	s7 =	sadd.s32 @!p0 $0x11B8D, s7;
	_ =	swait.eq @!p0 [sflag:s6], $0x1  }
0xb2: {  	s5 =	sor.u32 @!p0 s5, s7;
	[sflag:s6] =	ssyncadd.s32 @!p0 $0xFFFFFFFF  }
0xb3: {  	s25 =	simm.s32 $0x1B8E;
	s24 =	sld [smem:$0x3FFE];
	[sflag:s5] =	ssyncadd.remote.s32 @!p0 $0x1  }
0xb4: {  	s26 =	simm.s32 $execute0_lowered;
	[smem:$0x3FD2] =	sst s25  }
0xb5: {  	s6 =	sshll.u32 s26, $0x1;
	_ =	strace $0x80000049;
	[dreg:$0x1] =	wrdreg $0xFFFFFFFF  }
0xb6: {  	s28 =	simm.s32 $_size_execute0_lowered;
	s4 =	sadd.s32 s4, s6;
	[dreg:$0x0] =	wrdreg $0x0  }
0xb7: {  	s6 =	sshll.u32 s28, $0x1;
	[dreg:$0x2] =	wrdreg s4  }
0xb8: {  	[dreg:$0x3] =	wrdreg s6  }
0xb9: {  	[dreg:$0x4] =	wrdreg $0xC0  }
0xba: {  	_ =	task [dreg:s22], $0x5FFFF  }
0xbb: {  	[dreg:$0x1] =	wrdreg $0xFFFFFFFF  }
0xbc: {  	[dreg:$0x0] =	wrdreg $0x60  }
0xbd: {  	[dreg:$0x2] =	wrdreg s24  }
0xbe: {  	[dreg:$0x3] =	wrdreg s18  }
0xbf: {  	[dreg:$0x4] =	wrdreg $0x9BF00  }
0xc0: {  	[dreg:$0x5] =	wrdreg $0x74E00  }
0xc1: {  	[dreg:$0x6] =	wrdreg $0xC3000  }
0xc2: {  	[dreg:$0x7] =	wrdreg $0x9  }
0xc3: {  	_ =	task.clear_ibuf [dreg:s22], $0x8FFFF;
	_ =	strace $0x90000049  }
0xc4: {  	s29 =	simm.s32 $0x9;
	_ =	strace $0x8000004B  }
0xc5: {  	_ =	swait.ge [sflag:s29], $0x1  }
0xc6: {  	[sflag:s29] =	ssyncadd.s32 $0xFFFFFFFF  }
0xc7: {  	_ =	strace $0x9000004B  }
0xc8: {  	_ =	sfence  }
0xc9: {  	s30 =	sld [smem:$0x0];
	_ =	sdelay $0x2  }
0xca: {  	s31 =	sshll.u32 s1, $0xD;
	s1 =	sshrl.u32 s1, $0x2  }
0xcb: {  	s4 =	sand.u32 $0x4000, s31;
	s1 =	sadd.s32 s1, s30  }
0xcc: {  	s0 =	sor.u32 s4, s0;
	s1 =	sshll.u32 s1, $0x11  }
0xcd: {  	s0 =	sor.u32 s1, s0  }
0xce: {  	s0 =	sadd.s32 $0x8F2B, s0  }
0xcf: {  	[sflag:s0] =	ssyncadd.remote.s32 $0x1  }
0xd0: {  	_ =	sfence.sel $0xFFFF  }
0xd1: {  	[dreg:$0x0] =	wrdreg $0xFFFFFFFF;
	(pc) =	sbr.abs _section_cstart, $3  }
0xd2: {  	[dreg:$0x1] =	wrdreg $0xFFFFFFFF  }
0xd3: {  	_ =	task.clear_ibuf [dreg:s22], $0x2FFFF;
	_ =	strace $0x9FFFFFFF  }
0xd4: {  	(tm) =	ssettm $0x7FFFFFFF  }
0xd5: {  	_ =	shalt  }
tec
execute0_lowered:
.L_overlay_start_1:
0x0: {  	(tag) =	ssettag $0x1  }
0x1: {  	s0 =	rddreg [dreg:$0x0]  }
0x2: {  	s2 =	rddreg [dreg:$0x1]  }
0x3: {  	s1 =	rddreg [dreg:$0x2]  }
0x4: {  	s3 =	rddreg [dreg:$0x3]  }
0x5: {  	s4 =	rddreg [dreg:$0x4];
	s21 =	simm.s32 $0x0;
	s17 =	stileid.u32  }
0x6: {  	s7 =	srdreg.scid;
	s29 =	simm.s32 $0xF0;
	s5 =	smul.u32 $0x2710, s17  }
0x7: {  	s31 =	simm.s32 $0x10E0;
	[smem:$0x7FF] =	sst s21;
	s12 =	smul.u32 $0x4E20, s17  }
0x8: {  	s6 =	sadd.s32 $0xC3E00, s0;
	s9 =	sand.u32 $0x1, s7;
	s15 =	smul.u32 $0x13880, s17  }
0x9: {  	s7 =	sadd.s32 $0xBA000, s0;
	s18 =	sshll.u32 s17, $0x6;
	s26 =	smul.u32 $0x9C40, s17  }
0xa: {  	s28 =	smul.u32 $0x4E200, s17;
	_ =	strace $0x8000004A;
	s11 =	ssub.s32 $0x2, s9  }
0xb: {  	s30 =	sor.u32 $0x1C05, s18;
	s22 =	smul.u32 $0x271000, s9;
	s23 =	sshllo.u32 s9, $0x1  }
0xc: {  	s8 =	sshrl.u32 s5, $0x3;
	s16 =	sshrl.u32 s11, $0x1;
	s5 =	sadd.s32 s5, s1  }
0xd: {  	s19 =	sshrl.u32 s12, $0x3;
	s13 =	sadd.s32 $0x50, s12;
	s24 =	smul.u32 $0x138800, s23  }
0xe: {  	s14 =	sadd.s32 $0xA0, s12;
	s17 =	smul.u32 $0x2800, s23;
	s18 =	sshll.u32 s23, $0x1  }
0xf: {  	s12 =	sshrl.u32 s26, $0x2;
	[dreg:$0x8] =	wrdreg s30;
	s10 =	sadd.s32 s8, s0  }
0x10: {  	s8 =	sadd.s32 $0x208000, s0;
	s0 =	ssub.s32 s11, s16;
	s20 =	sadd.s32 s6, s19  }
0x11: {  	s11 =	sadd.s32 s7, s19;
	s16 =	smul.u32 $0x5000, s9;
	s9 =	sshll.u32 s9, $0x2  }
0x12: {  	s19 =	sadd.s32 s12, s3;
	s26 =	sshrl.u32 s5, $0x3;
	[dreg:$0x9] =	wrdreg s20  }
0x13: {  	v7 =	vmov s18;
	s18 =	simm.s32 $0x4CE0;
	s10 =	sadd.s32 $0xB5000, s10;
	[dreg:$0xa] =	wrdreg s11  }
0x14: {  	s25 =	sadd.s32 s15, s24;
	s11 =	sshllo.u32 s23, $0x1;
	s0 =	smax.u32 s0, $0x1  }
0x15: {  	v1 =	vimm.s32 $0xFEDCBA98;
	v3 =	vimm.s32 $0x76543210;
	[dreg:$0xf] =	wrdreg s26;
	s23 =	simm.s32 $0x1FE0;
	s24 =	simm.s32 $0xA0  }
0x16: {  	v4 =	vunpack.c.l.s4.s8 v1;
	v6 =	vunpack.c.l.s4.s8 v3;
	[dreg:$0x7] =	wrdreg s10;
	s10 =	sadd.s32 s15, s22;
	s15 =	sadd.s32 s15, s4  }
0x17: {  	[dreg:$0xe] =	wrdreg s0;
	s22 =	simm.s32 $0x5;
	s0 =	simm.s32 $0x3  }
0x18: {  	v9 =	vunpack.c.0.s8.s32 v4;
	v10 =	vunpack.c.0.s8.s32 v6;
	v0 =	vmov s16;
	s16 =	simm.s32 $0x2;
	s10 =	sshrl.u32 s10, $0x3;
	[dreg:$0xc] =	wrdreg s15  }
0x19: {  	v6 =	vimm.f32 $0.0e+00;
	v2 =	vmov s9;
	v4 =	vbroadcast v7, $0x0;
	s15 =	sshrl.u32 s28, $0x2;
	s28 =	sor.u32 $0x1, s9;
	s10 =	sadd.s32 s2, s10  }
0x1a: {  	v7 =	vand.u32 $0xF, v9;
	v8 =	vmov s11;
	s9 =	simm.s32 $0x24E0;
	v5 =	vmov s28;
	[dreg:$0xb] =	wrdreg s10;
	s10 =	sshrl.u32 s25, $0x3  }
0x1b: {  	v2 =	vbroadcast v2, $0x0;
	s20 =	sadd.s32 s15, s4;
	s15 =	simm.s32 $0x1;
	v3 =	vbroadcast v5, $0x0;
	v5 =	vand.u32 $0xF, v8;
	s2 =	sadd.s32 s2, s10  }
0x1c: {  	v1 =	vmov s17;
	v7 =	vcombine.low v7, v10;
	s25 =	simm.s32 $0x50;
	v5 =	vbroadcast v5, $0x0;
	[dreg:$0xd] =	wrdreg s2;
	s2 =	simm.s32 $0x4  }
.LBB2_1:
0x1d: {  	s5 =	rddreg [dreg:$0x7]  }
0x1e: {  	s10 =	rddreg [dreg:$0xf]  }
0x1f: {  	[spmem:s10], [sflag:s30] =	dma.local [hbm:s5], $0x4E2  }
0x20: {  	_ =	swait.ge [sflag:s22], $0x4E2  }
0x21: {  	[sflag:s22] =	ssyncset.done $0x0  }
0x22: {  	s5 =	simm.s32 $0x0;
	[sflag:s22] =	ssyncadd.s32 $0xFFFFFB1E  }
.LBB2_2:
0x23: {  	p0 =	sne.s32 s5, $0x13C0  }
.Ltmp0:
0x24: {  	_ = 	snop;
	(pc) =	sbr.rel @p0 .LBB2_2-.Ltmp0, $3  }
0x25: {  	_ =	sdelay $0x1  }
0x26: {  	s10 =	sshra.s32 s5, $0x2  }
0x27: {  	s5 =	sadd.s32 $0x40, s5;
	[tilespmem:s10+$0x1FE0] =	vst v6  }
0x28: {  	[dreg:$0x6] =	wrdreg s21;
	s5 =	sadd.s32 $0x0, s19  }
0x29: {  	[spmem:s5] =	stream.linear.scatter [tilespmem:s23], [sflag:$0x5], $0x190, $0x38;
	[tilespmem:$0x1FB80] =	vst v63  }
0x2a: {  	s5 =	simm.s32 $0x640;
	_ =	swait.ge [sflag:s22], $0x190  }
.LBB2_4:
0x2b: {  	s10 =	sshra.s32 s5, $0x2;
	[sflag:s22] =	ssyncset.done $0x0;
	p0 =	sne.s32 s5, $0x9600  }
.Ltmp1:
0x2c: {  	s10 =	sadd.s32 s10, s19;
	[sflag:s22] =	ssyncadd.s32 $0xFFFFFE70;
	(pc) =	sbr.rel @p0 .LBB2_4-.Ltmp1, $3  }
0x2d: {  	[spmem:s10] =	stream.linear.scatter [tilespmem:s23], [sflag:$0x5], $0x190, $0x38;
	[tilespmem:$0x1FB80] =	vst v63  }
0x2e: {  	s5 =	sadd.s32 $0x640, s5;
	_ =	sdelay $0x1  }
0x2f: {  	_ =	swait.ge [sflag:s22], $0x190  }
0x30: {  	[sflag:s22] =	ssyncset.done $0x0  }
0x31: {  	[sflag:s22] =	ssyncadd.s32 $0xFFFFFE70  }
0x32: {  	[bflag:$0x0] =	sbarrier.arrive $0xFFFF  }
0x33: {  	s10 =	simm.s32 $0x0;
	s5 =	rddreg [dreg:$0x9]  }
0x34: {  	[tilespmem:s10], [sflag:$0x5] =	stream.linear.gather [hbm4b:s5+s10], $0x50, $0x38;
	[tilespmem:$0x1FB80] =	vst v63  }
0x35: {  	_ =	swait.ge [sflag:s22], $0x50  }
0x36: {  	[sflag:s22] =	ssyncset.done $0x0  }
0x37: {  	s26 =	rddreg [dreg:$0xa];
	[sflag:s22] =	ssyncadd.s32 $0xFFFFFFB0  }
0x38: {  	[tilespmem:s24], [sflag:$0x5] =	stream.linear.gather [hbm4b:s26+s10], $0x50, $0x38;
	[tilespmem:$0x1FB80] =	vst v63  }
0x39: {  	_ =	swait.ge [sflag:s22], $0x50  }
0x3a: {  	[sflag:s22] =	ssyncset.done $0x0  }
0x3b: {  	s28 =	simm.s32 $0x1E0;
	[sflag:s22] =	ssyncadd.s32 $0xFFFFFFB0  }
0x3c: {  	[tilespmem:s28], [sflag:$0x3] =	stream.indirect.gather [spmem:s1], $0x10, s10, s25, $0xb8;
	[tilespmem:$0x1FB80] =	vst v63  }
0x3d: {  	s30 =	simm.s32 $0xBE0;
	s11 =	simm.s32 $0x0  }
0x3e: {  	[tilespmem:s30], [sflag:$0x3] =	stream.indirect.gather [spmem:s1], $0x10, s24, s25, $0xb8;
	[tilespmem:$0x1FB80] =	vst v63  }
.LBB2_6:
0x3f: {  	s12 =	smul.u32 $0xA0, s11;
	_ =	sdelay $0x1  }
0x40: {  	s5 =	sadd.s32 s12, s13  }
0x41: {  	s5 =	sshrl.u32 s5, $0x3  }
0x42: {  	s17 =	sadd.s32 s6, s5  }
0x43: {  	[tilespmem:s25], [sflag:$0x5] =	stream.linear.gather [hbm4b:s17+s10], $0x50, $0x38;
	[tilespmem:$0x1FB80] =	vst v63  }
0x44: {  	_ =	swait.ge [sflag:s22], $0x50  }
0x45: {  	[sflag:s22] =	ssyncset.done $0x0  }
0x46: {  	s5 =	sadd.s32 s7, s5;
	[sflag:s22] =	ssyncadd.s32 $0xFFFFFFB0  }
0x47: {  	[tilespmem:s29], [sflag:$0x5] =	stream.linear.gather [hbm4b:s5+s10], $0x50, $0x38;
	[tilespmem:$0x1FB80] =	vst v63  }
0x48: {  	_ =	swait.ge [sflag:s22], $0x50  }
0x49: {  	[sflag:s22] =	ssyncset.done $0x0  }
0x4a: {  	s30 =	simm.s32 $0x6E0;
	[sflag:s22] =	ssyncadd.s32 $0xFFFFFFB0  }
0x4b: {  	[tilespmem:s30], [sflag:$0x4] =	stream.indirect.gather [spmem:s1], $0x10, s25, s25, $0xb8;
	[tilespmem:$0x1FB80] =	vst v63  }
0x4c: {  	_ = 	snop  }
0x4d: {  	[tilespmem:s31], [sflag:$0x4] =	stream.indirect.gather [spmem:s1], $0x10, s29, s25, $0xb8;
	[tilespmem:$0x1FB80] =	vst v63  }
0x4e: {  	_ =	swait.ge [sflag:s0], $0x500  }
0x4f: {  	[sflag:s0] =	ssyncset.done $0x0  }
0x50: {  	[sflag:s0] =	ssyncadd.s32 $0xFFFFFB00  }
0x51: {  	_ =	swait.ge [sflag:s0], $0x500  }
0x52: {  	[sflag:s0] =	ssyncset.done $0x0  }
0x53: {  	s5 =	simm.s32 $0x0;
	[sflag:s0] =	ssyncadd.s32 $0xFFFFFB00  }
0x54: {  	s26 =	simm.s32 $0x10;
	v8 =	vld [tilespmem:s5+$0xBE0]  }
0x55: {  	v9 =	vld [tilespmem:s26+$0xBE0]  }
0x56: {  	v10 =	vld [tilespmem:s5+$0x1E0];
	_ =	sdelay $0x1  }
0x57: {  	v11 =	vld [tilespmem:s26+$0x1E0]  }
0x58: {  	v8 =	vperm.xlane v8, v7;
	_ =	sdelay $0x1  }
0x59: {  	v9 =	vperm.xlane v9, v7;
	v8 =	vadd.f32 v8, v10;
	_ =	sdelay $0x1  }
0x5a: {  	v9 =	vadd.f32 v9, v11;
	v11 =	vmul.f32 $2.000000030e-01, v8;
	_ =	sdelay $0x1  }
0x5b: {  	s28 =	simm.s32 $0x20;
	v8 =	vmax.f32 v8, v11  }
0x5c: {  	v12 =	vld [tilespmem:s28+$0xBE0];
	v8 =	vmul.f32 $1.442695020e+00, v8  }
0x5d: {  	v13 =	vmul.f32 $2.000000030e-01, v9  }
0x5e: {  	v10 =	vld [tilespmem:s28+$0x1E0];
	(erf) = vpow2.f32 v8  }
0x5f: {  	v9 =	vmax.f32 v9, v13  }
0x60: {  	v63 =	vmul.f32 $1.442695020e+00, v9  }
0x61: {  	s17 =	simm.s32 $0x30;
	v11 =	vperm.xlane v12, v7  }
0x62: {  	v8 =	vld [tilespmem:s17+$0xBE0];
	(erf) = vpow2.f32 v63  }
0x63: {  	v9 =	vadd.f32 v11, v10  }
0x64: {  	v10 =	vld [tilespmem:s17+$0x1E0]  }
0x65: {  	s21 =	simm.s32 $0x100;
	v11 =	vmul.f32 $2.000000030e-01, v9  }
.LBB2_7:
0x66: {  	p0 =	sne.s32 s21, $0x13C0  }
.Ltmp2:
0x67: {  	s30 =	sshra.s32 s21, $0x2;
	s21 =	sadd.s32 $0x40, s21;
	v12 =	vperm.xlane v8, v7;
	v9 =	vmax.f32 v9, v11;
	v11 =	vpop (erf);
	(pc) =	sbr.rel @p0 .LBB2_7-.Ltmp2, $4  }
0x68: {  	v8 =	vld [tilespmem:s30+$0xBE0];
	v13 =	vmul.f32 $1.442695020e+00, v9;
	[tilespmem:s5+$0x1FE0] =	vst v11;
	s5 =	smov.u32 s26;
	s26 =	smov.u32 s28  }
0x69: {  	s28 =	smov.u32 s17;
	s17 =	smov.u32 s30;
	v9 =	vadd.f32 v12, v10  }
0x6a: {  	v10 =	vld [tilespmem:s17+$0x1E0];
	(erf) = vpow2.f32 v13  }
0x6b: {  	v11 =	vmul.f32 $2.000000030e-01, v9  }
0x6c: {  	_ = 	snop  }
0x6d: {  	v8 =	vperm.xlane v8, v7;
	_ =	sdelay $0x1  }
0x6e: {  	v8 =	vadd.f32 v8, v10;
	_ =	sdelay $0x1  }
0x6f: {  	v10 =	vmul.f32 $2.000000030e-01, v8  }
0x70: {  	v9 =	vmax.f32 v9, v11  }
0x71: {  	v9 =	vmul.f32 $1.442695020e+00, v9;
	v8 =	vmax.f32 v8, v10  }
0x72: {  	v8 =	vmul.f32 $1.442695020e+00, v8  }
0x73: {  	(erf) = vpow2.f32 v9  }
0x74: {  	(erf) = vpow2.f32 v8;
	_ =	sdelay $0x5  }
0x75: {  	v8 =	vpop (erf)  }
0x76: {  	v9 =	vpop (erf);
	[tilespmem:s5+$0x1FE0] =	vst v8  }
0x77: {  	[tilespmem:s26+$0x1FE0] =	vst v9;
	v8 =	vpop (erf)  }
0x78: {  	[tilespmem:s28+$0x1FE0] =	vst v8;
	v8 =	vpop (erf)  }
0x79: {  	p0 =	seq.s32 s11, $0x7C;
	[tilespmem:s17+$0x1FE0] =	vst v8  }
0x7a: {  	[spmem:s3] =	stream.indirect.scatter.add.f32 [tilespmem:s23], [sflag:$0x5], $0x10, s24, s25, $0xb8;
	[tilespmem:$0x1FB80] =	vst v63  }
0x7b: {  	s5 =	sadd.s32 @!p0 s12, s14;
	_ =	swait.ge [sflag:s22], $0x500  }
0x7c: {  	s5 =	sshrl.u32 @!p0 s5, $0x3;
	[sflag:s22] =	ssyncset.done $0x0  }
0x7d: {  	s12 =	sadd.s32 @!p0 s6, s5;
	s17 =	simm.s32 @!p0 $0x0;
	[sflag:s22] =	ssyncadd.s32 $0xFFFFFB00  }
0x7e: {  	[tilespmem:s17], [sflag:$0x5] =	stream.linear.gather @!p0 [hbm4b:s12+s17], $0x50, $0x38;
	[tilespmem:$0x1FB80] =	vst v63  }
0x7f: {  	s12 =	simm.s32 @!p0 $0x5  }
0x80: {  	_ =	swait.ge @!p0 [sflag:s12], $0x50  }
0x81: {  	[sflag:s12] =	ssyncset.done @!p0 $0x0  }
0x82: {  	s21 =	simm.s32 @!p0 $0xA0;
	s5 =	sadd.s32 @!p0 s7, s5;
	[sflag:s12] =	ssyncadd.s32 @!p0 $0xFFFFFFB0  }
0x83: {  	[tilespmem:s21], [sflag:$0x5] =	stream.linear.gather @!p0 [hbm4b:s5+s17], $0x50, $0x38;
	[tilespmem:$0x1FB80] =	vst v63  }
0x84: {  	_ =	swait.ge @!p0 [sflag:s12], $0x50  }
0x85: {  	[sflag:s12] =	ssyncset.done @!p0 $0x0  }
0x86: {  	s5 =	simm.s32 @!p0 $0x50;
	[sflag:s12] =	ssyncadd.s32 @!p0 $0xFFFFFFB0;
	s12 =	simm.s32 @!p0 $0x1E0  }
0x87: {  	[tilespmem:s12], [sflag:$0x3] =	stream.indirect.gather @!p0 [spmem:s1], $0x10, s17, s5, $0xb8;
	[tilespmem:$0x1FB80] =	vst v63  }
0x88: {  	s12 =	simm.s32 @!p0 $0xBE0  }
0x89: {  	[tilespmem:s12], [sflag:$0x3] =	stream.indirect.gather @!p0 [spmem:s1], $0x10, s21, s5, $0xb8;
	[tilespmem:$0x1FB80] =	vst v63  }
0x8a: {  	_ =	swait.ge [sflag:s2], $0x500  }
0x8b: {  	[sflag:s2] =	ssyncset.done $0x0  }
0x8c: {  	[sflag:s2] =	ssyncadd.s32 $0xFFFFFB00  }
0x8d: {  	_ =	swait.ge [sflag:s2], $0x500  }
0x8e: {  	[sflag:s2] =	ssyncset.done $0x0  }
0x8f: {  	s5 =	simm.s32 $0x0;
	[sflag:s2] =	ssyncadd.s32 $0xFFFFFB00  }
0x90: {  	s12 =	simm.s32 $0x10;
	v8 =	vld [tilespmem:s5+$0x10E0]  }
0x91: {  	v9 =	vld [tilespmem:s12+$0x10E0]  }
0x92: {  	v10 =	vld [tilespmem:s5+$0x6E0];
	_ =	sdelay $0x1  }
0x93: {  	v11 =	vld [tilespmem:s12+$0x6E0]  }
0x94: {  	v8 =	vperm.xlane v8, v7;
	_ =	sdelay $0x1  }
0x95: {  	v9 =	vperm.xlane v9, v7;
	v8 =	vadd.f32 v8, v10;
	_ =	sdelay $0x1  }
0x96: {  	v9 =	vadd.f32 v9, v11;
	v11 =	vmul.f32 $2.000000030e-01, v8;
	_ =	sdelay $0x1  }
0x97: {  	s26 =	simm.s32 $0x20;
	v8 =	vmax.f32 v8, v11  }
0x98: {  	v12 =	vld [tilespmem:s26+$0x10E0];
	v8 =	vmul.f32 $1.442695020e+00, v8  }
0x99: {  	v13 =	vmul.f32 $2.000000030e-01, v9  }
0x9a: {  	v10 =	vld [tilespmem:s26+$0x6E0];
	(erf) = vpow2.f32 v8  }
0x9b: {  	v9 =	vmax.f32 v9, v13  }
0x9c: {  	v63 =	vmul.f32 $1.442695020e+00, v9  }
0x9d: {  	s17 =	simm.s32 $0x30;
	v11 =	vperm.xlane v12, v7  }
0x9e: {  	v8 =	vld [tilespmem:s17+$0x10E0];
	(erf) = vpow2.f32 v63  }
0x9f: {  	v9 =	vadd.f32 v11, v10  }
0xa0: {  	v10 =	vld [tilespmem:s17+$0x6E0]  }
0xa1: {  	s21 =	simm.s32 $0x100;
	v11 =	vmul.f32 $2.000000030e-01, v9  }
.LBB2_9:
0xa2: {  	p0 =	sne.s32 s21, $0x13C0  }
.Ltmp3:
0xa3: {  	s28 =	sshra.s32 s21, $0x2;
	s21 =	sadd.s32 $0x40, s21;
	v12 =	vperm.xlane v8, v7;
	v9 =	vmax.f32 v9, v11;
	v11 =	vpop (erf);
	(pc) =	sbr.rel @p0 .LBB2_9-.Ltmp3, $4  }
0xa4: {  	v8 =	vld [tilespmem:s28+$0x10E0];
	v13 =	vmul.f32 $1.442695020e+00, v9;
	[tilespmem:s5+$0x1FE0] =	vst v11;
	s5 =	smov.u32 s12;
	s12 =	smov.u32 s26  }
0xa5: {  	s26 =	smov.u32 s17;
	s17 =	smov.u32 s28;
	v9 =	vadd.f32 v12, v10  }
0xa6: {  	v10 =	vld [tilespmem:s17+$0x6E0];
	(erf) = vpow2.f32 v13  }
0xa7: {  	v11 =	vmul.f32 $2.000000030e-01, v9  }
0xa8: {  	_ = 	snop  }
0xa9: {  	v8 =	vperm.xlane v8, v7;
	_ =	sdelay $0x1  }
0xaa: {  	v8 =	vadd.f32 v8, v10;
	_ =	sdelay $0x1  }
0xab: {  	v10 =	vmul.f32 $2.000000030e-01, v8  }
0xac: {  	v9 =	vmax.f32 v9, v11  }
0xad: {  	v9 =	vmul.f32 $1.442695020e+00, v9;
	v8 =	vmax.f32 v8, v10  }
0xae: {  	v8 =	vmul.f32 $1.442695020e+00, v8  }
0xaf: {  	(erf) = vpow2.f32 v9  }
0xb0: {  	(erf) = vpow2.f32 v8;
	_ =	sdelay $0x5  }
0xb1: {  	v8 =	vpop (erf)  }
0xb2: {  	v63 =	vpop (erf);
	[tilespmem:s5+$0x1FE0] =	vst v8  }
0xb3: {  	s11 =	sadd.s32 $0x1, s11;
	[tilespmem:s12+$0x1FE0] =	vst v63;
	v8 =	vpop (erf)  }
0xb4: {  	p0 =	sne.s32 s11, $0x7D;
	[tilespmem:s26+$0x1FE0] =	vst v8;
	v8 =	vpop (erf)  }
.Ltmp4:
0xb5: {  	[tilespmem:s17+$0x1FE0] =	vst v8;
	(pc) =	sbr.rel @p0 .LBB2_6-.Ltmp4, $4  }
0xb6: {  	[spmem:s3] =	stream.indirect.scatter.add.f32 [tilespmem:s23], [sflag:$0x5], $0x10, s29, s25, $0xb8;
	[tilespmem:$0x1FB80] =	vst v63  }
0xb7: {  	_ =	swait.ge [sflag:s22], $0x500  }
0xb8: {  	[sflag:s22] =	ssyncset.done $0x0  }
0xb9: {  	[sflag:s22] =	ssyncadd.s32 $0xFFFFFB00  }
0xba: {  	[bflag:$0x0] =	sbarrier.arrive $0xFFFF;
	s5 =	simm.s32 $0x0;
	s10 =	simm.s32 $0x200  }
.LBB2_12:
0xbb: {  	p0 =	sne.s32 s10, $0x9E00;
	[tilespmem:s5+$0x2550] =	vst v6  }
0xbc: {  	[tilespmem:s5+$0x24E0] =	vst v6  }
0xbd: {  	[tilespmem:s5+$0x24F0] =	vst v6  }
.Ltmp5:
0xbe: {  	[tilespmem:s5+$0x2500] =	vst v6;
	(pc) =	sbr.rel @p0 .LBB2_12-.Ltmp5, $4  }
0xbf: {  	[tilespmem:s5+$0x2510] =	vst v6  }
0xc0: {  	[tilespmem:s5+$0x2520] =	vst v6  }
0xc1: {  	[tilespmem:s5+$0x2530] =	vst v6  }
0xc2: {  	[tilespmem:s5+$0x2540] =	vst v6;
	s5 =	sshra.s32 s10, $0x2;
	s10 =	sadd.s32 $0x200, s10  }
0xc3: {  	[tilespmem:s5+$0x2550] =	vst v6  }
0xc4: {  	[tilespmem:s5+$0x24E0] =	vst v6  }
0xc5: {  	[tilespmem:s5+$0x24F0] =	vst v6  }
0xc6: {  	[tilespmem:s5+$0x2500] =	vst v6  }
0xc7: {  	[tilespmem:s5+$0x2510] =	vst v6  }
0xc8: {  	[tilespmem:s5+$0x2520] =	vst v6  }
0xc9: {  	[tilespmem:s5+$0x2530] =	vst v6  }
0xca: {  	[tilespmem:s5+$0x2540] =	vst v6;
	s28 =	sadd.s32 $0x0, s20  }
0xcb: {  	[spmem:s28] =	stream.linear.scatter [tilespmem:s9], [sflag:$0x5], $0xC80, $0x38;
	[tilespmem:$0x1FB80] =	vst v63  }
0xcc: {  	_ =	swait.ge [sflag:s22], $0xC80  }
0xcd: {  	s5 =	simm.s32 $0x3200;
	s30 =	rddreg [dreg:$0x8]  }
.LBB2_14:
0xce: {  	s10 =	sshra.s32 s5, $0x2;
	[sflag:s22] =	ssyncset.done $0x0;
	p0 =	sne.s32 s5, $0x4B000  }
.Ltmp6:
0xcf: {  	s10 =	sadd.s32 s10, s20;
	[sflag:s22] =	ssyncadd.s32 $0xFFFFF380;
	(pc) =	sbr.rel @p0 .LBB2_14-.Ltmp6, $3  }
0xd0: {  	[spmem:s10] =	stream.linear.scatter [tilespmem:s9], [sflag:$0x5], $0xC80, $0x38;
	[tilespmem:$0x1FB80] =	vst v63  }
0xd1: {  	s5 =	sadd.s32 $0x3200, s5;
	_ =	sdelay $0x1  }
0xd2: {  	_ =	swait.ge [sflag:s22], $0xC80  }
0xd3: {  	[sflag:s22] =	ssyncset.done $0x0  }
0xd4: {  	[sflag:s22] =	ssyncadd.s32 $0xFFFFF380  }
0xd5: {  	[bflag:$0x0] =	sbarrier.arrive $0xFFFF  }
0xd6: {  	s26 =	simm.s32 $0x0;
	s5 =	rddreg [dreg:$0x9]  }
0xd7: {  	[tilespmem:s26], [sflag:$0x5] =	stream.linear.gather [hbm4b:s5+s26], $0x50, $0x38;
	[tilespmem:$0x1FB80] =	vst v63  }
0xd8: {  	_ =	swait.ge [sflag:s22], $0x50  }
0xd9: {  	[sflag:s22] =	ssyncset.done $0x0  }
0xda: {  	s10 =	rddreg [dreg:$0xa];
	[sflag:s22] =	ssyncadd.s32 $0xFFFFFFB0  }
0xdb: {  	[tilespmem:s24], [sflag:$0x5] =	stream.linear.gather [hbm4b:s10+s26], $0x50, $0x38;
	[tilespmem:$0x1FB80] =	vst v63  }
0xdc: {  	_ =	swait.ge [sflag:s22], $0x50  }
0xdd: {  	[sflag:s22] =	ssyncset.done $0x0  }
0xde: {  	[sflag:s22] =	ssyncadd.s32 $0xFFFFFFB0  }
0xdf: {  	v8 =	vld [tilespmem:$0x0]  }
0xe0: {  	v9 =	vld [tilespmem:$0x10]  }
0xe1: {  	v10 =	vld [tilespmem:$0x20]  }
0xe2: {  	v11 =	vld [tilespmem:$0x30]  }
0xe3: {  	v12 =	vld [tilespmem:$0x40]  }
0xe4: {  	v8 =	vadd.s32 v0, v8  }
0xe5: {  	[tilespmem:$0x140] =	vst v8;
	v8 =	vadd.s32 v0, v9  }
0xe6: {  	[tilespmem:$0x150] =	vst v8;
	v8 =	vadd.s32 v0, v10  }
0xe7: {  	[tilespmem:$0x160] =	vst v8;
	v8 =	vadd.s32 v0, v11  }
0xe8: {  	[tilespmem:$0x170] =	vst v8;
	v8 =	vadd.s32 v0, v12  }
0xe9: {  	s11 =	simm.s32 $0x140;
	[tilespmem:$0x180] =	vst v8  }
0xea: {  	[tilespmem:s9], [sflag:$0x1] =	stream.indirect.gather [hbm4b:s8+s25], $0x80, s11, s25, $0xb8;
	[tilespmem:$0x1FB80] =	vst v63  }
0xeb: {  	s12 =	simm.s32 $0x1E0  }
0xec: {  	[tilespmem:s12], [sflag:$0x3] =	stream.indirect.gather [spmem:s1], $0x10, s26, s25, $0xb8;
	[tilespmem:$0x1FB80] =	vst v63  }
0xed: {  	s17 =	simm.s32 $0xBE0  }
0xee: {  	[tilespmem:s17], [sflag:$0x3] =	stream.indirect.gather [spmem:s1], $0x10, s24, s25, $0xb8;
	[tilespmem:$0x1FB80] =	vst v63  }
0xef: {  	s21 =	simm.s32 $0x15E0;
	s28 =	simm.s32 $0x0  }
0xf0: {  	[tilespmem:s21], [sflag:$0x3] =	stream.indirect.gather [spmem:s3], $0x10, s24, s25, $0xb8;
	[tilespmem:$0x1FB80] =	vst v63  }
.LBB2_16:
0xf1: {  	s10 =	smul.u32 $0xA0, s28;
	_ =	sdelay $0x1  }
0xf2: {  	s5 =	sadd.s32 s10, s13  }
0xf3: {  	s5 =	sshrl.u32 s5, $0x3  }
0xf4: {  	s11 =	sadd.s32 s6, s5  }
0xf5: {  	[tilespmem:s25], [sflag:$0x5] =	stream.linear.gather [hbm4b:s11+s26], $0x50, $0x38;
	[tilespmem:$0x1FB80] =	vst v63  }
0xf6: {  	_ =	swait.ge [sflag:s22], $0x50  }
0xf7: {  	[sflag:s22] =	ssyncset.done $0x0  }
0xf8: {  	s5 =	sadd.s32 s7, s5;
	[sflag:s22] =	ssyncadd.s32 $0xFFFFFFB0  }
0xf9: {  	[tilespmem:s29], [sflag:$0x5] =	stream.linear.gather [hbm4b:s5+s26], $0x50, $0x38;
	[tilespmem:$0x1FB80] =	vst v63  }
0xfa: {  	_ =	swait.ge [sflag:s22], $0x50  }
0xfb: {  	[sflag:s22] =	ssyncset.done $0x0  }
0xfc: {  	[sflag:s22] =	ssyncadd.s32 $0xFFFFFFB0  }
0xfd: {  	v8 =	vld [tilespmem:$0x50]  }
0xfe: {  	v9 =	vld [tilespmem:$0x60]  }
0xff: {  	v10 =	vld [tilespmem:$0x70]  }
0x100: {  	v11 =	vld [tilespmem:$0x80]  }
0x101: {  	v12 =	vld [tilespmem:$0x90]  }
0x102: {  	v8 =	vadd.s32 v0, v8  }
0x103: {  	[tilespmem:$0x190] =	vst v8;
	v8 =	vadd.s32 v0, v9  }
0x104: {  	[tilespmem:$0x1A0] =	vst v8;
	v8 =	vadd.s32 v0, v10  }
0x105: {  	[tilespmem:$0x1B0] =	vst v8;
	v8 =	vadd.s32 v0, v11  }
0x106: {  	[tilespmem:$0x1C0] =	vst v8;
	v8 =	vadd.s32 v0, v12  }
0x107: {  	s11 =	simm.s32 $0x190;
	[tilespmem:$0x1D0] =	vst v8  }
0x108: {  	[tilespmem:s18], [sflag:$0x2] =	stream.indirect.gather [hbm4b:s8+s25], $0x80, s11, s25, $0xb8;
	[tilespmem:$0x1FB80] =	vst v63  }
0x109: {  	s12 =	simm.s32 $0x6E0  }
0x10a: {  	[tilespmem:s12], [sflag:$0x4] =	stream.indirect.gather [spmem:s1], $0x10, s25, s25, $0xb8;
	[tilespmem:$0x1FB80] =	vst v63  }
0x10b: {  	_ = 	snop  }
0x10c: {  	[tilespmem:s31], [sflag:$0x4] =	stream.indirect.gather [spmem:s1], $0x10, s29, s25, $0xb8;
	[tilespmem:$0x1FB80] =	vst v63  }
0x10d: {  	s17 =	simm.s32 $0x1AE0  }
0x10e: {  	[tilespmem:s17], [sflag:$0x4] =	stream.indirect.gather [spmem:s3], $0x10, s29, s25, $0xb8;
	[tilespmem:$0x1FB80] =	vst v63  }
0x10f: {  	_ =	swait.ge [sflag:s0], $0x500  }
0x110: {  	[sflag:s0] =	ssyncset.done $0x0  }
0x111: {  	[sflag:s0] =	ssyncadd.s32 $0xFFFFFB00  }
0x112: {  	_ =	swait.ge [sflag:s0], $0x500  }
0x113: {  	[sflag:s0] =	ssyncset.done $0x0  }
0x114: {  	[sflag:s0] =	ssyncadd.s32 $0xFFFFFB00  }
0x115: {  	_ =	swait.ge [sflag:s0], $0x500  }
0x116: {  	[sflag:s0] =	ssyncset.done $0x0  }
0x117: {  	[sflag:s0] =	ssyncadd.s32 $0xFFFFFB00  }
0x118: {  	_ =	swait.ge [sflag:s15], $0x2800  }
0x119: {  	[sflag:s15] =	ssyncset.done $0x0  }
0x11a: {  	s21 =	simm.s32 $0x0;
	[sflag:s15] =	ssyncadd.s32 $0xFFFFD800  }
0x11b: {  	v8 =	vld [tilespmem:s21+$0xBE0];
	_ =	sdelay $0x1  }
0x11c: {  	v52 =	vld [tilespmem:s21+$0x1E0];
	_ =	sdelay $0x2  }
0x11d: {  	v8 =	vperm.xlane v8, v7  }
0x11e: {  	v53 =	vld [tilespmem:s21+$0x15E0]  }
0x11f: {  	v8 =	vadd.f32 v8, v52;
	_ =	sdelay $0x1  }
0x120: {  	v9 =	vmul.f32 $2.000000030e-01, v8;
	_ =	sdelay $0x1  }
0x121: {  	v54 =	vadd.f32 $9.999999710e-10, v53;
	v8 =	vmax.f32 v8, v9  }
0x122: {  	v8 =	vmul.f32 $1.442695020e+00, v8  }
0x123: {  	(erf) = vrcp.f32 v54  }
0x124: {  	(erf) = vpow2.f32 v8;
	_ =	sdelay $0x7  }
0x125: {  	s11 =	simm.s32 $0x2520;
	v8 =	vpop (erf)  }
0x126: {  	v55 =	vld [tilespmem:s11+$0x30];
	v56 =	vpop (erf)  }
0x127: {  	v57 =	vld [tilespmem:s11+$0x20];
	v8 =	vmul.f32 v56, v8  }
0x128: {  	v58 =	vld [tilespmem:s11+$0x10]  }
0x129: {  	v59 =	vld [tilespmem:s11+$0x0];
	v13 =	vperm.xlane v8, v3  }
0x12a: {  	v14 =	vld [tilespmem:s11+$0xFFFFFFF0]  }
0x12b: {  	v15 =	vld [tilespmem:s11+$0xFFFFFFE0];
	v9 =	vmul.f32 v55, v13  }
0x12c: {  	v16 =	vld [tilespmem:s11+$0xFFFFFFD0];
	v11 =	vmul.f32 v57, v13  }
0x12d: {  	v17 =	vld [tilespmem:s11+$0xFFFFFFC0];
	v8 =	vperm.xlane v8, v2;
	v10 =	vmul.f32 v58, v13;
	[tilespmem:s11+$0x30] =	vst v9  }
0x12e: {  	v60 =	vmul.f32 v59, v13;
	[tilespmem:s11+$0x20] =	vst v11  }
0x12f: {  	v61 =	vmul.f32 v14, v8;
	[tilespmem:s11+$0x10] =	vst v10  }
0x130: {  	v62 =	vmul.f32 v15, v8;
	[tilespmem:s11+$0x0] =	vst v60  }
0x131: {  	v63 =	vmul.f32 v16, v8;
	[tilespmem:s11+$0xFFFFFFF0] =	vst v61  }
0x132: {  	v8 =	vmul.f32 v17, v8;
	[tilespmem:s11+$0xFFFFFFE0] =	vst v62  }
0x133: {  	[tilespmem:s11+$0xFFFFFFD0] =	vst v63  }
0x134: {  	s5 =	simm.s32 $0x10;
	s12 =	simm.s32 $0x80;
	[tilespmem:s11+$0xFFFFFFC0] =	vst v8  }
.LBB2_17:
0x135: {  	p0 =	sne.s32 s12, $0x13C0;
	v8 =	vld [tilespmem:s5+$0xBE0]  }
0x136: {  	v9 =	vld [tilespmem:s5+$0x1E0]  }
0x137: {  	v10 =	vld [tilespmem:s5+$0x15E0];
	_ =	sdelay $0x2  }
0x138: {  	v8 =	vperm.xlane v8, v7;
	_ =	sdelay $0x1  }
0x139: {  	v8 =	vadd.f32 v8, v9;
	_ =	sdelay $0x1  }
0x13a: {  	v9 =	vmul.f32 $2.000000030e-01, v8;
	_ =	sdelay $0x1  }
0x13b: {  	v8 =	vmax.f32 v8, v9;
	v9 =	vadd.f32 $9.999999710e-10, v10  }
0x13c: {  	v8 =	vmul.f32 $1.442695020e+00, v8  }
0x13d: {  	(erf) = vrcp.f32 v9  }
0x13e: {  	(erf) = vpow2.f32 v8;
	_ =	sdelay $0x3  }
0x13f: {  	s11 =	sadd.s32 $0x80, s11  }
0x140: {  	v8 =	vld [tilespmem:s11+$0xFFFFFFF0]  }
0x141: {  	v9 =	vld [tilespmem:s11+$0x30]  }
0x142: {  	v10 =	vld [tilespmem:s11+$0x20]  }
0x143: {  	v11 =	vld [tilespmem:s11+$0x10];
	v12 =	vpop (erf)  }
0x144: {  	v13 =	vld [tilespmem:s11+$0x0];
	v14 =	vpop (erf)  }
0x145: {  	v12 =	vmul.f32 v14, v12;
	v14 =	vld [tilespmem:s11+$0xFFFFFFE0]  }
0x146: {  	v15 =	vld [tilespmem:s11+$0xFFFFFFD0]  }
0x147: {  	v16 =	vperm.xlane v12, v2;
	v12 =	vperm.xlane v12, v3;
	v17 =	vld [tilespmem:s11+$0xFFFFFFC0];
	_ =	sdelay $0x1  }
0x148: {  	v10 =	vmul.f32 v10, v12;
	v9 =	vmul.f32 v9, v12  }
0x149: {  	v13 =	vmul.f32 v13, v12;
	v11 =	vmul.f32 v11, v12  }
0x14a: {  	v8 =	vmul.f32 v8, v16;
	v12 =	vmul.f32 v14, v16;
	[tilespmem:s11+$0x30] =	vst v9  }
0x14b: {  	v14 =	vmul.f32 v15, v16;
	v9 =	vmul.f32 v17, v16;
	[tilespmem:s11+$0x20] =	vst v10  }
0x14c: {  	[tilespmem:s11+$0x10] =	vst v11  }
.Ltmp7:
0x14d: {  	[tilespmem:s11+$0x0] =	vst v13;
	(pc) =	sbr.rel @p0 .LBB2_17-.Ltmp7, $4  }
0x14e: {  	[tilespmem:s11+$0xFFFFFFF0] =	vst v8  }
0x14f: {  	[tilespmem:s11+$0xFFFFFFE0] =	vst v12  }
0x150: {  	[tilespmem:s11+$0xFFFFFFD0] =	vst v14  }
0x151: {  	s5 =	sshra.s32 s12, $0x2;
	s12 =	sadd.s32 $0x40, s12;
	[tilespmem:s11+$0xFFFFFFC0] =	vst v9  }
0x152: {  	v8 =	vld [tilespmem:s5+$0xBE0];
	_ =	sdelay $0x1  }
0x153: {  	v9 =	vld [tilespmem:s5+$0x1E0];
	_ =	sdelay $0x2  }
0x154: {  	v8 =	vperm.xlane v8, v7  }
0x155: {  	v10 =	vld [tilespmem:s5+$0x15E0]  }
0x156: {  	v8 =	vadd.f32 v8, v9;
	_ =	sdelay $0x1  }
0x157: {  	v9 =	vmul.f32 $2.000000030e-01, v8;
	_ =	sdelay $0x1  }
0x158: {  	v39 =	vadd.f32 $9.999999710e-10, v10;
	v8 =	vmax.f32 v8, v9  }
0x159: {  	v8 =	vmul.f32 $1.442695020e+00, v8  }
0x15a: {  	(erf) = vrcp.f32 v39  }
0x15b: {  	(erf) = vpow2.f32 v8;
	_ =	sdelay $0x7  }
0x15c: {  	s17 =	sadd.s32 $0x80, s11;
	v8 =	vpop (erf)  }
0x15d: {  	v40 =	vld [tilespmem:s17+$0x30];
	v41 =	vpop (erf)  }
0x15e: {  	v11 =	vld [tilespmem:s17+$0x20];
	v8 =	vmul.f32 v41, v8  }
0x15f: {  	v42 =	vld [tilespmem:s17+$0x10]  }
0x160: {  	v12 =	vld [tilespmem:s17+$0x0];
	v13 =	vperm.xlane v8, v3  }
0x161: {  	v14 =	vld [tilespmem:s17+$0xFFFFFFF0]  }
0x162: {  	v15 =	vld [tilespmem:s17+$0xFFFFFFE0];
	v9 =	vmul.f32 v40, v13  }
0x163: {  	v16 =	vld [tilespmem:s17+$0xFFFFFFD0];
	v11 =	vmul.f32 v11, v13  }
0x164: {  	v17 =	vld [tilespmem:s17+$0xFFFFFFC0];
	v8 =	vperm.xlane v8, v2;
	v10 =	vmul.f32 v42, v13;
	[tilespmem:s17+$0x30] =	vst v9  }
0x165: {  	v43 =	vmul.f32 v12, v13;
	[tilespmem:s17+$0x20] =	vst v11  }
0x166: {  	v44 =	vmul.f32 v14, v8;
	[tilespmem:s17+$0x10] =	vst v10  }
0x167: {  	v45 =	vmul.f32 v15, v8;
	[tilespmem:s17+$0x0] =	vst v43  }
0x168: {  	v46 =	vmul.f32 v16, v8;
	[tilespmem:s17+$0xFFFFFFF0] =	vst v44  }
0x169: {  	v8 =	vmul.f32 v17, v8;
	[tilespmem:s17+$0xFFFFFFE0] =	vst v45  }
0x16a: {  	[tilespmem:s17+$0xFFFFFFD0] =	vst v46  }
0x16b: {  	p0 =	seq.s32 s28, $0x7C;
	[tilespmem:s17+$0xFFFFFFC0] =	vst v8  }
0x16c: {  	[spmem:s4] =	stream.indirect.scatter.add.f32 [tilespmem:s9], [sflag:$0x5], $0x80, s24, s25, $0xb8;
	[tilespmem:$0x1FB80] =	vst v63  }
0x16d: {  	s5 =	sadd.s32 @!p0 s10, s14;
	_ =	swait.ge [sflag:s22], $0x2800  }
0x16e: {  	s5 =	sshrl.u32 @!p0 s5, $0x3;
	[sflag:s22] =	ssyncset.done $0x0  }
0x16f: {  	s11 =	simm.s32 @!p0 $0x0;
	s10 =	sadd.s32 @!p0 s6, s5;
	[sflag:s22] =	ssyncadd.s32 $0xFFFFD800  }
0x170: {  	[tilespmem:s11], [sflag:$0x5] =	stream.linear.gather @!p0 [hbm4b:s10+s11], $0x50, $0x38;
	[tilespmem:$0x1FB80] =	vst v63  }
0x171: {  	s10 =	simm.s32 @!p0 $0x5  }
0x172: {  	_ =	swait.ge @!p0 [sflag:s10], $0x50  }
0x173: {  	[sflag:s10] =	ssyncset.done @!p0 $0x0  }
0x174: {  	s12 =	simm.s32 @!p0 $0xA0;
	s5 =	sadd.s32 @!p0 s7, s5;
	[sflag:s10] =	ssyncadd.s32 @!p0 $0xFFFFFFB0  }
0x175: {  	[tilespmem:s12], [sflag:$0x5] =	stream.linear.gather @!p0 [hbm4b:s5+s11], $0x50, $0x38;
	[tilespmem:$0x1FB80] =	vst v63  }
0x176: {  	_ =	swait.ge @!p0 [sflag:s10], $0x50  }
0x177: {  	[sflag:s10] =	ssyncset.done @!p0 $0x0  }
0x178: {  	[sflag:s10] =	ssyncadd.s32 @!p0 $0xFFFFFFB0  }
0x179: {  	v8 =	vld @!p0 [tilespmem:$0x0]  }
0x17a: {  	v9 =	vld @!p0 [tilespmem:$0x10]  }
0x17b: {  	v10 =	vld @!p0 [tilespmem:$0x20]  }
0x17c: {  	v11 =	vld @!p0 [tilespmem:$0x30]  }
0x17d: {  	v12 =	vld @!p0 [tilespmem:$0x40]  }
0x17e: {  	v8 =	vadd.s32 @!p0 v0, v8  }
0x17f: {  	[tilespmem:$0x140] =	vst @!p0 v8;
	v8 =	vadd.s32 @!p0 v0, v9  }
0x180: {  	[tilespmem:$0x150] =	vst @!p0 v8;
	v8 =	vadd.s32 @!p0 v0, v10  }
0x181: {  	[tilespmem:$0x160] =	vst @!p0 v8;
	v8 =	vadd.s32 @!p0 v0, v11  }
0x182: {  	[tilespmem:$0x170] =	vst @!p0 v8;
	v8 =	vadd.s32 @!p0 v0, v12  }
0x183: {  	s17 =	simm.s32 @!p0 $0x24E0;
	s5 =	simm.s32 @!p0 $0x50;
	s10 =	simm.s32 @!p0 $0x140;
	[tilespmem:$0x180] =	vst @!p0 v8  }
0x184: {  	[tilespmem:s17], [sflag:$0x1] =	stream.indirect.gather @!p0 [hbm4b:s8+s5], $0x80, s10, s5, $0xb8;
	[tilespmem:$0x1FB80] =	vst v63  }
0x185: {  	s10 =	simm.s32 @!p0 $0x1E0  }
0x186: {  	[tilespmem:s10], [sflag:$0x3] =	stream.indirect.gather @!p0 [spmem:s1], $0x10, s11, s5, $0xb8;
	[tilespmem:$0x1FB80] =	vst v63  }
0x187: {  	s10 =	simm.s32 @!p0 $0xBE0  }
0x188: {  	[tilespmem:s10], [sflag:$0x3] =	stream.indirect.gather @!p0 [spmem:s1], $0x10, s12, s5, $0xb8;
	[tilespmem:$0x1FB80] =	vst v63  }
0x189: {  	s10 =	simm.s32 @!p0 $0x15E0  }
0x18a: {  	[tilespmem:s10], [sflag:$0x3] =	stream.indirect.gather @!p0 [spmem:s3], $0x10, s12, s5, $0xb8;
	[tilespmem:$0x1FB80] =	vst v63  }
0x18b: {  	_ =	swait.ge [sflag:s2], $0x500  }
0x18c: {  	[sflag:s2] =	ssyncset.done $0x0  }
0x18d: {  	[sflag:s2] =	ssyncadd.s32 $0xFFFFFB00  }
0x18e: {  	_ =	swait.ge [sflag:s2], $0x500  }
0x18f: {  	[sflag:s2] =	ssyncset.done $0x0  }
0x190: {  	[sflag:s2] =	ssyncadd.s32 $0xFFFFFB00  }
0x191: {  	_ =	swait.ge [sflag:s2], $0x500  }
0x192: {  	[sflag:s2] =	ssyncset.done $0x0  }
0x193: {  	[sflag:s2] =	ssyncadd.s32 $0xFFFFFB00  }
0x194: {  	_ =	swait.ge [sflag:s16], $0x2800  }
0x195: {  	[sflag:s16] =	ssyncset.done $0x0  }
0x196: {  	s21 =	simm.s32 $0x0;
	[sflag:s16] =	ssyncadd.s32 $0xFFFFD800  }
0x197: {  	v8 =	vld [tilespmem:s21+$0x10E0];
	_ =	sdelay $0x1  }
0x198: {  	v47 =	vld [tilespmem:s21+$0x6E0];
	_ =	sdelay $0x2  }
0x199: {  	v8 =	vperm.xlane v8, v7  }
0x19a: {  	v48 =	vld [tilespmem:s21+$0x1AE0]  }
0x19b: {  	v8 =	vadd.f32 v8, v47;
	_ =	sdelay $0x1  }
0x19c: {  	v9 =	vmul.f32 $2.000000030e-01, v8;
	_ =	sdelay $0x1  }
0x19d: {  	v49 =	vadd.f32 $9.999999710e-10, v48;
	v8 =	vmax.f32 v8, v9  }
0x19e: {  	v8 =	vmul.f32 $1.442695020e+00, v8  }
0x19f: {  	(erf) = vrcp.f32 v49  }
0x1a0: {  	(erf) = vpow2.f32 v8;
	_ =	sdelay $0x7  }
0x1a1: {  	s10 =	simm.s32 $0x4D20;
	v8 =	vpop (erf)  }
0x1a2: {  	v50 =	vld [tilespmem:s10+$0x30];
	v51 =	vpop (erf)  }
0x1a3: {  	v52 =	vld [tilespmem:s10+$0x20];
	v8 =	vmul.f32 v51, v8  }
0x1a4: {  	v53 =	vld [tilespmem:s10+$0x10]  }
0x1a5: {  	v54 =	vld [tilespmem:s10+$0x0];
	v55 =	vperm.xlane v8, v3  }
0x1a6: {  	v56 =	vld [tilespmem:s10+$0xFFFFFFF0]  }
0x1a7: {  	v57 =	vld [tilespmem:s10+$0xFFFFFFE0];
	v9 =	vmul.f32 v50, v55  }
0x1a8: {  	v58 =	vld [tilespmem:s10+$0xFFFFFFD0];
	v11 =	vmul.f32 v52, v55  }
0x1a9: {  	v59 =	vld [tilespmem:s10+$0xFFFFFFC0];
	v8 =	vperm.xlane v8, v2;
	v10 =	vmul.f32 v53, v55;
	[tilespmem:s10+$0x30] =	vst v9  }
0x1aa: {  	v60 =	vmul.f32 v54, v55;
	[tilespmem:s10+$0x20] =	vst v11  }
0x1ab: {  	v61 =	vmul.f32 v56, v8;
	[tilespmem:s10+$0x10] =	vst v10  }
0x1ac: {  	v62 =	vmul.f32 v57, v8;
	[tilespmem:s10+$0x0] =	vst v60  }
0x1ad: {  	v63 =	vmul.f32 v58, v8;
	[tilespmem:s10+$0xFFFFFFF0] =	vst v61  }
0x1ae: {  	v8 =	vmul.f32 v59, v8;
	[tilespmem:s10+$0xFFFFFFE0] =	vst v62  }
0x1af: {  	[tilespmem:s10+$0xFFFFFFD0] =	vst v63  }
0x1b0: {  	s11 =	simm.s32 $0x80;
	s5 =	simm.s32 $0x10;
	[tilespmem:s10+$0xFFFFFFC0] =	vst v8  }
.LBB2_19:
0x1b1: {  	p0 =	sne.s32 s11, $0x13C0;
	v8 =	vld [tilespmem:s5+$0x10E0]  }
0x1b2: {  	v9 =	vld [tilespmem:s5+$0x6E0]  }
0x1b3: {  	v10 =	vld [tilespmem:s5+$0x1AE0];
	_ =	sdelay $0x2  }
0x1b4: {  	v8 =	vperm.xlane v8, v7;
	_ =	sdelay $0x1  }
0x1b5: {  	v8 =	vadd.f32 v8, v9;
	_ =	sdelay $0x1  }
0x1b6: {  	v9 =	vmul.f32 $2.000000030e-01, v8;
	_ =	sdelay $0x1  }
0x1b7: {  	v8 =	vmax.f32 v8, v9;
	v9 =	vadd.f32 $9.999999710e-10, v10  }
0x1b8: {  	v8 =	vmul.f32 $1.442695020e+00, v8  }
0x1b9: {  	(erf) = vrcp.f32 v9  }
0x1ba: {  	(erf) = vpow2.f32 v8;
	_ =	sdelay $0x3  }
0x1bb: {  	s10 =	sadd.s32 $0x80, s10  }
0x1bc: {  	v8 =	vld [tilespmem:s10+$0xFFFFFFF0]  }
0x1bd: {  	v9 =	vld [tilespmem:s10+$0x30]  }
0x1be: {  	v10 =	vld [tilespmem:s10+$0x20]  }
0x1bf: {  	v11 =	vld [tilespmem:s10+$0x10];
	v12 =	vpop (erf)  }
0x1c0: {  	v13 =	vld [tilespmem:s10+$0x0];
	v14 =	vpop (erf)  }
0x1c1: {  	v12 =	vmul.f32 v14, v12;
	v14 =	vld [tilespmem:s10+$0xFFFFFFE0]  }
0x1c2: {  	v15 =	vld [tilespmem:s10+$0xFFFFFFD0]  }
0x1c3: {  	v16 =	vperm.xlane v12, v2;
	v12 =	vperm.xlane v12, v3;
	v17 =	vld [tilespmem:s10+$0xFFFFFFC0];
	_ =	sdelay $0x1  }
0x1c4: {  	v10 =	vmul.f32 v10, v12;
	v9 =	vmul.f32 v9, v12  }
0x1c5: {  	v13 =	vmul.f32 v13, v12;
	v11 =	vmul.f32 v11, v12  }
0x1c6: {  	v8 =	vmul.f32 v8, v16;
	v12 =	vmul.f32 v14, v16;
	[tilespmem:s10+$0x30] =	vst v9  }
0x1c7: {  	v14 =	vmul.f32 v15, v16;
	v9 =	vmul.f32 v17, v16;
	[tilespmem:s10+$0x20] =	vst v10  }
0x1c8: {  	[tilespmem:s10+$0x10] =	vst v11  }
.Ltmp8:
0x1c9: {  	[tilespmem:s10+$0x0] =	vst v13;
	(pc) =	sbr.rel @p0 .LBB2_19-.Ltmp8, $4  }
0x1ca: {  	[tilespmem:s10+$0xFFFFFFF0] =	vst v8  }
0x1cb: {  	[tilespmem:s10+$0xFFFFFFE0] =	vst v12  }
0x1cc: {  	[tilespmem:s10+$0xFFFFFFD0] =	vst v14  }
0x1cd: {  	s5 =	sshra.s32 s11, $0x2;
	s11 =	sadd.s32 $0x40, s11;
	[tilespmem:s10+$0xFFFFFFC0] =	vst v9  }
0x1ce: {  	v8 =	vld [tilespmem:s5+$0x10E0];
	_ =	sdelay $0x1  }
0x1cf: {  	v9 =	vld [tilespmem:s5+$0x6E0];
	_ =	sdelay $0x2  }
0x1d0: {  	v8 =	vperm.xlane v8, v7  }
0x1d1: {  	v10 =	vld [tilespmem:s5+$0x1AE0]  }
0x1d2: {  	v8 =	vadd.f32 v8, v9;
	_ =	sdelay $0x1  }
0x1d3: {  	v9 =	vmul.f32 $2.000000030e-01, v8;
	_ =	sdelay $0x1  }
0x1d4: {  	v56 =	vadd.f32 $9.999999710e-10, v10;
	v8 =	vmax.f32 v8, v9  }
0x1d5: {  	v8 =	vmul.f32 $1.442695020e+00, v8  }
0x1d6: {  	(erf) = vrcp.f32 v56  }
0x1d7: {  	(erf) = vpow2.f32 v8;
	_ =	sdelay $0x7  }
0x1d8: {  	s21 =	sadd.s32 $0x80, s10;
	v8 =	vpop (erf)  }
0x1d9: {  	v57 =	vld [tilespmem:s21+$0x30];
	v58 =	vpop (erf)  }
0x1da: {  	v11 =	vld [tilespmem:s21+$0x20];
	v8 =	vmul.f32 v58, v8  }
0x1db: {  	v59 =	vld [tilespmem:s21+$0x10]  }
0x1dc: {  	v12 =	vld [tilespmem:s21+$0x0];
	v13 =	vperm.xlane v8, v3  }
0x1dd: {  	v14 =	vld [tilespmem:s21+$0xFFFFFFF0]  }
0x1de: {  	v15 =	vld [tilespmem:s21+$0xFFFFFFE0];
	v9 =	vmul.f32 v57, v13  }
0x1df: {  	v16 =	vld [tilespmem:s21+$0xFFFFFFD0];
	v11 =	vmul.f32 v11, v13  }
0x1e0: {  	v17 =	vld [tilespmem:s21+$0xFFFFFFC0];
	v8 =	vperm.xlane v8, v2;
	v10 =	vmul.f32 v59, v13;
	[tilespmem:s21+$0x30] =	vst v9  }
0x1e1: {  	v60 =	vmul.f32 v12, v13;
	[tilespmem:s21+$0x20] =	vst v11  }
0x1e2: {  	v61 =	vmul.f32 v14, v8;
	[tilespmem:s21+$0x10] =	vst v10  }
0x1e3: {  	v62 =	vmul.f32 v15, v8;
	[tilespmem:s21+$0x0] =	vst v60  }
0x1e4: {  	v63 =	vmul.f32 v16, v8;
	[tilespmem:s21+$0xFFFFFFF0] =	vst v61  }
0x1e5: {  	s28 =	sadd.s32 $0x1, s28;
	v8 =	vmul.f32 v17, v8;
	[tilespmem:s21+$0xFFFFFFE0] =	vst v62  }
0x1e6: {  	p0 =	sne.s32 s28, $0x7D;
	[tilespmem:s21+$0xFFFFFFD0] =	vst v63  }
.Ltmp9:
0x1e7: {  	[tilespmem:s21+$0xFFFFFFC0] =	vst v8;
	(pc) =	sbr.rel @p0 .LBB2_16-.Ltmp9, $4  }
0x1e8: {  	[spmem:s4] =	stream.indirect.scatter.add.f32 [tilespmem:s18], [sflag:$0x5], $0x80, s29, s25, $0xb8;
	[tilespmem:$0x1FB80] =	vst v63  }
0x1e9: {  	_ =	swait.ge [sflag:s22], $0x2800  }
0x1ea: {  	[sflag:s22] =	ssyncset.done $0x0  }
0x1eb: {  	[sflag:s22] =	ssyncadd.s32 $0xFFFFD800  }
0x1ec: {  	[bflag:$0x0] =	sbarrier.arrive $0xFFFF  }
0x1ed: {  	s5 =	rddreg [dreg:$0xc]  }
0x1ee: {  	s28 =	rddreg [dreg:$0xb];
	s26 =	sshrl.u32 s5, $0x3  }
0x1ef: {  	[hbm:s28], [sflag:s30] =	dma.local [spmem:s26], $0x2710  }
0x1f0: {  	_ =	swait.ge [sflag:s22], $0x2710  }
0x1f1: {  	[sflag:s22] =	ssyncset.done $0x0  }
0x1f2: {  	[sflag:s22] =	ssyncadd.s32 $0xFFFFD8F0  }
0x1f3: {  	s10 =	simm.s32 $0x200;
	s5 =	simm.s32 $0x0;
	[bflag:$0x0] =	sbarrier.arrive $0xFFFF  }
.LBB2_22:
0x1f4: {  	p0 =	sne.s32 s10, $0x9E00;
	[tilespmem:s5+$0x2550] =	vst v6  }
0x1f5: {  	[tilespmem:s5+$0x24E0] =	vst v6  }
0x1f6: {  	[tilespmem:s5+$0x24F0] =	vst v6  }
.Ltmp10:
0x1f7: {  	[tilespmem:s5+$0x2500] =	vst v6;
	(pc) =	sbr.rel @p0 .LBB2_22-.Ltmp10, $4  }
0x1f8: {  	[tilespmem:s5+$0x2510] =	vst v6  }
0x1f9: {  	[tilespmem:s5+$0x2520] =	vst v6  }
0x1fa: {  	[tilespmem:s5+$0x2530] =	vst v6  }
0x1fb: {  	[tilespmem:s5+$0x2540] =	vst v6;
	s5 =	sshra.s32 s10, $0x2;
	s10 =	sadd.s32 $0x200, s10  }
0x1fc: {  	[tilespmem:s5+$0x2550] =	vst v6  }
0x1fd: {  	[tilespmem:s5+$0x24E0] =	vst v6  }
0x1fe: {  	[tilespmem:s5+$0x24F0] =	vst v6  }
0x1ff: {  	[tilespmem:s5+$0x2500] =	vst v6  }
0x200: {  	[tilespmem:s5+$0x2510] =	vst v6  }
0x201: {  	[tilespmem:s5+$0x2520] =	vst v6  }
0x202: {  	[tilespmem:s5+$0x2530] =	vst v6  }
0x203: {  	[tilespmem:s5+$0x2540] =	vst v6;
	s28 =	sadd.s32 $0x0, s20  }
0x204: {  	[spmem:s28] =	stream.linear.scatter [tilespmem:s9], [sflag:$0x5], $0xC80, $0x38;
	[tilespmem:$0x1FB80] =	vst v63  }
0x205: {  	s5 =	simm.s32 $0x3200;
	_ =	swait.ge [sflag:s22], $0xC80  }
.LBB2_24:
0x206: {  	s10 =	sshra.s32 s5, $0x2;
	[sflag:s22] =	ssyncset.done $0x0;
	p0 =	sne.s32 s5, $0x4B000  }
.Ltmp11:
0x207: {  	s10 =	sadd.s32 s10, s20;
	[sflag:s22] =	ssyncadd.s32 $0xFFFFF380;
	(pc) =	sbr.rel @p0 .LBB2_24-.Ltmp11, $3  }
0x208: {  	[spmem:s10] =	stream.linear.scatter [tilespmem:s9], [sflag:$0x5], $0xC80, $0x38;
	[tilespmem:$0x1FB80] =	vst v63  }
0x209: {  	s5 =	sadd.s32 $0x3200, s5;
	_ =	sdelay $0x1  }
0x20a: {  	_ =	swait.ge [sflag:s22], $0xC80  }
0x20b: {  	[sflag:s22] =	ssyncset.done $0x0  }
0x20c: {  	[sflag:s22] =	ssyncadd.s32 $0xFFFFF380  }
0x20d: {  	[bflag:$0x0] =	sbarrier.arrive $0xFFFF  }
0x20e: {  	s28 =	simm.s32 $0x0;
	s5 =	rddreg [dreg:$0x9]  }
0x20f: {  	[tilespmem:s28], [sflag:$0x5] =	stream.linear.gather [hbm4b:s5+s28], $0x50, $0x38;
	[tilespmem:$0x1FB80] =	vst v63  }
0x210: {  	_ =	swait.ge [sflag:s22], $0x50  }
0x211: {  	[sflag:s22] =	ssyncset.done $0x0  }
0x212: {  	s10 =	rddreg [dreg:$0xa];
	[sflag:s22] =	ssyncadd.s32 $0xFFFFFFB0  }
0x213: {  	[tilespmem:s24], [sflag:$0x5] =	stream.linear.gather [hbm4b:s10+s28], $0x50, $0x38;
	[tilespmem:$0x1FB80] =	vst v63  }
0x214: {  	_ =	swait.ge [sflag:s22], $0x50  }
0x215: {  	[sflag:s22] =	ssyncset.done $0x0  }
0x216: {  	[sflag:s22] =	ssyncadd.s32 $0xFFFFFFB0  }
0x217: {  	v8 =	vld [tilespmem:$0x0]  }
0x218: {  	v9 =	vld [tilespmem:$0x10]  }
0x219: {  	v10 =	vld [tilespmem:$0x20]  }
0x21a: {  	v11 =	vld [tilespmem:$0x30]  }
0x21b: {  	v12 =	vld [tilespmem:$0x40]  }
0x21c: {  	v8 =	vadd.s32 v1, v8  }
0x21d: {  	[tilespmem:$0x140] =	vst v8;
	v8 =	vadd.s32 v1, v9  }
0x21e: {  	[tilespmem:$0x150] =	vst v8;
	v8 =	vadd.s32 v1, v10  }
0x21f: {  	[tilespmem:$0x160] =	vst v8;
	v8 =	vadd.s32 v1, v11  }
0x220: {  	[tilespmem:$0x170] =	vst v8;
	v8 =	vadd.s32 v1, v12  }
0x221: {  	s11 =	simm.s32 $0x140;
	[tilespmem:$0x180] =	vst v8  }
0x222: {  	[tilespmem:s9], [sflag:$0x1] =	stream.indirect.gather [hbm4b:s8+s25], $0x80, s11, s25, $0xb8;
	[tilespmem:$0x1FB80] =	vst v63  }
0x223: {  	s12 =	simm.s32 $0x1E0  }
0x224: {  	[tilespmem:s12], [sflag:$0x3] =	stream.indirect.gather [spmem:s1], $0x10, s28, s25, $0xb8;
	[tilespmem:$0x1FB80] =	vst v63  }
0x225: {  	s17 =	simm.s32 $0xBE0  }
0x226: {  	[tilespmem:s17], [sflag:$0x3] =	stream.indirect.gather [spmem:s1], $0x10, s24, s25, $0xb8;
	[tilespmem:$0x1FB80] =	vst v63  }
0x227: {  	s21 =	simm.s32 $0x15E0;
	s10 =	simm.s32 $0x0  }
0x228: {  	[tilespmem:s21], [sflag:$0x3] =	stream.indirect.gather [spmem:s3], $0x10, s24, s25, $0xb8;
	[tilespmem:$0x1FB80] =	vst v63  }
.LBB2_26:
0x229: {  	s11 =	smul.u32 $0xA0, s10;
	_ =	sdelay $0x1  }
0x22a: {  	s5 =	sadd.s32 s11, s13  }
0x22b: {  	s5 =	sshrl.u32 s5, $0x3  }
0x22c: {  	s12 =	sadd.s32 s6, s5  }
0x22d: {  	[tilespmem:s25], [sflag:$0x5] =	stream.linear.gather [hbm4b:s12+s28], $0x50, $0x38;
	[tilespmem:$0x1FB80] =	vst v63  }
0x22e: {  	_ =	swait.ge [sflag:s22], $0x50  }
0x22f: {  	[sflag:s22] =	ssyncset.done $0x0  }
0x230: {  	s5 =	sadd.s32 s7, s5;
	[sflag:s22] =	ssyncadd.s32 $0xFFFFFFB0  }
0x231: {  	[tilespmem:s29], [sflag:$0x5] =	stream.linear.gather [hbm4b:s5+s28], $0x50, $0x38;
	[tilespmem:$0x1FB80] =	vst v63  }
0x232: {  	_ =	swait.ge [sflag:s22], $0x50  }
0x233: {  	[sflag:s22] =	ssyncset.done $0x0  }
0x234: {  	[sflag:s22] =	ssyncadd.s32 $0xFFFFFFB0  }
0x235: {  	v8 =	vld [tilespmem:$0x50]  }
0x236: {  	v9 =	vld [tilespmem:$0x60]  }
0x237: {  	v10 =	vld [tilespmem:$0x70]  }
0x238: {  	v11 =	vld [tilespmem:$0x80]  }
0x239: {  	v12 =	vld [tilespmem:$0x90]  }
0x23a: {  	v8 =	vadd.s32 v1, v8  }
0x23b: {  	[tilespmem:$0x190] =	vst v8;
	v8 =	vadd.s32 v1, v9  }
0x23c: {  	[tilespmem:$0x1A0] =	vst v8;
	v8 =	vadd.s32 v1, v10  }
0x23d: {  	[tilespmem:$0x1B0] =	vst v8;
	v8 =	vadd.s32 v1, v11  }
0x23e: {  	[tilespmem:$0x1C0] =	vst v8;
	v8 =	vadd.s32 v1, v12  }
0x23f: {  	s21 =	simm.s32 $0x190;
	[tilespmem:$0x1D0] =	vst v8  }
0x240: {  	[tilespmem:s18], [sflag:$0x2] =	stream.indirect.gather [hbm4b:s8+s25], $0x80, s21, s25, $0xb8;
	[tilespmem:$0x1FB80] =	vst v63  }
0x241: {  	s12 =	simm.s32 $0x6E0  }
0x242: {  	[tilespmem:s12], [sflag:$0x4] =	stream.indirect.gather [spmem:s1], $0x10, s25, s25, $0xb8;
	[tilespmem:$0x1FB80] =	vst v63  }
0x243: {  	_ = 	snop  }
0x244: {  	[tilespmem:s31], [sflag:$0x4] =	stream.indirect.gather [spmem:s1], $0x10, s29, s25, $0xb8;
	[tilespmem:$0x1FB80] =	vst v63  }
0x245: {  	s17 =	simm.s32 $0x1AE0  }
0x246: {  	[tilespmem:s17], [sflag:$0x4] =	stream.indirect.gather [spmem:s3], $0x10, s29, s25, $0xb8;
	[tilespmem:$0x1FB80] =	vst v63  }
0x247: {  	_ =	swait.ge [sflag:s0], $0x500  }
0x248: {  	[sflag:s0] =	ssyncset.done $0x0  }
0x249: {  	[sflag:s0] =	ssyncadd.s32 $0xFFFFFB00  }
0x24a: {  	_ =	swait.ge [sflag:s0], $0x500  }
0x24b: {  	[sflag:s0] =	ssyncset.done $0x0  }
0x24c: {  	[sflag:s0] =	ssyncadd.s32 $0xFFFFFB00  }
0x24d: {  	_ =	swait.ge [sflag:s0], $0x500  }
0x24e: {  	[sflag:s0] =	ssyncset.done $0x0  }
0x24f: {  	[sflag:s0] =	ssyncadd.s32 $0xFFFFFB00  }
0x250: {  	_ =	swait.ge [sflag:s15], $0x2800  }
0x251: {  	[sflag:s15] =	ssyncset.done $0x0  }
0x252: {  	s21 =	simm.s32 $0x0;
	[sflag:s15] =	ssyncadd.s32 $0xFFFFD800  }
0x253: {  	v8 =	vld [tilespmem:s21+$0xBE0];
	_ =	sdelay $0x1  }
0x254: {  	v52 =	vld [tilespmem:s21+$0x1E0];
	_ =	sdelay $0x2  }
0x255: {  	v8 =	vperm.xlane v8, v7  }
0x256: {  	v53 =	vld [tilespmem:s21+$0x15E0]  }
0x257: {  	v8 =	vadd.f32 v8, v52;
	_ =	sdelay $0x1  }
0x258: {  	v9 =	vmul.f32 $2.000000030e-01, v8;
	_ =	sdelay $0x1  }
0x259: {  	v54 =	vadd.f32 $9.999999710e-10, v53;
	v8 =	vmax.f32 v8, v9  }
0x25a: {  	v8 =	vmul.f32 $1.442695020e+00, v8  }
0x25b: {  	(erf) = vrcp.f32 v54  }
0x25c: {  	(erf) = vpow2.f32 v8;
	_ =	sdelay $0x7  }
0x25d: {  	s12 =	simm.s32 $0x2520;
	v8 =	vpop (erf)  }
0x25e: {  	v55 =	vld [tilespmem:s12+$0x30];
	v56 =	vpop (erf)  }
0x25f: {  	v57 =	vld [tilespmem:s12+$0x20];
	v8 =	vmul.f32 v56, v8  }
0x260: {  	v58 =	vld [tilespmem:s12+$0x10]  }
0x261: {  	v59 =	vld [tilespmem:s12+$0x0];
	v13 =	vperm.xlane v8, v5  }
0x262: {  	v14 =	vld [tilespmem:s12+$0xFFFFFFF0]  }
0x263: {  	v15 =	vld [tilespmem:s12+$0xFFFFFFE0];
	v9 =	vmul.f32 v55, v13  }
0x264: {  	v16 =	vld [tilespmem:s12+$0xFFFFFFD0];
	v11 =	vmul.f32 v57, v13  }
0x265: {  	v17 =	vld [tilespmem:s12+$0xFFFFFFC0];
	v8 =	vperm.xlane v8, v4;
	v10 =	vmul.f32 v58, v13;
	[tilespmem:s12+$0x30] =	vst v9  }
0x266: {  	v60 =	vmul.f32 v59, v13;
	[tilespmem:s12+$0x20] =	vst v11  }
0x267: {  	v61 =	vmul.f32 v14, v8;
	[tilespmem:s12+$0x10] =	vst v10  }
0x268: {  	v62 =	vmul.f32 v15, v8;
	[tilespmem:s12+$0x0] =	vst v60  }
0x269: {  	v63 =	vmul.f32 v16, v8;
	[tilespmem:s12+$0xFFFFFFF0] =	vst v61  }
0x26a: {  	v8 =	vmul.f32 v17, v8;
	[tilespmem:s12+$0xFFFFFFE0] =	vst v62  }
0x26b: {  	[tilespmem:s12+$0xFFFFFFD0] =	vst v63  }
0x26c: {  	s5 =	simm.s32 $0x80;
	s17 =	simm.s32 $0x10;
	[tilespmem:s12+$0xFFFFFFC0] =	vst v8  }
.LBB2_27:
0x26d: {  	p0 =	sne.s32 s5, $0x13C0;
	v8 =	vld [tilespmem:s17+$0xBE0]  }
0x26e: {  	v9 =	vld [tilespmem:s17+$0x1E0]  }
0x26f: {  	v10 =	vld [tilespmem:s17+$0x15E0];
	_ =	sdelay $0x2  }
0x270: {  	v8 =	vperm.xlane v8, v7;
	_ =	sdelay $0x1  }
0x271: {  	v8 =	vadd.f32 v8, v9;
	_ =	sdelay $0x1  }
0x272: {  	v9 =	vmul.f32 $2.000000030e-01, v8;
	_ =	sdelay $0x1  }
0x273: {  	v8 =	vmax.f32 v8, v9;
	v9 =	vadd.f32 $9.999999710e-10, v10  }
0x274: {  	v8 =	vmul.f32 $1.442695020e+00, v8  }
0x275: {  	(erf) = vrcp.f32 v9  }
0x276: {  	(erf) = vpow2.f32 v8;
	_ =	sdelay $0x3  }
0x277: {  	s12 =	sadd.s32 $0x80, s12  }
0x278: {  	v8 =	vld [tilespmem:s12+$0xFFFFFFF0]  }
0x279: {  	v9 =	vld [tilespmem:s12+$0x30]  }
0x27a: {  	v10 =	vld [tilespmem:s12+$0x20]  }
0x27b: {  	v11 =	vld [tilespmem:s12+$0x10];
	v12 =	vpop (erf)  }
0x27c: {  	v13 =	vld [tilespmem:s12+$0x0];
	v14 =	vpop (erf)  }
0x27d: {  	v12 =	vmul.f32 v14, v12;
	v14 =	vld [tilespmem:s12+$0xFFFFFFE0]  }
0x27e: {  	v15 =	vld [tilespmem:s12+$0xFFFFFFD0]  }
0x27f: {  	v16 =	vperm.xlane v12, v4;
	v12 =	vperm.xlane v12, v5;
	v17 =	vld [tilespmem:s12+$0xFFFFFFC0];
	_ =	sdelay $0x1  }
0x280: {  	v10 =	vmul.f32 v10, v12;
	v9 =	vmul.f32 v9, v12  }
0x281: {  	v13 =	vmul.f32 v13, v12;
	v11 =	vmul.f32 v11, v12  }
0x282: {  	v8 =	vmul.f32 v8, v16;
	v12 =	vmul.f32 v14, v16;
	[tilespmem:s12+$0x30] =	vst v9  }
0x283: {  	v14 =	vmul.f32 v15, v16;
	v9 =	vmul.f32 v17, v16;
	[tilespmem:s12+$0x20] =	vst v10  }
0x284: {  	[tilespmem:s12+$0x10] =	vst v11  }
.Ltmp12:
0x285: {  	[tilespmem:s12+$0x0] =	vst v13;
	(pc) =	sbr.rel @p0 .LBB2_27-.Ltmp12, $4  }
0x286: {  	[tilespmem:s12+$0xFFFFFFF0] =	vst v8  }
0x287: {  	[tilespmem:s12+$0xFFFFFFE0] =	vst v12  }
0x288: {  	[tilespmem:s12+$0xFFFFFFD0] =	vst v14  }
0x289: {  	s17 =	sshra.s32 s5, $0x2;
	s5 =	sadd.s32 $0x40, s5;
	[tilespmem:s12+$0xFFFFFFC0] =	vst v9  }
0x28a: {  	v8 =	vld [tilespmem:s17+$0xBE0];
	_ =	sdelay $0x1  }
0x28b: {  	v9 =	vld [tilespmem:s17+$0x1E0];
	_ =	sdelay $0x2  }
0x28c: {  	v8 =	vperm.xlane v8, v7  }
0x28d: {  	v10 =	vld [tilespmem:s17+$0x15E0]  }
0x28e: {  	v8 =	vadd.f32 v8, v9;
	_ =	sdelay $0x1  }
0x28f: {  	v9 =	vmul.f32 $2.000000030e-01, v8;
	_ =	sdelay $0x1  }
0x290: {  	v39 =	vadd.f32 $9.999999710e-10, v10;
	v8 =	vmax.f32 v8, v9  }
0x291: {  	v8 =	vmul.f32 $1.442695020e+00, v8  }
0x292: {  	(erf) = vrcp.f32 v39  }
0x293: {  	(erf) = vpow2.f32 v8;
	_ =	sdelay $0x7  }
0x294: {  	s5 =	sadd.s32 $0x80, s12;
	v8 =	vpop (erf)  }
0x295: {  	v40 =	vld [tilespmem:s5+$0x30];
	v41 =	vpop (erf)  }
0x296: {  	v11 =	vld [tilespmem:s5+$0x20];
	v8 =	vmul.f32 v41, v8  }
0x297: {  	v42 =	vld [tilespmem:s5+$0x10]  }
0x298: {  	v12 =	vld [tilespmem:s5+$0x0];
	v13 =	vperm.xlane v8, v5  }
0x299: {  	v14 =	vld [tilespmem:s5+$0xFFFFFFF0]  }
0x29a: {  	v15 =	vld [tilespmem:s5+$0xFFFFFFE0];
	v9 =	vmul.f32 v40, v13  }
0x29b: {  	v16 =	vld [tilespmem:s5+$0xFFFFFFD0];
	v11 =	vmul.f32 v11, v13  }
0x29c: {  	v17 =	vld [tilespmem:s5+$0xFFFFFFC0];
	v8 =	vperm.xlane v8, v4;
	v10 =	vmul.f32 v42, v13;
	[tilespmem:s5+$0x30] =	vst v9  }
0x29d: {  	v43 =	vmul.f32 v12, v13;
	[tilespmem:s5+$0x20] =	vst v11  }
0x29e: {  	v44 =	vmul.f32 v14, v8;
	[tilespmem:s5+$0x10] =	vst v10  }
0x29f: {  	v45 =	vmul.f32 v15, v8;
	[tilespmem:s5+$0x0] =	vst v43  }
0x2a0: {  	v46 =	vmul.f32 v16, v8;
	[tilespmem:s5+$0xFFFFFFF0] =	vst v44  }
0x2a1: {  	v8 =	vmul.f32 v17, v8;
	[tilespmem:s5+$0xFFFFFFE0] =	vst v45  }
0x2a2: {  	[tilespmem:s5+$0xFFFFFFD0] =	vst v46  }
0x2a3: {  	p0 =	seq.s32 s10, $0x7C;
	[tilespmem:s5+$0xFFFFFFC0] =	vst v8  }
0x2a4: {  	[spmem:s4] =	stream.indirect.scatter.add.f32 [tilespmem:s9], [sflag:$0x5], $0x80, s24, s25, $0xb8;
	[tilespmem:$0x1FB80] =	vst v63  }
0x2a5: {  	s5 =	sadd.s32 @!p0 s11, s14;
	_ =	swait.ge [sflag:s22], $0x2800  }
0x2a6: {  	s5 =	sshrl.u32 @!p0 s5, $0x3;
	[sflag:s22] =	ssyncset.done $0x0  }
0x2a7: {  	s12 =	simm.s32 @!p0 $0x0;
	s11 =	sadd.s32 @!p0 s6, s5;
	[sflag:s22] =	ssyncadd.s32 $0xFFFFD800  }
0x2a8: {  	[tilespmem:s12], [sflag:$0x5] =	stream.linear.gather @!p0 [hbm4b:s11+s12], $0x50, $0x38;
	[tilespmem:$0x1FB80] =	vst v63  }
0x2a9: {  	s11 =	simm.s32 @!p0 $0x5  }
0x2aa: {  	_ =	swait.ge @!p0 [sflag:s11], $0x50  }
0x2ab: {  	[sflag:s11] =	ssyncset.done @!p0 $0x0  }
0x2ac: {  	s17 =	simm.s32 @!p0 $0xA0;
	s5 =	sadd.s32 @!p0 s7, s5;
	[sflag:s11] =	ssyncadd.s32 @!p0 $0xFFFFFFB0  }
0x2ad: {  	[tilespmem:s17], [sflag:$0x5] =	stream.linear.gather @!p0 [hbm4b:s5+s12], $0x50, $0x38;
	[tilespmem:$0x1FB80] =	vst v63  }
0x2ae: {  	_ =	swait.ge @!p0 [sflag:s11], $0x50  }
0x2af: {  	[sflag:s11] =	ssyncset.done @!p0 $0x0  }
0x2b0: {  	[sflag:s11] =	ssyncadd.s32 @!p0 $0xFFFFFFB0  }
0x2b1: {  	v8 =	vld @!p0 [tilespmem:$0x0]  }
0x2b2: {  	v9 =	vld @!p0 [tilespmem:$0x10]  }
0x2b3: {  	v10 =	vld @!p0 [tilespmem:$0x20]  }
0x2b4: {  	v11 =	vld @!p0 [tilespmem:$0x30]  }
0x2b5: {  	v12 =	vld @!p0 [tilespmem:$0x40]  }
0x2b6: {  	v8 =	vadd.s32 @!p0 v1, v8  }
0x2b7: {  	[tilespmem:$0x140] =	vst @!p0 v8;
	v8 =	vadd.s32 @!p0 v1, v9  }
0x2b8: {  	[tilespmem:$0x150] =	vst @!p0 v8;
	v8 =	vadd.s32 @!p0 v1, v10  }
0x2b9: {  	[tilespmem:$0x160] =	vst @!p0 v8;
	v8 =	vadd.s32 @!p0 v1, v11  }
0x2ba: {  	[tilespmem:$0x170] =	vst @!p0 v8;
	v8 =	vadd.s32 @!p0 v1, v12  }
0x2bb: {  	s21 =	simm.s32 @!p0 $0x24E0;
	s5 =	simm.s32 @!p0 $0x50;
	s11 =	simm.s32 @!p0 $0x140;
	[tilespmem:$0x180] =	vst @!p0 v8  }
0x2bc: {  	[tilespmem:s21], [sflag:$0x1] =	stream.indirect.gather @!p0 [hbm4b:s8+s5], $0x80, s11, s5, $0xb8;
	[tilespmem:$0x1FB80] =	vst v63  }
0x2bd: {  	s11 =	simm.s32 @!p0 $0x1E0  }
0x2be: {  	[tilespmem:s11], [sflag:$0x3] =	stream.indirect.gather @!p0 [spmem:s1], $0x10, s12, s5, $0xb8;
	[tilespmem:$0x1FB80] =	vst v63  }
0x2bf: {  	s11 =	simm.s32 @!p0 $0xBE0  }
0x2c0: {  	[tilespmem:s11], [sflag:$0x3] =	stream.indirect.gather @!p0 [spmem:s1], $0x10, s17, s5, $0xb8;
	[tilespmem:$0x1FB80] =	vst v63  }
0x2c1: {  	s11 =	simm.s32 @!p0 $0x15E0  }
0x2c2: {  	[tilespmem:s11], [sflag:$0x3] =	stream.indirect.gather @!p0 [spmem:s3], $0x10, s17, s5, $0xb8;
	[tilespmem:$0x1FB80] =	vst v63  }
0x2c3: {  	_ =	swait.ge [sflag:s2], $0x500  }
0x2c4: {  	[sflag:s2] =	ssyncset.done $0x0  }
0x2c5: {  	[sflag:s2] =	ssyncadd.s32 $0xFFFFFB00  }
0x2c6: {  	_ =	swait.ge [sflag:s2], $0x500  }
0x2c7: {  	[sflag:s2] =	ssyncset.done $0x0  }
0x2c8: {  	[sflag:s2] =	ssyncadd.s32 $0xFFFFFB00  }
0x2c9: {  	_ =	swait.ge [sflag:s2], $0x500  }
0x2ca: {  	[sflag:s2] =	ssyncset.done $0x0  }
0x2cb: {  	[sflag:s2] =	ssyncadd.s32 $0xFFFFFB00  }
0x2cc: {  	_ =	swait.ge [sflag:s16], $0x2800  }
0x2cd: {  	[sflag:s16] =	ssyncset.done $0x0  }
0x2ce: {  	s21 =	simm.s32 $0x0;
	[sflag:s16] =	ssyncadd.s32 $0xFFFFD800  }
0x2cf: {  	v8 =	vld [tilespmem:s21+$0x10E0];
	_ =	sdelay $0x1  }
0x2d0: {  	v47 =	vld [tilespmem:s21+$0x6E0];
	_ =	sdelay $0x2  }
0x2d1: {  	v8 =	vperm.xlane v8, v7  }
0x2d2: {  	v48 =	vld [tilespmem:s21+$0x1AE0]  }
0x2d3: {  	v8 =	vadd.f32 v8, v47;
	_ =	sdelay $0x1  }
0x2d4: {  	v9 =	vmul.f32 $2.000000030e-01, v8;
	_ =	sdelay $0x1  }
0x2d5: {  	v49 =	vadd.f32 $9.999999710e-10, v48;
	v8 =	vmax.f32 v8, v9  }
0x2d6: {  	v8 =	vmul.f32 $1.442695020e+00, v8  }
0x2d7: {  	(erf) = vrcp.f32 v49  }
0x2d8: {  	(erf) = vpow2.f32 v8;
	_ =	sdelay $0x7  }
0x2d9: {  	s11 =	simm.s32 $0x4D20;
	v8 =	vpop (erf)  }
0x2da: {  	v50 =	vld [tilespmem:s11+$0x30];
	v51 =	vpop (erf)  }
0x2db: {  	v52 =	vld [tilespmem:s11+$0x20];
	v8 =	vmul.f32 v51, v8  }
0x2dc: {  	v53 =	vld [tilespmem:s11+$0x10]  }
0x2dd: {  	v54 =	vld [tilespmem:s11+$0x0];
	v55 =	vperm.xlane v8, v5  }
0x2de: {  	v56 =	vld [tilespmem:s11+$0xFFFFFFF0]  }
0x2df: {  	v57 =	vld [tilespmem:s11+$0xFFFFFFE0];
	v9 =	vmul.f32 v50, v55  }
0x2e0: {  	v58 =	vld [tilespmem:s11+$0xFFFFFFD0];
	v11 =	vmul.f32 v52, v55  }
0x2e1: {  	v59 =	vld [tilespmem:s11+$0xFFFFFFC0];
	v8 =	vperm.xlane v8, v4;
	v10 =	vmul.f32 v53, v55;
	[tilespmem:s11+$0x30] =	vst v9  }
0x2e2: {  	v60 =	vmul.f32 v54, v55;
	[tilespmem:s11+$0x20] =	vst v11  }
0x2e3: {  	v61 =	vmul.f32 v56, v8;
	[tilespmem:s11+$0x10] =	vst v10  }
0x2e4: {  	v62 =	vmul.f32 v57, v8;
	[tilespmem:s11+$0x0] =	vst v60  }
0x2e5: {  	v63 =	vmul.f32 v58, v8;
	[tilespmem:s11+$0xFFFFFFF0] =	vst v61  }
0x2e6: {  	v8 =	vmul.f32 v59, v8;
	[tilespmem:s11+$0xFFFFFFE0] =	vst v62  }
0x2e7: {  	[tilespmem:s11+$0xFFFFFFD0] =	vst v63  }
0x2e8: {  	s12 =	simm.s32 $0x10;
	s5 =	simm.s32 $0x80;
	[tilespmem:s11+$0xFFFFFFC0] =	vst v8  }
.LBB2_29:
0x2e9: {  	p0 =	sne.s32 s5, $0x13C0;
	v8 =	vld [tilespmem:s12+$0x10E0]  }
0x2ea: {  	v9 =	vld [tilespmem:s12+$0x6E0]  }
0x2eb: {  	v10 =	vld [tilespmem:s12+$0x1AE0];
	_ =	sdelay $0x2  }
0x2ec: {  	v8 =	vperm.xlane v8, v7;
	_ =	sdelay $0x1  }
0x2ed: {  	v8 =	vadd.f32 v8, v9;
	_ =	sdelay $0x1  }
0x2ee: {  	v9 =	vmul.f32 $2.000000030e-01, v8;
	_ =	sdelay $0x1  }
0x2ef: {  	v8 =	vmax.f32 v8, v9;
	v9 =	vadd.f32 $9.999999710e-10, v10  }
0x2f0: {  	v8 =	vmul.f32 $1.442695020e+00, v8  }
0x2f1: {  	(erf) = vrcp.f32 v9  }
0x2f2: {  	(erf) = vpow2.f32 v8;
	_ =	sdelay $0x3  }
0x2f3: {  	s11 =	sadd.s32 $0x80, s11  }
0x2f4: {  	v8 =	vld [tilespmem:s11+$0xFFFFFFF0]  }
0x2f5: {  	v9 =	vld [tilespmem:s11+$0x30]  }
0x2f6: {  	v10 =	vld [tilespmem:s11+$0x20]  }
0x2f7: {  	v11 =	vld [tilespmem:s11+$0x10];
	v12 =	vpop (erf)  }
0x2f8: {  	v13 =	vld [tilespmem:s11+$0x0];
	v14 =	vpop (erf)  }
0x2f9: {  	v12 =	vmul.f32 v14, v12;
	v14 =	vld [tilespmem:s11+$0xFFFFFFE0]  }
0x2fa: {  	v15 =	vld [tilespmem:s11+$0xFFFFFFD0]  }
0x2fb: {  	v16 =	vperm.xlane v12, v4;
	v12 =	vperm.xlane v12, v5;
	v17 =	vld [tilespmem:s11+$0xFFFFFFC0];
	_ =	sdelay $0x1  }
0x2fc: {  	v10 =	vmul.f32 v10, v12;
	v9 =	vmul.f32 v9, v12  }
0x2fd: {  	v13 =	vmul.f32 v13, v12;
	v11 =	vmul.f32 v11, v12  }
0x2fe: {  	v8 =	vmul.f32 v8, v16;
	v12 =	vmul.f32 v14, v16;
	[tilespmem:s11+$0x30] =	vst v9  }
0x2ff: {  	v14 =	vmul.f32 v15, v16;
	v9 =	vmul.f32 v17, v16;
	[tilespmem:s11+$0x20] =	vst v10  }
0x300: {  	[tilespmem:s11+$0x10] =	vst v11  }
.Ltmp13:
0x301: {  	[tilespmem:s11+$0x0] =	vst v13;
	(pc) =	sbr.rel @p0 .LBB2_29-.Ltmp13, $4  }
0x302: {  	[tilespmem:s11+$0xFFFFFFF0] =	vst v8  }
0x303: {  	[tilespmem:s11+$0xFFFFFFE0] =	vst v12  }
0x304: {  	[tilespmem:s11+$0xFFFFFFD0] =	vst v14  }
0x305: {  	s12 =	sshra.s32 s5, $0x2;
	s5 =	sadd.s32 $0x40, s5;
	[tilespmem:s11+$0xFFFFFFC0] =	vst v9  }
0x306: {  	v8 =	vld [tilespmem:s12+$0x10E0];
	_ =	sdelay $0x1  }
0x307: {  	v9 =	vld [tilespmem:s12+$0x6E0];
	_ =	sdelay $0x2  }
0x308: {  	v8 =	vperm.xlane v8, v7  }
0x309: {  	v10 =	vld [tilespmem:s12+$0x1AE0]  }
0x30a: {  	v8 =	vadd.f32 v8, v9;
	_ =	sdelay $0x1  }
0x30b: {  	v9 =	vmul.f32 $2.000000030e-01, v8;
	_ =	sdelay $0x1  }
0x30c: {  	v56 =	vadd.f32 $9.999999710e-10, v10;
	v8 =	vmax.f32 v8, v9  }
0x30d: {  	v8 =	vmul.f32 $1.442695020e+00, v8  }
0x30e: {  	(erf) = vrcp.f32 v56  }
0x30f: {  	(erf) = vpow2.f32 v8;
	_ =	sdelay $0x7  }
0x310: {  	s5 =	sadd.s32 $0x80, s11;
	v8 =	vpop (erf)  }
0x311: {  	v57 =	vld [tilespmem:s5+$0x30];
	v58 =	vpop (erf)  }
0x312: {  	v11 =	vld [tilespmem:s5+$0x20];
	v8 =	vmul.f32 v58, v8  }
0x313: {  	v59 =	vld [tilespmem:s5+$0x10]  }
0x314: {  	v12 =	vld [tilespmem:s5+$0x0];
	v13 =	vperm.xlane v8, v5  }
0x315: {  	v14 =	vld [tilespmem:s5+$0xFFFFFFF0]  }
0x316: {  	v15 =	vld [tilespmem:s5+$0xFFFFFFE0];
	v9 =	vmul.f32 v57, v13  }
0x317: {  	v16 =	vld [tilespmem:s5+$0xFFFFFFD0];
	v11 =	vmul.f32 v11, v13  }
0x318: {  	v17 =	vld [tilespmem:s5+$0xFFFFFFC0];
	v8 =	vperm.xlane v8, v4;
	v10 =	vmul.f32 v59, v13;
	[tilespmem:s5+$0x30] =	vst v9  }
0x319: {  	v60 =	vmul.f32 v12, v13;
	[tilespmem:s5+$0x20] =	vst v11  }
0x31a: {  	v61 =	vmul.f32 v14, v8;
	[tilespmem:s5+$0x10] =	vst v10  }
0x31b: {  	v62 =	vmul.f32 v15, v8;
	[tilespmem:s5+$0x0] =	vst v60  }
0x31c: {  	v63 =	vmul.f32 v16, v8;
	[tilespmem:s5+$0xFFFFFFF0] =	vst v61  }
0x31d: {  	s10 =	sadd.s32 $0x1, s10;
	v8 =	vmul.f32 v17, v8;
	[tilespmem:s5+$0xFFFFFFE0] =	vst v62  }
0x31e: {  	p0 =	sne.s32 s10, $0x7D;
	[tilespmem:s5+$0xFFFFFFD0] =	vst v63  }
.Ltmp14:
0x31f: {  	[tilespmem:s5+$0xFFFFFFC0] =	vst v8;
	(pc) =	sbr.rel @p0 .LBB2_26-.Ltmp14, $4  }
0x320: {  	[spmem:s4] =	stream.indirect.scatter.add.f32 [tilespmem:s18], [sflag:$0x5], $0x80, s29, s25, $0xb8;
	[tilespmem:$0x1FB80] =	vst v63  }
0x321: {  	_ =	swait.ge [sflag:s22], $0x2800  }
0x322: {  	[sflag:s22] =	ssyncset.done $0x0  }
0x323: {  	[sflag:s22] =	ssyncadd.s32 $0xFFFFD800  }
0x324: {  	[bflag:$0x0] =	sbarrier.arrive $0xFFFF  }
0x325: {  	s5 =	rddreg [dreg:$0xd]  }
0x326: {  	[hbm:s5], [sflag:s30] =	dma.local [spmem:s26], $0x2710  }
0x327: {  	_ =	swait.ge [sflag:s22], $0x2710  }
0x328: {  	s21 =	rddreg [dreg:$0x6]  }
0x329: {  	s28 =	rddreg [dreg:$0xe];
	s21 =	sadd.s32 $0x1, s21  }
0x32a: {  	p0 =	sne.s32 s21, s28  }
.Ltmp15:
0x32b: {  	_ = 	snop;
	(pc) =	sbr.rel @p0 .LBB2_1-.Ltmp15, $3  }
0x32c: {  	[sflag:s22] =	ssyncset.done $0x0  }
0x32d: {  	[sflag:s22] =	ssyncadd.s32 $0xFFFFD8F0  }
0x32e: {  	[bflag:$0x0] =	sbarrier.arrive $0xFFFF;
	_ =	sdelay $0x1  }
0x32f: {  	_ =	sfence.sel $0x180000  }
0x330: {  	[bflag:$0x0] =	sbarrier.arrive $0xFFFF  }
0x331: {  	_ =	strace $0x9000004A  }
0x332: {  	s0 =	stileid.u32;
	[bflag:$0x2] =	sbarrier.arrive $0xFFFF  }
0x333: {  	p0 =	sne.s32 s0, $0x0;
	s0 =	rddreg [dreg:$0x5]  }
0x334: {  	s0 =	sadd.s32 @!p0 $0x100000, s0  }
0x335: {  	[sflag:s0] =	ssyncadd.tile.s32 @!p0 $0x1;
	_ =	shalt  }
.Lfunc_end2:
_tile_overlayer_lowered:
.L_overlay_start_2:
0x336: {  	(tag) =	ssettag $0x2  }
0x337: {  	s0 =	rddreg [dreg:$0x0];
	s2 =	stileid.u32  }
0x338: {  	s1 =	rddreg [dreg:$0x1];
	p0 =	sne.s32 s2, $0x0  }
0x339: {  	s3 =	rddreg [dreg:$0x2];
	[bflag:$0x3] =	sbarrier.arrive $0xFFFF;
	s2 =	simm.s32 @!p0 $0x1C05  }
0x33a: {  	[timem:s3], [sflag:s2] =	dma.local @!p0 [hbm:s0], s1  }
0x33b: {  	s0 =	simm.s32 @!p0 $0x5  }
0x33c: {  	_ =	swait.ge @!p0 [sflag:s0], s1  }
0x33d: {  	s1 =	ssub.s32 @!p0 $0x0, s1;
	[sflag:s0] =	ssyncset.done @!p0 $0x0  }
0x33e: {  	[sflag:s0] =	ssyncadd.s32 @!p0 s1  }
0x33f: {  	[bflag:$0x3] =	sbarrier.arrive $0xFFFF  }
0x340: {  	_ =	shalt  }

</sc_bundles>
